<compile_context>
chip_gen: v7x
topology: tpu7x:2x2x1
jax: 0.10.2.dev20260603
libtpu: 0.0.44.dev20260713+nightly
codegen_flags: <defaults>
</compile_context>

<pallas_src>
import functools

import jax
import jax.numpy as jnp
from jax import lax
from jax.experimental import pallas as pl
from jax.experimental.pallas import tpu as pltpu
from jax.experimental.pallas import tpu_sc as plsc

_G = 8
_BN = 1000
_CH = 1024



def _acc_rows(N):
    return ((N + 1 + 127) // 128) * 128


def _make_degcount(N, Epad):
    acc_rows = _acc_rows(N)
    zr = acc_rows // 16
    rows_per_tile = Epad // 32 // 128
    mesh = plsc.VectorSubcoreMesh(core_axis_name="c", subcore_axis_name="s")

    @functools.partial(
        pl.kernel, mesh=mesh,
        out_type=jax.ShapeDtypeStruct((2, N, 128), jnp.float32),
        scratch_types=[
            pltpu.VMEM((8, 128), jnp.int32),
            pltpu.VMEM((128, 128), jnp.float32),
            pltpu.VMEM_SHARED((acc_rows, 128), jnp.float32),
            pltpu.SemaphoreType.DMA,
        ],
    )
    def degcount(dst_hbm, z16_hbm, ones_hbm, out_hbm, didx, ones_v, acc, sem):
        c = lax.axis_index("c")
        s = lax.axis_index("s")
        pltpu.sync_copy(ones_hbm, ones_v)
        pltpu.sync_copy(z16_hbm, acc.at[pl.ds(s * zr, zr)])
        plsc.subcore_barrier()

        row0 = (c * 16 + s) * rows_per_tile

        def chunk(i, carry):
            pltpu.sync_copy(dst_hbm.at[pl.ds(row0 + i * 8, 8)], didx)
            cps = [pltpu.async_copy(ones_v, acc.at[didx.at[j]], sem,
                                    add=True)
                   for j in range(8)]
            for cp in cps:
                cp.wait()
            return carry

        lax.fori_loop(0, rows_per_tile // 8, chunk, 0)
        plsc.subcore_barrier()
        npt = N // 10

        @pl.when(s < 10)
        def _():
            pltpu.sync_copy(acc.at[pl.ds(s * npt, npt)],
                            out_hbm.at[c, pl.ds(s * npt, npt)])

    return degcount


def _make_propagate(N, Epad, Dh):
    acc_rows = _acc_rows(N)
    zr = acc_rows // 16
    ept = Epad // 16
    ir = 40
    nck = ept // 128 // ir
    mesh = plsc.VectorSubcoreMesh(core_axis_name="c", subcore_axis_name="s")

    @functools.partial(
        pl.kernel, mesh=mesh,
        out_type=jax.ShapeDtypeStruct((2 * N, Dh), jnp.float32),
        scratch_types=[
            pltpu.VMEM((ir, 128), jnp.int32),
            pltpu.VMEM((ir, 128), jnp.int32),
            pltpu.VMEM((256, Dh), jnp.float32),
            pltpu.VMEM_SHARED((acc_rows, Dh), jnp.float32),
            pltpu.SemaphoreType.DMA,
            pltpu.SemaphoreType.DMA,
            pltpu.SemaphoreType.DMA,
            pltpu.SemaphoreType.DMA,
        ],
    )
    def propagate(table_hbm, src_hbm, dst_hbm, zer_hbm, out_hbm,
                  sidx, didx, rows, acc, sg0, sg1, ss0, ss1):
        c = lax.axis_index("c")
        s = lax.axis_index("s")
        dst_row0 = s * (ept // 128)
        src_row0 = c * (Epad // 128) + s * (ept // 128)
        npt = N // 10

        pltpu.sync_copy(zer_hbm, acc.at[pl.ds(s * zr, zr)])
        plsc.subcore_barrier()

        sg = (sg0, sg1)
        ss = (ss0, ss1)

        for cc in range(nck):
            sb, db = sidx, didx
            pltpu.sync_copy(src_hbm.at[pl.ds(src_row0 + cc * ir, ir)], sb)
            pltpu.sync_copy(dst_hbm.at[pl.ds(dst_row0 + cc * ir, ir)], db)

            def gth(k, sl, sb=sb):
                a = pltpu.async_copy(table_hbm.at[sb.at[k].at[pl.ds(0, 64)]],
                                     rows.at[pl.ds(sl * 128, 64)], sg[sl])
                b = pltpu.async_copy(table_hbm.at[sb.at[k].at[pl.ds(64, 64)]],
                                     rows.at[pl.ds(sl * 128 + 64, 64)],
                                     sg[sl])
                return (a, b)

            def sct(k, sl, db=db):
                return pltpu.async_copy(rows.at[pl.ds(sl * 128, 128)],
                                        acc.at[db.at[k]], ss[sl], add=True)

            def gwait(g):
                g[0].wait()
                g[1].wait()

            @pl.loop(0, ir, step=4)
            def _(k):
                g0 = gth(k, 0)
                g1 = gth(k + 1, 1)
                gwait(g0)
                s0 = sct(k, 0)
                gwait(g1)
                s1 = sct(k + 1, 1)
                s0.wait()
                g2 = gth(k + 2, 0)
                gwait(g2)
                s2 = sct(k + 2, 0)
                s1.wait()
                g3 = gth(k + 3, 1)
                gwait(g3)
                s3 = sct(k + 3, 1)
                s2.wait()
                s3.wait()

        plsc.subcore_barrier()

        @pl.when(s < 10)
        def _():
            pltpu.sync_copy(acc.at[pl.ds(s * npt, npt)],
                            out_hbm.at[pl.ds(c * N + s * npt, npt)])

    return propagate



def _matmul_body(x_ref, w_ref, o_ref):
    o_ref[...] = jnp.dot(x_ref[...], w_ref[0],
                         preferred_element_type=jnp.float32)


def _scale_dinv_body(hw_ref, a_ref, b_ref, t_ref, d_ref):
    deg = 1.0 + a_ref[0, :, :1] + b_ref[0, :, :1]
    dv = lax.rsqrt(deg)
    t_ref[...] = hw_ref[...] * dv
    d_ref[...] = jnp.broadcast_to(dv, d_ref.shape)


def _layer2_body(s0, s1, x0, x1, dinv_ref, b1_ref, w2_ref, o_ref):
    h = jnp.concatenate([s0[...] + x0[...], s1[...] + x1[...]], axis=1)
    a = jnp.maximum(h * dinv_ref[:, :1] + b1_ref[...], 0.0)
    t = jnp.dot(a, w2_ref[0], preferred_element_type=jnp.float32)
    o_ref[...] = t * dinv_ref[:, :1]


def _make_pool_body(nb):
    def pool_body(s0, s1, x0, x1, dinv_ref, b2_ref, oh_ref,
                  o_ref, sums_ref, cnts_ref):
        i = pl.program_id(0)
        h = jnp.concatenate([s0[...] + x0[...], s1[...] + x1[...]], axis=1)
        out2 = h * dinv_ref[:, :1] + b2_ref[...]
        oh = oh_ref[...]
        ps = jax.lax.dot_general(oh, out2, (((0,), (0,)), ((), ())),
                                 preferred_element_type=jnp.float32)
        pc = jax.lax.dot_general(oh, jnp.ones_like(out2),
                                 (((0,), (0,)), ((), ())),
                                 preferred_element_type=jnp.float32)

        @pl.when(i == 0)
        def _():
            sums_ref[...] = ps
            cnts_ref[...] = pc

        @pl.when(i > 0)
        def _():
            sums_ref[...] += ps
            cnts_ref[...] += pc

        @pl.when(i == nb - 1)
        def _():
            o_ref[...] = sums_ref[...] / jnp.maximum(cnts_ref[...], 1.0)

    return pool_body



def kernel(x, edge_index, batch, W1, b1, W2, b2):
    N, D = x.shape
    E = edge_index.shape[1]
    Dh = D // 2
    nb = N // _BN

    src = edge_index[0]
    dst = edge_index[1]
    Epad = ((E + 16 * _CH - 1) // (16 * _CH)) * (16 * _CH)
    pad = Epad - E
    src_a = jnp.concatenate([src, jnp.zeros((pad,), jnp.int32)])
    src2 = jnp.concatenate(
        [src_a + q * N for q in range(2)]).reshape(2 * Epad // 128, 128)
    dst_p = jnp.concatenate(
        [dst, jnp.full((pad,), N, jnp.int32)]).reshape(Epad // 128, 128)

    zr = _acc_rows(N) // 16
    zeros_h = jnp.zeros((zr, Dh), jnp.float32)
    ones128 = jnp.ones((128, 128), jnp.float32)
    onehot = (batch[:, None] == jnp.arange(_G, dtype=batch.dtype)[None, :]
              ).astype(jnp.float32)
    b1_2d = b1.reshape(1, D)
    b2_2d = b2.reshape(1, D)
    W1s = W1.reshape(D, 2, Dh).transpose(1, 0, 2)
    W2s = W2.reshape(D, 2, Dh).transpose(1, 0, 2)

    degcount = _make_degcount(N, Epad)
    propagate = _make_propagate(N, Epad, Dh)

    cnt = degcount(dst_p, zeros_h, ones128)

    hw = pl.pallas_call(
        _matmul_body,
        grid=(nb, 2),
        in_specs=[
            pl.BlockSpec((_BN, D), lambda i, j: (i, 0)),
            pl.BlockSpec((1, D, Dh), lambda i, j: (j, 0, 0)),
        ],
        out_specs=pl.BlockSpec((_BN, Dh), lambda i, j: (j * nb + i, 0)),
        out_shape=jax.ShapeDtypeStruct((2 * N, Dh), jnp.float32),
    )(x, W1s)

    table1, dinv = pl.pallas_call(
        _scale_dinv_body,
        grid=(nb, 2),
        in_specs=[
            pl.BlockSpec((_BN, Dh), lambda i, j: (j * nb + i, 0)),
            pl.BlockSpec((1, _BN, 128), lambda i, j: (0, i, 0)),
            pl.BlockSpec((1, _BN, 128), lambda i, j: (1, i, 0)),
        ],
        out_specs=[
            pl.BlockSpec((_BN, Dh), lambda i, j: (j * nb + i, 0)),
            pl.BlockSpec((_BN, 8), lambda i, j: (i, 0)),
        ],
        out_shape=[
            jax.ShapeDtypeStruct((2 * N, Dh), jnp.float32),
            jax.ShapeDtypeStruct((N, 8), jnp.float32),
        ],
    )(hw, cnt, cnt)

    scat1 = propagate(table1, src2, dst_p, zeros_h)

    def _slab_spec(q):
        return pl.BlockSpec((_BN, Dh), lambda i, j, q=q: (q * nb + i, 0))

    table2 = pl.pallas_call(
        _layer2_body,
        grid=(nb, 2),
        in_specs=(
            [_slab_spec(q) for q in range(2)]
            + [_slab_spec(q) for q in range(2)]
            + [
                pl.BlockSpec((_BN, 8), lambda i, j: (i, 0)),
                pl.BlockSpec((1, D), lambda i, j: (0, 0)),
                pl.BlockSpec((1, D, Dh), lambda i, j: (j, 0, 0)),
            ]
        ),
        out_specs=pl.BlockSpec((_BN, Dh), lambda i, j: (j * nb + i, 0)),
        out_shape=jax.ShapeDtypeStruct((2 * N, Dh), jnp.float32),
    )(scat1, scat1, table1, table1, dinv, b1_2d, W2s)

    scat2 = propagate(table2, src2, dst_p, zeros_h)

    def _slab_spec1(q):
        return pl.BlockSpec((_BN, Dh), lambda i, q=q: (q * nb + i, 0))

    graph_emb = pl.pallas_call(
        _make_pool_body(nb),
        grid=(nb,),
        in_specs=(
            [_slab_spec1(q) for q in range(2)]
            + [_slab_spec1(q) for q in range(2)]
            + [
                pl.BlockSpec((_BN, 8), lambda i: (i, 0)),
                pl.BlockSpec((1, D), lambda i: (0, 0)),
                pl.BlockSpec((_BN, _G), lambda i: (i, 0)),
            ]
        ),
        out_specs=pl.BlockSpec((_G, D), lambda i: (0, 0)),
        out_shape=jax.ShapeDtypeStruct((_G, D), jnp.float32),
        scratch_shapes=[
            pltpu.VMEM((_G, D), jnp.float32),
            pltpu.VMEM((_G, D), jnp.float32),
        ],
    )(scat2, scat2, table2, table2, dinv, b2_2d, onehot)

    return graph_emb

# --- scband reference (transcript-rebuilt; emitter-appended) ---
"""Pipeline reference for scband-gcnencoder-84894323572905 (READ-ONLY COPY).

The authoritative reference and input builder live on the scoring server;
editing this copy changes nothing except your own understanding.
"""

import jax, jax.numpy as jnp
import numpy as np

N = 10000
E = 160000
D = 256
G = 8


def setup_inputs(seed: int = 0) -> dict:
    key = jax.random.key(seed)
    k1, k2, k3, k4, k5, k6, k7 = jax.random.split(key, 7)
    x = jax.random.normal(k1, (N, D), dtype=jnp.float32)
    edge_index = jax.random.randint(k2, (2, E), 0, N, dtype=jnp.int32)
    batch = jnp.sort(jax.random.randint(k3, (N,), 0, G, dtype=jnp.int32))
    W1 = jax.random.normal(k4, (D, D), dtype=jnp.float32) * 0.05
    b1 = jnp.zeros((D,), dtype=jnp.float32)
    W2 = jax.random.normal(k5, (D, D), dtype=jnp.float32) * 0.05
    b2 = jnp.zeros((D,), dtype=jnp.float32)
    return {"x": x, "edge_index": edge_index, "batch": batch,
            "W1": W1, "b1": b1, "W2": W2, "b2": b2}


def _gcn_conv(x, src, dst, W, b):
    # GCNConv: x' = D^{-1/2} (A + I) D^{-1/2} X W + b  (self-loops already in src/dst)
    h = x @ W
    deg = jax.ops.segment_sum(jnp.ones_like(dst, dtype=h.dtype), dst, num_segments=N)
    dinv = jnp.where(deg > 0, jax.lax.rsqrt(jnp.maximum(deg, 1e-12)), 0.0)
    norm = dinv[src] * dinv[dst]
    msg = h[src] * norm[:, None]
    out = jax.ops.segment_sum(msg, dst, num_segments=N)
    return out + b


def reference(x, edge_index, batch, W1, b1, W2, b2):
    loop = jnp.arange(N, dtype=edge_index.dtype)
    src = jnp.concatenate([edge_index[0], loop])
    dst = jnp.concatenate([edge_index[1], loop])
    h = _gcn_conv(x, src, dst, W1, b1)
    h = jax.nn.relu(h)
    # dropout is identity in eval mode
    h = _gcn_conv(h, src, dst, W2, b2)
    # global mean pool over graphs in the batch
    sums = jax.ops.segment_sum(h, batch, num_segments=G)
    counts = jax.ops.segment_sum(jnp.ones((N,), dtype=h.dtype), batch, num_segments=G)
    graph_emb = sums / jnp.maximum(counts, 1.0)[:, None]
    return graph_emb

if __name__ == "__main__":
    import jax
    _d = setup_inputs()
    print(jax.jit(kernel)(*tuple(_d.values())))

</pallas_src>

<mosaic_0001>
#map = affine_map<(d0, d1) -> (0, 0)>
module attributes {stable_mosaic.version = 14 : i64} {
  func.func @propagate(%arg0: i32, %arg1: i32, %arg2: memref<20000x128xf32, #tpu.memory_space<hbm>>, %arg3: memref<2560x128xi32, #tpu.memory_space<hbm>>, %arg4: memref<1280x128xi32, #tpu.memory_space<hbm>>, %arg5: memref<632x128xf32, #tpu.memory_space<hbm>>, %arg6: memref<20000x128xf32, #tpu.memory_space<hbm>>, %arg7: memref<40x128xi32, #tpu.memory_space<vmem>>, %arg8: memref<40x128xi32, #tpu.memory_space<vmem>>, %arg9: memref<256x128xf32, #tpu.memory_space<vmem>>, %arg10: memref<10112x128xf32, #tpu.memory_space<vmem_shared>>, %arg11: memref<!tpu.dma_semaphore, #tpu.memory_space<semaphore_mem>>, %arg12: memref<!tpu.dma_semaphore, #tpu.memory_space<semaphore_mem>>, %arg13: memref<!tpu.dma_semaphore, #tpu.memory_space<semaphore_mem>>, %arg14: memref<!tpu.dma_semaphore, #tpu.memory_space<semaphore_mem>>) attributes {dimension_semantics = [#tpu.dimension_semantics<core_parallel>, #tpu.dimension_semantics<subcore_parallel>], iteration_bounds = array<i64: 2, 16>, scalar_prefetch = 0 : i64, scratch_operands = 8 : i64, tpu.core_type = #tpu.core_type<sc_vector_subcore>, window_params = [{transform_indices = #map}, {transform_indices = #map}, {transform_indices = #map}, {transform_indices = #map}, {transform_indices = #map}]} {
    %mul3A = arith.constant 80 : i32
    %mul3A_0 = arith.muli %arg1, %mul3A : i32
    %mul3A_1 = arith.constant 1280 : i32
    %mul3A_2 = arith.muli %arg0, %mul3A_1 : i32
    %mul3A_3 = arith.constant 80 : i32
    %mul3A_4 = arith.muli %arg1, %mul3A_3 : i32
    %add3A = arith.addi %mul3A_2, %mul3A_4 : i32
    %mul3A_5 = arith.constant 632 : i32
    %mul3A_6 = arith.muli %arg1, %mul3A_5 : i32
    "tpu.region"() ({
      %run_scoped3A = tpu.sem_alloc : memref<!tpu.dma_semaphore, #tpu.memory_space<semaphore_mem>>
      %dma_start3A = arith.constant 0 : i32
      %dma_start3A_27 = tpu.memref_slice %arg10[%mul3A_6, %dma_start3A] : memref<10112x128xf32, #tpu.memory_space<vmem_shared>> -> memref<632x128xf32, #tpu.memory_space<vmem_shared>>
      tpu.enqueue_dma source(%arg5 : memref<632x128xf32, #tpu.memory_space<hbm>>) target(%dma_start3A_27 : memref<632x128xf32, #tpu.memory_space<vmem_shared>>) target_semaphore(%run_scoped3A : memref<!tpu.dma_semaphore, #tpu.memory_space<semaphore_mem>>)
      %dma_wait3A = arith.constant 0 : i32
      %dma_wait3A_28 = tpu.memref_slice %arg10[%mul3A_6, %dma_wait3A] : memref<10112x128xf32, #tpu.memory_space<vmem_shared>> -> memref<632x128xf32, #tpu.memory_space<vmem_shared>>
      tpu.wait_dma2 semaphore(%run_scoped3A : memref<!tpu.dma_semaphore, #tpu.memory_space<semaphore_mem>>) src(%arg5 : memref<632x128xf32, #tpu.memory_space<hbm>>) dst(%dma_wait3A_28 : memref<632x128xf32, #tpu.memory_space<vmem_shared>>)
      tpu.yield
    }) : () -> ()
    %barrier3A = arith.constant 0 : index
    tpu.barrier barrier_id(%barrier3A)
    %add3A_7 = arith.constant 0 : i32
    %add3A_8 = arith.addi %add3A, %add3A_7 : i32
    "tpu.region"() ({
      %run_scoped3A = tpu.sem_alloc : memref<!tpu.dma_semaphore, #tpu.memory_space<semaphore_mem>>
      %dma_start3A = arith.constant 0 : i32
      %dma_start3A_27 = tpu.memref_slice %arg3[%add3A_8, %dma_start3A] : memref<2560x128xi32, #tpu.memory_space<hbm>> -> memref<40x128xi32, #tpu.memory_space<hbm>>
      %dma_start3A_28 = arith.constant 0 : i32
      %dma_start3A_29 = tpu.memref_slice %arg3[%add3A_8, %dma_start3A_28] : memref<2560x128xi32, #tpu.memory_space<hbm>> -> memref<40x128xi32, #tpu.memory_space<hbm>>
      tpu.enqueue_dma source(%dma_start3A_29 : memref<40x128xi32, #tpu.memory_space<hbm>>) target(%arg7 : memref<40x128xi32, #tpu.memory_space<vmem>>) target_semaphore(%run_scoped3A : memref<!tpu.dma_semaphore, #tpu.memory_space<semaphore_mem>>)
      %dma_wait3A = arith.constant 0 : i32
      %dma_wait3A_30 = tpu.memref_slice %arg3[%add3A_8, %dma_wait3A] : memref<2560x128xi32, #tpu.memory_space<hbm>> -> memref<40x128xi32, #tpu.memory_space<hbm>>
      %dma_wait3A_31 = arith.constant 0 : i32
      %dma_wait3A_32 = tpu.memref_slice %arg3[%add3A_8, %dma_wait3A_31] : memref<2560x128xi32, #tpu.memory_space<hbm>> -> memref<40x128xi32, #tpu.memory_space<hbm>>
      tpu.wait_dma2 semaphore(%run_scoped3A : memref<!tpu.dma_semaphore, #tpu.memory_space<semaphore_mem>>) src(%dma_wait3A_32 : memref<40x128xi32, #tpu.memory_space<hbm>>) dst(%arg7 : memref<40x128xi32, #tpu.memory_space<vmem>>)
      tpu.yield
    }) : () -> ()
    %add3A_9 = arith.constant 0 : i32
    %add3A_10 = arith.addi %mul3A_0, %add3A_9 : i32
    "tpu.region"() ({
      %run_scoped3A = tpu.sem_alloc : memref<!tpu.dma_semaphore, #tpu.memory_space<semaphore_mem>>
      %dma_start3A = arith.constant 0 : i32
      %dma_start3A_27 = tpu.memref_slice %arg4[%add3A_10, %dma_start3A] : memref<1280x128xi32, #tpu.memory_space<hbm>> -> memref<40x128xi32, #tpu.memory_space<hbm>>
      %dma_start3A_28 = arith.constant 0 : i32
      %dma_start3A_29 = tpu.memref_slice %arg4[%add3A_10, %dma_start3A_28] : memref<1280x128xi32, #tpu.memory_space<hbm>> -> memref<40x128xi32, #tpu.memory_space<hbm>>
      tpu.enqueue_dma source(%dma_start3A_29 : memref<40x128xi32, #tpu.memory_space<hbm>>) target(%arg8 : memref<40x128xi32, #tpu.memory_space<vmem>>) target_semaphore(%run_scoped3A : memref<!tpu.dma_semaphore, #tpu.memory_space<semaphore_mem>>)
      %dma_wait3A = arith.constant 0 : i32
      %dma_wait3A_30 = tpu.memref_slice %arg4[%add3A_10, %dma_wait3A] : memref<1280x128xi32, #tpu.memory_space<hbm>> -> memref<40x128xi32, #tpu.memory_space<hbm>>
      %dma_wait3A_31 = arith.constant 0 : i32
      %dma_wait3A_32 = tpu.memref_slice %arg4[%add3A_10, %dma_wait3A_31] : memref<1280x128xi32, #tpu.memory_space<hbm>> -> memref<40x128xi32, #tpu.memory_space<hbm>>
      tpu.wait_dma2 semaphore(%run_scoped3A : memref<!tpu.dma_semaphore, #tpu.memory_space<semaphore_mem>>) src(%dma_wait3A_32 : memref<40x128xi32, #tpu.memory_space<hbm>>) dst(%arg8 : memref<40x128xi32, #tpu.memory_space<vmem>>)
      tpu.yield
    }) : () -> ()
    %scan3A = arith.constant 0 : i32
    %scan3A_11 = arith.constant 10 : i32
    %scan3A_12 = arith.addi %scan3A, %scan3A_11 : i32
    %scan3A_13 = arith.constant 1 : i32
    scf.for %scan3A_27 = %scan3A to %scan3A_12 step %scan3A_13  : i32 {
      %mul3A_28 = arith.constant 4 : i32
      %mul3A_29 = arith.muli %scan3A_27, %mul3A_28 : i32
      %add3A_30 = arith.constant 0 : i32
      %add3A_31 = arith.addi %add3A_30, %mul3A_29 : i32
      %dma_start3A = arith.constant 0 : i32
      %dma_start3A_32 = arith.constant 0 : i32
      %dma_start3A_33 = tpu.memref_slice %arg9[%dma_start3A, %dma_start3A_32] : memref<256x128xf32, #tpu.memory_space<vmem>> -> memref<64x128xf32, #tpu.memory_space<vmem>>
      %dma_start3A_34 = arith.constant 0 : i32
      %dma_start3A_35 = tpu.memref_slice %arg7[%add3A_31, %dma_start3A_34] : memref<40x128xi32, #tpu.memory_space<vmem>> -> memref<1x128xi32, #tpu.memory_space<vmem>>
      %dma_start3A_36 = tpu.memref_squeeze %dma_start3A_35 : memref<1x128xi32, #tpu.memory_space<vmem>> -> memref<128xi32, #tpu.memory_space<vmem>>
      %dma_start3A_37 = arith.constant 0 : i32
      %dma_start3A_38 = tpu.memref_slice %dma_start3A_36[%dma_start3A_37] : memref<128xi32, #tpu.memory_space<vmem>> -> memref<64xi32, #tpu.memory_space<vmem>>
      %dma_start3A_39 = arith.constant 0 : i32
      %dma_start3A_40 = arith.constant 0 : i32
      %dma_start3A_41 = tpu.memref_slice %arg2[%dma_start3A_39, %dma_start3A_40] : memref<20000x128xf32, #tpu.memory_space<hbm>> -> memref<20000x128xf32, #tpu.memory_space<hbm>>
      tpu.enqueue_indirect_dma source(%dma_start3A_41 : memref<20000x128xf32, #tpu.memory_space<hbm>>) target(%dma_start3A_33 : memref<64x128xf32, #tpu.memory_space<vmem>>) offsets(%dma_start3A_38 : memref<64xi32, #tpu.memory_space<vmem>>) semaphore(%arg11 : memref<!tpu.dma_semaphore, #tpu.memory_space<semaphore_mem>>)
      %dma_start3A_42 = arith.constant 64 : i32
      %dma_start3A_43 = arith.constant 0 : i32
      %dma_start3A_44 = tpu.memref_slice %arg9[%dma_start3A_42, %dma_start3A_43] : memref<256x128xf32, #tpu.memory_space<vmem>> -> memref<64x128xf32, #tpu.memory_space<vmem>>
      %dma_start3A_45 = arith.constant 0 : i32
      %dma_start3A_46 = tpu.memref_slice %arg7[%add3A_31, %dma_start3A_45] : memref<40x128xi32, #tpu.memory_space<vmem>> -> memref<1x128xi32, #tpu.memory_space<vmem>>
      %dma_start3A_47 = tpu.memref_squeeze %dma_start3A_46 : memref<1x128xi32, #tpu.memory_space<vmem>> -> memref<128xi32, #tpu.memory_space<vmem>>
      %dma_start3A_48 = arith.constant 64 : i32
      %dma_start3A_49 = tpu.memref_slice %dma_start3A_47[%dma_start3A_48] : memref<128xi32, #tpu.memory_space<vmem>> -> memref<64xi32, #tpu.memory_space<vmem>>
      %dma_start3A_50 = arith.constant 0 : i32
      %dma_start3A_51 = arith.constant 0 : i32
      %dma_start3A_52 = tpu.memref_slice %arg2[%dma_start3A_50, %dma_start3A_51] : memref<20000x128xf32, #tpu.memory_space<hbm>> -> memref<20000x128xf32, #tpu.memory_space<hbm>>
      tpu.enqueue_indirect_dma source(%dma_start3A_52 : memref<20000x128xf32, #tpu.memory_space<hbm>>) target(%dma_start3A_44 : memref<64x128xf32, #tpu.memory_space<vmem>>) offsets(%dma_start3A_49 : memref<64xi32, #tpu.memory_space<vmem>>) semaphore(%arg11 : memref<!tpu.dma_semaphore, #tpu.memory_space<semaphore_mem>>)
      %add3A_53 = arith.constant 1 : i32
      %add3A_54 = arith.addi %add3A_31, %add3A_53 : i32
      %dma_start3A_55 = arith.constant 128 : i32
      %dma_start3A_56 = arith.constant 0 : i32
      %dma_start3A_57 = tpu.memref_slice %arg9[%dma_start3A_55, %dma_start3A_56] : memref<256x128xf32, #tpu.memory_space<vmem>> -> memref<64x128xf32, #tpu.memory_space<vmem>>
      %dma_start3A_58 = arith.constant 0 : i32
      %dma_start3A_59 = tpu.memref_slice %arg7[%add3A_54, %dma_start3A_58] : memref<40x128xi32, #tpu.memory_space<vmem>> -> memref<1x128xi32, #tpu.memory_space<vmem>>
      %dma_start3A_60 = tpu.memref_squeeze %dma_start3A_59 : memref<1x128xi32, #tpu.memory_space<vmem>> -> memref<128xi32, #tpu.memory_space<vmem>>
      %dma_start3A_61 = arith.constant 0 : i32
      %dma_start3A_62 = tpu.memref_slice %dma_start3A_60[%dma_start3A_61] : memref<128xi32, #tpu.memory_space<vmem>> -> memref<64xi32, #tpu.memory_space<vmem>>
      %dma_start3A_63 = arith.constant 0 : i32
      %dma_start3A_64 = arith.constant 0 : i32
      %dma_start3A_65 = tpu.memref_slice %arg2[%dma_start3A_63, %dma_start3A_64] : memref<20000x128xf32, #tpu.memory_space<hbm>> -> memref<20000x128xf32, #tpu.memory_space<hbm>>
      tpu.enqueue_indirect_dma source(%dma_start3A_65 : memref<20000x128xf32, #tpu.memory_space<hbm>>) target(%dma_start3A_57 : memref<64x128xf32, #tpu.memory_space<vmem>>) offsets(%dma_start3A_62 : memref<64xi32, #tpu.memory_space<vmem>>) semaphore(%arg12 : memref<!tpu.dma_semaphore, #tpu.memory_space<semaphore_mem>>)
      %dma_start3A_66 = arith.constant 192 : i32
      %dma_start3A_67 = arith.constant 0 : i32
      %dma_start3A_68 = tpu.memref_slice %arg9[%dma_start3A_66, %dma_start3A_67] : memref<256x128xf32, #tpu.memory_space<vmem>> -> memref<64x128xf32, #tpu.memory_space<vmem>>
      %dma_start3A_69 = arith.constant 0 : i32
      %dma_start3A_70 = tpu.memref_slice %arg7[%add3A_54, %dma_start3A_69] : memref<40x128xi32, #tpu.memory_space<vmem>> -> memref<1x128xi32, #tpu.memory_space<vmem>>
      %dma_start3A_71 = tpu.memref_squeeze %dma_start3A_70 : memref<1x128xi32, #tpu.memory_space<vmem>> -> memref<128xi32, #tpu.memory_space<vmem>>
      %dma_start3A_72 = arith.constant 64 : i32
      %dma_start3A_73 = tpu.memref_slice %dma_start3A_71[%dma_start3A_72] : memref<128xi32, #tpu.memory_space<vmem>> -> memref<64xi32, #tpu.memory_space<vmem>>
      %dma_start3A_74 = arith.constant 0 : i32
      %dma_start3A_75 = arith.constant 0 : i32
      %dma_start3A_76 = tpu.memref_slice %arg2[%dma_start3A_74, %dma_start3A_75] : memref<20000x128xf32, #tpu.memory_space<hbm>> -> memref<20000x128xf32, #tpu.memory_space<hbm>>
      tpu.enqueue_indirect_dma source(%dma_start3A_76 : memref<20000x128xf32, #tpu.memory_space<hbm>>) target(%dma_start3A_68 : memref<64x128xf32, #tpu.memory_space<vmem>>) offsets(%dma_start3A_73 : memref<64xi32, #tpu.memory_space<vmem>>) semaphore(%arg12 : memref<!tpu.dma_semaphore, #tpu.memory_space<semaphore_mem>>)
      %dma_wait3A = arith.constant 0 : i32
      %dma_wait3A_77 = arith.constant 0 : i32
      %dma_wait3A_78 = tpu.memref_slice %arg9[%dma_wait3A, %dma_wait3A_77] : memref<256x128xf32, #tpu.memory_space<vmem>> -> memref<64x128xf32, #tpu.memory_space<vmem>>
      %dma_wait3A_79 = arith.constant 0 : i32
      %dma_wait3A_80 = tpu.memref_slice %arg7[%add3A_31, %dma_wait3A_79] : memref<40x128xi32, #tpu.memory_space<vmem>> -> memref<1x128xi32, #tpu.memory_space<vmem>>
      %dma_wait3A_81 = tpu.memref_squeeze %dma_wait3A_80 : memref<1x128xi32, #tpu.memory_space<vmem>> -> memref<128xi32, #tpu.memory_space<vmem>>
      %dma_wait3A_82 = arith.constant 0 : i32
      %dma_wait3A_83 = tpu.memref_slice %dma_wait3A_81[%dma_wait3A_82] : memref<128xi32, #tpu.memory_space<vmem>> -> memref<64xi32, #tpu.memory_space<vmem>>
      %dma_wait3A_84 = arith.constant 0 : i32
      %dma_wait3A_85 = arith.constant 0 : i32
      %dma_wait3A_86 = tpu.memref_slice %arg2[%dma_wait3A_84, %dma_wait3A_85] : memref<20000x128xf32, #tpu.memory_space<hbm>> -> memref<20000x128xf32, #tpu.memory_space<hbm>>
      tpu.wait_indirect_dma semaphore(%arg11 : memref<!tpu.dma_semaphore, #tpu.memory_space<semaphore_mem>>) src(%dma_wait3A_86 : memref<20000x128xf32, #tpu.memory_space<hbm>>) dst(%dma_wait3A_78 : memref<64x128xf32, #tpu.memory_space<vmem>>)
      %dma_wait3A_87 = arith.constant 64 : i32
      %dma_wait3A_88 = arith.constant 0 : i32
      %dma_wait3A_89 = tpu.memref_slice %arg9[%dma_wait3A_87, %dma_wait3A_88] : memref<256x128xf32, #tpu.memory_space<vmem>> -> memref<64x128xf32, #tpu.memory_space<vmem>>
      %dma_wait3A_90 = arith.constant 0 : i32
      %dma_wait3A_91 = tpu.memref_slice %arg7[%add3A_31, %dma_wait3A_90] : memref<40x128xi32, #tpu.memory_space<vmem>> -> memref<1x128xi32, #tpu.memory_space<vmem>>
      %dma_wait3A_92 = tpu.memref_squeeze %dma_wait3A_91 : memref<1x128xi32, #tpu.memory_space<vmem>> -> memref<128xi32, #tpu.memory_space<vmem>>
      %dma_wait3A_93 = arith.constant 64 : i32
      %dma_wait3A_94 = tpu.memref_slice %dma_wait3A_92[%dma_wait3A_93] : memref<128xi32, #tpu.memory_space<vmem>> -> memref<64xi32, #tpu.memory_space<vmem>>
      %dma_wait3A_95 = arith.constant 0 : i32
      %dma_wait3A_96 = arith.constant 0 : i32
      %dma_wait3A_97 = tpu.memref_slice %arg2[%dma_wait3A_95, %dma_wait3A_96] : memref<20000x128xf32, #tpu.memory_space<hbm>> -> memref<20000x128xf32, #tpu.memory_space<hbm>>
      tpu.wait_indirect_dma semaphore(%arg11 : memref<!tpu.dma_semaphore, #tpu.memory_space<semaphore_mem>>) src(%dma_wait3A_97 : memref<20000x128xf32, #tpu.memory_space<hbm>>) dst(%dma_wait3A_89 : memref<64x128xf32, #tpu.memory_space<vmem>>)
      %dma_start3A_98 = arith.constant 0 : i32
      %dma_start3A_99 = arith.constant 0 : i32
      %dma_start3A_100 = tpu.memref_slice %arg9[%dma_start3A_98, %dma_start3A_99] : memref<256x128xf32, #tpu.memory_space<vmem>> -> memref<128x128xf32, #tpu.memory_space<vmem>>
      %dma_start3A_101 = arith.constant 0 : i32
      %dma_start3A_102 = tpu.memref_slice %arg8[%add3A_31, %dma_start3A_101] : memref<40x128xi32, #tpu.memory_space<vmem>> -> memref<1x128xi32, #tpu.memory_space<vmem>>
      %dma_start3A_103 = tpu.memref_squeeze %dma_start3A_102 : memref<1x128xi32, #tpu.memory_space<vmem>> -> memref<128xi32, #tpu.memory_space<vmem>>
      %dma_start3A_104 = arith.constant 0 : i32
      %dma_start3A_105 = arith.constant 0 : i32
      %dma_start3A_106 = tpu.memref_slice %arg10[%dma_start3A_104, %dma_start3A_105] : memref<10112x128xf32, #tpu.memory_space<vmem_shared>> -> memref<10112x128xf32, #tpu.memory_space<vmem_shared>>
      tpu.enqueue_indirect_dma source(%dma_start3A_100 : memref<128x128xf32, #tpu.memory_space<vmem>>) target(%dma_start3A_106 : memref<10112x128xf32, #tpu.memory_space<vmem_shared>>) offsets(%dma_start3A_103 : memref<128xi32, #tpu.memory_space<vmem>>) semaphore(%arg13 : memref<!tpu.dma_semaphore, #tpu.memory_space<semaphore_mem>>) {add = true}
      %dma_wait3A_107 = arith.constant 128 : i32
      %dma_wait3A_108 = arith.constant 0 : i32
      %dma_wait3A_109 = tpu.memref_slice %arg9[%dma_wait3A_107, %dma_wait3A_108] : memref<256x128xf32, #tpu.memory_space<vmem>> -> memref<64x128xf32, #tpu.memory_space<vmem>>
      %dma_wait3A_110 = arith.constant 0 : i32
      %dma_wait3A_111 = tpu.memref_slice %arg7[%add3A_54, %dma_wait3A_110] : memref<40x128xi32, #tpu.memory_space<vmem>> -> memref<1x128xi32, #tpu.memory_space<vmem>>
      %dma_wait3A_112 = tpu.memref_squeeze %dma_wait3A_111 : memref<1x128xi32, #tpu.memory_space<vmem>> -> memref<128xi32, #tpu.memory_space<vmem>>
      %dma_wait3A_113 = arith.constant 0 : i32
      %dma_wait3A_114 = tpu.memref_slice %dma_wait3A_112[%dma_wait3A_113] : memref<128xi32, #tpu.memory_space<vmem>> -> memref<64xi32, #tpu.memory_space<vmem>>
      %dma_wait3A_115 = arith.constant 0 : i32
      %dma_wait3A_116 = arith.constant 0 : i32
      %dma_wait3A_117 = tpu.memref_slice %arg2[%dma_wait3A_115, %dma_wait3A_116] : memref<20000x128xf32, #tpu.memory_space<hbm>> -> memref<20000x128xf32, #tpu.memory_space<hbm>>
      tpu.wait_indirect_dma semaphore(%arg12 : memref<!tpu.dma_semaphore, #tpu.memory_space<semaphore_mem>>) src(%dma_wait3A_117 : memref<20000x128xf32, #tpu.memory_space<hbm>>) dst(%dma_wait3A_109 : memref<64x128xf32, #tpu.memory_space<vmem>>)
      %dma_wait3A_118 = arith.constant 192 : i32
      %dma_wait3A_119 = arith.constant 0 : i32
      %dma_wait3A_120 = tpu.memref_slice %arg9[%dma_wait3A_118, %dma_wait3A_119] : memref<256x128xf32, #tpu.memory_space<vmem>> -> memref<64x128xf32, #tpu.memory_space<vmem>>
      %dma_wait3A_121 = arith.constant 0 : i32
      %dma_wait3A_122 = tpu.memref_slice %arg7[%add3A_54, %dma_wait3A_121] : memref<40x128xi32, #tpu.memory_space<vmem>> -> memref<1x128xi32, #tpu.memory_space<vmem>>
      %dma_wait3A_123 = tpu.memref_squeeze %dma_wait3A_122 : memref<1x128xi32, #tpu.memory_space<vmem>> -> memref<128xi32, #tpu.memory_space<vmem>>
      %dma_wait3A_124 = arith.constant 64 : i32
      %dma_wait3A_125 = tpu.memref_slice %dma_wait3A_123[%dma_wait3A_124] : memref<128xi32, #tpu.memory_space<vmem>> -> memref<64xi32, #tpu.memory_space<vmem>>
      %dma_wait3A_126 = arith.constant 0 : i32
      %dma_wait3A_127 = arith.constant 0 : i32
      %dma_wait3A_128 = tpu.memref_slice %arg2[%dma_wait3A_126, %dma_wait3A_127] : memref<20000x128xf32, #tpu.memory_space<hbm>> -> memref<20000x128xf32, #tpu.memory_space<hbm>>
      tpu.wait_indirect_dma semaphore(%arg12 : memref<!tpu.dma_semaphore, #tpu.memory_space<semaphore_mem>>) src(%dma_wait3A_128 : memref<20000x128xf32, #tpu.memory_space<hbm>>) dst(%dma_wait3A_120 : memref<64x128xf32, #tpu.memory_space<vmem>>)
      %add3A_129 = arith.constant 1 : i32
      %add3A_130 = arith.addi %add3A_31, %add3A_129 : i32
      %dma_start3A_131 = arith.constant 128 : i32
      %dma_start3A_132 = arith.constant 0 : i32
      %dma_start3A_133 = tpu.memref_slice %arg9[%dma_start3A_131, %dma_start3A_132] : memref<256x128xf32, #tpu.memory_space<vmem>> -> memref<128x128xf32, #tpu.memory_space<vmem>>
      %dma_start3A_134 = arith.constant 0 : i32
      %dma_start3A_135 = tpu.memref_slice %arg8[%add3A_130, %dma_start3A_134] : memref<40x128xi32, #tpu.memory_space<vmem>> -> memref<1x128xi32, #tpu.memory_space<vmem>>
      %dma_start3A_136 = tpu.memref_squeeze %dma_start3A_135 : memref<1x128xi32, #tpu.memory_space<vmem>> -> memref<128xi32, #tpu.memory_space<vmem>>
      %dma_start3A_137 = arith.constant 0 : i32
      %dma_start3A_138 = arith.constant 0 : i32
      %dma_start3A_139 = tpu.memref_slice %arg10[%dma_start3A_137, %dma_start3A_138] : memref<10112x128xf32, #tpu.memory_space<vmem_shared>> -> memref<10112x128xf32, #tpu.memory_space<vmem_shared>>
      tpu.enqueue_indirect_dma source(%dma_start3A_133 : memref<128x128xf32, #tpu.memory_space<vmem>>) target(%dma_start3A_139 : memref<10112x128xf32, #tpu.memory_space<vmem_shared>>) offsets(%dma_start3A_136 : memref<128xi32, #tpu.memory_space<vmem>>) semaphore(%arg14 : memref<!tpu.dma_semaphore, #tpu.memory_space<semaphore_mem>>) {add = true}
      %dma_wait3A_140 = arith.constant 0 : i32
      %dma_wait3A_141 = arith.constant 0 : i32
      %dma_wait3A_142 = tpu.memref_slice %arg9[%dma_wait3A_140, %dma_wait3A_141] : memref<256x128xf32, #tpu.memory_space<vmem>> -> memref<128x128xf32, #tpu.memory_space<vmem>>
      %dma_wait3A_143 = arith.constant 0 : i32
      %dma_wait3A_144 = tpu.memref_slice %arg8[%add3A_31, %dma_wait3A_143] : memref<40x128xi32, #tpu.memory_space<vmem>> -> memref<1x128xi32, #tpu.memory_space<vmem>>
      %dma_wait3A_145 = tpu.memref_squeeze %dma_wait3A_144 : memref<1x128xi32, #tpu.memory_space<vmem>> -> memref<128xi32, #tpu.memory_space<vmem>>
      %dma_wait3A_146 = arith.constant 0 : i32
      %dma_wait3A_147 = arith.constant 0 : i32
      %dma_wait3A_148 = tpu.memref_slice %arg10[%dma_wait3A_146, %dma_wait3A_147] : memref<10112x128xf32, #tpu.memory_space<vmem_shared>> -> memref<10112x128xf32, #tpu.memory_space<vmem_shared>>
      tpu.wait_indirect_dma semaphore(%arg13 : memref<!tpu.dma_semaphore, #tpu.memory_space<semaphore_mem>>) src(%dma_wait3A_142 : memref<128x128xf32, #tpu.memory_space<vmem>>) dst(%dma_wait3A_148 : memref<10112x128xf32, #tpu.memory_space<vmem_shared>>)
      %add3A_149 = arith.constant 2 : i32
      %add3A_150 = arith.addi %add3A_31, %add3A_149 : i32
      %dma_start3A_151 = arith.constant 0 : i32
      %dma_start3A_152 = arith.constant 0 : i32
      %dma_start3A_153 = tpu.memref_slice %arg9[%dma_start3A_151, %dma_start3A_152] : memref<256x128xf32, #tpu.memory_space<vmem>> -> memref<64x128xf32, #tpu.memory_space<vmem>>
      %dma_start3A_154 = arith.constant 0 : i32
      %dma_start3A_155 = tpu.memref_slice %arg7[%add3A_150, %dma_start3A_154] : memref<40x128xi32, #tpu.memory_space<vmem>> -> memref<1x128xi32, #tpu.memory_space<vmem>>
      %dma_start3A_156 = tpu.memref_squeeze %dma_start3A_155 : memref<1x128xi32, #tpu.memory_space<vmem>> -> memref<128xi32, #tpu.memory_space<vmem>>
      %dma_start3A_157 = arith.constant 0 : i32
      %dma_start3A_158 = tpu.memref_slice %dma_start3A_156[%dma_start3A_157] : memref<128xi32, #tpu.memory_space<vmem>> -> memref<64xi32, #tpu.memory_space<vmem>>
      %dma_start3A_159 = arith.constant 0 : i32
      %dma_start3A_160 = arith.constant 0 : i32
      %dma_start3A_161 = tpu.memref_slice %arg2[%dma_start3A_159, %dma_start3A_160] : memref<20000x128xf32, #tpu.memory_space<hbm>> -> memref<20000x128xf32, #tpu.memory_space<hbm>>
      tpu.enqueue_indirect_dma source(%dma_start3A_161 : memref<20000x128xf32, #tpu.memory_space<hbm>>) target(%dma_start3A_153 : memref<64x128xf32, #tpu.memory_space<vmem>>) offsets(%dma_start3A_158 : memref<64xi32, #tpu.memory_space<vmem>>) semaphore(%arg11 : memref<!tpu.dma_semaphore, #tpu.memory_space<semaphore_mem>>)
      %dma_start3A_162 = arith.constant 64 : i32
      %dma_start3A_163 = arith.constant 0 : i32
      %dma_start3A_164 = tpu.memref_slice %arg9[%dma_start3A_162, %dma_start3A_163] : memref<256x128xf32, #tpu.memory_space<vmem>> -> memref<64x128xf32, #tpu.memory_space<vmem>>
      %dma_start3A_165 = arith.constant 0 : i32
      %dma_start3A_166 = tpu.memref_slice %arg7[%add3A_150, %dma_start3A_165] : memref<40x128xi32, #tpu.memory_space<vmem>> -> memref<1x128xi32, #tpu.memory_space<vmem>>
      %dma_start3A_167 = tpu.memref_squeeze %dma_start3A_166 : memref<1x128xi32, #tpu.memory_space<vmem>> -> memref<128xi32, #tpu.memory_space<vmem>>
      %dma_start3A_168 = arith.constant 64 : i32
      %dma_start3A_169 = tpu.memref_slice %dma_start3A_167[%dma_start3A_168] : memref<128xi32, #tpu.memory_space<vmem>> -> memref<64xi32, #tpu.memory_space<vmem>>
      %dma_start3A_170 = arith.constant 0 : i32
      %dma_start3A_171 = arith.constant 0 : i32
      %dma_start3A_172 = tpu.memref_slice %arg2[%dma_start3A_170, %dma_start3A_171] : memref<20000x128xf32, #tpu.memory_space<hbm>> -> memref<20000x128xf32, #tpu.memory_space<hbm>>
      tpu.enqueue_indirect_dma source(%dma_start3A_172 : memref<20000x128xf32, #tpu.memory_space<hbm>>) target(%dma_start3A_164 : memref<64x128xf32, #tpu.memory_space<vmem>>) offsets(%dma_start3A_169 : memref<64xi32, #tpu.memory_space<vmem>>) semaphore(%arg11 : memref<!tpu.dma_semaphore, #tpu.memory_space<semaphore_mem>>)
      %dma_wait3A_173 = arith.constant 0 : i32
      %dma_wait3A_174 = arith.constant 0 : i32
      %dma_wait3A_175 = tpu.memref_slice %arg9[%dma_wait3A_173, %dma_wait3A_174] : memref<256x128xf32, #tpu.memory_space<vmem>> -> memref<64x128xf32, #tpu.memory_space<vmem>>
      %dma_wait3A_176 = arith.constant 0 : i32
      %dma_wait3A_177 = tpu.memref_slice %arg7[%add3A_150, %dma_wait3A_176] : memref<40x128xi32, #tpu.memory_space<vmem>> -> memref<1x128xi32, #tpu.memory_space<vmem>>
      %dma_wait3A_178 = tpu.memref_squeeze %dma_wait3A_177 : memref<1x128xi32, #tpu.memory_space<vmem>> -> memref<128xi32, #tpu.memory_space<vmem>>
      %dma_wait3A_179 = arith.constant 0 : i32
      %dma_wait3A_180 = tpu.memref_slice %dma_wait3A_178[%dma_wait3A_179] : memref<128xi32, #tpu.memory_space<vmem>> -> memref<64xi32, #tpu.memory_space<vmem>>
      %dma_wait3A_181 = arith.constant 0 : i32
      %dma_wait3A_182 = arith.constant 0 : i32
      %dma_wait3A_183 = tpu.memref_slice %arg2[%dma_wait3A_181, %dma_wait3A_182] : memref<20000x128xf32, #tpu.memory_space<hbm>> -> memref<20000x128xf32, #tpu.memory_space<hbm>>
      tpu.wait_indirect_dma semaphore(%arg11 : memref<!tpu.dma_semaphore, #tpu.memory_space<semaphore_mem>>) src(%dma_wait3A_183 : memref<20000x128xf32, #tpu.memory_space<hbm>>) dst(%dma_wait3A_175 : memref<64x128xf32, #tpu.memory_space<vmem>>)
      %dma_wait3A_184 = arith.constant 64 : i32
      %dma_wait3A_185 = arith.constant 0 : i32
      %dma_wait3A_186 = tpu.memref_slice %arg9[%dma_wait3A_184, %dma_wait3A_185] : memref<256x128xf32, #tpu.memory_space<vmem>> -> memref<64x128xf32, #tpu.memory_space<vmem>>
      %dma_wait3A_187 = arith.constant 0 : i32
      %dma_wait3A_188 = tpu.memref_slice %arg7[%add3A_150, %dma_wait3A_187] : memref<40x128xi32, #tpu.memory_space<vmem>> -> memref<1x128xi32, #tpu.memory_space<vmem>>
      %dma_wait3A_189 = tpu.memref_squeeze %dma_wait3A_188 : memref<1x128xi32, #tpu.memory_space<vmem>> -> memref<128xi32, #tpu.memory_space<vmem>>
      %dma_wait3A_190 = arith.constant 64 : i32
      %dma_wait3A_191 = tpu.memref_slice %dma_wait3A_189[%dma_wait3A_190] : memref<128xi32, #tpu.memory_space<vmem>> -> memref<64xi32, #tpu.memory_space<vmem>>
      %dma_wait3A_192 = arith.constant 0 : i32
      %dma_wait3A_193 = arith.constant 0 : i32
      %dma_wait3A_194 = tpu.memref_slice %arg2[%dma_wait3A_192, %dma_wait3A_193] : memref<20000x128xf32, #tpu.memory_space<hbm>> -> memref<20000x128xf32, #tpu.memory_space<hbm>>
      tpu.wait_indirect_dma semaphore(%arg11 : memref<!tpu.dma_semaphore, #tpu.memory_space<semaphore_mem>>) src(%dma_wait3A_194 : memref<20000x128xf32, #tpu.memory_space<hbm>>) dst(%dma_wait3A_186 : memref<64x128xf32, #tpu.memory_space<vmem>>)
      %add3A_195 = arith.constant 2 : i32
      %add3A_196 = arith.addi %add3A_31, %add3A_195 : i32
      %dma_start3A_197 = arith.constant 0 : i32
      %dma_start3A_198 = arith.constant 0 : i32
      %dma_start3A_199 = tpu.memref_slice %arg9[%dma_start3A_197, %dma_start3A_198] : memref<256x128xf32, #tpu.memory_space<vmem>> -> memref<128x128xf32, #tpu.memory_space<vmem>>
      %dma_start3A_200 = arith.constant 0 : i32
      %dma_start3A_201 = tpu.memref_slice %arg8[%add3A_196, %dma_start3A_200] : memref<40x128xi32, #tpu.memory_space<vmem>> -> memref<1x128xi32, #tpu.memory_space<vmem>>
      %dma_start3A_202 = tpu.memref_squeeze %dma_start3A_201 : memref<1x128xi32, #tpu.memory_space<vmem>> -> memref<128xi32, #tpu.memory_space<vmem>>
      %dma_start3A_203 = arith.constant 0 : i32
      %dma_start3A_204 = arith.constant 0 : i32
      %dma_start3A_205 = tpu.memref_slice %arg10[%dma_start3A_203, %dma_start3A_204] : memref<10112x128xf32, #tpu.memory_space<vmem_shared>> -> memref<10112x128xf32, #tpu.memory_space<vmem_shared>>
      tpu.enqueue_indirect_dma source(%dma_start3A_199 : memref<128x128xf32, #tpu.memory_space<vmem>>) target(%dma_start3A_205 : memref<10112x128xf32, #tpu.memory_space<vmem_shared>>) offsets(%dma_start3A_202 : memref<128xi32, #tpu.memory_space<vmem>>) semaphore(%arg13 : memref<!tpu.dma_semaphore, #tpu.memory_space<semaphore_mem>>) {add = true}
      %dma_wait3A_206 = arith.constant 128 : i32
      %dma_wait3A_207 = arith.constant 0 : i32
      %dma_wait3A_208 = tpu.memref_slice %arg9[%dma_wait3A_206, %dma_wait3A_207] : memref<256x128xf32, #tpu.memory_space<vmem>> -> memref<128x128xf32, #tpu.memory_space<vmem>>
      %dma_wait3A_209 = arith.constant 0 : i32
      %dma_wait3A_210 = tpu.memref_slice %arg8[%add3A_130, %dma_wait3A_209] : memref<40x128xi32, #tpu.memory_space<vmem>> -> memref<1x128xi32, #tpu.memory_space<vmem>>
      %dma_wait3A_211 = tpu.memref_squeeze %dma_wait3A_210 : memref<1x128xi32, #tpu.memory_space<vmem>> -> memref<128xi32, #tpu.memory_space<vmem>>
      %dma_wait3A_212 = arith.constant 0 : i32
      %dma_wait3A_213 = arith.constant 0 : i32
      %dma_wait3A_214 = tpu.memref_slice %arg10[%dma_wait3A_212, %dma_wait3A_213] : memref<10112x128xf32, #tpu.memory_space<vmem_shared>> -> memref<10112x128xf32, #tpu.memory_space<vmem_shared>>
      tpu.wait_indirect_dma semaphore(%arg14 : memref<!tpu.dma_semaphore, #tpu.memory_space<semaphore_mem>>) src(%dma_wait3A_208 : memref<128x128xf32, #tpu.memory_space<vmem>>) dst(%dma_wait3A_214 : memref<10112x128xf32, #tpu.memory_space<vmem_shared>>)
      %add3A_215 = arith.constant 3 : i32
      %add3A_216 = arith.addi %add3A_31, %add3A_215 : i32
      %dma_start3A_217 = arith.constant 128 : i32
      %dma_start3A_218 = arith.constant 0 : i32
      %dma_start3A_219 = tpu.memref_slice %arg9[%dma_start3A_217, %dma_start3A_218] : memref<256x128xf32, #tpu.memory_space<vmem>> -> memref<64x128xf32, #tpu.memory_space<vmem>>
      %dma_start3A_220 = arith.constant 0 : i32
      %dma_start3A_221 = tpu.memref_slice %arg7[%add3A_216, %dma_start3A_220] : memref<40x128xi32, #tpu.memory_space<vmem>> -> memref<1x128xi32, #tpu.memory_space<vmem>>
      %dma_start3A_222 = tpu.memref_squeeze %dma_start3A_221 : memref<1x128xi32, #tpu.memory_space<vmem>> -> memref<128xi32, #tpu.memory_space<vmem>>
      %dma_start3A_223 = arith.constant 0 : i32
      %dma_start3A_224 = tpu.memref_slice %dma_start3A_222[%dma_start3A_223] : memref<128xi32, #tpu.memory_space<vmem>> -> memref<64xi32, #tpu.memory_space<vmem>>
      %dma_start3A_225 = arith.constant 0 : i32
      %dma_start3A_226 = arith.constant 0 : i32
      %dma_start3A_227 = tpu.memref_slice %arg2[%dma_start3A_225, %dma_start3A_226] : memref<20000x128xf32, #tpu.memory_space<hbm>> -> memref<20000x128xf32, #tpu.memory_space<hbm>>
      tpu.enqueue_indirect_dma source(%dma_start3A_227 : memref<20000x128xf32, #tpu.memory_space<hbm>>) target(%dma_start3A_219 : memref<64x128xf32, #tpu.memory_space<vmem>>) offsets(%dma_start3A_224 : memref<64xi32, #tpu.memory_space<vmem>>) semaphore(%arg12 : memref<!tpu.dma_semaphore, #tpu.memory_space<semaphore_mem>>)
      %dma_start3A_228 = arith.constant 192 : i32
      %dma_start3A_229 = arith.constant 0 : i32
      %dma_start3A_230 = tpu.memref_slice %arg9[%dma_start3A_228, %dma_start3A_229] : memref<256x128xf32, #tpu.memory_space<vmem>> -> memref<64x128xf32, #tpu.memory_space<vmem>>
      %dma_start3A_231 = arith.constant 0 : i32
      %dma_start3A_232 = tpu.memref_slice %arg7[%add3A_216, %dma_start3A_231] : memref<40x128xi32, #tpu.memory_space<vmem>> -> memref<1x128xi32, #tpu.memory_space<vmem>>
      %dma_start3A_233 = tpu.memref_squeeze %dma_start3A_232 : memref<1x128xi32, #tpu.memory_space<vmem>> -> memref<128xi32, #tpu.memory_space<vmem>>
      %dma_start3A_234 = arith.constant 64 : i32
      %dma_start3A_235 = tpu.memref_slice %dma_start3A_233[%dma_start3A_234] : memref<128xi32, #tpu.memory_space<vmem>> -> memref<64xi32, #tpu.memory_space<vmem>>
      %dma_start3A_236 = arith.constant 0 : i32
      %dma_start3A_237 = arith.constant 0 : i32
      %dma_start3A_238 = tpu.memref_slice %arg2[%dma_start3A_236, %dma_start3A_237] : memref<20000x128xf32, #tpu.memory_space<hbm>> -> memref<20000x128xf32, #tpu.memory_space<hbm>>
      tpu.enqueue_indirect_dma source(%dma_start3A_238 : memref<20000x128xf32, #tpu.memory_space<hbm>>) target(%dma_start3A_230 : memref<64x128xf32, #tpu.memory_space<vmem>>) offsets(%dma_start3A_235 : memref<64xi32, #tpu.memory_space<vmem>>) semaphore(%arg12 : memref<!tpu.dma_semaphore, #tpu.memory_space<semaphore_mem>>)
      %dma_wait3A_239 = arith.constant 128 : i32
      %dma_wait3A_240 = arith.constant 0 : i32
      %dma_wait3A_241 = tpu.memref_slice %arg9[%dma_wait3A_239, %dma_wait3A_240] : memref<256x128xf32, #tpu.memory_space<vmem>> -> memref<64x128xf32, #tpu.memory_space<vmem>>
      %dma_wait3A_242 = arith.constant 0 : i32
      %dma_wait3A_243 = tpu.memref_slice %arg7[%add3A_216, %dma_wait3A_242] : memref<40x128xi32, #tpu.memory_space<vmem>> -> memref<1x128xi32, #tpu.memory_space<vmem>>
      %dma_wait3A_244 = tpu.memref_squeeze %dma_wait3A_243 : memref<1x128xi32, #tpu.memory_space<vmem>> -> memref<128xi32, #tpu.memory_space<vmem>>
      %dma_wait3A_245 = arith.constant 0 : i32
      %dma_wait3A_246 = tpu.memref_slice %dma_wait3A_244[%dma_wait3A_245] : memref<128xi32, #tpu.memory_space<vmem>> -> memref<64xi32, #tpu.memory_space<vmem>>
      %dma_wait3A_247 = arith.constant 0 : i32
      %dma_wait3A_248 = arith.constant 0 : i32
      %dma_wait3A_249 = tpu.memref_slice %arg2[%dma_wait3A_247, %dma_wait3A_248] : memref<20000x128xf32, #tpu.memory_space<hbm>> -> memref<20000x128xf32, #tpu.memory_space<hbm>>
      tpu.wait_indirect_dma semaphore(%arg12 : memref<!tpu.dma_semaphore, #tpu.memory_space<semaphore_mem>>) src(%dma_wait3A_249 : memref<20000x128xf32, #tpu.memory_space<hbm>>) dst(%dma_wait3A_241 : memref<64x128xf32, #tpu.memory_space<vmem>>)
      %dma_wait3A_250 = arith.constant 192 : i32
      %dma_wait3A_251 = arith.constant 0 : i32
      %dma_wait3A_252 = tpu.memref_slice %arg9[%dma_wait3A_250, %dma_wait3A_251] : memref<256x128xf32, #tpu.memory_space<vmem>> -> memref<64x128xf32, #tpu.memory_space<vmem>>
      %dma_wait3A_253 = arith.constant 0 : i32
      %dma_wait3A_254 = tpu.memref_slice %arg7[%add3A_216, %dma_wait3A_253] : memref<40x128xi32, #tpu.memory_space<vmem>> -> memref<1x128xi32, #tpu.memory_space<vmem>>
      %dma_wait3A_255 = tpu.memref_squeeze %dma_wait3A_254 : memref<1x128xi32, #tpu.memory_space<vmem>> -> memref<128xi32, #tpu.memory_space<vmem>>
      %dma_wait3A_256 = arith.constant 64 : i32
      %dma_wait3A_257 = tpu.memref_slice %dma_wait3A_255[%dma_wait3A_256] : memref<128xi32, #tpu.memory_space<vmem>> -> memref<64xi32, #tpu.memory_space<vmem>>
      %dma_wait3A_258 = arith.constant 0 : i32
      %dma_wait3A_259 = arith.constant 0 : i32
      %dma_wait3A_260 = tpu.memref_slice %arg2[%dma_wait3A_258, %dma_wait3A_259] : memref<20000x128xf32, #tpu.memory_space<hbm>> -> memref<20000x128xf32, #tpu.memory_space<hbm>>
      tpu.wait_indirect_dma semaphore(%arg12 : memref<!tpu.dma_semaphore, #tpu.memory_space<semaphore_mem>>) src(%dma_wait3A_260 : memref<20000x128xf32, #tpu.memory_space<hbm>>) dst(%dma_wait3A_252 : memref<64x128xf32, #tpu.memory_space<vmem>>)
      %add3A_261 = arith.constant 3 : i32
      %add3A_262 = arith.addi %add3A_31, %add3A_261 : i32
      %dma_start3A_263 = arith.constant 128 : i32
      %dma_start3A_264 = arith.constant 0 : i32
      %dma_start3A_265 = tpu.memref_slice %arg9[%dma_start3A_263, %dma_start3A_264] : memref<256x128xf32, #tpu.memory_space<vmem>> -> memref<128x128xf32, #tpu.memory_space<vmem>>
      %dma_start3A_266 = arith.constant 0 : i32
      %dma_start3A_267 = tpu.memref_slice %arg8[%add3A_262, %dma_start3A_266] : memref<40x128xi32, #tpu.memory_space<vmem>> -> memref<1x128xi32, #tpu.memory_space<vmem>>
      %dma_start3A_268 = tpu.memref_squeeze %dma_start3A_267 : memref<1x128xi32, #tpu.memory_space<vmem>> -> memref<128xi32, #tpu.memory_space<vmem>>
      %dma_start3A_269 = arith.constant 0 : i32
      %dma_start3A_270 = arith.constant 0 : i32
      %dma_start3A_271 = tpu.memref_slice %arg10[%dma_start3A_269, %dma_start3A_270] : memref<10112x128xf32, #tpu.memory_space<vmem_shared>> -> memref<10112x128xf32, #tpu.memory_space<vmem_shared>>
      tpu.enqueue_indirect_dma source(%dma_start3A_265 : memref<128x128xf32, #tpu.memory_space<vmem>>) target(%dma_start3A_271 : memref<10112x128xf32, #tpu.memory_space<vmem_shared>>) offsets(%dma_start3A_268 : memref<128xi32, #tpu.memory_space<vmem>>) semaphore(%arg14 : memref<!tpu.dma_semaphore, #tpu.memory_space<semaphore_mem>>) {add = true}
      %dma_wait3A_272 = arith.constant 0 : i32
      %dma_wait3A_273 = arith.constant 0 : i32
      %dma_wait3A_274 = tpu.memref_slice %arg9[%dma_wait3A_272, %dma_wait3A_273] : memref<256x128xf32, #tpu.memory_space<vmem>> -> memref<128x128xf32, #tpu.memory_space<vmem>>
      %dma_wait3A_275 = arith.constant 0 : i32
      %dma_wait3A_276 = tpu.memref_slice %arg8[%add3A_196, %dma_wait3A_275] : memref<40x128xi32, #tpu.memory_space<vmem>> -> memref<1x128xi32, #tpu.memory_space<vmem>>
      %dma_wait3A_277 = tpu.memref_squeeze %dma_wait3A_276 : memref<1x128xi32, #tpu.memory_space<vmem>> -> memref<128xi32, #tpu.memory_space<vmem>>
      %dma_wait3A_278 = arith.constant 0 : i32
      %dma_wait3A_279 = arith.constant 0 : i32
      %dma_wait3A_280 = tpu.memref_slice %arg10[%dma_wait3A_278, %dma_wait3A_279] : memref<10112x128xf32, #tpu.memory_space<vmem_shared>> -> memref<10112x128xf32, #tpu.memory_space<vmem_shared>>
      tpu.wait_indirect_dma semaphore(%arg13 : memref<!tpu.dma_semaphore, #tpu.memory_space<semaphore_mem>>) src(%dma_wait3A_274 : memref<128x128xf32, #tpu.memory_space<vmem>>) dst(%dma_wait3A_280 : memref<10112x128xf32, #tpu.memory_space<vmem_shared>>)
      %dma_wait3A_281 = arith.constant 128 : i32
      %dma_wait3A_282 = arith.constant 0 : i32
      %dma_wait3A_283 = tpu.memref_slice %arg9[%dma_wait3A_281, %dma_wait3A_282] : memref<256x128xf32, #tpu.memory_space<vmem>> -> memref<128x128xf32, #tpu.memory_space<vmem>>
      %dma_wait3A_284 = arith.constant 0 : i32
      %dma_wait3A_285 = tpu.memref_slice %arg8[%add3A_262, %dma_wait3A_284] : memref<40x128xi32, #tpu.memory_space<vmem>> -> memref<1x128xi32, #tpu.memory_space<vmem>>
      %dma_wait3A_286 = tpu.memref_squeeze %dma_wait3A_285 : memref<1x128xi32, #tpu.memory_space<vmem>> -> memref<128xi32, #tpu.memory_space<vmem>>
      %dma_wait3A_287 = arith.constant 0 : i32
      %dma_wait3A_288 = arith.constant 0 : i32
      %dma_wait3A_289 = tpu.memref_slice %arg10[%dma_wait3A_287, %dma_wait3A_288] : memref<10112x128xf32, #tpu.memory_space<vmem_shared>> -> memref<10112x128xf32, #tpu.memory_space<vmem_shared>>
      tpu.wait_indirect_dma semaphore(%arg14 : memref<!tpu.dma_semaphore, #tpu.memory_space<semaphore_mem>>) src(%dma_wait3A_283 : memref<128x128xf32, #tpu.memory_space<vmem>>) dst(%dma_wait3A_289 : memref<10112x128xf32, #tpu.memory_space<vmem_shared>>)
    }
    %scan3A_14 = arith.constant 10 : i32
    %add3A_15 = arith.constant 40 : i32
    %add3A_16 = arith.addi %add3A, %add3A_15 : i32
    "tpu.region"() ({
      %run_scoped3A = tpu.sem_alloc : memref<!tpu.dma_semaphore, #tpu.memory_space<semaphore_mem>>
      %dma_start3A = arith.constant 0 : i32
      %dma_start3A_27 = tpu.memref_slice %arg3[%add3A_16, %dma_start3A] : memref<2560x128xi32, #tpu.memory_space<hbm>> -> memref<40x128xi32, #tpu.memory_space<hbm>>
      %dma_start3A_28 = arith.constant 0 : i32
      %dma_start3A_29 = tpu.memref_slice %arg3[%add3A_16, %dma_start3A_28] : memref<2560x128xi32, #tpu.memory_space<hbm>> -> memref<40x128xi32, #tpu.memory_space<hbm>>
      tpu.enqueue_dma source(%dma_start3A_29 : memref<40x128xi32, #tpu.memory_space<hbm>>) target(%arg7 : memref<40x128xi32, #tpu.memory_space<vmem>>) target_semaphore(%run_scoped3A : memref<!tpu.dma_semaphore, #tpu.memory_space<semaphore_mem>>)
      %dma_wait3A = arith.constant 0 : i32
      %dma_wait3A_30 = tpu.memref_slice %arg3[%add3A_16, %dma_wait3A] : memref<2560x128xi32, #tpu.memory_space<hbm>> -> memref<40x128xi32, #tpu.memory_space<hbm>>
      %dma_wait3A_31 = arith.constant 0 : i32
      %dma_wait3A_32 = tpu.memref_slice %arg3[%add3A_16, %dma_wait3A_31] : memref<2560x128xi32, #tpu.memory_space<hbm>> -> memref<40x128xi32, #tpu.memory_space<hbm>>
      tpu.wait_dma2 semaphore(%run_scoped3A : memref<!tpu.dma_semaphore, #tpu.memory_space<semaphore_mem>>) src(%dma_wait3A_32 : memref<40x128xi32, #tpu.memory_space<hbm>>) dst(%arg7 : memref<40x128xi32, #tpu.memory_space<vmem>>)
      tpu.yield
    }) : () -> ()
    %add3A_17 = arith.constant 40 : i32
    %add3A_18 = arith.addi %mul3A_0, %add3A_17 : i32
    "tpu.region"() ({
      %run_scoped3A = tpu.sem_alloc : memref<!tpu.dma_semaphore, #tpu.memory_space<semaphore_mem>>
      %dma_start3A = arith.constant 0 : i32
      %dma_start3A_27 = tpu.memref_slice %arg4[%add3A_18, %dma_start3A] : memref<1280x128xi32, #tpu.memory_space<hbm>> -> memref<40x128xi32, #tpu.memory_space<hbm>>
      %dma_start3A_28 = arith.constant 0 : i32
      %dma_start3A_29 = tpu.memref_slice %arg4[%add3A_18, %dma_start3A_28] : memref<1280x128xi32, #tpu.memory_space<hbm>> -> memref<40x128xi32, #tpu.memory_space<hbm>>
      tpu.enqueue_dma source(%dma_start3A_29 : memref<40x128xi32, #tpu.memory_space<hbm>>) target(%arg8 : memref<40x128xi32, #tpu.memory_space<vmem>>) target_semaphore(%run_scoped3A : memref<!tpu.dma_semaphore, #tpu.memory_space<semaphore_mem>>)
      %dma_wait3A = arith.constant 0 : i32
      %dma_wait3A_30 = tpu.memref_slice %arg4[%add3A_18, %dma_wait3A] : memref<1280x128xi32, #tpu.memory_space<hbm>> -> memref<40x128xi32, #tpu.memory_space<hbm>>
      %dma_wait3A_31 = arith.constant 0 : i32
      %dma_wait3A_32 = tpu.memref_slice %arg4[%add3A_18, %dma_wait3A_31] : memref<1280x128xi32, #tpu.memory_space<hbm>> -> memref<40x128xi32, #tpu.memory_space<hbm>>
      tpu.wait_dma2 semaphore(%run_scoped3A : memref<!tpu.dma_semaphore, #tpu.memory_space<semaphore_mem>>) src(%dma_wait3A_32 : memref<40x128xi32, #tpu.memory_space<hbm>>) dst(%arg8 : memref<40x128xi32, #tpu.memory_space<vmem>>)
      tpu.yield
    }) : () -> ()
    %scan3A_19 = arith.constant 0 : i32
    %scan3A_20 = arith.constant 10 : i32
    %scan3A_21 = arith.addi %scan3A_19, %scan3A_20 : i32
    %scan3A_22 = arith.constant 1 : i32
    scf.for %scan3A_27 = %scan3A_19 to %scan3A_21 step %scan3A_22  : i32 {
      %mul3A_28 = arith.constant 4 : i32
      %mul3A_29 = arith.muli %scan3A_27, %mul3A_28 : i32
      %add3A_30 = arith.constant 0 : i32
      %add3A_31 = arith.addi %add3A_30, %mul3A_29 : i32
      %dma_start3A = arith.constant 0 : i32
      %dma_start3A_32 = arith.constant 0 : i32
      %dma_start3A_33 = tpu.memref_slice %arg9[%dma_start3A, %dma_start3A_32] : memref<256x128xf32, #tpu.memory_space<vmem>> -> memref<64x128xf32, #tpu.memory_space<vmem>>
      %dma_start3A_34 = arith.constant 0 : i32
      %dma_start3A_35 = tpu.memref_slice %arg7[%add3A_31, %dma_start3A_34] : memref<40x128xi32, #tpu.memory_space<vmem>> -> memref<1x128xi32, #tpu.memory_space<vmem>>
      %dma_start3A_36 = tpu.memref_squeeze %dma_start3A_35 : memref<1x128xi32, #tpu.memory_space<vmem>> -> memref<128xi32, #tpu.memory_space<vmem>>
      %dma_start3A_37 = arith.constant 0 : i32
      %dma_start3A_38 = tpu.memref_slice %dma_start3A_36[%dma_start3A_37] : memref<128xi32, #tpu.memory_space<vmem>> -> memref<64xi32, #tpu.memory_space<vmem>>
      %dma_start3A_39 = arith.constant 0 : i32
      %dma_start3A_40 = arith.constant 0 : i32
      %dma_start3A_41 = tpu.memref_slice %arg2[%dma_start3A_39, %dma_start3A_40] : memref<20000x128xf32, #tpu.memory_space<hbm>> -> memref<20000x128xf32, #tpu.memory_space<hbm>>
      tpu.enqueue_indirect_dma source(%dma_start3A_41 : memref<20000x128xf32, #tpu.memory_space<hbm>>) target(%dma_start3A_33 : memref<64x128xf32, #tpu.memory_space<vmem>>) offsets(%dma_start3A_38 : memref<64xi32, #tpu.memory_space<vmem>>) semaphore(%arg11 : memref<!tpu.dma_semaphore, #tpu.memory_space<semaphore_mem>>)
      %dma_start3A_42 = arith.constant 64 : i32
      %dma_start3A_43 = arith.constant 0 : i32
      %dma_start3A_44 = tpu.memref_slice %arg9[%dma_start3A_42, %dma_start3A_43] : memref<256x128xf32, #tpu.memory_space<vmem>> -> memref<64x128xf32, #tpu.memory_space<vmem>>
      %dma_start3A_45 = arith.constant 0 : i32
      %dma_start3A_46 = tpu.memref_slice %arg7[%add3A_31, %dma_start3A_45] : memref<40x128xi32, #tpu.memory_space<vmem>> -> memref<1x128xi32, #tpu.memory_space<vmem>>
      %dma_start3A_47 = tpu.memref_squeeze %dma_start3A_46 : memref<1x128xi32, #tpu.memory_space<vmem>> -> memref<128xi32, #tpu.memory_space<vmem>>
      %dma_start3A_48 = arith.constant 64 : i32
      %dma_start3A_49 = tpu.memref_slice %dma_start3A_47[%dma_start3A_48] : memref<128xi32, #tpu.memory_space<vmem>> -> memref<64xi32, #tpu.memory_space<vmem>>
      %dma_start3A_50 = arith.constant 0 : i32
      %dma_start3A_51 = arith.constant 0 : i32
      %dma_start3A_52 = tpu.memref_slice %arg2[%dma_start3A_50, %dma_start3A_51] : memref<20000x128xf32, #tpu.memory_space<hbm>> -> memref<20000x128xf32, #tpu.memory_space<hbm>>
      tpu.enqueue_indirect_dma source(%dma_start3A_52 : memref<20000x128xf32, #tpu.memory_space<hbm>>) target(%dma_start3A_44 : memref<64x128xf32, #tpu.memory_space<vmem>>) offsets(%dma_start3A_49 : memref<64xi32, #tpu.memory_space<vmem>>) semaphore(%arg11 : memref<!tpu.dma_semaphore, #tpu.memory_space<semaphore_mem>>)
      %add3A_53 = arith.constant 1 : i32
      %add3A_54 = arith.addi %add3A_31, %add3A_53 : i32
      %dma_start3A_55 = arith.constant 128 : i32
      %dma_start3A_56 = arith.constant 0 : i32
      %dma_start3A_57 = tpu.memref_slice %arg9[%dma_start3A_55, %dma_start3A_56] : memref<256x128xf32, #tpu.memory_space<vmem>> -> memref<64x128xf32, #tpu.memory_space<vmem>>
      %dma_start3A_58 = arith.constant 0 : i32
      %dma_start3A_59 = tpu.memref_slice %arg7[%add3A_54, %dma_start3A_58] : memref<40x128xi32, #tpu.memory_space<vmem>> -> memref<1x128xi32, #tpu.memory_space<vmem>>
      %dma_start3A_60 = tpu.memref_squeeze %dma_start3A_59 : memref<1x128xi32, #tpu.memory_space<vmem>> -> memref<128xi32, #tpu.memory_space<vmem>>
      %dma_start3A_61 = arith.constant 0 : i32
      %dma_start3A_62 = tpu.memref_slice %dma_start3A_60[%dma_start3A_61] : memref<128xi32, #tpu.memory_space<vmem>> -> memref<64xi32, #tpu.memory_space<vmem>>
      %dma_start3A_63 = arith.constant 0 : i32
      %dma_start3A_64 = arith.constant 0 : i32
      %dma_start3A_65 = tpu.memref_slice %arg2[%dma_start3A_63, %dma_start3A_64] : memref<20000x128xf32, #tpu.memory_space<hbm>> -> memref<20000x128xf32, #tpu.memory_space<hbm>>
      tpu.enqueue_indirect_dma source(%dma_start3A_65 : memref<20000x128xf32, #tpu.memory_space<hbm>>) target(%dma_start3A_57 : memref<64x128xf32, #tpu.memory_space<vmem>>) offsets(%dma_start3A_62 : memref<64xi32, #tpu.memory_space<vmem>>) semaphore(%arg12 : memref<!tpu.dma_semaphore, #tpu.memory_space<semaphore_mem>>)
      %dma_start3A_66 = arith.constant 192 : i32
      %dma_start3A_67 = arith.constant 0 : i32
      %dma_start3A_68 = tpu.memref_slice %arg9[%dma_start3A_66, %dma_start3A_67] : memref<256x128xf32, #tpu.memory_space<vmem>> -> memref<64x128xf32, #tpu.memory_space<vmem>>
      %dma_start3A_69 = arith.constant 0 : i32
      %dma_start3A_70 = tpu.memref_slice %arg7[%add3A_54, %dma_start3A_69] : memref<40x128xi32, #tpu.memory_space<vmem>> -> memref<1x128xi32, #tpu.memory_space<vmem>>
      %dma_start3A_71 = tpu.memref_squeeze %dma_start3A_70 : memref<1x128xi32, #tpu.memory_space<vmem>> -> memref<128xi32, #tpu.memory_space<vmem>>
      %dma_start3A_72 = arith.constant 64 : i32
      %dma_start3A_73 = tpu.memref_slice %dma_start3A_71[%dma_start3A_72] : memref<128xi32, #tpu.memory_space<vmem>> -> memref<64xi32, #tpu.memory_space<vmem>>
      %dma_start3A_74 = arith.constant 0 : i32
      %dma_start3A_75 = arith.constant 0 : i32
      %dma_start3A_76 = tpu.memref_slice %arg2[%dma_start3A_74, %dma_start3A_75] : memref<20000x128xf32, #tpu.memory_space<hbm>> -> memref<20000x128xf32, #tpu.memory_space<hbm>>
      tpu.enqueue_indirect_dma source(%dma_start3A_76 : memref<20000x128xf32, #tpu.memory_space<hbm>>) target(%dma_start3A_68 : memref<64x128xf32, #tpu.memory_space<vmem>>) offsets(%dma_start3A_73 : memref<64xi32, #tpu.memory_space<vmem>>) semaphore(%arg12 : memref<!tpu.dma_semaphore, #tpu.memory_space<semaphore_mem>>)
      %dma_wait3A = arith.constant 0 : i32
      %dma_wait3A_77 = arith.constant 0 : i32
      %dma_wait3A_78 = tpu.memref_slice %arg9[%dma_wait3A, %dma_wait3A_77] : memref<256x128xf32, #tpu.memory_space<vmem>> -> memref<64x128xf32, #tpu.memory_space<vmem>>
      %dma_wait3A_79 = arith.constant 0 : i32
      %dma_wait3A_80 = tpu.memref_slice %arg7[%add3A_31, %dma_wait3A_79] : memref<40x128xi32, #tpu.memory_space<vmem>> -> memref<1x128xi32, #tpu.memory_space<vmem>>
      %dma_wait3A_81 = tpu.memref_squeeze %dma_wait3A_80 : memref<1x128xi32, #tpu.memory_space<vmem>> -> memref<128xi32, #tpu.memory_space<vmem>>
      %dma_wait3A_82 = arith.constant 0 : i32
      %dma_wait3A_83 = tpu.memref_slice %dma_wait3A_81[%dma_wait3A_82] : memref<128xi32, #tpu.memory_space<vmem>> -> memref<64xi32, #tpu.memory_space<vmem>>
      %dma_wait3A_84 = arith.constant 0 : i32
      %dma_wait3A_85 = arith.constant 0 : i32
      %dma_wait3A_86 = tpu.memref_slice %arg2[%dma_wait3A_84, %dma_wait3A_85] : memref<20000x128xf32, #tpu.memory_space<hbm>> -> memref<20000x128xf32, #tpu.memory_space<hbm>>
      tpu.wait_indirect_dma semaphore(%arg11 : memref<!tpu.dma_semaphore, #tpu.memory_space<semaphore_mem>>) src(%dma_wait3A_86 : memref<20000x128xf32, #tpu.memory_space<hbm>>) dst(%dma_wait3A_78 : memref<64x128xf32, #tpu.memory_space<vmem>>)
      %dma_wait3A_87 = arith.constant 64 : i32
      %dma_wait3A_88 = arith.constant 0 : i32
      %dma_wait3A_89 = tpu.memref_slice %arg9[%dma_wait3A_87, %dma_wait3A_88] : memref<256x128xf32, #tpu.memory_space<vmem>> -> memref<64x128xf32, #tpu.memory_space<vmem>>
      %dma_wait3A_90 = arith.constant 0 : i32
      %dma_wait3A_91 = tpu.memref_slice %arg7[%add3A_31, %dma_wait3A_90] : memref<40x128xi32, #tpu.memory_space<vmem>> -> memref<1x128xi32, #tpu.memory_space<vmem>>
      %dma_wait3A_92 = tpu.memref_squeeze %dma_wait3A_91 : memref<1x128xi32, #tpu.memory_space<vmem>> -> memref<128xi32, #tpu.memory_space<vmem>>
      %dma_wait3A_93 = arith.constant 64 : i32
      %dma_wait3A_94 = tpu.memref_slice %dma_wait3A_92[%dma_wait3A_93] : memref<128xi32, #tpu.memory_space<vmem>> -> memref<64xi32, #tpu.memory_space<vmem>>
      %dma_wait3A_95 = arith.constant 0 : i32
      %dma_wait3A_96 = arith.constant 0 : i32
      %dma_wait3A_97 = tpu.memref_slice %arg2[%dma_wait3A_95, %dma_wait3A_96] : memref<20000x128xf32, #tpu.memory_space<hbm>> -> memref<20000x128xf32, #tpu.memory_space<hbm>>
      tpu.wait_indirect_dma semaphore(%arg11 : memref<!tpu.dma_semaphore, #tpu.memory_space<semaphore_mem>>) src(%dma_wait3A_97 : memref<20000x128xf32, #tpu.memory_space<hbm>>) dst(%dma_wait3A_89 : memref<64x128xf32, #tpu.memory_space<vmem>>)
      %dma_start3A_98 = arith.constant 0 : i32
      %dma_start3A_99 = arith.constant 0 : i32
      %dma_start3A_100 = tpu.memref_slice %arg9[%dma_start3A_98, %dma_start3A_99] : memref<256x128xf32, #tpu.memory_space<vmem>> -> memref<128x128xf32, #tpu.memory_space<vmem>>
      %dma_start3A_101 = arith.constant 0 : i32
      %dma_start3A_102 = tpu.memref_slice %arg8[%add3A_31, %dma_start3A_101] : memref<40x128xi32, #tpu.memory_space<vmem>> -> memref<1x128xi32, #tpu.memory_space<vmem>>
      %dma_start3A_103 = tpu.memref_squeeze %dma_start3A_102 : memref<1x128xi32, #tpu.memory_space<vmem>> -> memref<128xi32, #tpu.memory_space<vmem>>
      %dma_start3A_104 = arith.constant 0 : i32
      %dma_start3A_105 = arith.constant 0 : i32
      %dma_start3A_106 = tpu.memref_slice %arg10[%dma_start3A_104, %dma_start3A_105] : memref<10112x128xf32, #tpu.memory_space<vmem_shared>> -> memref<10112x128xf32, #tpu.memory_space<vmem_shared>>
      tpu.enqueue_indirect_dma source(%dma_start3A_100 : memref<128x128xf32, #tpu.memory_space<vmem>>) target(%dma_start3A_106 : memref<10112x128xf32, #tpu.memory_space<vmem_shared>>) offsets(%dma_start3A_103 : memref<128xi32, #tpu.memory_space<vmem>>) semaphore(%arg13 : memref<!tpu.dma_semaphore, #tpu.memory_space<semaphore_mem>>) {add = true}
      %dma_wait3A_107 = arith.constant 128 : i32
      %dma_wait3A_108 = arith.constant 0 : i32
      %dma_wait3A_109 = tpu.memref_slice %arg9[%dma_wait3A_107, %dma_wait3A_108] : memref<256x128xf32, #tpu.memory_space<vmem>> -> memref<64x128xf32, #tpu.memory_space<vmem>>
      %dma_wait3A_110 = arith.constant 0 : i32
      %dma_wait3A_111 = tpu.memref_slice %arg7[%add3A_54, %dma_wait3A_110] : memref<40x128xi32, #tpu.memory_space<vmem>> -> memref<1x128xi32, #tpu.memory_space<vmem>>
      %dma_wait3A_112 = tpu.memref_squeeze %dma_wait3A_111 : memref<1x128xi32, #tpu.memory_space<vmem>> -> memref<128xi32, #tpu.memory_space<vmem>>
      %dma_wait3A_113 = arith.constant 0 : i32
      %dma_wait3A_114 = tpu.memref_slice %dma_wait3A_112[%dma_wait3A_113] : memref<128xi32, #tpu.memory_space<vmem>> -> memref<64xi32, #tpu.memory_space<vmem>>
      %dma_wait3A_115 = arith.constant 0 : i32
      %dma_wait3A_116 = arith.constant 0 : i32
      %dma_wait3A_117 = tpu.memref_slice %arg2[%dma_wait3A_115, %dma_wait3A_116] : memref<20000x128xf32, #tpu.memory_space<hbm>> -> memref<20000x128xf32, #tpu.memory_space<hbm>>
      tpu.wait_indirect_dma semaphore(%arg12 : memref<!tpu.dma_semaphore, #tpu.memory_space<semaphore_mem>>) src(%dma_wait3A_117 : memref<20000x128xf32, #tpu.memory_space<hbm>>) dst(%dma_wait3A_109 : memref<64x128xf32, #tpu.memory_space<vmem>>)
      %dma_wait3A_118 = arith.constant 192 : i32
      %dma_wait3A_119 = arith.constant 0 : i32
      %dma_wait3A_120 = tpu.memref_slice %arg9[%dma_wait3A_118, %dma_wait3A_119] : memref<256x128xf32, #tpu.memory_space<vmem>> -> memref<64x128xf32, #tpu.memory_space<vmem>>
      %dma_wait3A_121 = arith.constant 0 : i32
      %dma_wait3A_122 = tpu.memref_slice %arg7[%add3A_54, %dma_wait3A_121] : memref<40x128xi32, #tpu.memory_space<vmem>> -> memref<1x128xi32, #tpu.memory_space<vmem>>
      %dma_wait3A_123 = tpu.memref_squeeze %dma_wait3A_122 : memref<1x128xi32, #tpu.memory_space<vmem>> -> memref<128xi32, #tpu.memory_space<vmem>>
      %dma_wait3A_124 = arith.constant 64 : i32
      %dma_wait3A_125 = tpu.memref_slice %dma_wait3A_123[%dma_wait3A_124] : memref<128xi32, #tpu.memory_space<vmem>> -> memref<64xi32, #tpu.memory_space<vmem>>
      %dma_wait3A_126 = arith.constant 0 : i32
      %dma_wait3A_127 = arith.constant 0 : i32
      %dma_wait3A_128 = tpu.memref_slice %arg2[%dma_wait3A_126, %dma_wait3A_127] : memref<20000x128xf32, #tpu.memory_space<hbm>> -> memref<20000x128xf32, #tpu.memory_space<hbm>>
      tpu.wait_indirect_dma semaphore(%arg12 : memref<!tpu.dma_semaphore, #tpu.memory_space<semaphore_mem>>) src(%dma_wait3A_128 : memref<20000x128xf32, #tpu.memory_space<hbm>>) dst(%dma_wait3A_120 : memref<64x128xf32, #tpu.memory_space<vmem>>)
      %add3A_129 = arith.constant 1 : i32
      %add3A_130 = arith.addi %add3A_31, %add3A_129 : i32
      %dma_start3A_131 = arith.constant 128 : i32
      %dma_start3A_132 = arith.constant 0 : i32
      %dma_start3A_133 = tpu.memref_slice %arg9[%dma_start3A_131, %dma_start3A_132] : memref<256x128xf32, #tpu.memory_space<vmem>> -> memref<128x128xf32, #tpu.memory_space<vmem>>
      %dma_start3A_134 = arith.constant 0 : i32
      %dma_start3A_135 = tpu.memref_slice %arg8[%add3A_130, %dma_start3A_134] : memref<40x128xi32, #tpu.memory_space<vmem>> -> memref<1x128xi32, #tpu.memory_space<vmem>>
      %dma_start3A_136 = tpu.memref_squeeze %dma_start3A_135 : memref<1x128xi32, #tpu.memory_space<vmem>> -> memref<128xi32, #tpu.memory_space<vmem>>
      %dma_start3A_137 = arith.constant 0 : i32
      %dma_start3A_138 = arith.constant 0 : i32
      %dma_start3A_139 = tpu.memref_slice %arg10[%dma_start3A_137, %dma_start3A_138] : memref<10112x128xf32, #tpu.memory_space<vmem_shared>> -> memref<10112x128xf32, #tpu.memory_space<vmem_shared>>
      tpu.enqueue_indirect_dma source(%dma_start3A_133 : memref<128x128xf32, #tpu.memory_space<vmem>>) target(%dma_start3A_139 : memref<10112x128xf32, #tpu.memory_space<vmem_shared>>) offsets(%dma_start3A_136 : memref<128xi32, #tpu.memory_space<vmem>>) semaphore(%arg14 : memref<!tpu.dma_semaphore, #tpu.memory_space<semaphore_mem>>) {add = true}
      %dma_wait3A_140 = arith.constant 0 : i32
      %dma_wait3A_141 = arith.constant 0 : i32
      %dma_wait3A_142 = tpu.memref_slice %arg9[%dma_wait3A_140, %dma_wait3A_141] : memref<256x128xf32, #tpu.memory_space<vmem>> -> memref<128x128xf32, #tpu.memory_space<vmem>>
      %dma_wait3A_143 = arith.constant 0 : i32
      %dma_wait3A_144 = tpu.memref_slice %arg8[%add3A_31, %dma_wait3A_143] : memref<40x128xi32, #tpu.memory_space<vmem>> -> memref<1x128xi32, #tpu.memory_space<vmem>>
      %dma_wait3A_145 = tpu.memref_squeeze %dma_wait3A_144 : memref<1x128xi32, #tpu.memory_space<vmem>> -> memref<128xi32, #tpu.memory_space<vmem>>
      %dma_wait3A_146 = arith.constant 0 : i32
      %dma_wait3A_147 = arith.constant 0 : i32
      %dma_wait3A_148 = tpu.memref_slice %arg10[%dma_wait3A_146, %dma_wait3A_147] : memref<10112x128xf32, #tpu.memory_space<vmem_shared>> -> memref<10112x128xf32, #tpu.memory_space<vmem_shared>>
      tpu.wait_indirect_dma semaphore(%arg13 : memref<!tpu.dma_semaphore, #tpu.memory_space<semaphore_mem>>) src(%dma_wait3A_142 : memref<128x128xf32, #tpu.memory_space<vmem>>) dst(%dma_wait3A_148 : memref<10112x128xf32, #tpu.memory_space<vmem_shared>>)
      %add3A_149 = arith.constant 2 : i32
      %add3A_150 = arith.addi %add3A_31, %add3A_149 : i32
      %dma_start3A_151 = arith.constant 0 : i32
      %dma_start3A_152 = arith.constant 0 : i32
      %dma_start3A_153 = tpu.memref_slice %arg9[%dma_start3A_151, %dma_start3A_152] : memref<256x128xf32, #tpu.memory_space<vmem>> -> memref<64x128xf32, #tpu.memory_space<vmem>>
      %dma_start3A_154 = arith.constant 0 : i32
      %dma_start3A_155 = tpu.memref_slice %arg7[%add3A_150, %dma_start3A_154] : memref<40x128xi32, #tpu.memory_space<vmem>> -> memref<1x128xi32, #tpu.memory_space<vmem>>
      %dma_start3A_156 = tpu.memref_squeeze %dma_start3A_155 : memref<1x128xi32, #tpu.memory_space<vmem>> -> memref<128xi32, #tpu.memory_space<vmem>>
      %dma_start3A_157 = arith.constant 0 : i32
      %dma_start3A_158 = tpu.memref_slice %dma_start3A_156[%dma_start3A_157] : memref<128xi32, #tpu.memory_space<vmem>> -> memref<64xi32, #tpu.memory_space<vmem>>
      %dma_start3A_159 = arith.constant 0 : i32
      %dma_start3A_160 = arith.constant 0 : i32
      %dma_start3A_161 = tpu.memref_slice %arg2[%dma_start3A_159, %dma_start3A_160] : memref<20000x128xf32, #tpu.memory_space<hbm>> -> memref<20000x128xf32, #tpu.memory_space<hbm>>
      tpu.enqueue_indirect_dma source(%dma_start3A_161 : memref<20000x128xf32, #tpu.memory_space<hbm>>) target(%dma_start3A_153 : memref<64x128xf32, #tpu.memory_space<vmem>>) offsets(%dma_start3A_158 : memref<64xi32, #tpu.memory_space<vmem>>) semaphore(%arg11 : memref<!tpu.dma_semaphore, #tpu.memory_space<semaphore_mem>>)
      %dma_start3A_162 = arith.constant 64 : i32
      %dma_start3A_163 = arith.constant 0 : i32
      %dma_start3A_164 = tpu.memref_slice %arg9[%dma_start3A_162, %dma_start3A_163] : memref<256x128xf32, #tpu.memory_space<vmem>> -> memref<64x128xf32, #tpu.memory_space<vmem>>
      %dma_start3A_165 = arith.constant 0 : i32
      %dma_start3A_166 = tpu.memref_slice %arg7[%add3A_150, %dma_start3A_165] : memref<40x128xi32, #tpu.memory_space<vmem>> -> memref<1x128xi32, #tpu.memory_space<vmem>>
      %dma_start3A_167 = tpu.memref_squeeze %dma_start3A_166 : memref<1x128xi32, #tpu.memory_space<vmem>> -> memref<128xi32, #tpu.memory_space<vmem>>
      %dma_start3A_168 = arith.constant 64 : i32
      %dma_start3A_169 = tpu.memref_slice %dma_start3A_167[%dma_start3A_168] : memref<128xi32, #tpu.memory_space<vmem>> -> memref<64xi32, #tpu.memory_space<vmem>>
      %dma_start3A_170 = arith.constant 0 : i32
      %dma_start3A_171 = arith.constant 0 : i32
      %dma_start3A_172 = tpu.memref_slice %arg2[%dma_start3A_170, %dma_start3A_171] : memref<20000x128xf32, #tpu.memory_space<hbm>> -> memref<20000x128xf32, #tpu.memory_space<hbm>>
      tpu.enqueue_indirect_dma source(%dma_start3A_172 : memref<20000x128xf32, #tpu.memory_space<hbm>>) target(%dma_start3A_164 : memref<64x128xf32, #tpu.memory_space<vmem>>) offsets(%dma_start3A_169 : memref<64xi32, #tpu.memory_space<vmem>>) semaphore(%arg11 : memref<!tpu.dma_semaphore, #tpu.memory_space<semaphore_mem>>)
      %dma_wait3A_173 = arith.constant 0 : i32
      %dma_wait3A_174 = arith.constant 0 : i32
      %dma_wait3A_175 = tpu.memref_slice %arg9[%dma_wait3A_173, %dma_wait3A_174] : memref<256x128xf32, #tpu.memory_space<vmem>> -> memref<64x128xf32, #tpu.memory_space<vmem>>
      %dma_wait3A_176 = arith.constant 0 : i32
      %dma_wait3A_177 = tpu.memref_slice %arg7[%add3A_150, %dma_wait3A_176] : memref<40x128xi32, #tpu.memory_space<vmem>> -> memref<1x128xi32, #tpu.memory_space<vmem>>
      %dma_wait3A_178 = tpu.memref_squeeze %dma_wait3A_177 : memref<1x128xi32, #tpu.memory_space<vmem>> -> memref<128xi32, #tpu.memory_space<vmem>>
      %dma_wait3A_179 = arith.constant 0 : i32
      %dma_wait3A_180 = tpu.memref_slice %dma_wait3A_178[%dma_wait3A_179] : memref<128xi32, #tpu.memory_space<vmem>> -> memref<64xi32, #tpu.memory_space<vmem>>
      %dma_wait3A_181 = arith.constant 0 : i32
      %dma_wait3A_182 = arith.constant 0 : i32
      %dma_wait3A_183 = tpu.memref_slice %arg2[%dma_wait3A_181, %dma_wait3A_182] : memref<20000x128xf32, #tpu.memory_space<hbm>> -> memref<20000x128xf32, #tpu.memory_space<hbm>>
      tpu.wait_indirect_dma semaphore(%arg11 : memref<!tpu.dma_semaphore, #tpu.memory_space<semaphore_mem>>) src(%dma_wait3A_183 : memref<20000x128xf32, #tpu.memory_space<hbm>>) dst(%dma_wait3A_175 : memref<64x128xf32, #tpu.memory_space<vmem>>)
      %dma_wait3A_184 = arith.constant 64 : i32
      %dma_wait3A_185 = arith.constant 0 : i32
      %dma_wait3A_186 = tpu.memref_slice %arg9[%dma_wait3A_184, %dma_wait3A_185] : memref<256x128xf32, #tpu.memory_space<vmem>> -> memref<64x128xf32, #tpu.memory_space<vmem>>
      %dma_wait3A_187 = arith.constant 0 : i32
      %dma_wait3A_188 = tpu.memref_slice %arg7[%add3A_150, %dma_wait3A_187] : memref<40x128xi32, #tpu.memory_space<vmem>> -> memref<1x128xi32, #tpu.memory_space<vmem>>
      %dma_wait3A_189 = tpu.memref_squeeze %dma_wait3A_188 : memref<1x128xi32, #tpu.memory_space<vmem>> -> memref<128xi32, #tpu.memory_space<vmem>>
      %dma_wait3A_190 = arith.constant 64 : i32
      %dma_wait3A_191 = tpu.memref_slice %dma_wait3A_189[%dma_wait3A_190] : memref<128xi32, #tpu.memory_space<vmem>> -> memref<64xi32, #tpu.memory_space<vmem>>
      %dma_wait3A_192 = arith.constant 0 : i32
      %dma_wait3A_193 = arith.constant 0 : i32
      %dma_wait3A_194 = tpu.memref_slice %arg2[%dma_wait3A_192, %dma_wait3A_193] : memref<20000x128xf32, #tpu.memory_space<hbm>> -> memref<20000x128xf32, #tpu.memory_space<hbm>>
      tpu.wait_indirect_dma semaphore(%arg11 : memref<!tpu.dma_semaphore, #tpu.memory_space<semaphore_mem>>) src(%dma_wait3A_194 : memref<20000x128xf32, #tpu.memory_space<hbm>>) dst(%dma_wait3A_186 : memref<64x128xf32, #tpu.memory_space<vmem>>)
      %add3A_195 = arith.constant 2 : i32
      %add3A_196 = arith.addi %add3A_31, %add3A_195 : i32
      %dma_start3A_197 = arith.constant 0 : i32
      %dma_start3A_198 = arith.constant 0 : i32
      %dma_start3A_199 = tpu.memref_slice %arg9[%dma_start3A_197, %dma_start3A_198] : memref<256x128xf32, #tpu.memory_space<vmem>> -> memref<128x128xf32, #tpu.memory_space<vmem>>
      %dma_start3A_200 = arith.constant 0 : i32
      %dma_start3A_201 = tpu.memref_slice %arg8[%add3A_196, %dma_start3A_200] : memref<40x128xi32, #tpu.memory_space<vmem>> -> memref<1x128xi32, #tpu.memory_space<vmem>>
      %dma_start3A_202 = tpu.memref_squeeze %dma_start3A_201 : memref<1x128xi32, #tpu.memory_space<vmem>> -> memref<128xi32, #tpu.memory_space<vmem>>
      %dma_start3A_203 = arith.constant 0 : i32
      %dma_start3A_204 = arith.constant 0 : i32
      %dma_start3A_205 = tpu.memref_slice %arg10[%dma_start3A_203, %dma_start3A_204] : memref<10112x128xf32, #tpu.memory_space<vmem_shared>> -> memref<10112x128xf32, #tpu.memory_space<vmem_shared>>
      tpu.enqueue_indirect_dma source(%dma_start3A_199 : memref<128x128xf32, #tpu.memory_space<vmem>>) target(%dma_start3A_205 : memref<10112x128xf32, #tpu.memory_space<vmem_shared>>) offsets(%dma_start3A_202 : memref<128xi32, #tpu.memory_space<vmem>>) semaphore(%arg13 : memref<!tpu.dma_semaphore, #tpu.memory_space<semaphore_mem>>) {add = true}
      %dma_wait3A_206 = arith.constant 128 : i32
      %dma_wait3A_207 = arith.constant 0 : i32
      %dma_wait3A_208 = tpu.memref_slice %arg9[%dma_wait3A_206, %dma_wait3A_207] : memref<256x128xf32, #tpu.memory_space<vmem>> -> memref<128x128xf32, #tpu.memory_space<vmem>>
      %dma_wait3A_209 = arith.constant 0 : i32
      %dma_wait3A_210 = tpu.memref_slice %arg8[%add3A_130, %dma_wait3A_209] : memref<40x128xi32, #tpu.memory_space<vmem>> -> memref<1x128xi32, #tpu.memory_space<vmem>>
      %dma_wait3A_211 = tpu.memref_squeeze %dma_wait3A_210 : memref<1x128xi32, #tpu.memory_space<vmem>> -> memref<128xi32, #tpu.memory_space<vmem>>
      %dma_wait3A_212 = arith.constant 0 : i32
      %dma_wait3A_213 = arith.constant 0 : i32
      %dma_wait3A_214 = tpu.memref_slice %arg10[%dma_wait3A_212, %dma_wait3A_213] : memref<10112x128xf32, #tpu.memory_space<vmem_shared>> -> memref<10112x128xf32, #tpu.memory_space<vmem_shared>>
      tpu.wait_indirect_dma semaphore(%arg14 : memref<!tpu.dma_semaphore, #tpu.memory_space<semaphore_mem>>) src(%dma_wait3A_208 : memref<128x128xf32, #tpu.memory_space<vmem>>) dst(%dma_wait3A_214 : memref<10112x128xf32, #tpu.memory_space<vmem_shared>>)
      %add3A_215 = arith.constant 3 : i32
      %add3A_216 = arith.addi %add3A_31, %add3A_215 : i32
      %dma_start3A_217 = arith.constant 128 : i32
      %dma_start3A_218 = arith.constant 0 : i32
      %dma_start3A_219 = tpu.memref_slice %arg9[%dma_start3A_217, %dma_start3A_218] : memref<256x128xf32, #tpu.memory_space<vmem>> -> memref<64x128xf32, #tpu.memory_space<vmem>>
      %dma_start3A_220 = arith.constant 0 : i32
      %dma_start3A_221 = tpu.memref_slice %arg7[%add3A_216, %dma_start3A_220] : memref<40x128xi32, #tpu.memory_space<vmem>> -> memref<1x128xi32, #tpu.memory_space<vmem>>
      %dma_start3A_222 = tpu.memref_squeeze %dma_start3A_221 : memref<1x128xi32, #tpu.memory_space<vmem>> -> memref<128xi32, #tpu.memory_space<vmem>>
      %dma_start3A_223 = arith.constant 0 : i32
      %dma_start3A_224 = tpu.memref_slice %dma_start3A_222[%dma_start3A_223] : memref<128xi32, #tpu.memory_space<vmem>> -> memref<64xi32, #tpu.memory_space<vmem>>
      %dma_start3A_225 = arith.constant 0 : i32
      %dma_start3A_226 = arith.constant 0 : i32
      %dma_start3A_227 = tpu.memref_slice %arg2[%dma_start3A_225, %dma_start3A_226] : memref<20000x128xf32, #tpu.memory_space<hbm>> -> memref<20000x128xf32, #tpu.memory_space<hbm>>
      tpu.enqueue_indirect_dma source(%dma_start3A_227 : memref<20000x128xf32, #tpu.memory_space<hbm>>) target(%dma_start3A_219 : memref<64x128xf32, #tpu.memory_space<vmem>>) offsets(%dma_start3A_224 : memref<64xi32, #tpu.memory_space<vmem>>) semaphore(%arg12 : memref<!tpu.dma_semaphore, #tpu.memory_space<semaphore_mem>>)
      %dma_start3A_228 = arith.constant 192 : i32
      %dma_start3A_229 = arith.constant 0 : i32
      %dma_start3A_230 = tpu.memref_slice %arg9[%dma_start3A_228, %dma_start3A_229] : memref<256x128xf32, #tpu.memory_space<vmem>> -> memref<64x128xf32, #tpu.memory_space<vmem>>
      %dma_start3A_231 = arith.constant 0 : i32
      %dma_start3A_232 = tpu.memref_slice %arg7[%add3A_216, %dma_start3A_231] : memref<40x128xi32, #tpu.memory_space<vmem>> -> memref<1x128xi32, #tpu.memory_space<vmem>>
      %dma_start3A_233 = tpu.memref_squeeze %dma_start3A_232 : memref<1x128xi32, #tpu.memory_space<vmem>> -> memref<128xi32, #tpu.memory_space<vmem>>
      %dma_start3A_234 = arith.constant 64 : i32
      %dma_start3A_235 = tpu.memref_slice %dma_start3A_233[%dma_start3A_234] : memref<128xi32, #tpu.memory_space<vmem>> -> memref<64xi32, #tpu.memory_space<vmem>>
      %dma_start3A_236 = arith.constant 0 : i32
      %dma_start3A_237 = arith.constant 0 : i32
      %dma_start3A_238 = tpu.memref_slice %arg2[%dma_start3A_236, %dma_start3A_237] : memref<20000x128xf32, #tpu.memory_space<hbm>> -> memref<20000x128xf32, #tpu.memory_space<hbm>>
      tpu.enqueue_indirect_dma source(%dma_start3A_238 : memref<20000x128xf32, #tpu.memory_space<hbm>>) target(%dma_start3A_230 : memref<64x128xf32, #tpu.memory_space<vmem>>) offsets(%dma_start3A_235 : memref<64xi32, #tpu.memory_space<vmem>>) semaphore(%arg12 : memref<!tpu.dma_semaphore, #tpu.memory_space<semaphore_mem>>)
      %dma_wait3A_239 = arith.constant 128 : i32
      %dma_wait3A_240 = arith.constant 0 : i32
      %dma_wait3A_241 = tpu.memref_slice %arg9[%dma_wait3A_239, %dma_wait3A_240] : memref<256x128xf32, #tpu.memory_space<vmem>> -> memref<64x128xf32, #tpu.memory_space<vmem>>
      %dma_wait3A_242 = arith.constant 0 : i32
      %dma_wait3A_243 = tpu.memref_slice %arg7[%add3A_216, %dma_wait3A_242] : memref<40x128xi32, #tpu.memory_space<vmem>> -> memref<1x128xi32, #tpu.memory_space<vmem>>
      %dma_wait3A_244 = tpu.memref_squeeze %dma_wait3A_243 : memref<1x128xi32, #tpu.memory_space<vmem>> -> memref<128xi32, #tpu.memory_space<vmem>>
      %dma_wait3A_245 = arith.constant 0 : i32
      %dma_wait3A_246 = tpu.memref_slice %dma_wait3A_244[%dma_wait3A_245] : memref<128xi32, #tpu.memory_space<vmem>> -> memref<64xi32, #tpu.memory_space<vmem>>
      %dma_wait3A_247 = arith.constant 0 : i32
      %dma_wait3A_248 = arith.constant 0 : i32
      %dma_wait3A_249 = tpu.memref_slice %arg2[%dma_wait3A_247, %dma_wait3A_248] : memref<20000x128xf32, #tpu.memory_space<hbm>> -> memref<20000x128xf32, #tpu.memory_space<hbm>>
      tpu.wait_indirect_dma semaphore(%arg12 : memref<!tpu.dma_semaphore, #tpu.memory_space<semaphore_mem>>) src(%dma_wait3A_249 : memref<20000x128xf32, #tpu.memory_space<hbm>>) dst(%dma_wait3A_241 : memref<64x128xf32, #tpu.memory_space<vmem>>)
      %dma_wait3A_250 = arith.constant 192 : i32
      %dma_wait3A_251 = arith.constant 0 : i32
      %dma_wait3A_252 = tpu.memref_slice %arg9[%dma_wait3A_250, %dma_wait3A_251] : memref<256x128xf32, #tpu.memory_space<vmem>> -> memref<64x128xf32, #tpu.memory_space<vmem>>
      %dma_wait3A_253 = arith.constant 0 : i32
      %dma_wait3A_254 = tpu.memref_slice %arg7[%add3A_216, %dma_wait3A_253] : memref<40x128xi32, #tpu.memory_space<vmem>> -> memref<1x128xi32, #tpu.memory_space<vmem>>
      %dma_wait3A_255 = tpu.memref_squeeze %dma_wait3A_254 : memref<1x128xi32, #tpu.memory_space<vmem>> -> memref<128xi32, #tpu.memory_space<vmem>>
      %dma_wait3A_256 = arith.constant 64 : i32
      %dma_wait3A_257 = tpu.memref_slice %dma_wait3A_255[%dma_wait3A_256] : memref<128xi32, #tpu.memory_space<vmem>> -> memref<64xi32, #tpu.memory_space<vmem>>
      %dma_wait3A_258 = arith.constant 0 : i32
      %dma_wait3A_259 = arith.constant 0 : i32
      %dma_wait3A_260 = tpu.memref_slice %arg2[%dma_wait3A_258, %dma_wait3A_259] : memref<20000x128xf32, #tpu.memory_space<hbm>> -> memref<20000x128xf32, #tpu.memory_space<hbm>>
      tpu.wait_indirect_dma semaphore(%arg12 : memref<!tpu.dma_semaphore, #tpu.memory_space<semaphore_mem>>) src(%dma_wait3A_260 : memref<20000x128xf32, #tpu.memory_space<hbm>>) dst(%dma_wait3A_252 : memref<64x128xf32, #tpu.memory_space<vmem>>)
      %add3A_261 = arith.constant 3 : i32
      %add3A_262 = arith.addi %add3A_31, %add3A_261 : i32
      %dma_start3A_263 = arith.constant 128 : i32
      %dma_start3A_264 = arith.constant 0 : i32
      %dma_start3A_265 = tpu.memref_slice %arg9[%dma_start3A_263, %dma_start3A_264] : memref<256x128xf32, #tpu.memory_space<vmem>> -> memref<128x128xf32, #tpu.memory_space<vmem>>
      %dma_start3A_266 = arith.constant 0 : i32
      %dma_start3A_267 = tpu.memref_slice %arg8[%add3A_262, %dma_start3A_266] : memref<40x128xi32, #tpu.memory_space<vmem>> -> memref<1x128xi32, #tpu.memory_space<vmem>>
      %dma_start3A_268 = tpu.memref_squeeze %dma_start3A_267 : memref<1x128xi32, #tpu.memory_space<vmem>> -> memref<128xi32, #tpu.memory_space<vmem>>
      %dma_start3A_269 = arith.constant 0 : i32
      %dma_start3A_270 = arith.constant 0 : i32
      %dma_start3A_271 = tpu.memref_slice %arg10[%dma_start3A_269, %dma_start3A_270] : memref<10112x128xf32, #tpu.memory_space<vmem_shared>> -> memref<10112x128xf32, #tpu.memory_space<vmem_shared>>
      tpu.enqueue_indirect_dma source(%dma_start3A_265 : memref<128x128xf32, #tpu.memory_space<vmem>>) target(%dma_start3A_271 : memref<10112x128xf32, #tpu.memory_space<vmem_shared>>) offsets(%dma_start3A_268 : memref<128xi32, #tpu.memory_space<vmem>>) semaphore(%arg14 : memref<!tpu.dma_semaphore, #tpu.memory_space<semaphore_mem>>) {add = true}
      %dma_wait3A_272 = arith.constant 0 : i32
      %dma_wait3A_273 = arith.constant 0 : i32
      %dma_wait3A_274 = tpu.memref_slice %arg9[%dma_wait3A_272, %dma_wait3A_273] : memref<256x128xf32, #tpu.memory_space<vmem>> -> memref<128x128xf32, #tpu.memory_space<vmem>>
      %dma_wait3A_275 = arith.constant 0 : i32
      %dma_wait3A_276 = tpu.memref_slice %arg8[%add3A_196, %dma_wait3A_275] : memref<40x128xi32, #tpu.memory_space<vmem>> -> memref<1x128xi32, #tpu.memory_space<vmem>>
      %dma_wait3A_277 = tpu.memref_squeeze %dma_wait3A_276 : memref<1x128xi32, #tpu.memory_space<vmem>> -> memref<128xi32, #tpu.memory_space<vmem>>
      %dma_wait3A_278 = arith.constant 0 : i32
      %dma_wait3A_279 = arith.constant 0 : i32
      %dma_wait3A_280 = tpu.memref_slice %arg10[%dma_wait3A_278, %dma_wait3A_279] : memref<10112x128xf32, #tpu.memory_space<vmem_shared>> -> memref<10112x128xf32, #tpu.memory_space<vmem_shared>>
      tpu.wait_indirect_dma semaphore(%arg13 : memref<!tpu.dma_semaphore, #tpu.memory_space<semaphore_mem>>) src(%dma_wait3A_274 : memref<128x128xf32, #tpu.memory_space<vmem>>) dst(%dma_wait3A_280 : memref<10112x128xf32, #tpu.memory_space<vmem_shared>>)
      %dma_wait3A_281 = arith.constant 128 : i32
      %dma_wait3A_282 = arith.constant 0 : i32
      %dma_wait3A_283 = tpu.memref_slice %arg9[%dma_wait3A_281, %dma_wait3A_282] : memref<256x128xf32, #tpu.memory_space<vmem>> -> memref<128x128xf32, #tpu.memory_space<vmem>>
      %dma_wait3A_284 = arith.constant 0 : i32
      %dma_wait3A_285 = tpu.memref_slice %arg8[%add3A_262, %dma_wait3A_284] : memref<40x128xi32, #tpu.memory_space<vmem>> -> memref<1x128xi32, #tpu.memory_space<vmem>>
      %dma_wait3A_286 = tpu.memref_squeeze %dma_wait3A_285 : memref<1x128xi32, #tpu.memory_space<vmem>> -> memref<128xi32, #tpu.memory_space<vmem>>
      %dma_wait3A_287 = arith.constant 0 : i32
      %dma_wait3A_288 = arith.constant 0 : i32
      %dma_wait3A_289 = tpu.memref_slice %arg10[%dma_wait3A_287, %dma_wait3A_288] : memref<10112x128xf32, #tpu.memory_space<vmem_shared>> -> memref<10112x128xf32, #tpu.memory_space<vmem_shared>>
      tpu.wait_indirect_dma semaphore(%arg14 : memref<!tpu.dma_semaphore, #tpu.memory_space<semaphore_mem>>) src(%dma_wait3A_283 : memref<128x128xf32, #tpu.memory_space<vmem>>) dst(%dma_wait3A_289 : memref<10112x128xf32, #tpu.memory_space<vmem_shared>>)
    }
    %scan3A_23 = arith.constant 10 : i32
    %barrier3A_24 = arith.constant 0 : index
    tpu.barrier barrier_id(%barrier3A_24)
    %lt3A = arith.constant 10 : i32
    %lt3A_25 = arith.cmpi slt, %arg1, %lt3A : i32
    %convert_element_type3A = arith.extui %lt3A_25 : i1 to i32
    %cond3A = arith.constant 0 : i32
    %cond3A_26 = arith.cmpi ne, %convert_element_type3A, %cond3A : i32
    scf.if %cond3A_26 {
      %mul3A_27 = arith.constant 1000 : i32
      %mul3A_28 = arith.muli %arg1, %mul3A_27 : i32
      %mul3A_29 = arith.constant 10000 : i32
      %mul3A_30 = arith.muli %arg0, %mul3A_29 : i32
      %mul3A_31 = arith.constant 1000 : i32
      %mul3A_32 = arith.muli %arg1, %mul3A_31 : i32
      %add3A_33 = arith.addi %mul3A_30, %mul3A_32 : i32
      "tpu.region"() ({
        %run_scoped3A = tpu.sem_alloc : memref<!tpu.dma_semaphore, #tpu.memory_space<semaphore_mem>>
        %dma_start3A = arith.constant 0 : i32
        %dma_start3A_34 = tpu.memref_slice %arg6[%add3A_33, %dma_start3A] : memref<20000x128xf32, #tpu.memory_space<hbm>> -> memref<1000x128xf32, #tpu.memory_space<hbm>>
        %dma_start3A_35 = arith.constant 0 : i32
        %dma_start3A_36 = tpu.memref_slice %arg10[%mul3A_28, %dma_start3A_35] : memref<10112x128xf32, #tpu.memory_space<vmem_shared>> -> memref<1000x128xf32, #tpu.memory_space<vmem_shared>>
        tpu.enqueue_dma source(%dma_start3A_36 : memref<1000x128xf32, #tpu.memory_space<vmem_shared>>) target(%dma_start3A_34 : memref<1000x128xf32, #tpu.memory_space<hbm>>) target_semaphore(%run_scoped3A : memref<!tpu.dma_semaphore, #tpu.memory_space<semaphore_mem>>)
        %dma_wait3A = arith.constant 0 : i32
        %dma_wait3A_37 = tpu.memref_slice %arg6[%add3A_33, %dma_wait3A] : memref<20000x128xf32, #tpu.memory_space<hbm>> -> memref<1000x128xf32, #tpu.memory_space<hbm>>
        %dma_wait3A_38 = arith.constant 0 : i32
        %dma_wait3A_39 = tpu.memref_slice %arg10[%mul3A_28, %dma_wait3A_38] : memref<10112x128xf32, #tpu.memory_space<vmem_shared>> -> memref<1000x128xf32, #tpu.memory_space<vmem_shared>>
        tpu.wait_dma2 semaphore(%run_scoped3A : memref<!tpu.dma_semaphore, #tpu.memory_space<semaphore_mem>>) src(%dma_wait3A_39 : memref<1000x128xf32, #tpu.memory_space<vmem_shared>>) dst(%dma_wait3A_37 : memref<1000x128xf32, #tpu.memory_space<hbm>>)
        tpu.yield
      }) : () -> ()
    } else {
    }
    return
  }
}

#map = affine_map<(d0, d1) -> (0, 0)>
#map1 = affine_map<(d0, d1) -> (0, 0, 0)>
module attributes {stable_mosaic.version = 14 : i64} {
  func.func @degcount(%arg0: i32, %arg1: i32, %arg2: memref<1280x128xi32, #tpu.memory_space<hbm>>, %arg3: memref<632x128xf32, #tpu.memory_space<hbm>>, %arg4: memref<128x128xf32, #tpu.memory_space<hbm>>, %arg5: memref<2x10000x128xf32, #tpu.memory_space<hbm>>, %arg6: memref<8x128xi32, #tpu.memory_space<vmem>>, %arg7: memref<128x128xf32, #tpu.memory_space<vmem>>, %arg8: memref<10112x128xf32, #tpu.memory_space<vmem_shared>>, %arg9: memref<!tpu.dma_semaphore, #tpu.memory_space<semaphore_mem>>) attributes {dimension_semantics = [#tpu.dimension_semantics<core_parallel>, #tpu.dimension_semantics<subcore_parallel>], iteration_bounds = array<i64: 2, 16>, scalar_prefetch = 0 : i64, scratch_operands = 4 : i64, tpu.core_type = #tpu.core_type<sc_vector_subcore>, window_params = [{transform_indices = #map}, {transform_indices = #map}, {transform_indices = #map}, {transform_indices = #map1}]} {
    "tpu.region"() ({
      %run_scoped3A = tpu.sem_alloc : memref<!tpu.dma_semaphore, #tpu.memory_space<semaphore_mem>>
      tpu.enqueue_dma source(%arg4 : memref<128x128xf32, #tpu.memory_space<hbm>>) target(%arg7 : memref<128x128xf32, #tpu.memory_space<vmem>>) target_semaphore(%run_scoped3A : memref<!tpu.dma_semaphore, #tpu.memory_space<semaphore_mem>>)
      tpu.wait_dma2 semaphore(%run_scoped3A : memref<!tpu.dma_semaphore, #tpu.memory_space<semaphore_mem>>) src(%arg4 : memref<128x128xf32, #tpu.memory_space<hbm>>) dst(%arg7 : memref<128x128xf32, #tpu.memory_space<vmem>>)
      tpu.yield
    }) : () -> ()
    %mul3A = arith.constant 632 : i32
    %mul3A_0 = arith.muli %arg1, %mul3A : i32
    "tpu.region"() ({
      %run_scoped3A = tpu.sem_alloc : memref<!tpu.dma_semaphore, #tpu.memory_space<semaphore_mem>>
      %dma_start3A = arith.constant 0 : i32
      %dma_start3A_13 = tpu.memref_slice %arg8[%mul3A_0, %dma_start3A] : memref<10112x128xf32, #tpu.memory_space<vmem_shared>> -> memref<632x128xf32, #tpu.memory_space<vmem_shared>>
      tpu.enqueue_dma source(%arg3 : memref<632x128xf32, #tpu.memory_space<hbm>>) target(%dma_start3A_13 : memref<632x128xf32, #tpu.memory_space<vmem_shared>>) target_semaphore(%run_scoped3A : memref<!tpu.dma_semaphore, #tpu.memory_space<semaphore_mem>>)
      %dma_wait3A = arith.constant 0 : i32
      %dma_wait3A_14 = tpu.memref_slice %arg8[%mul3A_0, %dma_wait3A] : memref<10112x128xf32, #tpu.memory_space<vmem_shared>> -> memref<632x128xf32, #tpu.memory_space<vmem_shared>>
      tpu.wait_dma2 semaphore(%run_scoped3A : memref<!tpu.dma_semaphore, #tpu.memory_space<semaphore_mem>>) src(%arg3 : memref<632x128xf32, #tpu.memory_space<hbm>>) dst(%dma_wait3A_14 : memref<632x128xf32, #tpu.memory_space<vmem_shared>>)
      tpu.yield
    }) : () -> ()
    %barrier3A = arith.constant 0 : index
    tpu.barrier barrier_id(%barrier3A)
    %mul3A_1 = arith.constant 16 : i32
    %mul3A_2 = arith.muli %arg0, %mul3A_1 : i32
    %add3A = arith.addi %mul3A_2, %arg1 : i32
    %mul3A_3 = arith.constant 40 : i32
    %mul3A_4 = arith.muli %add3A, %mul3A_3 : i32
    %scan3A = arith.constant 0 : i32
    %scan3A_5 = arith.constant 0 : i32
    %scan3A_6 = arith.constant 5 : i32
    %scan3A_7 = arith.addi %scan3A_5, %scan3A_6 : i32
    %scan3A_8 = arith.constant 1 : i32
    scf.for %scan3A_13 = %scan3A_5 to %scan3A_7 step %scan3A_8  : i32 {
      %mul3A_14 = arith.constant 8 : i32
      %mul3A_15 = arith.muli %scan3A_13, %mul3A_14 : i32
      %add3A_16 = arith.addi %mul3A_4, %mul3A_15 : i32
      "tpu.region"() ({
        %run_scoped3A = tpu.sem_alloc : memref<!tpu.dma_semaphore, #tpu.memory_space<semaphore_mem>>
        %dma_start3A_127 = arith.constant 0 : i32
        %dma_start3A_128 = tpu.memref_slice %arg2[%add3A_16, %dma_start3A_127] : memref<1280x128xi32, #tpu.memory_space<hbm>> -> memref<8x128xi32, #tpu.memory_space<hbm>>
        %dma_start3A_129 = arith.constant 0 : i32
        %dma_start3A_130 = tpu.memref_slice %arg2[%add3A_16, %dma_start3A_129] : memref<1280x128xi32, #tpu.memory_space<hbm>> -> memref<8x128xi32, #tpu.memory_space<hbm>>
        tpu.enqueue_dma source(%dma_start3A_130 : memref<8x128xi32, #tpu.memory_space<hbm>>) target(%arg6 : memref<8x128xi32, #tpu.memory_space<vmem>>) target_semaphore(%run_scoped3A : memref<!tpu.dma_semaphore, #tpu.memory_space<semaphore_mem>>)
        %dma_wait3A_131 = arith.constant 0 : i32
        %dma_wait3A_132 = tpu.memref_slice %arg2[%add3A_16, %dma_wait3A_131] : memref<1280x128xi32, #tpu.memory_space<hbm>> -> memref<8x128xi32, #tpu.memory_space<hbm>>
        %dma_wait3A_133 = arith.constant 0 : i32
        %dma_wait3A_134 = tpu.memref_slice %arg2[%add3A_16, %dma_wait3A_133] : memref<1280x128xi32, #tpu.memory_space<hbm>> -> memref<8x128xi32, #tpu.memory_space<hbm>>
        tpu.wait_dma2 semaphore(%run_scoped3A : memref<!tpu.dma_semaphore, #tpu.memory_space<semaphore_mem>>) src(%dma_wait3A_134 : memref<8x128xi32, #tpu.memory_space<hbm>>) dst(%arg6 : memref<8x128xi32, #tpu.memory_space<vmem>>)
        tpu.yield
      }) : () -> ()
      %dma_start3A = arith.constant 0 : i32
      %dma_start3A_17 = arith.constant 0 : i32
      %dma_start3A_18 = tpu.memref_slice %arg6[%dma_start3A, %dma_start3A_17] : memref<8x128xi32, #tpu.memory_space<vmem>> -> memref<1x128xi32, #tpu.memory_space<vmem>>
      %dma_start3A_19 = tpu.memref_squeeze %dma_start3A_18 : memref<1x128xi32, #tpu.memory_space<vmem>> -> memref<128xi32, #tpu.memory_space<vmem>>
      %dma_start3A_20 = arith.constant 0 : i32
      %dma_start3A_21 = arith.constant 0 : i32
      %dma_start3A_22 = tpu.memref_slice %arg8[%dma_start3A_20, %dma_start3A_21] : memref<10112x128xf32, #tpu.memory_space<vmem_shared>> -> memref<10112x128xf32, #tpu.memory_space<vmem_shared>>
      tpu.enqueue_indirect_dma source(%arg7 : memref<128x128xf32, #tpu.memory_space<vmem>>) target(%dma_start3A_22 : memref<10112x128xf32, #tpu.memory_space<vmem_shared>>) offsets(%dma_start3A_19 : memref<128xi32, #tpu.memory_space<vmem>>) semaphore(%arg9 : memref<!tpu.dma_semaphore, #tpu.memory_space<semaphore_mem>>) {add = true}
      %dma_start3A_23 = arith.constant 1 : i32
      %dma_start3A_24 = arith.constant 0 : i32
      %dma_start3A_25 = tpu.memref_slice %arg6[%dma_start3A_23, %dma_start3A_24] : memref<8x128xi32, #tpu.memory_space<vmem>> -> memref<1x128xi32, #tpu.memory_space<vmem>>
      %dma_start3A_26 = tpu.memref_squeeze %dma_start3A_25 : memref<1x128xi32, #tpu.memory_space<vmem>> -> memref<128xi32, #tpu.memory_space<vmem>>
      %dma_start3A_27 = arith.constant 0 : i32
      %dma_start3A_28 = arith.constant 0 : i32
      %dma_start3A_29 = tpu.memref_slice %arg8[%dma_start3A_27, %dma_start3A_28] : memref<10112x128xf32, #tpu.memory_space<vmem_shared>> -> memref<10112x128xf32, #tpu.memory_space<vmem_shared>>
      tpu.enqueue_indirect_dma source(%arg7 : memref<128x128xf32, #tpu.memory_space<vmem>>) target(%dma_start3A_29 : memref<10112x128xf32, #tpu.memory_space<vmem_shared>>) offsets(%dma_start3A_26 : memref<128xi32, #tpu.memory_space<vmem>>) semaphore(%arg9 : memref<!tpu.dma_semaphore, #tpu.memory_space<semaphore_mem>>) {add = true}
      %dma_start3A_30 = arith.constant 2 : i32
      %dma_start3A_31 = arith.constant 0 : i32
      %dma_start3A_32 = tpu.memref_slice %arg6[%dma_start3A_30, %dma_start3A_31] : memref<8x128xi32, #tpu.memory_space<vmem>> -> memref<1x128xi32, #tpu.memory_space<vmem>>
      %dma_start3A_33 = tpu.memref_squeeze %dma_start3A_32 : memref<1x128xi32, #tpu.memory_space<vmem>> -> memref<128xi32, #tpu.memory_space<vmem>>
      %dma_start3A_34 = arith.constant 0 : i32
      %dma_start3A_35 = arith.constant 0 : i32
      %dma_start3A_36 = tpu.memref_slice %arg8[%dma_start3A_34, %dma_start3A_35] : memref<10112x128xf32, #tpu.memory_space<vmem_shared>> -> memref<10112x128xf32, #tpu.memory_space<vmem_shared>>
      tpu.enqueue_indirect_dma source(%arg7 : memref<128x128xf32, #tpu.memory_space<vmem>>) target(%dma_start3A_36 : memref<10112x128xf32, #tpu.memory_space<vmem_shared>>) offsets(%dma_start3A_33 : memref<128xi32, #tpu.memory_space<vmem>>) semaphore(%arg9 : memref<!tpu.dma_semaphore, #tpu.memory_space<semaphore_mem>>) {add = true}
      %dma_start3A_37 = arith.constant 3 : i32
      %dma_start3A_38 = arith.constant 0 : i32
      %dma_start3A_39 = tpu.memref_slice %arg6[%dma_start3A_37, %dma_start3A_38] : memref<8x128xi32, #tpu.memory_space<vmem>> -> memref<1x128xi32, #tpu.memory_space<vmem>>
      %dma_start3A_40 = tpu.memref_squeeze %dma_start3A_39 : memref<1x128xi32, #tpu.memory_space<vmem>> -> memref<128xi32, #tpu.memory_space<vmem>>
      %dma_start3A_41 = arith.constant 0 : i32
      %dma_start3A_42 = arith.constant 0 : i32
      %dma_start3A_43 = tpu.memref_slice %arg8[%dma_start3A_41, %dma_start3A_42] : memref<10112x128xf32, #tpu.memory_space<vmem_shared>> -> memref<10112x128xf32, #tpu.memory_space<vmem_shared>>
      tpu.enqueue_indirect_dma source(%arg7 : memref<128x128xf32, #tpu.memory_space<vmem>>) target(%dma_start3A_43 : memref<10112x128xf32, #tpu.memory_space<vmem_shared>>) offsets(%dma_start3A_40 : memref<128xi32, #tpu.memory_space<vmem>>) semaphore(%arg9 : memref<!tpu.dma_semaphore, #tpu.memory_space<semaphore_mem>>) {add = true}
      %dma_start3A_44 = arith.constant 4 : i32
      %dma_start3A_45 = arith.constant 0 : i32
      %dma_start3A_46 = tpu.memref_slice %arg6[%dma_start3A_44, %dma_start3A_45] : memref<8x128xi32, #tpu.memory_space<vmem>> -> memref<1x128xi32, #tpu.memory_space<vmem>>
      %dma_start3A_47 = tpu.memref_squeeze %dma_start3A_46 : memref<1x128xi32, #tpu.memory_space<vmem>> -> memref<128xi32, #tpu.memory_space<vmem>>
      %dma_start3A_48 = arith.constant 0 : i32
      %dma_start3A_49 = arith.constant 0 : i32
      %dma_start3A_50 = tpu.memref_slice %arg8[%dma_start3A_48, %dma_start3A_49] : memref<10112x128xf32, #tpu.memory_space<vmem_shared>> -> memref<10112x128xf32, #tpu.memory_space<vmem_shared>>
      tpu.enqueue_indirect_dma source(%arg7 : memref<128x128xf32, #tpu.memory_space<vmem>>) target(%dma_start3A_50 : memref<10112x128xf32, #tpu.memory_space<vmem_shared>>) offsets(%dma_start3A_47 : memref<128xi32, #tpu.memory_space<vmem>>) semaphore(%arg9 : memref<!tpu.dma_semaphore, #tpu.memory_space<semaphore_mem>>) {add = true}
      %dma_start3A_51 = arith.constant 5 : i32
      %dma_start3A_52 = arith.constant 0 : i32
      %dma_start3A_53 = tpu.memref_slice %arg6[%dma_start3A_51, %dma_start3A_52] : memref<8x128xi32, #tpu.memory_space<vmem>> -> memref<1x128xi32, #tpu.memory_space<vmem>>
      %dma_start3A_54 = tpu.memref_squeeze %dma_start3A_53 : memref<1x128xi32, #tpu.memory_space<vmem>> -> memref<128xi32, #tpu.memory_space<vmem>>
      %dma_start3A_55 = arith.constant 0 : i32
      %dma_start3A_56 = arith.constant 0 : i32
      %dma_start3A_57 = tpu.memref_slice %arg8[%dma_start3A_55, %dma_start3A_56] : memref<10112x128xf32, #tpu.memory_space<vmem_shared>> -> memref<10112x128xf32, #tpu.memory_space<vmem_shared>>
      tpu.enqueue_indirect_dma source(%arg7 : memref<128x128xf32, #tpu.memory_space<vmem>>) target(%dma_start3A_57 : memref<10112x128xf32, #tpu.memory_space<vmem_shared>>) offsets(%dma_start3A_54 : memref<128xi32, #tpu.memory_space<vmem>>) semaphore(%arg9 : memref<!tpu.dma_semaphore, #tpu.memory_space<semaphore_mem>>) {add = true}
      %dma_start3A_58 = arith.constant 6 : i32
      %dma_start3A_59 = arith.constant 0 : i32
      %dma_start3A_60 = tpu.memref_slice %arg6[%dma_start3A_58, %dma_start3A_59] : memref<8x128xi32, #tpu.memory_space<vmem>> -> memref<1x128xi32, #tpu.memory_space<vmem>>
      %dma_start3A_61 = tpu.memref_squeeze %dma_start3A_60 : memref<1x128xi32, #tpu.memory_space<vmem>> -> memref<128xi32, #tpu.memory_space<vmem>>
      %dma_start3A_62 = arith.constant 0 : i32
      %dma_start3A_63 = arith.constant 0 : i32
      %dma_start3A_64 = tpu.memref_slice %arg8[%dma_start3A_62, %dma_start3A_63] : memref<10112x128xf32, #tpu.memory_space<vmem_shared>> -> memref<10112x128xf32, #tpu.memory_space<vmem_shared>>
      tpu.enqueue_indirect_dma source(%arg7 : memref<128x128xf32, #tpu.memory_space<vmem>>) target(%dma_start3A_64 : memref<10112x128xf32, #tpu.memory_space<vmem_shared>>) offsets(%dma_start3A_61 : memref<128xi32, #tpu.memory_space<vmem>>) semaphore(%arg9 : memref<!tpu.dma_semaphore, #tpu.memory_space<semaphore_mem>>) {add = true}
      %dma_start3A_65 = arith.constant 7 : i32
      %dma_start3A_66 = arith.constant 0 : i32
      %dma_start3A_67 = tpu.memref_slice %arg6[%dma_start3A_65, %dma_start3A_66] : memref<8x128xi32, #tpu.memory_space<vmem>> -> memref<1x128xi32, #tpu.memory_space<vmem>>
      %dma_start3A_68 = tpu.memref_squeeze %dma_start3A_67 : memref<1x128xi32, #tpu.memory_space<vmem>> -> memref<128xi32, #tpu.memory_space<vmem>>
      %dma_start3A_69 = arith.constant 0 : i32
      %dma_start3A_70 = arith.constant 0 : i32
      %dma_start3A_71 = tpu.memref_slice %arg8[%dma_start3A_69, %dma_start3A_70] : memref<10112x128xf32, #tpu.memory_space<vmem_shared>> -> memref<10112x128xf32, #tpu.memory_space<vmem_shared>>
      tpu.enqueue_indirect_dma source(%arg7 : memref<128x128xf32, #tpu.memory_space<vmem>>) target(%dma_start3A_71 : memref<10112x128xf32, #tpu.memory_space<vmem_shared>>) offsets(%dma_start3A_68 : memref<128xi32, #tpu.memory_space<vmem>>) semaphore(%arg9 : memref<!tpu.dma_semaphore, #tpu.memory_space<semaphore_mem>>) {add = true}
      %dma_wait3A = arith.constant 0 : i32
      %dma_wait3A_72 = arith.constant 0 : i32
      %dma_wait3A_73 = tpu.memref_slice %arg6[%dma_wait3A, %dma_wait3A_72] : memref<8x128xi32, #tpu.memory_space<vmem>> -> memref<1x128xi32, #tpu.memory_space<vmem>>
      %dma_wait3A_74 = tpu.memref_squeeze %dma_wait3A_73 : memref<1x128xi32, #tpu.memory_space<vmem>> -> memref<128xi32, #tpu.memory_space<vmem>>
      %dma_wait3A_75 = arith.constant 0 : i32
      %dma_wait3A_76 = arith.constant 0 : i32
      %dma_wait3A_77 = tpu.memref_slice %arg8[%dma_wait3A_75, %dma_wait3A_76] : memref<10112x128xf32, #tpu.memory_space<vmem_shared>> -> memref<10112x128xf32, #tpu.memory_space<vmem_shared>>
      tpu.wait_indirect_dma semaphore(%arg9 : memref<!tpu.dma_semaphore, #tpu.memory_space<semaphore_mem>>) src(%arg7 : memref<128x128xf32, #tpu.memory_space<vmem>>) dst(%dma_wait3A_77 : memref<10112x128xf32, #tpu.memory_space<vmem_shared>>)
      %dma_wait3A_78 = arith.constant 1 : i32
      %dma_wait3A_79 = arith.constant 0 : i32
      %dma_wait3A_80 = tpu.memref_slice %arg6[%dma_wait3A_78, %dma_wait3A_79] : memref<8x128xi32, #tpu.memory_space<vmem>> -> memref<1x128xi32, #tpu.memory_space<vmem>>
      %dma_wait3A_81 = tpu.memref_squeeze %dma_wait3A_80 : memref<1x128xi32, #tpu.memory_space<vmem>> -> memref<128xi32, #tpu.memory_space<vmem>>
      %dma_wait3A_82 = arith.constant 0 : i32
      %dma_wait3A_83 = arith.constant 0 : i32
      %dma_wait3A_84 = tpu.memref_slice %arg8[%dma_wait3A_82, %dma_wait3A_83] : memref<10112x128xf32, #tpu.memory_space<vmem_shared>> -> memref<10112x128xf32, #tpu.memory_space<vmem_shared>>
      tpu.wait_indirect_dma semaphore(%arg9 : memref<!tpu.dma_semaphore, #tpu.memory_space<semaphore_mem>>) src(%arg7 : memref<128x128xf32, #tpu.memory_space<vmem>>) dst(%dma_wait3A_84 : memref<10112x128xf32, #tpu.memory_space<vmem_shared>>)
      %dma_wait3A_85 = arith.constant 2 : i32
      %dma_wait3A_86 = arith.constant 0 : i32
      %dma_wait3A_87 = tpu.memref_slice %arg6[%dma_wait3A_85, %dma_wait3A_86] : memref<8x128xi32, #tpu.memory_space<vmem>> -> memref<1x128xi32, #tpu.memory_space<vmem>>
      %dma_wait3A_88 = tpu.memref_squeeze %dma_wait3A_87 : memref<1x128xi32, #tpu.memory_space<vmem>> -> memref<128xi32, #tpu.memory_space<vmem>>
      %dma_wait3A_89 = arith.constant 0 : i32
      %dma_wait3A_90 = arith.constant 0 : i32
      %dma_wait3A_91 = tpu.memref_slice %arg8[%dma_wait3A_89, %dma_wait3A_90] : memref<10112x128xf32, #tpu.memory_space<vmem_shared>> -> memref<10112x128xf32, #tpu.memory_space<vmem_shared>>
      tpu.wait_indirect_dma semaphore(%arg9 : memref<!tpu.dma_semaphore, #tpu.memory_space<semaphore_mem>>) src(%arg7 : memref<128x128xf32, #tpu.memory_space<vmem>>) dst(%dma_wait3A_91 : memref<10112x128xf32, #tpu.memory_space<vmem_shared>>)
      %dma_wait3A_92 = arith.constant 3 : i32
      %dma_wait3A_93 = arith.constant 0 : i32
      %dma_wait3A_94 = tpu.memref_slice %arg6[%dma_wait3A_92, %dma_wait3A_93] : memref<8x128xi32, #tpu.memory_space<vmem>> -> memref<1x128xi32, #tpu.memory_space<vmem>>
      %dma_wait3A_95 = tpu.memref_squeeze %dma_wait3A_94 : memref<1x128xi32, #tpu.memory_space<vmem>> -> memref<128xi32, #tpu.memory_space<vmem>>
      %dma_wait3A_96 = arith.constant 0 : i32
      %dma_wait3A_97 = arith.constant 0 : i32
      %dma_wait3A_98 = tpu.memref_slice %arg8[%dma_wait3A_96, %dma_wait3A_97] : memref<10112x128xf32, #tpu.memory_space<vmem_shared>> -> memref<10112x128xf32, #tpu.memory_space<vmem_shared>>
      tpu.wait_indirect_dma semaphore(%arg9 : memref<!tpu.dma_semaphore, #tpu.memory_space<semaphore_mem>>) src(%arg7 : memref<128x128xf32, #tpu.memory_space<vmem>>) dst(%dma_wait3A_98 : memref<10112x128xf32, #tpu.memory_space<vmem_shared>>)
      %dma_wait3A_99 = arith.constant 4 : i32
      %dma_wait3A_100 = arith.constant 0 : i32
      %dma_wait3A_101 = tpu.memref_slice %arg6[%dma_wait3A_99, %dma_wait3A_100] : memref<8x128xi32, #tpu.memory_space<vmem>> -> memref<1x128xi32, #tpu.memory_space<vmem>>
      %dma_wait3A_102 = tpu.memref_squeeze %dma_wait3A_101 : memref<1x128xi32, #tpu.memory_space<vmem>> -> memref<128xi32, #tpu.memory_space<vmem>>
      %dma_wait3A_103 = arith.constant 0 : i32
      %dma_wait3A_104 = arith.constant 0 : i32
      %dma_wait3A_105 = tpu.memref_slice %arg8[%dma_wait3A_103, %dma_wait3A_104] : memref<10112x128xf32, #tpu.memory_space<vmem_shared>> -> memref<10112x128xf32, #tpu.memory_space<vmem_shared>>
      tpu.wait_indirect_dma semaphore(%arg9 : memref<!tpu.dma_semaphore, #tpu.memory_space<semaphore_mem>>) src(%arg7 : memref<128x128xf32, #tpu.memory_space<vmem>>) dst(%dma_wait3A_105 : memref<10112x128xf32, #tpu.memory_space<vmem_shared>>)
      %dma_wait3A_106 = arith.constant 5 : i32
      %dma_wait3A_107 = arith.constant 0 : i32
      %dma_wait3A_108 = tpu.memref_slice %arg6[%dma_wait3A_106, %dma_wait3A_107] : memref<8x128xi32, #tpu.memory_space<vmem>> -> memref<1x128xi32, #tpu.memory_space<vmem>>
      %dma_wait3A_109 = tpu.memref_squeeze %dma_wait3A_108 : memref<1x128xi32, #tpu.memory_space<vmem>> -> memref<128xi32, #tpu.memory_space<vmem>>
      %dma_wait3A_110 = arith.constant 0 : i32
      %dma_wait3A_111 = arith.constant 0 : i32
      %dma_wait3A_112 = tpu.memref_slice %arg8[%dma_wait3A_110, %dma_wait3A_111] : memref<10112x128xf32, #tpu.memory_space<vmem_shared>> -> memref<10112x128xf32, #tpu.memory_space<vmem_shared>>
      tpu.wait_indirect_dma semaphore(%arg9 : memref<!tpu.dma_semaphore, #tpu.memory_space<semaphore_mem>>) src(%arg7 : memref<128x128xf32, #tpu.memory_space<vmem>>) dst(%dma_wait3A_112 : memref<10112x128xf32, #tpu.memory_space<vmem_shared>>)
      %dma_wait3A_113 = arith.constant 6 : i32
      %dma_wait3A_114 = arith.constant 0 : i32
      %dma_wait3A_115 = tpu.memref_slice %arg6[%dma_wait3A_113, %dma_wait3A_114] : memref<8x128xi32, #tpu.memory_space<vmem>> -> memref<1x128xi32, #tpu.memory_space<vmem>>
      %dma_wait3A_116 = tpu.memref_squeeze %dma_wait3A_115 : memref<1x128xi32, #tpu.memory_space<vmem>> -> memref<128xi32, #tpu.memory_space<vmem>>
      %dma_wait3A_117 = arith.constant 0 : i32
      %dma_wait3A_118 = arith.constant 0 : i32
      %dma_wait3A_119 = tpu.memref_slice %arg8[%dma_wait3A_117, %dma_wait3A_118] : memref<10112x128xf32, #tpu.memory_space<vmem_shared>> -> memref<10112x128xf32, #tpu.memory_space<vmem_shared>>
      tpu.wait_indirect_dma semaphore(%arg9 : memref<!tpu.dma_semaphore, #tpu.memory_space<semaphore_mem>>) src(%arg7 : memref<128x128xf32, #tpu.memory_space<vmem>>) dst(%dma_wait3A_119 : memref<10112x128xf32, #tpu.memory_space<vmem_shared>>)
      %dma_wait3A_120 = arith.constant 7 : i32
      %dma_wait3A_121 = arith.constant 0 : i32
      %dma_wait3A_122 = tpu.memref_slice %arg6[%dma_wait3A_120, %dma_wait3A_121] : memref<8x128xi32, #tpu.memory_space<vmem>> -> memref<1x128xi32, #tpu.memory_space<vmem>>
      %dma_wait3A_123 = tpu.memref_squeeze %dma_wait3A_122 : memref<1x128xi32, #tpu.memory_space<vmem>> -> memref<128xi32, #tpu.memory_space<vmem>>
      %dma_wait3A_124 = arith.constant 0 : i32
      %dma_wait3A_125 = arith.constant 0 : i32
      %dma_wait3A_126 = tpu.memref_slice %arg8[%dma_wait3A_124, %dma_wait3A_125] : memref<10112x128xf32, #tpu.memory_space<vmem_shared>> -> memref<10112x128xf32, #tpu.memory_space<vmem_shared>>
      tpu.wait_indirect_dma semaphore(%arg9 : memref<!tpu.dma_semaphore, #tpu.memory_space<semaphore_mem>>) src(%arg7 : memref<128x128xf32, #tpu.memory_space<vmem>>) dst(%dma_wait3A_126 : memref<10112x128xf32, #tpu.memory_space<vmem_shared>>)
    }
    %scan3A_9 = arith.constant 5 : i32
    %barrier3A_10 = arith.constant 0 : index
    tpu.barrier barrier_id(%barrier3A_10)
    %lt3A = arith.constant 10 : i32
    %lt3A_11 = arith.cmpi slt, %arg1, %lt3A : i32
    %convert_element_type3A = arith.extui %lt3A_11 : i1 to i32
    %cond3A = arith.constant 0 : i32
    %cond3A_12 = arith.cmpi ne, %convert_element_type3A, %cond3A : i32
    scf.if %cond3A_12 {
      %mul3A_13 = arith.constant 1000 : i32
      %mul3A_14 = arith.muli %arg1, %mul3A_13 : i32
      %mul3A_15 = arith.constant 1000 : i32
      %mul3A_16 = arith.muli %arg1, %mul3A_15 : i32
      "tpu.region"() ({
        %run_scoped3A = tpu.sem_alloc : memref<!tpu.dma_semaphore, #tpu.memory_space<semaphore_mem>>
        %dma_start3A = arith.constant 0 : i32
        %dma_start3A_17 = tpu.memref_slice %arg5[%arg0, %mul3A_16, %dma_start3A] : memref<2x10000x128xf32, #tpu.memory_space<hbm>> -> memref<1x1000x128xf32, #tpu.memory_space<hbm>>
        %dma_start3A_18 = tpu.memref_squeeze %dma_start3A_17 : memref<1x1000x128xf32, #tpu.memory_space<hbm>> -> memref<1000x128xf32, #tpu.memory_space<hbm>>
        %dma_start3A_19 = arith.constant 0 : i32
        %dma_start3A_20 = tpu.memref_slice %arg8[%mul3A_14, %dma_start3A_19] : memref<10112x128xf32, #tpu.memory_space<vmem_shared>> -> memref<1000x128xf32, #tpu.memory_space<vmem_shared>>
        tpu.enqueue_dma source(%dma_start3A_20 : memref<1000x128xf32, #tpu.memory_space<vmem_shared>>) target(%dma_start3A_18 : memref<1000x128xf32, #tpu.memory_space<hbm>>) target_semaphore(%run_scoped3A : memref<!tpu.dma_semaphore, #tpu.memory_space<semaphore_mem>>)
        %dma_wait3A = arith.constant 0 : i32
        %dma_wait3A_21 = tpu.memref_slice %arg5[%arg0, %mul3A_16, %dma_wait3A] : memref<2x10000x128xf32, #tpu.memory_space<hbm>> -> memref<1x1000x128xf32, #tpu.memory_space<hbm>>
        %dma_wait3A_22 = tpu.memref_squeeze %dma_wait3A_21 : memref<1x1000x128xf32, #tpu.memory_space<hbm>> -> memref<1000x128xf32, #tpu.memory_space<hbm>>
        %dma_wait3A_23 = arith.constant 0 : i32
        %dma_wait3A_24 = tpu.memref_slice %arg8[%mul3A_14, %dma_wait3A_23] : memref<10112x128xf32, #tpu.memory_space<vmem_shared>> -> memref<1000x128xf32, #tpu.memory_space<vmem_shared>>
        tpu.wait_dma2 semaphore(%run_scoped3A : memref<!tpu.dma_semaphore, #tpu.memory_space<semaphore_mem>>) src(%dma_wait3A_24 : memref<1000x128xf32, #tpu.memory_space<vmem_shared>>) dst(%dma_wait3A_22 : memref<1000x128xf32, #tpu.memory_space<hbm>>)
        tpu.yield
      }) : () -> ()
    } else {
    }
    return
  }
}

#map = affine_map<(d0, d1) -> (0, 0)>
module attributes {stable_mosaic.version = 14 : i64} {
  func.func @propagate(%arg0: i32, %arg1: i32, %arg2: memref<20000x128xf32, #tpu.memory_space<hbm>>, %arg3: memref<2560x128xi32, #tpu.memory_space<hbm>>, %arg4: memref<1280x128xi32, #tpu.memory_space<hbm>>, %arg5: memref<632x128xf32, #tpu.memory_space<hbm>>, %arg6: memref<20000x128xf32, #tpu.memory_space<hbm>>, %arg7: memref<40x128xi32, #tpu.memory_space<vmem>>, %arg8: memref<40x128xi32, #tpu.memory_space<vmem>>, %arg9: memref<256x128xf32, #tpu.memory_space<vmem>>, %arg10: memref<10112x128xf32, #tpu.memory_space<vmem_shared>>, %arg11: memref<!tpu.dma_semaphore, #tpu.memory_space<semaphore_mem>>, %arg12: memref<!tpu.dma_semaphore, #tpu.memory_space<semaphore_mem>>, %arg13: memref<!tpu.dma_semaphore, #tpu.memory_space<semaphore_mem>>, %arg14: memref<!tpu.dma_semaphore, #tpu.memory_space<semaphore_mem>>) attributes {dimension_semantics = [#tpu.dimension_semantics<core_parallel>, #tpu.dimension_semantics<subcore_parallel>], iteration_bounds = array<i64: 2, 16>, scalar_prefetch = 0 : i64, scratch_operands = 8 : i64, tpu.core_type = #tpu.core_type<sc_vector_subcore>, window_params = [{transform_indices = #map}, {transform_indices = #map}, {transform_indices = #map}, {transform_indices = #map}, {transform_indices = #map}]} {
    %mul3A = arith.constant 80 : i32
    %mul3A_0 = arith.muli %arg1, %mul3A : i32
    %mul3A_1 = arith.constant 1280 : i32
    %mul3A_2 = arith.muli %arg0, %mul3A_1 : i32
    %mul3A_3 = arith.constant 80 : i32
    %mul3A_4 = arith.muli %arg1, %mul3A_3 : i32
    %add3A = arith.addi %mul3A_2, %mul3A_4 : i32
    %mul3A_5 = arith.constant 632 : i32
    %mul3A_6 = arith.muli %arg1, %mul3A_5 : i32
    "tpu.region"() ({
      %run_scoped3A = tpu.sem_alloc : memref<!tpu.dma_semaphore, #tpu.memory_space<semaphore_mem>>
      %dma_start3A = arith.constant 0 : i32
      %dma_start3A_27 = tpu.memref_slice %arg10[%mul3A_6, %dma_start3A] : memref<10112x128xf32, #tpu.memory_space<vmem_shared>> -> memref<632x128xf32, #tpu.memory_space<vmem_shared>>
      tpu.enqueue_dma source(%arg5 : memref<632x128xf32, #tpu.memory_space<hbm>>) target(%dma_start3A_27 : memref<632x128xf32, #tpu.memory_space<vmem_shared>>) target_semaphore(%run_scoped3A : memref<!tpu.dma_semaphore, #tpu.memory_space<semaphore_mem>>)
      %dma_wait3A = arith.constant 0 : i32
      %dma_wait3A_28 = tpu.memref_slice %arg10[%mul3A_6, %dma_wait3A] : memref<10112x128xf32, #tpu.memory_space<vmem_shared>> -> memref<632x128xf32, #tpu.memory_space<vmem_shared>>
      tpu.wait_dma2 semaphore(%run_scoped3A : memref<!tpu.dma_semaphore, #tpu.memory_space<semaphore_mem>>) src(%arg5 : memref<632x128xf32, #tpu.memory_space<hbm>>) dst(%dma_wait3A_28 : memref<632x128xf32, #tpu.memory_space<vmem_shared>>)
      tpu.yield
    }) : () -> ()
    %barrier3A = arith.constant 0 : index
    tpu.barrier barrier_id(%barrier3A)
    %add3A_7 = arith.constant 0 : i32
    %add3A_8 = arith.addi %add3A, %add3A_7 : i32
    "tpu.region"() ({
      %run_scoped3A = tpu.sem_alloc : memref<!tpu.dma_semaphore, #tpu.memory_space<semaphore_mem>>
      %dma_start3A = arith.constant 0 : i32
      %dma_start3A_27 = tpu.memref_slice %arg3[%add3A_8, %dma_start3A] : memref<2560x128xi32, #tpu.memory_space<hbm>> -> memref<40x128xi32, #tpu.memory_space<hbm>>
      %dma_start3A_28 = arith.constant 0 : i32
      %dma_start3A_29 = tpu.memref_slice %arg3[%add3A_8, %dma_start3A_28] : memref<2560x128xi32, #tpu.memory_space<hbm>> -> memref<40x128xi32, #tpu.memory_space<hbm>>
      tpu.enqueue_dma source(%dma_start3A_29 : memref<40x128xi32, #tpu.memory_space<hbm>>) target(%arg7 : memref<40x128xi32, #tpu.memory_space<vmem>>) target_semaphore(%run_scoped3A : memref<!tpu.dma_semaphore, #tpu.memory_space<semaphore_mem>>)
      %dma_wait3A = arith.constant 0 : i32
      %dma_wait3A_30 = tpu.memref_slice %arg3[%add3A_8, %dma_wait3A] : memref<2560x128xi32, #tpu.memory_space<hbm>> -> memref<40x128xi32, #tpu.memory_space<hbm>>
      %dma_wait3A_31 = arith.constant 0 : i32
      %dma_wait3A_32 = tpu.memref_slice %arg3[%add3A_8, %dma_wait3A_31] : memref<2560x128xi32, #tpu.memory_space<hbm>> -> memref<40x128xi32, #tpu.memory_space<hbm>>
      tpu.wait_dma2 semaphore(%run_scoped3A : memref<!tpu.dma_semaphore, #tpu.memory_space<semaphore_mem>>) src(%dma_wait3A_32 : memref<40x128xi32, #tpu.memory_space<hbm>>) dst(%arg7 : memref<40x128xi32, #tpu.memory_space<vmem>>)
      tpu.yield
    }) : () -> ()
    %add3A_9 = arith.constant 0 : i32
    %add3A_10 = arith.addi %mul3A_0, %add3A_9 : i32
    "tpu.region"() ({
      %run_scoped3A = tpu.sem_alloc : memref<!tpu.dma_semaphore, #tpu.memory_space<semaphore_mem>>
      %dma_start3A = arith.constant 0 : i32
      %dma_start3A_27 = tpu.memref_slice %arg4[%add3A_10, %dma_start3A] : memref<1280x128xi32, #tpu.memory_space<hbm>> -> memref<40x128xi32, #tpu.memory_space<hbm>>
      %dma_start3A_28 = arith.constant 0 : i32
      %dma_start3A_29 = tpu.memref_slice %arg4[%add3A_10, %dma_start3A_28] : memref<1280x128xi32, #tpu.memory_space<hbm>> -> memref<40x128xi32, #tpu.memory_space<hbm>>
      tpu.enqueue_dma source(%dma_start3A_29 : memref<40x128xi32, #tpu.memory_space<hbm>>) target(%arg8 : memref<40x128xi32, #tpu.memory_space<vmem>>) target_semaphore(%run_scoped3A : memref<!tpu.dma_semaphore, #tpu.memory_space<semaphore_mem>>)
      %dma_wait3A = arith.constant 0 : i32
      %dma_wait3A_30 = tpu.memref_slice %arg4[%add3A_10, %dma_wait3A] : memref<1280x128xi32, #tpu.memory_space<hbm>> -> memref<40x128xi32, #tpu.memory_space<hbm>>
      %dma_wait3A_31 = arith.constant 0 : i32
      %dma_wait3A_32 = tpu.memref_slice %arg4[%add3A_10, %dma_wait3A_31] : memref<1280x128xi32, #tpu.memory_space<hbm>> -> memref<40x128xi32, #tpu.memory_space<hbm>>
      tpu.wait_dma2 semaphore(%run_scoped3A : memref<!tpu.dma_semaphore, #tpu.memory_space<semaphore_mem>>) src(%dma_wait3A_32 : memref<40x128xi32, #tpu.memory_space<hbm>>) dst(%arg8 : memref<40x128xi32, #tpu.memory_space<vmem>>)
      tpu.yield
    }) : () -> ()
    %scan3A = arith.constant 0 : i32
    %scan3A_11 = arith.constant 10 : i32
    %scan3A_12 = arith.addi %scan3A, %scan3A_11 : i32
    %scan3A_13 = arith.constant 1 : i32
    scf.for %scan3A_27 = %scan3A to %scan3A_12 step %scan3A_13  : i32 {
      %mul3A_28 = arith.constant 4 : i32
      %mul3A_29 = arith.muli %scan3A_27, %mul3A_28 : i32
      %add3A_30 = arith.constant 0 : i32
      %add3A_31 = arith.addi %add3A_30, %mul3A_29 : i32
      %dma_start3A = arith.constant 0 : i32
      %dma_start3A_32 = arith.constant 0 : i32
      %dma_start3A_33 = tpu.memref_slice %arg9[%dma_start3A, %dma_start3A_32] : memref<256x128xf32, #tpu.memory_space<vmem>> -> memref<64x128xf32, #tpu.memory_space<vmem>>
      %dma_start3A_34 = arith.constant 0 : i32
      %dma_start3A_35 = tpu.memref_slice %arg7[%add3A_31, %dma_start3A_34] : memref<40x128xi32, #tpu.memory_space<vmem>> -> memref<1x128xi32, #tpu.memory_space<vmem>>
      %dma_start3A_36 = tpu.memref_squeeze %dma_start3A_35 : memref<1x128xi32, #tpu.memory_space<vmem>> -> memref<128xi32, #tpu.memory_space<vmem>>
      %dma_start3A_37 = arith.constant 0 : i32
      %dma_start3A_38 = tpu.memref_slice %dma_start3A_36[%dma_start3A_37] : memref<128xi32, #tpu.memory_space<vmem>> -> memref<64xi32, #tpu.memory_space<vmem>>
      %dma_start3A_39 = arith.constant 0 : i32
      %dma_start3A_40 = arith.constant 0 : i32
      %dma_start3A_41 = tpu.memref_slice %arg2[%dma_start3A_39, %dma_start3A_40] : memref<20000x128xf32, #tpu.memory_space<hbm>> -> memref<20000x128xf32, #tpu.memory_space<hbm>>
      tpu.enqueue_indirect_dma source(%dma_start3A_41 : memref<20000x128xf32, #tpu.memory_space<hbm>>) target(%dma_start3A_33 : memref<64x128xf32, #tpu.memory_space<vmem>>) offsets(%dma_start3A_38 : memref<64xi32, #tpu.memory_space<vmem>>) semaphore(%arg11 : memref<!tpu.dma_semaphore, #tpu.memory_space<semaphore_mem>>)
      %dma_start3A_42 = arith.constant 64 : i32
      %dma_start3A_43 = arith.constant 0 : i32
      %dma_start3A_44 = tpu.memref_slice %arg9[%dma_start3A_42, %dma_start3A_43] : memref<256x128xf32, #tpu.memory_space<vmem>> -> memref<64x128xf32, #tpu.memory_space<vmem>>
      %dma_start3A_45 = arith.constant 0 : i32
      %dma_start3A_46 = tpu.memref_slice %arg7[%add3A_31, %dma_start3A_45] : memref<40x128xi32, #tpu.memory_space<vmem>> -> memref<1x128xi32, #tpu.memory_space<vmem>>
      %dma_start3A_47 = tpu.memref_squeeze %dma_start3A_46 : memref<1x128xi32, #tpu.memory_space<vmem>> -> memref<128xi32, #tpu.memory_space<vmem>>
      %dma_start3A_48 = arith.constant 64 : i32
      %dma_start3A_49 = tpu.memref_slice %dma_start3A_47[%dma_start3A_48] : memref<128xi32, #tpu.memory_space<vmem>> -> memref<64xi32, #tpu.memory_space<vmem>>
      %dma_start3A_50 = arith.constant 0 : i32
      %dma_start3A_51 = arith.constant 0 : i32
      %dma_start3A_52 = tpu.memref_slice %arg2[%dma_start3A_50, %dma_start3A_51] : memref<20000x128xf32, #tpu.memory_space<hbm>> -> memref<20000x128xf32, #tpu.memory_space<hbm>>
      tpu.enqueue_indirect_dma source(%dma_start3A_52 : memref<20000x128xf32, #tpu.memory_space<hbm>>) target(%dma_start3A_44 : memref<64x128xf32, #tpu.memory_space<vmem>>) offsets(%dma_start3A_49 : memref<64xi32, #tpu.memory_space<vmem>>) semaphore(%arg11 : memref<!tpu.dma_semaphore, #tpu.memory_space<semaphore_mem>>)
      %add3A_53 = arith.constant 1 : i32
      %add3A_54 = arith.addi %add3A_31, %add3A_53 : i32
      %dma_start3A_55 = arith.constant 128 : i32
      %dma_start3A_56 = arith.constant 0 : i32
      %dma_start3A_57 = tpu.memref_slice %arg9[%dma_start3A_55, %dma_start3A_56] : memref<256x128xf32, #tpu.memory_space<vmem>> -> memref<64x128xf32, #tpu.memory_space<vmem>>
      %dma_start3A_58 = arith.constant 0 : i32
      %dma_start3A_59 = tpu.memref_slice %arg7[%add3A_54, %dma_start3A_58] : memref<40x128xi32, #tpu.memory_space<vmem>> -> memref<1x128xi32, #tpu.memory_space<vmem>>
      %dma_start3A_60 = tpu.memref_squeeze %dma_start3A_59 : memref<1x128xi32, #tpu.memory_space<vmem>> -> memref<128xi32, #tpu.memory_space<vmem>>
      %dma_start3A_61 = arith.constant 0 : i32
      %dma_start3A_62 = tpu.memref_slice %dma_start3A_60[%dma_start3A_61] : memref<128xi32, #tpu.memory_space<vmem>> -> memref<64xi32, #tpu.memory_space<vmem>>
      %dma_start3A_63 = arith.constant 0 : i32
      %dma_start3A_64 = arith.constant 0 : i32
      %dma_start3A_65 = tpu.memref_slice %arg2[%dma_start3A_63, %dma_start3A_64] : memref<20000x128xf32, #tpu.memory_space<hbm>> -> memref<20000x128xf32, #tpu.memory_space<hbm>>
      tpu.enqueue_indirect_dma source(%dma_start3A_65 : memref<20000x128xf32, #tpu.memory_space<hbm>>) target(%dma_start3A_57 : memref<64x128xf32, #tpu.memory_space<vmem>>) offsets(%dma_start3A_62 : memref<64xi32, #tpu.memory_space<vmem>>) semaphore(%arg12 : memref<!tpu.dma_semaphore, #tpu.memory_space<semaphore_mem>>)
      %dma_start3A_66 = arith.constant 192 : i32
      %dma_start3A_67 = arith.constant 0 : i32
      %dma_start3A_68 = tpu.memref_slice %arg9[%dma_start3A_66, %dma_start3A_67] : memref<256x128xf32, #tpu.memory_space<vmem>> -> memref<64x128xf32, #tpu.memory_space<vmem>>
      %dma_start3A_69 = arith.constant 0 : i32
      %dma_start3A_70 = tpu.memref_slice %arg7[%add3A_54, %dma_start3A_69] : memref<40x128xi32, #tpu.memory_space<vmem>> -> memref<1x128xi32, #tpu.memory_space<vmem>>
      %dma_start3A_71 = tpu.memref_squeeze %dma_start3A_70 : memref<1x128xi32, #tpu.memory_space<vmem>> -> memref<128xi32, #tpu.memory_space<vmem>>
      %dma_start3A_72 = arith.constant 64 : i32
      %dma_start3A_73 = tpu.memref_slice %dma_start3A_71[%dma_start3A_72] : memref<128xi32, #tpu.memory_space<vmem>> -> memref<64xi32, #tpu.memory_space<vmem>>
      %dma_start3A_74 = arith.constant 0 : i32
      %dma_start3A_75 = arith.constant 0 : i32
      %dma_start3A_76 = tpu.memref_slice %arg2[%dma_start3A_74, %dma_start3A_75] : memref<20000x128xf32, #tpu.memory_space<hbm>> -> memref<20000x128xf32, #tpu.memory_space<hbm>>
      tpu.enqueue_indirect_dma source(%dma_start3A_76 : memref<20000x128xf32, #tpu.memory_space<hbm>>) target(%dma_start3A_68 : memref<64x128xf32, #tpu.memory_space<vmem>>) offsets(%dma_start3A_73 : memref<64xi32, #tpu.memory_space<vmem>>) semaphore(%arg12 : memref<!tpu.dma_semaphore, #tpu.memory_space<semaphore_mem>>)
      %dma_wait3A = arith.constant 0 : i32
      %dma_wait3A_77 = arith.constant 0 : i32
      %dma_wait3A_78 = tpu.memref_slice %arg9[%dma_wait3A, %dma_wait3A_77] : memref<256x128xf32, #tpu.memory_space<vmem>> -> memref<64x128xf32, #tpu.memory_space<vmem>>
      %dma_wait3A_79 = arith.constant 0 : i32
      %dma_wait3A_80 = tpu.memref_slice %arg7[%add3A_31, %dma_wait3A_79] : memref<40x128xi32, #tpu.memory_space<vmem>> -> memref<1x128xi32, #tpu.memory_space<vmem>>
      %dma_wait3A_81 = tpu.memref_squeeze %dma_wait3A_80 : memref<1x128xi32, #tpu.memory_space<vmem>> -> memref<128xi32, #tpu.memory_space<vmem>>
      %dma_wait3A_82 = arith.constant 0 : i32
      %dma_wait3A_83 = tpu.memref_slice %dma_wait3A_81[%dma_wait3A_82] : memref<128xi32, #tpu.memory_space<vmem>> -> memref<64xi32, #tpu.memory_space<vmem>>
      %dma_wait3A_84 = arith.constant 0 : i32
      %dma_wait3A_85 = arith.constant 0 : i32
      %dma_wait3A_86 = tpu.memref_slice %arg2[%dma_wait3A_84, %dma_wait3A_85] : memref<20000x128xf32, #tpu.memory_space<hbm>> -> memref<20000x128xf32, #tpu.memory_space<hbm>>
      tpu.wait_indirect_dma semaphore(%arg11 : memref<!tpu.dma_semaphore, #tpu.memory_space<semaphore_mem>>) src(%dma_wait3A_86 : memref<20000x128xf32, #tpu.memory_space<hbm>>) dst(%dma_wait3A_78 : memref<64x128xf32, #tpu.memory_space<vmem>>)
      %dma_wait3A_87 = arith.constant 64 : i32
      %dma_wait3A_88 = arith.constant 0 : i32
      %dma_wait3A_89 = tpu.memref_slice %arg9[%dma_wait3A_87, %dma_wait3A_88] : memref<256x128xf32, #tpu.memory_space<vmem>> -> memref<64x128xf32, #tpu.memory_space<vmem>>
      %dma_wait3A_90 = arith.constant 0 : i32
      %dma_wait3A_91 = tpu.memref_slice %arg7[%add3A_31, %dma_wait3A_90] : memref<40x128xi32, #tpu.memory_space<vmem>> -> memref<1x128xi32, #tpu.memory_space<vmem>>
      %dma_wait3A_92 = tpu.memref_squeeze %dma_wait3A_91 : memref<1x128xi32, #tpu.memory_space<vmem>> -> memref<128xi32, #tpu.memory_space<vmem>>
      %dma_wait3A_93 = arith.constant 64 : i32
      %dma_wait3A_94 = tpu.memref_slice %dma_wait3A_92[%dma_wait3A_93] : memref<128xi32, #tpu.memory_space<vmem>> -> memref<64xi32, #tpu.memory_space<vmem>>
      %dma_wait3A_95 = arith.constant 0 : i32
      %dma_wait3A_96 = arith.constant 0 : i32
      %dma_wait3A_97 = tpu.memref_slice %arg2[%dma_wait3A_95, %dma_wait3A_96] : memref<20000x128xf32, #tpu.memory_space<hbm>> -> memref<20000x128xf32, #tpu.memory_space<hbm>>
      tpu.wait_indirect_dma semaphore(%arg11 : memref<!tpu.dma_semaphore, #tpu.memory_space<semaphore_mem>>) src(%dma_wait3A_97 : memref<20000x128xf32, #tpu.memory_space<hbm>>) dst(%dma_wait3A_89 : memref<64x128xf32, #tpu.memory_space<vmem>>)
      %dma_start3A_98 = arith.constant 0 : i32
      %dma_start3A_99 = arith.constant 0 : i32
      %dma_start3A_100 = tpu.memref_slice %arg9[%dma_start3A_98, %dma_start3A_99] : memref<256x128xf32, #tpu.memory_space<vmem>> -> memref<128x128xf32, #tpu.memory_space<vmem>>
      %dma_start3A_101 = arith.constant 0 : i32
      %dma_start3A_102 = tpu.memref_slice %arg8[%add3A_31, %dma_start3A_101] : memref<40x128xi32, #tpu.memory_space<vmem>> -> memref<1x128xi32, #tpu.memory_space<vmem>>
      %dma_start3A_103 = tpu.memref_squeeze %dma_start3A_102 : memref<1x128xi32, #tpu.memory_space<vmem>> -> memref<128xi32, #tpu.memory_space<vmem>>
      %dma_start3A_104 = arith.constant 0 : i32
      %dma_start3A_105 = arith.constant 0 : i32
      %dma_start3A_106 = tpu.memref_slice %arg10[%dma_start3A_104, %dma_start3A_105] : memref<10112x128xf32, #tpu.memory_space<vmem_shared>> -> memref<10112x128xf32, #tpu.memory_space<vmem_shared>>
      tpu.enqueue_indirect_dma source(%dma_start3A_100 : memref<128x128xf32, #tpu.memory_space<vmem>>) target(%dma_start3A_106 : memref<10112x128xf32, #tpu.memory_space<vmem_shared>>) offsets(%dma_start3A_103 : memref<128xi32, #tpu.memory_space<vmem>>) semaphore(%arg13 : memref<!tpu.dma_semaphore, #tpu.memory_space<semaphore_mem>>) {add = true}
      %dma_wait3A_107 = arith.constant 128 : i32
      %dma_wait3A_108 = arith.constant 0 : i32
      %dma_wait3A_109 = tpu.memref_slice %arg9[%dma_wait3A_107, %dma_wait3A_108] : memref<256x128xf32, #tpu.memory_space<vmem>> -> memref<64x128xf32, #tpu.memory_space<vmem>>
      %dma_wait3A_110 = arith.constant 0 : i32
      %dma_wait3A_111 = tpu.memref_slice %arg7[%add3A_54, %dma_wait3A_110] : memref<40x128xi32, #tpu.memory_space<vmem>> -> memref<1x128xi32, #tpu.memory_space<vmem>>
      %dma_wait3A_112 = tpu.memref_squeeze %dma_wait3A_111 : memref<1x128xi32, #tpu.memory_space<vmem>> -> memref<128xi32, #tpu.memory_space<vmem>>
      %dma_wait3A_113 = arith.constant 0 : i32
      %dma_wait3A_114 = tpu.memref_slice %dma_wait3A_112[%dma_wait3A_113] : memref<128xi32, #tpu.memory_space<vmem>> -> memref<64xi32, #tpu.memory_space<vmem>>
      %dma_wait3A_115 = arith.constant 0 : i32
      %dma_wait3A_116 = arith.constant 0 : i32
      %dma_wait3A_117 = tpu.memref_slice %arg2[%dma_wait3A_115, %dma_wait3A_116] : memref<20000x128xf32, #tpu.memory_space<hbm>> -> memref<20000x128xf32, #tpu.memory_space<hbm>>
      tpu.wait_indirect_dma semaphore(%arg12 : memref<!tpu.dma_semaphore, #tpu.memory_space<semaphore_mem>>) src(%dma_wait3A_117 : memref<20000x128xf32, #tpu.memory_space<hbm>>) dst(%dma_wait3A_109 : memref<64x128xf32, #tpu.memory_space<vmem>>)
      %dma_wait3A_118 = arith.constant 192 : i32
      %dma_wait3A_119 = arith.constant 0 : i32
      %dma_wait3A_120 = tpu.memref_slice %arg9[%dma_wait3A_118, %dma_wait3A_119] : memref<256x128xf32, #tpu.memory_space<vmem>> -> memref<64x128xf32, #tpu.memory_space<vmem>>
      %dma_wait3A_121 = arith.constant 0 : i32
      %dma_wait3A_122 = tpu.memref_slice %arg7[%add3A_54, %dma_wait3A_121] : memref<40x128xi32, #tpu.memory_space<vmem>> -> memref<1x128xi32, #tpu.memory_space<vmem>>
      %dma_wait3A_123 = tpu.memref_squeeze %dma_wait3A_122 : memref<1x128xi32, #tpu.memory_space<vmem>> -> memref<128xi32, #tpu.memory_space<vmem>>
      %dma_wait3A_124 = arith.constant 64 : i32
      %dma_wait3A_125 = tpu.memref_slice %dma_wait3A_123[%dma_wait3A_124] : memref<128xi32, #tpu.memory_space<vmem>> -> memref<64xi32, #tpu.memory_space<vmem>>
      %dma_wait3A_126 = arith.constant 0 : i32
      %dma_wait3A_127 = arith.constant 0 : i32
      %dma_wait3A_128 = tpu.memref_slice %arg2[%dma_wait3A_126, %dma_wait3A_127] : memref<20000x128xf32, #tpu.memory_space<hbm>> -> memref<20000x128xf32, #tpu.memory_space<hbm>>
      tpu.wait_indirect_dma semaphore(%arg12 : memref<!tpu.dma_semaphore, #tpu.memory_space<semaphore_mem>>) src(%dma_wait3A_128 : memref<20000x128xf32, #tpu.memory_space<hbm>>) dst(%dma_wait3A_120 : memref<64x128xf32, #tpu.memory_space<vmem>>)
      %add3A_129 = arith.constant 1 : i32
      %add3A_130 = arith.addi %add3A_31, %add3A_129 : i32
      %dma_start3A_131 = arith.constant 128 : i32
      %dma_start3A_132 = arith.constant 0 : i32
      %dma_start3A_133 = tpu.memref_slice %arg9[%dma_start3A_131, %dma_start3A_132] : memref<256x128xf32, #tpu.memory_space<vmem>> -> memref<128x128xf32, #tpu.memory_space<vmem>>
      %dma_start3A_134 = arith.constant 0 : i32
      %dma_start3A_135 = tpu.memref_slice %arg8[%add3A_130, %dma_start3A_134] : memref<40x128xi32, #tpu.memory_space<vmem>> -> memref<1x128xi32, #tpu.memory_space<vmem>>
      %dma_start3A_136 = tpu.memref_squeeze %dma_start3A_135 : memref<1x128xi32, #tpu.memory_space<vmem>> -> memref<128xi32, #tpu.memory_space<vmem>>
      %dma_start3A_137 = arith.constant 0 : i32
      %dma_start3A_138 = arith.constant 0 : i32
      %dma_start3A_139 = tpu.memref_slice %arg10[%dma_start3A_137, %dma_start3A_138] : memref<10112x128xf32, #tpu.memory_space<vmem_shared>> -> memref<10112x128xf32, #tpu.memory_space<vmem_shared>>
      tpu.enqueue_indirect_dma source(%dma_start3A_133 : memref<128x128xf32, #tpu.memory_space<vmem>>) target(%dma_start3A_139 : memref<10112x128xf32, #tpu.memory_space<vmem_shared>>) offsets(%dma_start3A_136 : memref<128xi32, #tpu.memory_space<vmem>>) semaphore(%arg14 : memref<!tpu.dma_semaphore, #tpu.memory_space<semaphore_mem>>) {add = true}
      %dma_wait3A_140 = arith.constant 0 : i32
      %dma_wait3A_141 = arith.constant 0 : i32
      %dma_wait3A_142 = tpu.memref_slice %arg9[%dma_wait3A_140, %dma_wait3A_141] : memref<256x128xf32, #tpu.memory_space<vmem>> -> memref<128x128xf32, #tpu.memory_space<vmem>>
      %dma_wait3A_143 = arith.constant 0 : i32
      %dma_wait3A_144 = tpu.memref_slice %arg8[%add3A_31, %dma_wait3A_143] : memref<40x128xi32, #tpu.memory_space<vmem>> -> memref<1x128xi32, #tpu.memory_space<vmem>>
      %dma_wait3A_145 = tpu.memref_squeeze %dma_wait3A_144 : memref<1x128xi32, #tpu.memory_space<vmem>> -> memref<128xi32, #tpu.memory_space<vmem>>
      %dma_wait3A_146 = arith.constant 0 : i32
      %dma_wait3A_147 = arith.constant 0 : i32
      %dma_wait3A_148 = tpu.memref_slice %arg10[%dma_wait3A_146, %dma_wait3A_147] : memref<10112x128xf32, #tpu.memory_space<vmem_shared>> -> memref<10112x128xf32, #tpu.memory_space<vmem_shared>>
      tpu.wait_indirect_dma semaphore(%arg13 : memref<!tpu.dma_semaphore, #tpu.memory_space<semaphore_mem>>) src(%dma_wait3A_142 : memref<128x128xf32, #tpu.memory_space<vmem>>) dst(%dma_wait3A_148 : memref<10112x128xf32, #tpu.memory_space<vmem_shared>>)
      %add3A_149 = arith.constant 2 : i32
      %add3A_150 = arith.addi %add3A_31, %add3A_149 : i32
      %dma_start3A_151 = arith.constant 0 : i32
      %dma_start3A_152 = arith.constant 0 : i32
      %dma_start3A_153 = tpu.memref_slice %arg9[%dma_start3A_151, %dma_start3A_152] : memref<256x128xf32, #tpu.memory_space<vmem>> -> memref<64x128xf32, #tpu.memory_space<vmem>>
      %dma_start3A_154 = arith.constant 0 : i32
      %dma_start3A_155 = tpu.memref_slice %arg7[%add3A_150, %dma_start3A_154] : memref<40x128xi32, #tpu.memory_space<vmem>> -> memref<1x128xi32, #tpu.memory_space<vmem>>
      %dma_start3A_156 = tpu.memref_squeeze %dma_start3A_155 : memref<1x128xi32, #tpu.memory_space<vmem>> -> memref<128xi32, #tpu.memory_space<vmem>>
      %dma_start3A_157 = arith.constant 0 : i32
      %dma_start3A_158 = tpu.memref_slice %dma_start3A_156[%dma_start3A_157] : memref<128xi32, #tpu.memory_space<vmem>> -> memref<64xi32, #tpu.memory_space<vmem>>
      %dma_start3A_159 = arith.constant 0 : i32
      %dma_start3A_160 = arith.constant 0 : i32
      %dma_start3A_161 = tpu.memref_slice %arg2[%dma_start3A_159, %dma_start3A_160] : memref<20000x128xf32, #tpu.memory_space<hbm>> -> memref<20000x128xf32, #tpu.memory_space<hbm>>
      tpu.enqueue_indirect_dma source(%dma_start3A_161 : memref<20000x128xf32, #tpu.memory_space<hbm>>) target(%dma_start3A_153 : memref<64x128xf32, #tpu.memory_space<vmem>>) offsets(%dma_start3A_158 : memref<64xi32, #tpu.memory_space<vmem>>) semaphore(%arg11 : memref<!tpu.dma_semaphore, #tpu.memory_space<semaphore_mem>>)
      %dma_start3A_162 = arith.constant 64 : i32
      %dma_start3A_163 = arith.constant 0 : i32
      %dma_start3A_164 = tpu.memref_slice %arg9[%dma_start3A_162, %dma_start3A_163] : memref<256x128xf32, #tpu.memory_space<vmem>> -> memref<64x128xf32, #tpu.memory_space<vmem>>
      %dma_start3A_165 = arith.constant 0 : i32
      %dma_start3A_166 = tpu.memref_slice %arg7[%add3A_150, %dma_start3A_165] : memref<40x128xi32, #tpu.memory_space<vmem>> -> memref<1x128xi32, #tpu.memory_space<vmem>>
      %dma_start3A_167 = tpu.memref_squeeze %dma_start3A_166 : memref<1x128xi32, #tpu.memory_space<vmem>> -> memref<128xi32, #tpu.memory_space<vmem>>
      %dma_start3A_168 = arith.constant 64 : i32
      %dma_start3A_169 = tpu.memref_slice %dma_start3A_167[%dma_start3A_168] : memref<128xi32, #tpu.memory_space<vmem>> -> memref<64xi32, #tpu.memory_space<vmem>>
      %dma_start3A_170 = arith.constant 0 : i32
      %dma_start3A_171 = arith.constant 0 : i32
      %dma_start3A_172 = tpu.memref_slice %arg2[%dma_start3A_170, %dma_start3A_171] : memref<20000x128xf32, #tpu.memory_space<hbm>> -> memref<20000x128xf32, #tpu.memory_space<hbm>>
      tpu.enqueue_indirect_dma source(%dma_start3A_172 : memref<20000x128xf32, #tpu.memory_space<hbm>>) target(%dma_start3A_164 : memref<64x128xf32, #tpu.memory_space<vmem>>) offsets(%dma_start3A_169 : memref<64xi32, #tpu.memory_space<vmem>>) semaphore(%arg11 : memref<!tpu.dma_semaphore, #tpu.memory_space<semaphore_mem>>)
      %dma_wait3A_173 = arith.constant 0 : i32
      %dma_wait3A_174 = arith.constant 0 : i32
      %dma_wait3A_175 = tpu.memref_slice %arg9[%dma_wait3A_173, %dma_wait3A_174] : memref<256x128xf32, #tpu.memory_space<vmem>> -> memref<64x128xf32, #tpu.memory_space<vmem>>
      %dma_wait3A_176 = arith.constant 0 : i32
      %dma_wait3A_177 = tpu.memref_slice %arg7[%add3A_150, %dma_wait3A_176] : memref<40x128xi32, #tpu.memory_space<vmem>> -> memref<1x128xi32, #tpu.memory_space<vmem>>
      %dma_wait3A_178 = tpu.memref_squeeze %dma_wait3A_177 : memref<1x128xi32, #tpu.memory_space<vmem>> -> memref<128xi32, #tpu.memory_space<vmem>>
      %dma_wait3A_179 = arith.constant 0 : i32
      %dma_wait3A_180 = tpu.memref_slice %dma_wait3A_178[%dma_wait3A_179] : memref<128xi32, #tpu.memory_space<vmem>> -> memref<64xi32, #tpu.memory_space<vmem>>
      %dma_wait3A_181 = arith.constant 0 : i32
      %dma_wait3A_182 = arith.constant 0 : i32
      %dma_wait3A_183 = tpu.memref_slice %arg2[%dma_wait3A_181, %dma_wait3A_182] : memref<20000x128xf32, #tpu.memory_space<hbm>> -> memref<20000x128xf32, #tpu.memory_space<hbm>>
      tpu.wait_indirect_dma semaphore(%arg11 : memref<!tpu.dma_semaphore, #tpu.memory_space<semaphore_mem>>) src(%dma_wait3A_183 : memref<20000x128xf32, #tpu.memory_space<hbm>>) dst(%dma_wait3A_175 : memref<64x128xf32, #tpu.memory_space<vmem>>)
      %dma_wait3A_184 = arith.constant 64 : i32
      %dma_wait3A_185 = arith.constant 0 : i32
      %dma_wait3A_186 = tpu.memref_slice %arg9[%dma_wait3A_184, %dma_wait3A_185] : memref<256x128xf32, #tpu.memory_space<vmem>> -> memref<64x128xf32, #tpu.memory_space<vmem>>
      %dma_wait3A_187 = arith.constant 0 : i32
      %dma_wait3A_188 = tpu.memref_slice %arg7[%add3A_150, %dma_wait3A_187] : memref<40x128xi32, #tpu.memory_space<vmem>> -> memref<1x128xi32, #tpu.memory_space<vmem>>
      %dma_wait3A_189 = tpu.memref_squeeze %dma_wait3A_188 : memref<1x128xi32, #tpu.memory_space<vmem>> -> memref<128xi32, #tpu.memory_space<vmem>>
      %dma_wait3A_190 = arith.constant 64 : i32
      %dma_wait3A_191 = tpu.memref_slice %dma_wait3A_189[%dma_wait3A_190] : memref<128xi32, #tpu.memory_space<vmem>> -> memref<64xi32, #tpu.memory_space<vmem>>
      %dma_wait3A_192 = arith.constant 0 : i32
      %dma_wait3A_193 = arith.constant 0 : i32
      %dma_wait3A_194 = tpu.memref_slice %arg2[%dma_wait3A_192, %dma_wait3A_193] : memref<20000x128xf32, #tpu.memory_space<hbm>> -> memref<20000x128xf32, #tpu.memory_space<hbm>>
      tpu.wait_indirect_dma semaphore(%arg11 : memref<!tpu.dma_semaphore, #tpu.memory_space<semaphore_mem>>) src(%dma_wait3A_194 : memref<20000x128xf32, #tpu.memory_space<hbm>>) dst(%dma_wait3A_186 : memref<64x128xf32, #tpu.memory_space<vmem>>)
      %add3A_195 = arith.constant 2 : i32
      %add3A_196 = arith.addi %add3A_31, %add3A_195 : i32
      %dma_start3A_197 = arith.constant 0 : i32
      %dma_start3A_198 = arith.constant 0 : i32
      %dma_start3A_199 = tpu.memref_slice %arg9[%dma_start3A_197, %dma_start3A_198] : memref<256x128xf32, #tpu.memory_space<vmem>> -> memref<128x128xf32, #tpu.memory_space<vmem>>
      %dma_start3A_200 = arith.constant 0 : i32
      %dma_start3A_201 = tpu.memref_slice %arg8[%add3A_196, %dma_start3A_200] : memref<40x128xi32, #tpu.memory_space<vmem>> -> memref<1x128xi32, #tpu.memory_space<vmem>>
      %dma_start3A_202 = tpu.memref_squeeze %dma_start3A_201 : memref<1x128xi32, #tpu.memory_space<vmem>> -> memref<128xi32, #tpu.memory_space<vmem>>
      %dma_start3A_203 = arith.constant 0 : i32
      %dma_start3A_204 = arith.constant 0 : i32
      %dma_start3A_205 = tpu.memref_slice %arg10[%dma_start3A_203, %dma_start3A_204] : memref<10112x128xf32, #tpu.memory_space<vmem_shared>> -> memref<10112x128xf32, #tpu.memory_space<vmem_shared>>
      tpu.enqueue_indirect_dma source(%dma_start3A_199 : memref<128x128xf32, #tpu.memory_space<vmem>>) target(%dma_start3A_205 : memref<10112x128xf32, #tpu.memory_space<vmem_shared>>) offsets(%dma_start3A_202 : memref<128xi32, #tpu.memory_space<vmem>>) semaphore(%arg13 : memref<!tpu.dma_semaphore, #tpu.memory_space<semaphore_mem>>) {add = true}
      %dma_wait3A_206 = arith.constant 128 : i32
      %dma_wait3A_207 = arith.constant 0 : i32
      %dma_wait3A_208 = tpu.memref_slice %arg9[%dma_wait3A_206, %dma_wait3A_207] : memref<256x128xf32, #tpu.memory_space<vmem>> -> memref<128x128xf32, #tpu.memory_space<vmem>>
      %dma_wait3A_209 = arith.constant 0 : i32
      %dma_wait3A_210 = tpu.memref_slice %arg8[%add3A_130, %dma_wait3A_209] : memref<40x128xi32, #tpu.memory_space<vmem>> -> memref<1x128xi32, #tpu.memory_space<vmem>>
      %dma_wait3A_211 = tpu.memref_squeeze %dma_wait3A_210 : memref<1x128xi32, #tpu.memory_space<vmem>> -> memref<128xi32, #tpu.memory_space<vmem>>
      %dma_wait3A_212 = arith.constant 0 : i32
      %dma_wait3A_213 = arith.constant 0 : i32
      %dma_wait3A_214 = tpu.memref_slice %arg10[%dma_wait3A_212, %dma_wait3A_213] : memref<10112x128xf32, #tpu.memory_space<vmem_shared>> -> memref<10112x128xf32, #tpu.memory_space<vmem_shared>>
      tpu.wait_indirect_dma semaphore(%arg14 : memref<!tpu.dma_semaphore, #tpu.memory_space<semaphore_mem>>) src(%dma_wait3A_208 : memref<128x128xf32, #tpu.memory_space<vmem>>) dst(%dma_wait3A_214 : memref<10112x128xf32, #tpu.memory_space<vmem_shared>>)
      %add3A_215 = arith.constant 3 : i32
      %add3A_216 = arith.addi %add3A_31, %add3A_215 : i32
      %dma_start3A_217 = arith.constant 128 : i32
      %dma_start3A_218 = arith.constant 0 : i32
      %dma_start3A_219 = tpu.memref_slice %arg9[%dma_start3A_217, %dma_start3A_218] : memref<256x128xf32, #tpu.memory_space<vmem>> -> memref<64x128xf32, #tpu.memory_space<vmem>>
      %dma_start3A_220 = arith.constant 0 : i32
      %dma_start3A_221 = tpu.memref_slice %arg7[%add3A_216, %dma_start3A_220] : memref<40x128xi32, #tpu.memory_space<vmem>> -> memref<1x128xi32, #tpu.memory_space<vmem>>
      %dma_start3A_222 = tpu.memref_squeeze %dma_start3A_221 : memref<1x128xi32, #tpu.memory_space<vmem>> -> memref<128xi32, #tpu.memory_space<vmem>>
      %dma_start3A_223 = arith.constant 0 : i32
      %dma_start3A_224 = tpu.memref_slice %dma_start3A_222[%dma_start3A_223] : memref<128xi32, #tpu.memory_space<vmem>> -> memref<64xi32, #tpu.memory_space<vmem>>
      %dma_start3A_225 = arith.constant 0 : i32
      %dma_start3A_226 = arith.constant 0 : i32
      %dma_start3A_227 = tpu.memref_slice %arg2[%dma_start3A_225, %dma_start3A_226] : memref<20000x128xf32, #tpu.memory_space<hbm>> -> memref<20000x128xf32, #tpu.memory_space<hbm>>
      tpu.enqueue_indirect_dma source(%dma_start3A_227 : memref<20000x128xf32, #tpu.memory_space<hbm>>) target(%dma_start3A_219 : memref<64x128xf32, #tpu.memory_space<vmem>>) offsets(%dma_start3A_224 : memref<64xi32, #tpu.memory_space<vmem>>) semaphore(%arg12 : memref<!tpu.dma_semaphore, #tpu.memory_space<semaphore_mem>>)
      %dma_start3A_228 = arith.constant 192 : i32
      %dma_start3A_229 = arith.constant 0 : i32
      %dma_start3A_230 = tpu.memref_slice %arg9[%dma_start3A_228, %dma_start3A_229] : memref<256x128xf32, #tpu.memory_space<vmem>> -> memref<64x128xf32, #tpu.memory_space<vmem>>
      %dma_start3A_231 = arith.constant 0 : i32
      %dma_start3A_232 = tpu.memref_slice %arg7[%add3A_216, %dma_start3A_231] : memref<40x128xi32, #tpu.memory_space<vmem>> -> memref<1x128xi32, #tpu.memory_space<vmem>>
      %dma_start3A_233 = tpu.memref_squeeze %dma_start3A_232 : memref<1x128xi32, #tpu.memory_space<vmem>> -> memref<128xi32, #tpu.memory_space<vmem>>
      %dma_start3A_234 = arith.constant 64 : i32
      %dma_start3A_235 = tpu.memref_slice %dma_start3A_233[%dma_start3A_234] : memref<128xi32, #tpu.memory_space<vmem>> -> memref<64xi32, #tpu.memory_space<vmem>>
      %dma_start3A_236 = arith.constant 0 : i32
      %dma_start3A_237 = arith.constant 0 : i32
      %dma_start3A_238 = tpu.memref_slice %arg2[%dma_start3A_236, %dma_start3A_237] : memref<20000x128xf32, #tpu.memory_space<hbm>> -> memref<20000x128xf32, #tpu.memory_space<hbm>>
      tpu.enqueue_indirect_dma source(%dma_start3A_238 : memref<20000x128xf32, #tpu.memory_space<hbm>>) target(%dma_start3A_230 : memref<64x128xf32, #tpu.memory_space<vmem>>) offsets(%dma_start3A_235 : memref<64xi32, #tpu.memory_space<vmem>>) semaphore(%arg12 : memref<!tpu.dma_semaphore, #tpu.memory_space<semaphore_mem>>)
      %dma_wait3A_239 = arith.constant 128 : i32
      %dma_wait3A_240 = arith.constant 0 : i32
      %dma_wait3A_241 = tpu.memref_slice %arg9[%dma_wait3A_239, %dma_wait3A_240] : memref<256x128xf32, #tpu.memory_space<vmem>> -> memref<64x128xf32, #tpu.memory_space<vmem>>
      %dma_wait3A_242 = arith.constant 0 : i32
      %dma_wait3A_243 = tpu.memref_slice %arg7[%add3A_216, %dma_wait3A_242] : memref<40x128xi32, #tpu.memory_space<vmem>> -> memref<1x128xi32, #tpu.memory_space<vmem>>
      %dma_wait3A_244 = tpu.memref_squeeze %dma_wait3A_243 : memref<1x128xi32, #tpu.memory_space<vmem>> -> memref<128xi32, #tpu.memory_space<vmem>>
      %dma_wait3A_245 = arith.constant 0 : i32
      %dma_wait3A_246 = tpu.memref_slice %dma_wait3A_244[%dma_wait3A_245] : memref<128xi32, #tpu.memory_space<vmem>> -> memref<64xi32, #tpu.memory_space<vmem>>
      %dma_wait3A_247 = arith.constant 0 : i32
      %dma_wait3A_248 = arith.constant 0 : i32
      %dma_wait3A_249 = tpu.memref_slice %arg2[%dma_wait3A_247, %dma_wait3A_248] : memref<20000x128xf32, #tpu.memory_space<hbm>> -> memref<20000x128xf32, #tpu.memory_space<hbm>>
      tpu.wait_indirect_dma semaphore(%arg12 : memref<!tpu.dma_semaphore, #tpu.memory_space<semaphore_mem>>) src(%dma_wait3A_249 : memref<20000x128xf32, #tpu.memory_space<hbm>>) dst(%dma_wait3A_241 : memref<64x128xf32, #tpu.memory_space<vmem>>)
      %dma_wait3A_250 = arith.constant 192 : i32
      %dma_wait3A_251 = arith.constant 0 : i32
      %dma_wait3A_252 = tpu.memref_slice %arg9[%dma_wait3A_250, %dma_wait3A_251] : memref<256x128xf32, #tpu.memory_space<vmem>> -> memref<64x128xf32, #tpu.memory_space<vmem>>
      %dma_wait3A_253 = arith.constant 0 : i32
      %dma_wait3A_254 = tpu.memref_slice %arg7[%add3A_216, %dma_wait3A_253] : memref<40x128xi32, #tpu.memory_space<vmem>> -> memref<1x128xi32, #tpu.memory_space<vmem>>
      %dma_wait3A_255 = tpu.memref_squeeze %dma_wait3A_254 : memref<1x128xi32, #tpu.memory_space<vmem>> -> memref<128xi32, #tpu.memory_space<vmem>>
      %dma_wait3A_256 = arith.constant 64 : i32
      %dma_wait3A_257 = tpu.memref_slice %dma_wait3A_255[%dma_wait3A_256] : memref<128xi32, #tpu.memory_space<vmem>> -> memref<64xi32, #tpu.memory_space<vmem>>
      %dma_wait3A_258 = arith.constant 0 : i32
      %dma_wait3A_259 = arith.constant 0 : i32
      %dma_wait3A_260 = tpu.memref_slice %arg2[%dma_wait3A_258, %dma_wait3A_259] : memref<20000x128xf32, #tpu.memory_space<hbm>> -> memref<20000x128xf32, #tpu.memory_space<hbm>>
      tpu.wait_indirect_dma semaphore(%arg12 : memref<!tpu.dma_semaphore, #tpu.memory_space<semaphore_mem>>) src(%dma_wait3A_260 : memref<20000x128xf32, #tpu.memory_space<hbm>>) dst(%dma_wait3A_252 : memref<64x128xf32, #tpu.memory_space<vmem>>)
      %add3A_261 = arith.constant 3 : i32
      %add3A_262 = arith.addi %add3A_31, %add3A_261 : i32
      %dma_start3A_263 = arith.constant 128 : i32
      %dma_start3A_264 = arith.constant 0 : i32
      %dma_start3A_265 = tpu.memref_slice %arg9[%dma_start3A_263, %dma_start3A_264] : memref<256x128xf32, #tpu.memory_space<vmem>> -> memref<128x128xf32, #tpu.memory_space<vmem>>
      %dma_start3A_266 = arith.constant 0 : i32
      %dma_start3A_267 = tpu.memref_slice %arg8[%add3A_262, %dma_start3A_266] : memref<40x128xi32, #tpu.memory_space<vmem>> -> memref<1x128xi32, #tpu.memory_space<vmem>>
      %dma_start3A_268 = tpu.memref_squeeze %dma_start3A_267 : memref<1x128xi32, #tpu.memory_space<vmem>> -> memref<128xi32, #tpu.memory_space<vmem>>
      %dma_start3A_269 = arith.constant 0 : i32
      %dma_start3A_270 = arith.constant 0 : i32
      %dma_start3A_271 = tpu.memref_slice %arg10[%dma_start3A_269, %dma_start3A_270] : memref<10112x128xf32, #tpu.memory_space<vmem_shared>> -> memref<10112x128xf32, #tpu.memory_space<vmem_shared>>
      tpu.enqueue_indirect_dma source(%dma_start3A_265 : memref<128x128xf32, #tpu.memory_space<vmem>>) target(%dma_start3A_271 : memref<10112x128xf32, #tpu.memory_space<vmem_shared>>) offsets(%dma_start3A_268 : memref<128xi32, #tpu.memory_space<vmem>>) semaphore(%arg14 : memref<!tpu.dma_semaphore, #tpu.memory_space<semaphore_mem>>) {add = true}
      %dma_wait3A_272 = arith.constant 0 : i32
      %dma_wait3A_273 = arith.constant 0 : i32
      %dma_wait3A_274 = tpu.memref_slice %arg9[%dma_wait3A_272, %dma_wait3A_273] : memref<256x128xf32, #tpu.memory_space<vmem>> -> memref<128x128xf32, #tpu.memory_space<vmem>>
      %dma_wait3A_275 = arith.constant 0 : i32
      %dma_wait3A_276 = tpu.memref_slice %arg8[%add3A_196, %dma_wait3A_275] : memref<40x128xi32, #tpu.memory_space<vmem>> -> memref<1x128xi32, #tpu.memory_space<vmem>>
      %dma_wait3A_277 = tpu.memref_squeeze %dma_wait3A_276 : memref<1x128xi32, #tpu.memory_space<vmem>> -> memref<128xi32, #tpu.memory_space<vmem>>
      %dma_wait3A_278 = arith.constant 0 : i32
      %dma_wait3A_279 = arith.constant 0 : i32
      %dma_wait3A_280 = tpu.memref_slice %arg10[%dma_wait3A_278, %dma_wait3A_279] : memref<10112x128xf32, #tpu.memory_space<vmem_shared>> -> memref<10112x128xf32, #tpu.memory_space<vmem_shared>>
      tpu.wait_indirect_dma semaphore(%arg13 : memref<!tpu.dma_semaphore, #tpu.memory_space<semaphore_mem>>) src(%dma_wait3A_274 : memref<128x128xf32, #tpu.memory_space<vmem>>) dst(%dma_wait3A_280 : memref<10112x128xf32, #tpu.memory_space<vmem_shared>>)
      %dma_wait3A_281 = arith.constant 128 : i32
      %dma_wait3A_282 = arith.constant 0 : i32
      %dma_wait3A_283 = tpu.memref_slice %arg9[%dma_wait3A_281, %dma_wait3A_282] : memref<256x128xf32, #tpu.memory_space<vmem>> -> memref<128x128xf32, #tpu.memory_space<vmem>>
      %dma_wait3A_284 = arith.constant 0 : i32
      %dma_wait3A_285 = tpu.memref_slice %arg8[%add3A_262, %dma_wait3A_284] : memref<40x128xi32, #tpu.memory_space<vmem>> -> memref<1x128xi32, #tpu.memory_space<vmem>>
      %dma_wait3A_286 = tpu.memref_squeeze %dma_wait3A_285 : memref<1x128xi32, #tpu.memory_space<vmem>> -> memref<128xi32, #tpu.memory_space<vmem>>
      %dma_wait3A_287 = arith.constant 0 : i32
      %dma_wait3A_288 = arith.constant 0 : i32
      %dma_wait3A_289 = tpu.memref_slice %arg10[%dma_wait3A_287, %dma_wait3A_288] : memref<10112x128xf32, #tpu.memory_space<vmem_shared>> -> memref<10112x128xf32, #tpu.memory_space<vmem_shared>>
      tpu.wait_indirect_dma semaphore(%arg14 : memref<!tpu.dma_semaphore, #tpu.memory_space<semaphore_mem>>) src(%dma_wait3A_283 : memref<128x128xf32, #tpu.memory_space<vmem>>) dst(%dma_wait3A_289 : memref<10112x128xf32, #tpu.memory_space<vmem_shared>>)
    }
    %scan3A_14 = arith.constant 10 : i32
    %add3A_15 = arith.constant 40 : i32
    %add3A_16 = arith.addi %add3A, %add3A_15 : i32
    "tpu.region"() ({
      %run_scoped3A = tpu.sem_alloc : memref<!tpu.dma_semaphore, #tpu.memory_space<semaphore_mem>>
      %dma_start3A = arith.constant 0 : i32
      %dma_start3A_27 = tpu.memref_slice %arg3[%add3A_16, %dma_start3A] : memref<2560x128xi32, #tpu.memory_space<hbm>> -> memref<40x128xi32, #tpu.memory_space<hbm>>
      %dma_start3A_28 = arith.constant 0 : i32
      %dma_start3A_29 = tpu.memref_slice %arg3[%add3A_16, %dma_start3A_28] : memref<2560x128xi32, #tpu.memory_space<hbm>> -> memref<40x128xi32, #tpu.memory_space<hbm>>
      tpu.enqueue_dma source(%dma_start3A_29 : memref<40x128xi32, #tpu.memory_space<hbm>>) target(%arg7 : memref<40x128xi32, #tpu.memory_space<vmem>>) target_semaphore(%run_scoped3A : memref<!tpu.dma_semaphore, #tpu.memory_space<semaphore_mem>>)
      %dma_wait3A = arith.constant 0 : i32
      %dma_wait3A_30 = tpu.memref_slice %arg3[%add3A_16, %dma_wait3A] : memref<2560x128xi32, #tpu.memory_space<hbm>> -> memref<40x128xi32, #tpu.memory_space<hbm>>
      %dma_wait3A_31 = arith.constant 0 : i32
      %dma_wait3A_32 = tpu.memref_slice %arg3[%add3A_16, %dma_wait3A_31] : memref<2560x128xi32, #tpu.memory_space<hbm>> -> memref<40x128xi32, #tpu.memory_space<hbm>>
      tpu.wait_dma2 semaphore(%run_scoped3A : memref<!tpu.dma_semaphore, #tpu.memory_space<semaphore_mem>>) src(%dma_wait3A_32 : memref<40x128xi32, #tpu.memory_space<hbm>>) dst(%arg7 : memref<40x128xi32, #tpu.memory_space<vmem>>)
      tpu.yield
    }) : () -> ()
    %add3A_17 = arith.constant 40 : i32
    %add3A_18 = arith.addi %mul3A_0, %add3A_17 : i32
    "tpu.region"() ({
      %run_scoped3A = tpu.sem_alloc : memref<!tpu.dma_semaphore, #tpu.memory_space<semaphore_mem>>
      %dma_start3A = arith.constant 0 : i32
      %dma_start3A_27 = tpu.memref_slice %arg4[%add3A_18, %dma_start3A] : memref<1280x128xi32, #tpu.memory_space<hbm>> -> memref<40x128xi32, #tpu.memory_space<hbm>>
      %dma_start3A_28 = arith.constant 0 : i32
      %dma_start3A_29 = tpu.memref_slice %arg4[%add3A_18, %dma_start3A_28] : memref<1280x128xi32, #tpu.memory_space<hbm>> -> memref<40x128xi32, #tpu.memory_space<hbm>>
      tpu.enqueue_dma source(%dma_start3A_29 : memref<40x128xi32, #tpu.memory_space<hbm>>) target(%arg8 : memref<40x128xi32, #tpu.memory_space<vmem>>) target_semaphore(%run_scoped3A : memref<!tpu.dma_semaphore, #tpu.memory_space<semaphore_mem>>)
      %dma_wait3A = arith.constant 0 : i32
      %dma_wait3A_30 = tpu.memref_slice %arg4[%add3A_18, %dma_wait3A] : memref<1280x128xi32, #tpu.memory_space<hbm>> -> memref<40x128xi32, #tpu.memory_space<hbm>>
      %dma_wait3A_31 = arith.constant 0 : i32
      %dma_wait3A_32 = tpu.memref_slice %arg4[%add3A_18, %dma_wait3A_31] : memref<1280x128xi32, #tpu.memory_space<hbm>> -> memref<40x128xi32, #tpu.memory_space<hbm>>
      tpu.wait_dma2 semaphore(%run_scoped3A : memref<!tpu.dma_semaphore, #tpu.memory_space<semaphore_mem>>) src(%dma_wait3A_32 : memref<40x128xi32, #tpu.memory_space<hbm>>) dst(%arg8 : memref<40x128xi32, #tpu.memory_space<vmem>>)
      tpu.yield
    }) : () -> ()
    %scan3A_19 = arith.constant 0 : i32
    %scan3A_20 = arith.constant 10 : i32
    %scan3A_21 = arith.addi %scan3A_19, %scan3A_20 : i32
    %scan3A_22 = arith.constant 1 : i32
    scf.for %scan3A_27 = %scan3A_19 to %scan3A_21 step %scan3A_22  : i32 {
      %mul3A_28 = arith.constant 4 : i32
      %mul3A_29 = arith.muli %scan3A_27, %mul3A_28 : i32
      %add3A_30 = arith.constant 0 : i32
      %add3A_31 = arith.addi %add3A_30, %mul3A_29 : i32
      %dma_start3A = arith.constant 0 : i32
      %dma_start3A_32 = arith.constant 0 : i32
      %dma_start3A_33 = tpu.memref_slice %arg9[%dma_start3A, %dma_start3A_32] : memref<256x128xf32, #tpu.memory_space<vmem>> -> memref<64x128xf32, #tpu.memory_space<vmem>>
      %dma_start3A_34 = arith.constant 0 : i32
      %dma_start3A_35 = tpu.memref_slice %arg7[%add3A_31, %dma_start3A_34] : memref<40x128xi32, #tpu.memory_space<vmem>> -> memref<1x128xi32, #tpu.memory_space<vmem>>
      %dma_start3A_36 = tpu.memref_squeeze %dma_start3A_35 : memref<1x128xi32, #tpu.memory_space<vmem>> -> memref<128xi32, #tpu.memory_space<vmem>>
      %dma_start3A_37 = arith.constant 0 : i32
      %dma_start3A_38 = tpu.memref_slice %dma_start3A_36[%dma_start3A_37] : memref<128xi32, #tpu.memory_space<vmem>> -> memref<64xi32, #tpu.memory_space<vmem>>
      %dma_start3A_39 = arith.constant 0 : i32
      %dma_start3A_40 = arith.constant 0 : i32
      %dma_start3A_41 = tpu.memref_slice %arg2[%dma_start3A_39, %dma_start3A_40] : memref<20000x128xf32, #tpu.memory_space<hbm>> -> memref<20000x128xf32, #tpu.memory_space<hbm>>
      tpu.enqueue_indirect_dma source(%dma_start3A_41 : memref<20000x128xf32, #tpu.memory_space<hbm>>) target(%dma_start3A_33 : memref<64x128xf32, #tpu.memory_space<vmem>>) offsets(%dma_start3A_38 : memref<64xi32, #tpu.memory_space<vmem>>) semaphore(%arg11 : memref<!tpu.dma_semaphore, #tpu.memory_space<semaphore_mem>>)
      %dma_start3A_42 = arith.constant 64 : i32
      %dma_start3A_43 = arith.constant 0 : i32
      %dma_start3A_44 = tpu.memref_slice %arg9[%dma_start3A_42, %dma_start3A_43] : memref<256x128xf32, #tpu.memory_space<vmem>> -> memref<64x128xf32, #tpu.memory_space<vmem>>
      %dma_start3A_45 = arith.constant 0 : i32
      %dma_start3A_46 = tpu.memref_slice %arg7[%add3A_31, %dma_start3A_45] : memref<40x128xi32, #tpu.memory_space<vmem>> -> memref<1x128xi32, #tpu.memory_space<vmem>>
      %dma_start3A_47 = tpu.memref_squeeze %dma_start3A_46 : memref<1x128xi32, #tpu.memory_space<vmem>> -> memref<128xi32, #tpu.memory_space<vmem>>
      %dma_start3A_48 = arith.constant 64 : i32
      %dma_start3A_49 = tpu.memref_slice %dma_start3A_47[%dma_start3A_48] : memref<128xi32, #tpu.memory_space<vmem>> -> memref<64xi32, #tpu.memory_space<vmem>>
      %dma_start3A_50 = arith.constant 0 : i32
      %dma_start3A_51 = arith.constant 0 : i32
      %dma_start3A_52 = tpu.memref_slice %arg2[%dma_start3A_50, %dma_start3A_51] : memref<20000x128xf32, #tpu.memory_space<hbm>> -> memref<20000x128xf32, #tpu.memory_space<hbm>>
      tpu.enqueue_indirect_dma source(%dma_start3A_52 : memref<20000x128xf32, #tpu.memory_space<hbm>>) target(%dma_start3A_44 : memref<64x128xf32, #tpu.memory_space<vmem>>) offsets(%dma_start3A_49 : memref<64xi32, #tpu.memory_space<vmem>>) semaphore(%arg11 : memref<!tpu.dma_semaphore, #tpu.memory_space<semaphore_mem>>)
      %add3A_53 = arith.constant 1 : i32
      %add3A_54 = arith.addi %add3A_31, %add3A_53 : i32
      %dma_start3A_55 = arith.constant 128 : i32
      %dma_start3A_56 = arith.constant 0 : i32
      %dma_start3A_57 = tpu.memref_slice %arg9[%dma_start3A_55, %dma_start3A_56] : memref<256x128xf32, #tpu.memory_space<vmem>> -> memref<64x128xf32, #tpu.memory_space<vmem>>
      %dma_start3A_58 = arith.constant 0 : i32
      %dma_start3A_59 = tpu.memref_slice %arg7[%add3A_54, %dma_start3A_58] : memref<40x128xi32, #tpu.memory_space<vmem>> -> memref<1x128xi32, #tpu.memory_space<vmem>>
      %dma_start3A_60 = tpu.memref_squeeze %dma_start3A_59 : memref<1x128xi32, #tpu.memory_space<vmem>> -> memref<128xi32, #tpu.memory_space<vmem>>
      %dma_start3A_61 = arith.constant 0 : i32
      %dma_start3A_62 = tpu.memref_slice %dma_start3A_60[%dma_start3A_61] : memref<128xi32, #tpu.memory_space<vmem>> -> memref<64xi32, #tpu.memory_space<vmem>>
      %dma_start3A_63 = arith.constant 0 : i32
      %dma_start3A_64 = arith.constant 0 : i32
      %dma_start3A_65 = tpu.memref_slice %arg2[%dma_start3A_63, %dma_start3A_64] : memref<20000x128xf32, #tpu.memory_space<hbm>> -> memref<20000x128xf32, #tpu.memory_space<hbm>>
      tpu.enqueue_indirect_dma source(%dma_start3A_65 : memref<20000x128xf32, #tpu.memory_space<hbm>>) target(%dma_start3A_57 : memref<64x128xf32, #tpu.memory_space<vmem>>) offsets(%dma_start3A_62 : memref<64xi32, #tpu.memory_space<vmem>>) semaphore(%arg12 : memref<!tpu.dma_semaphore, #tpu.memory_space<semaphore_mem>>)
      %dma_start3A_66 = arith.constant 192 : i32
      %dma_start3A_67 = arith.constant 0 : i32
      %dma_start3A_68 = tpu.memref_slice %arg9[%dma_start3A_66, %dma_start3A_67] : memref<256x128xf32, #tpu.memory_space<vmem>> -> memref<64x128xf32, #tpu.memory_space<vmem>>
      %dma_start3A_69 = arith.constant 0 : i32
      %dma_start3A_70 = tpu.memref_slice %arg7[%add3A_54, %dma_start3A_69] : memref<40x128xi32, #tpu.memory_space<vmem>> -> memref<1x128xi32, #tpu.memory_space<vmem>>
      %dma_start3A_71 = tpu.memref_squeeze %dma_start3A_70 : memref<1x128xi32, #tpu.memory_space<vmem>> -> memref<128xi32, #tpu.memory_space<vmem>>
      %dma_start3A_72 = arith.constant 64 : i32
      %dma_start3A_73 = tpu.memref_slice %dma_start3A_71[%dma_start3A_72] : memref<128xi32, #tpu.memory_space<vmem>> -> memref<64xi32, #tpu.memory_space<vmem>>
      %dma_start3A_74 = arith.constant 0 : i32
      %dma_start3A_75 = arith.constant 0 : i32
      %dma_start3A_76 = tpu.memref_slice %arg2[%dma_start3A_74, %dma_start3A_75] : memref<20000x128xf32, #tpu.memory_space<hbm>> -> memref<20000x128xf32, #tpu.memory_space<hbm>>
      tpu.enqueue_indirect_dma source(%dma_start3A_76 : memref<20000x128xf32, #tpu.memory_space<hbm>>) target(%dma_start3A_68 : memref<64x128xf32, #tpu.memory_space<vmem>>) offsets(%dma_start3A_73 : memref<64xi32, #tpu.memory_space<vmem>>) semaphore(%arg12 : memref<!tpu.dma_semaphore, #tpu.memory_space<semaphore_mem>>)
      %dma_wait3A = arith.constant 0 : i32
      %dma_wait3A_77 = arith.constant 0 : i32
      %dma_wait3A_78 = tpu.memref_slice %arg9[%dma_wait3A, %dma_wait3A_77] : memref<256x128xf32, #tpu.memory_space<vmem>> -> memref<64x128xf32, #tpu.memory_space<vmem>>
      %dma_wait3A_79 = arith.constant 0 : i32
      %dma_wait3A_80 = tpu.memref_slice %arg7[%add3A_31, %dma_wait3A_79] : memref<40x128xi32, #tpu.memory_space<vmem>> -> memref<1x128xi32, #tpu.memory_space<vmem>>
      %dma_wait3A_81 = tpu.memref_squeeze %dma_wait3A_80 : memref<1x128xi32, #tpu.memory_space<vmem>> -> memref<128xi32, #tpu.memory_space<vmem>>
      %dma_wait3A_82 = arith.constant 0 : i32
      %dma_wait3A_83 = tpu.memref_slice %dma_wait3A_81[%dma_wait3A_82] : memref<128xi32, #tpu.memory_space<vmem>> -> memref<64xi32, #tpu.memory_space<vmem>>
      %dma_wait3A_84 = arith.constant 0 : i32
      %dma_wait3A_85 = arith.constant 0 : i32
      %dma_wait3A_86 = tpu.memref_slice %arg2[%dma_wait3A_84, %dma_wait3A_85] : memref<20000x128xf32, #tpu.memory_space<hbm>> -> memref<20000x128xf32, #tpu.memory_space<hbm>>
      tpu.wait_indirect_dma semaphore(%arg11 : memref<!tpu.dma_semaphore, #tpu.memory_space<semaphore_mem>>) src(%dma_wait3A_86 : memref<20000x128xf32, #tpu.memory_space<hbm>>) dst(%dma_wait3A_78 : memref<64x128xf32, #tpu.memory_space<vmem>>)
      %dma_wait3A_87 = arith.constant 64 : i32
      %dma_wait3A_88 = arith.constant 0 : i32
      %dma_wait3A_89 = tpu.memref_slice %arg9[%dma_wait3A_87, %dma_wait3A_88] : memref<256x128xf32, #tpu.memory_space<vmem>> -> memref<64x128xf32, #tpu.memory_space<vmem>>
      %dma_wait3A_90 = arith.constant 0 : i32
      %dma_wait3A_91 = tpu.memref_slice %arg7[%add3A_31, %dma_wait3A_90] : memref<40x128xi32, #tpu.memory_space<vmem>> -> memref<1x128xi32, #tpu.memory_space<vmem>>
      %dma_wait3A_92 = tpu.memref_squeeze %dma_wait3A_91 : memref<1x128xi32, #tpu.memory_space<vmem>> -> memref<128xi32, #tpu.memory_space<vmem>>
      %dma_wait3A_93 = arith.constant 64 : i32
      %dma_wait3A_94 = tpu.memref_slice %dma_wait3A_92[%dma_wait3A_93] : memref<128xi32, #tpu.memory_space<vmem>> -> memref<64xi32, #tpu.memory_space<vmem>>
      %dma_wait3A_95 = arith.constant 0 : i32
      %dma_wait3A_96 = arith.constant 0 : i32
      %dma_wait3A_97 = tpu.memref_slice %arg2[%dma_wait3A_95, %dma_wait3A_96] : memref<20000x128xf32, #tpu.memory_space<hbm>> -> memref<20000x128xf32, #tpu.memory_space<hbm>>
      tpu.wait_indirect_dma semaphore(%arg11 : memref<!tpu.dma_semaphore, #tpu.memory_space<semaphore_mem>>) src(%dma_wait3A_97 : memref<20000x128xf32, #tpu.memory_space<hbm>>) dst(%dma_wait3A_89 : memref<64x128xf32, #tpu.memory_space<vmem>>)
      %dma_start3A_98 = arith.constant 0 : i32
      %dma_start3A_99 = arith.constant 0 : i32
      %dma_start3A_100 = tpu.memref_slice %arg9[%dma_start3A_98, %dma_start3A_99] : memref<256x128xf32, #tpu.memory_space<vmem>> -> memref<128x128xf32, #tpu.memory_space<vmem>>
      %dma_start3A_101 = arith.constant 0 : i32
      %dma_start3A_102 = tpu.memref_slice %arg8[%add3A_31, %dma_start3A_101] : memref<40x128xi32, #tpu.memory_space<vmem>> -> memref<1x128xi32, #tpu.memory_space<vmem>>
      %dma_start3A_103 = tpu.memref_squeeze %dma_start3A_102 : memref<1x128xi32, #tpu.memory_space<vmem>> -> memref<128xi32, #tpu.memory_space<vmem>>
      %dma_start3A_104 = arith.constant 0 : i32
      %dma_start3A_105 = arith.constant 0 : i32
      %dma_start3A_106 = tpu.memref_slice %arg10[%dma_start3A_104, %dma_start3A_105] : memref<10112x128xf32, #tpu.memory_space<vmem_shared>> -> memref<10112x128xf32, #tpu.memory_space<vmem_shared>>
      tpu.enqueue_indirect_dma source(%dma_start3A_100 : memref<128x128xf32, #tpu.memory_space<vmem>>) target(%dma_start3A_106 : memref<10112x128xf32, #tpu.memory_space<vmem_shared>>) offsets(%dma_start3A_103 : memref<128xi32, #tpu.memory_space<vmem>>) semaphore(%arg13 : memref<!tpu.dma_semaphore, #tpu.memory_space<semaphore_mem>>) {add = true}
      %dma_wait3A_107 = arith.constant 128 : i32
      %dma_wait3A_108 = arith.constant 0 : i32
      %dma_wait3A_109 = tpu.memref_slice %arg9[%dma_wait3A_107, %dma_wait3A_108] : memref<256x128xf32, #tpu.memory_space<vmem>> -> memref<64x128xf32, #tpu.memory_space<vmem>>
      %dma_wait3A_110 = arith.constant 0 : i32
      %dma_wait3A_111 = tpu.memref_slice %arg7[%add3A_54, %dma_wait3A_110] : memref<40x128xi32, #tpu.memory_space<vmem>> -> memref<1x128xi32, #tpu.memory_space<vmem>>
      %dma_wait3A_112 = tpu.memref_squeeze %dma_wait3A_111 : memref<1x128xi32, #tpu.memory_space<vmem>> -> memref<128xi32, #tpu.memory_space<vmem>>
      %dma_wait3A_113 = arith.constant 0 : i32
      %dma_wait3A_114 = tpu.memref_slice %dma_wait3A_112[%dma_wait3A_113] : memref<128xi32, #tpu.memory_space<vmem>> -> memref<64xi32, #tpu.memory_space<vmem>>
      %dma_wait3A_115 = arith.constant 0 : i32
      %dma_wait3A_116 = arith.constant 0 : i32
      %dma_wait3A_117 = tpu.memref_slice %arg2[%dma_wait3A_115, %dma_wait3A_116] : memref<20000x128xf32, #tpu.memory_space<hbm>> -> memref<20000x128xf32, #tpu.memory_space<hbm>>
      tpu.wait_indirect_dma semaphore(%arg12 : memref<!tpu.dma_semaphore, #tpu.memory_space<semaphore_mem>>) src(%dma_wait3A_117 : memref<20000x128xf32, #tpu.memory_space<hbm>>) dst(%dma_wait3A_109 : memref<64x128xf32, #tpu.memory_space<vmem>>)
      %dma_wait3A_118 = arith.constant 192 : i32
      %dma_wait3A_119 = arith.constant 0 : i32
      %dma_wait3A_120 = tpu.memref_slice %arg9[%dma_wait3A_118, %dma_wait3A_119] : memref<256x128xf32, #tpu.memory_space<vmem>> -> memref<64x128xf32, #tpu.memory_space<vmem>>
      %dma_wait3A_121 = arith.constant 0 : i32
      %dma_wait3A_122 = tpu.memref_slice %arg7[%add3A_54, %dma_wait3A_121] : memref<40x128xi32, #tpu.memory_space<vmem>> -> memref<1x128xi32, #tpu.memory_space<vmem>>
      %dma_wait3A_123 = tpu.memref_squeeze %dma_wait3A_122 : memref<1x128xi32, #tpu.memory_space<vmem>> -> memref<128xi32, #tpu.memory_space<vmem>>
      %dma_wait3A_124 = arith.constant 64 : i32
      %dma_wait3A_125 = tpu.memref_slice %dma_wait3A_123[%dma_wait3A_124] : memref<128xi32, #tpu.memory_space<vmem>> -> memref<64xi32, #tpu.memory_space<vmem>>
      %dma_wait3A_126 = arith.constant 0 : i32
      %dma_wait3A_127 = arith.constant 0 : i32
      %dma_wait3A_128 = tpu.memref_slice %arg2[%dma_wait3A_126, %dma_wait3A_127] : memref<20000x128xf32, #tpu.memory_space<hbm>> -> memref<20000x128xf32, #tpu.memory_space<hbm>>
      tpu.wait_indirect_dma semaphore(%arg12 : memref<!tpu.dma_semaphore, #tpu.memory_space<semaphore_mem>>) src(%dma_wait3A_128 : memref<20000x128xf32, #tpu.memory_space<hbm>>) dst(%dma_wait3A_120 : memref<64x128xf32, #tpu.memory_space<vmem>>)
      %add3A_129 = arith.constant 1 : i32
      %add3A_130 = arith.addi %add3A_31, %add3A_129 : i32
      %dma_start3A_131 = arith.constant 128 : i32
      %dma_start3A_132 = arith.constant 0 : i32
      %dma_start3A_133 = tpu.memref_slice %arg9[%dma_start3A_131, %dma_start3A_132] : memref<256x128xf32, #tpu.memory_space<vmem>> -> memref<128x128xf32, #tpu.memory_space<vmem>>
      %dma_start3A_134 = arith.constant 0 : i32
      %dma_start3A_135 = tpu.memref_slice %arg8[%add3A_130, %dma_start3A_134] : memref<40x128xi32, #tpu.memory_space<vmem>> -> memref<1x128xi32, #tpu.memory_space<vmem>>
      %dma_start3A_136 = tpu.memref_squeeze %dma_start3A_135 : memref<1x128xi32, #tpu.memory_space<vmem>> -> memref<128xi32, #tpu.memory_space<vmem>>
      %dma_start3A_137 = arith.constant 0 : i32
      %dma_start3A_138 = arith.constant 0 : i32
      %dma_start3A_139 = tpu.memref_slice %arg10[%dma_start3A_137, %dma_start3A_138] : memref<10112x128xf32, #tpu.memory_space<vmem_shared>> -> memref<10112x128xf32, #tpu.memory_space<vmem_shared>>
      tpu.enqueue_indirect_dma source(%dma_start3A_133 : memref<128x128xf32, #tpu.memory_space<vmem>>) target(%dma_start3A_139 : memref<10112x128xf32, #tpu.memory_space<vmem_shared>>) offsets(%dma_start3A_136 : memref<128xi32, #tpu.memory_space<vmem>>) semaphore(%arg14 : memref<!tpu.dma_semaphore, #tpu.memory_space<semaphore_mem>>) {add = true}
      %dma_wait3A_140 = arith.constant 0 : i32
      %dma_wait3A_141 = arith.constant 0 : i32
      %dma_wait3A_142 = tpu.memref_slice %arg9[%dma_wait3A_140, %dma_wait3A_141] : memref<256x128xf32, #tpu.memory_space<vmem>> -> memref<128x128xf32, #tpu.memory_space<vmem>>
      %dma_wait3A_143 = arith.constant 0 : i32
      %dma_wait3A_144 = tpu.memref_slice %arg8[%add3A_31, %dma_wait3A_143] : memref<40x128xi32, #tpu.memory_space<vmem>> -> memref<1x128xi32, #tpu.memory_space<vmem>>
      %dma_wait3A_145 = tpu.memref_squeeze %dma_wait3A_144 : memref<1x128xi32, #tpu.memory_space<vmem>> -> memref<128xi32, #tpu.memory_space<vmem>>
      %dma_wait3A_146 = arith.constant 0 : i32
      %dma_wait3A_147 = arith.constant 0 : i32
      %dma_wait3A_148 = tpu.memref_slice %arg10[%dma_wait3A_146, %dma_wait3A_147] : memref<10112x128xf32, #tpu.memory_space<vmem_shared>> -> memref<10112x128xf32, #tpu.memory_space<vmem_shared>>
      tpu.wait_indirect_dma semaphore(%arg13 : memref<!tpu.dma_semaphore, #tpu.memory_space<semaphore_mem>>) src(%dma_wait3A_142 : memref<128x128xf32, #tpu.memory_space<vmem>>) dst(%dma_wait3A_148 : memref<10112x128xf32, #tpu.memory_space<vmem_shared>>)
      %add3A_149 = arith.constant 2 : i32
      %add3A_150 = arith.addi %add3A_31, %add3A_149 : i32
      %dma_start3A_151 = arith.constant 0 : i32
      %dma_start3A_152 = arith.constant 0 : i32
      %dma_start3A_153 = tpu.memref_slice %arg9[%dma_start3A_151, %dma_start3A_152] : memref<256x128xf32, #tpu.memory_space<vmem>> -> memref<64x128xf32, #tpu.memory_space<vmem>>
      %dma_start3A_154 = arith.constant 0 : i32
      %dma_start3A_155 = tpu.memref_slice %arg7[%add3A_150, %dma_start3A_154] : memref<40x128xi32, #tpu.memory_space<vmem>> -> memref<1x128xi32, #tpu.memory_space<vmem>>
      %dma_start3A_156 = tpu.memref_squeeze %dma_start3A_155 : memref<1x128xi32, #tpu.memory_space<vmem>> -> memref<128xi32, #tpu.memory_space<vmem>>
      %dma_start3A_157 = arith.constant 0 : i32
      %dma_start3A_158 = tpu.memref_slice %dma_start3A_156[%dma_start3A_157] : memref<128xi32, #tpu.memory_space<vmem>> -> memref<64xi32, #tpu.memory_space<vmem>>
      %dma_start3A_159 = arith.constant 0 : i32
      %dma_start3A_160 = arith.constant 0 : i32
      %dma_start3A_161 = tpu.memref_slice %arg2[%dma_start3A_159, %dma_start3A_160] : memref<20000x128xf32, #tpu.memory_space<hbm>> -> memref<20000x128xf32, #tpu.memory_space<hbm>>
      tpu.enqueue_indirect_dma source(%dma_start3A_161 : memref<20000x128xf32, #tpu.memory_space<hbm>>) target(%dma_start3A_153 : memref<64x128xf32, #tpu.memory_space<vmem>>) offsets(%dma_start3A_158 : memref<64xi32, #tpu.memory_space<vmem>>) semaphore(%arg11 : memref<!tpu.dma_semaphore, #tpu.memory_space<semaphore_mem>>)
      %dma_start3A_162 = arith.constant 64 : i32
      %dma_start3A_163 = arith.constant 0 : i32
      %dma_start3A_164 = tpu.memref_slice %arg9[%dma_start3A_162, %dma_start3A_163] : memref<256x128xf32, #tpu.memory_space<vmem>> -> memref<64x128xf32, #tpu.memory_space<vmem>>
      %dma_start3A_165 = arith.constant 0 : i32
      %dma_start3A_166 = tpu.memref_slice %arg7[%add3A_150, %dma_start3A_165] : memref<40x128xi32, #tpu.memory_space<vmem>> -> memref<1x128xi32, #tpu.memory_space<vmem>>
      %dma_start3A_167 = tpu.memref_squeeze %dma_start3A_166 : memref<1x128xi32, #tpu.memory_space<vmem>> -> memref<128xi32, #tpu.memory_space<vmem>>
      %dma_start3A_168 = arith.constant 64 : i32
      %dma_start3A_169 = tpu.memref_slice %dma_start3A_167[%dma_start3A_168] : memref<128xi32, #tpu.memory_space<vmem>> -> memref<64xi32, #tpu.memory_space<vmem>>
      %dma_start3A_170 = arith.constant 0 : i32
      %dma_start3A_171 = arith.constant 0 : i32
      %dma_start3A_172 = tpu.memref_slice %arg2[%dma_start3A_170, %dma_start3A_171] : memref<20000x128xf32, #tpu.memory_space<hbm>> -> memref<20000x128xf32, #tpu.memory_space<hbm>>
      tpu.enqueue_indirect_dma source(%dma_start3A_172 : memref<20000x128xf32, #tpu.memory_space<hbm>>) target(%dma_start3A_164 : memref<64x128xf32, #tpu.memory_space<vmem>>) offsets(%dma_start3A_169 : memref<64xi32, #tpu.memory_space<vmem>>) semaphore(%arg11 : memref<!tpu.dma_semaphore, #tpu.memory_space<semaphore_mem>>)
      %dma_wait3A_173 = arith.constant 0 : i32
      %dma_wait3A_174 = arith.constant 0 : i32
      %dma_wait3A_175 = tpu.memref_slice %arg9[%dma_wait3A_173, %dma_wait3A_174] : memref<256x128xf32, #tpu.memory_space<vmem>> -> memref<64x128xf32, #tpu.memory_space<vmem>>
      %dma_wait3A_176 = arith.constant 0 : i32
      %dma_wait3A_177 = tpu.memref_slice %arg7[%add3A_150, %dma_wait3A_176] : memref<40x128xi32, #tpu.memory_space<vmem>> -> memref<1x128xi32, #tpu.memory_space<vmem>>
      %dma_wait3A_178 = tpu.memref_squeeze %dma_wait3A_177 : memref<1x128xi32, #tpu.memory_space<vmem>> -> memref<128xi32, #tpu.memory_space<vmem>>
      %dma_wait3A_179 = arith.constant 0 : i32
      %dma_wait3A_180 = tpu.memref_slice %dma_wait3A_178[%dma_wait3A_179] : memref<128xi32, #tpu.memory_space<vmem>> -> memref<64xi32, #tpu.memory_space<vmem>>
      %dma_wait3A_181 = arith.constant 0 : i32
      %dma_wait3A_182 = arith.constant 0 : i32
      %dma_wait3A_183 = tpu.memref_slice %arg2[%dma_wait3A_181, %dma_wait3A_182] : memref<20000x128xf32, #tpu.memory_space<hbm>> -> memref<20000x128xf32, #tpu.memory_space<hbm>>
      tpu.wait_indirect_dma semaphore(%arg11 : memref<!tpu.dma_semaphore, #tpu.memory_space<semaphore_mem>>) src(%dma_wait3A_183 : memref<20000x128xf32, #tpu.memory_space<hbm>>) dst(%dma_wait3A_175 : memref<64x128xf32, #tpu.memory_space<vmem>>)
      %dma_wait3A_184 = arith.constant 64 : i32
      %dma_wait3A_185 = arith.constant 0 : i32
      %dma_wait3A_186 = tpu.memref_slice %arg9[%dma_wait3A_184, %dma_wait3A_185] : memref<256x128xf32, #tpu.memory_space<vmem>> -> memref<64x128xf32, #tpu.memory_space<vmem>>
      %dma_wait3A_187 = arith.constant 0 : i32
      %dma_wait3A_188 = tpu.memref_slice %arg7[%add3A_150, %dma_wait3A_187] : memref<40x128xi32, #tpu.memory_space<vmem>> -> memref<1x128xi32, #tpu.memory_space<vmem>>
      %dma_wait3A_189 = tpu.memref_squeeze %dma_wait3A_188 : memref<1x128xi32, #tpu.memory_space<vmem>> -> memref<128xi32, #tpu.memory_space<vmem>>
      %dma_wait3A_190 = arith.constant 64 : i32
      %dma_wait3A_191 = tpu.memref_slice %dma_wait3A_189[%dma_wait3A_190] : memref<128xi32, #tpu.memory_space<vmem>> -> memref<64xi32, #tpu.memory_space<vmem>>
      %dma_wait3A_192 = arith.constant 0 : i32
      %dma_wait3A_193 = arith.constant 0 : i32
      %dma_wait3A_194 = tpu.memref_slice %arg2[%dma_wait3A_192, %dma_wait3A_193] : memref<20000x128xf32, #tpu.memory_space<hbm>> -> memref<20000x128xf32, #tpu.memory_space<hbm>>
      tpu.wait_indirect_dma semaphore(%arg11 : memref<!tpu.dma_semaphore, #tpu.memory_space<semaphore_mem>>) src(%dma_wait3A_194 : memref<20000x128xf32, #tpu.memory_space<hbm>>) dst(%dma_wait3A_186 : memref<64x128xf32, #tpu.memory_space<vmem>>)
      %add3A_195 = arith.constant 2 : i32
      %add3A_196 = arith.addi %add3A_31, %add3A_195 : i32
      %dma_start3A_197 = arith.constant 0 : i32
      %dma_start3A_198 = arith.constant 0 : i32
      %dma_start3A_199 = tpu.memref_slice %arg9[%dma_start3A_197, %dma_start3A_198] : memref<256x128xf32, #tpu.memory_space<vmem>> -> memref<128x128xf32, #tpu.memory_space<vmem>>
      %dma_start3A_200 = arith.constant 0 : i32
      %dma_start3A_201 = tpu.memref_slice %arg8[%add3A_196, %dma_start3A_200] : memref<40x128xi32, #tpu.memory_space<vmem>> -> memref<1x128xi32, #tpu.memory_space<vmem>>
      %dma_start3A_202 = tpu.memref_squeeze %dma_start3A_201 : memref<1x128xi32, #tpu.memory_space<vmem>> -> memref<128xi32, #tpu.memory_space<vmem>>
      %dma_start3A_203 = arith.constant 0 : i32
      %dma_start3A_204 = arith.constant 0 : i32
      %dma_start3A_205 = tpu.memref_slice %arg10[%dma_start3A_203, %dma_start3A_204] : memref<10112x128xf32, #tpu.memory_space<vmem_shared>> -> memref<10112x128xf32, #tpu.memory_space<vmem_shared>>
      tpu.enqueue_indirect_dma source(%dma_start3A_199 : memref<128x128xf32, #tpu.memory_space<vmem>>) target(%dma_start3A_205 : memref<10112x128xf32, #tpu.memory_space<vmem_shared>>) offsets(%dma_start3A_202 : memref<128xi32, #tpu.memory_space<vmem>>) semaphore(%arg13 : memref<!tpu.dma_semaphore, #tpu.memory_space<semaphore_mem>>) {add = true}
      %dma_wait3A_206 = arith.constant 128 : i32
      %dma_wait3A_207 = arith.constant 0 : i32
      %dma_wait3A_208 = tpu.memref_slice %arg9[%dma_wait3A_206, %dma_wait3A_207] : memref<256x128xf32, #tpu.memory_space<vmem>> -> memref<128x128xf32, #tpu.memory_space<vmem>>
      %dma_wait3A_209 = arith.constant 0 : i32
      %dma_wait3A_210 = tpu.memref_slice %arg8[%add3A_130, %dma_wait3A_209] : memref<40x128xi32, #tpu.memory_space<vmem>> -> memref<1x128xi32, #tpu.memory_space<vmem>>
      %dma_wait3A_211 = tpu.memref_squeeze %dma_wait3A_210 : memref<1x128xi32, #tpu.memory_space<vmem>> -> memref<128xi32, #tpu.memory_space<vmem>>
      %dma_wait3A_212 = arith.constant 0 : i32
      %dma_wait3A_213 = arith.constant 0 : i32
      %dma_wait3A_214 = tpu.memref_slice %arg10[%dma_wait3A_212, %dma_wait3A_213] : memref<10112x128xf32, #tpu.memory_space<vmem_shared>> -> memref<10112x128xf32, #tpu.memory_space<vmem_shared>>
      tpu.wait_indirect_dma semaphore(%arg14 : memref<!tpu.dma_semaphore, #tpu.memory_space<semaphore_mem>>) src(%dma_wait3A_208 : memref<128x128xf32, #tpu.memory_space<vmem>>) dst(%dma_wait3A_214 : memref<10112x128xf32, #tpu.memory_space<vmem_shared>>)
      %add3A_215 = arith.constant 3 : i32
      %add3A_216 = arith.addi %add3A_31, %add3A_215 : i32
      %dma_start3A_217 = arith.constant 128 : i32
      %dma_start3A_218 = arith.constant 0 : i32
      %dma_start3A_219 = tpu.memref_slice %arg9[%dma_start3A_217, %dma_start3A_218] : memref<256x128xf32, #tpu.memory_space<vmem>> -> memref<64x128xf32, #tpu.memory_space<vmem>>
      %dma_start3A_220 = arith.constant 0 : i32
      %dma_start3A_221 = tpu.memref_slice %arg7[%add3A_216, %dma_start3A_220] : memref<40x128xi32, #tpu.memory_space<vmem>> -> memref<1x128xi32, #tpu.memory_space<vmem>>
      %dma_start3A_222 = tpu.memref_squeeze %dma_start3A_221 : memref<1x128xi32, #tpu.memory_space<vmem>> -> memref<128xi32, #tpu.memory_space<vmem>>
      %dma_start3A_223 = arith.constant 0 : i32
      %dma_start3A_224 = tpu.memref_slice %dma_start3A_222[%dma_start3A_223] : memref<128xi32, #tpu.memory_space<vmem>> -> memref<64xi32, #tpu.memory_space<vmem>>
      %dma_start3A_225 = arith.constant 0 : i32
      %dma_start3A_226 = arith.constant 0 : i32
      %dma_start3A_227 = tpu.memref_slice %arg2[%dma_start3A_225, %dma_start3A_226] : memref<20000x128xf32, #tpu.memory_space<hbm>> -> memref<20000x128xf32, #tpu.memory_space<hbm>>
      tpu.enqueue_indirect_dma source(%dma_start3A_227 : memref<20000x128xf32, #tpu.memory_space<hbm>>) target(%dma_start3A_219 : memref<64x128xf32, #tpu.memory_space<vmem>>) offsets(%dma_start3A_224 : memref<64xi32, #tpu.memory_space<vmem>>) semaphore(%arg12 : memref<!tpu.dma_semaphore, #tpu.memory_space<semaphore_mem>>)
      %dma_start3A_228 = arith.constant 192 : i32
      %dma_start3A_229 = arith.constant 0 : i32
      %dma_start3A_230 = tpu.memref_slice %arg9[%dma_start3A_228, %dma_start3A_229] : memref<256x128xf32, #tpu.memory_space<vmem>> -> memref<64x128xf32, #tpu.memory_space<vmem>>
      %dma_start3A_231 = arith.constant 0 : i32
      %dma_start3A_232 = tpu.memref_slice %arg7[%add3A_216, %dma_start3A_231] : memref<40x128xi32, #tpu.memory_space<vmem>> -> memref<1x128xi32, #tpu.memory_space<vmem>>
      %dma_start3A_233 = tpu.memref_squeeze %dma_start3A_232 : memref<1x128xi32, #tpu.memory_space<vmem>> -> memref<128xi32, #tpu.memory_space<vmem>>
      %dma_start3A_234 = arith.constant 64 : i32
      %dma_start3A_235 = tpu.memref_slice %dma_start3A_233[%dma_start3A_234] : memref<128xi32, #tpu.memory_space<vmem>> -> memref<64xi32, #tpu.memory_space<vmem>>
      %dma_start3A_236 = arith.constant 0 : i32
      %dma_start3A_237 = arith.constant 0 : i32
      %dma_start3A_238 = tpu.memref_slice %arg2[%dma_start3A_236, %dma_start3A_237] : memref<20000x128xf32, #tpu.memory_space<hbm>> -> memref<20000x128xf32, #tpu.memory_space<hbm>>
      tpu.enqueue_indirect_dma source(%dma_start3A_238 : memref<20000x128xf32, #tpu.memory_space<hbm>>) target(%dma_start3A_230 : memref<64x128xf32, #tpu.memory_space<vmem>>) offsets(%dma_start3A_235 : memref<64xi32, #tpu.memory_space<vmem>>) semaphore(%arg12 : memref<!tpu.dma_semaphore, #tpu.memory_space<semaphore_mem>>)
      %dma_wait3A_239 = arith.constant 128 : i32
      %dma_wait3A_240 = arith.constant 0 : i32
      %dma_wait3A_241 = tpu.memref_slice %arg9[%dma_wait3A_239, %dma_wait3A_240] : memref<256x128xf32, #tpu.memory_space<vmem>> -> memref<64x128xf32, #tpu.memory_space<vmem>>
      %dma_wait3A_242 = arith.constant 0 : i32
      %dma_wait3A_243 = tpu.memref_slice %arg7[%add3A_216, %dma_wait3A_242] : memref<40x128xi32, #tpu.memory_space<vmem>> -> memref<1x128xi32, #tpu.memory_space<vmem>>
      %dma_wait3A_244 = tpu.memref_squeeze %dma_wait3A_243 : memref<1x128xi32, #tpu.memory_space<vmem>> -> memref<128xi32, #tpu.memory_space<vmem>>
      %dma_wait3A_245 = arith.constant 0 : i32
      %dma_wait3A_246 = tpu.memref_slice %dma_wait3A_244[%dma_wait3A_245] : memref<128xi32, #tpu.memory_space<vmem>> -> memref<64xi32, #tpu.memory_space<vmem>>
      %dma_wait3A_247 = arith.constant 0 : i32
      %dma_wait3A_248 = arith.constant 0 : i32
      %dma_wait3A_249 = tpu.memref_slice %arg2[%dma_wait3A_247, %dma_wait3A_248] : memref<20000x128xf32, #tpu.memory_space<hbm>> -> memref<20000x128xf32, #tpu.memory_space<hbm>>
      tpu.wait_indirect_dma semaphore(%arg12 : memref<!tpu.dma_semaphore, #tpu.memory_space<semaphore_mem>>) src(%dma_wait3A_249 : memref<20000x128xf32, #tpu.memory_space<hbm>>) dst(%dma_wait3A_241 : memref<64x128xf32, #tpu.memory_space<vmem>>)
      %dma_wait3A_250 = arith.constant 192 : i32
      %dma_wait3A_251 = arith.constant 0 : i32
      %dma_wait3A_252 = tpu.memref_slice %arg9[%dma_wait3A_250, %dma_wait3A_251] : memref<256x128xf32, #tpu.memory_space<vmem>> -> memref<64x128xf32, #tpu.memory_space<vmem>>
      %dma_wait3A_253 = arith.constant 0 : i32
      %dma_wait3A_254 = tpu.memref_slice %arg7[%add3A_216, %dma_wait3A_253] : memref<40x128xi32, #tpu.memory_space<vmem>> -> memref<1x128xi32, #tpu.memory_space<vmem>>
      %dma_wait3A_255 = tpu.memref_squeeze %dma_wait3A_254 : memref<1x128xi32, #tpu.memory_space<vmem>> -> memref<128xi32, #tpu.memory_space<vmem>>
      %dma_wait3A_256 = arith.constant 64 : i32
      %dma_wait3A_257 = tpu.memref_slice %dma_wait3A_255[%dma_wait3A_256] : memref<128xi32, #tpu.memory_space<vmem>> -> memref<64xi32, #tpu.memory_space<vmem>>
      %dma_wait3A_258 = arith.constant 0 : i32
      %dma_wait3A_259 = arith.constant 0 : i32
      %dma_wait3A_260 = tpu.memref_slice %arg2[%dma_wait3A_258, %dma_wait3A_259] : memref<20000x128xf32, #tpu.memory_space<hbm>> -> memref<20000x128xf32, #tpu.memory_space<hbm>>
      tpu.wait_indirect_dma semaphore(%arg12 : memref<!tpu.dma_semaphore, #tpu.memory_space<semaphore_mem>>) src(%dma_wait3A_260 : memref<20000x128xf32, #tpu.memory_space<hbm>>) dst(%dma_wait3A_252 : memref<64x128xf32, #tpu.memory_space<vmem>>)
      %add3A_261 = arith.constant 3 : i32
      %add3A_262 = arith.addi %add3A_31, %add3A_261 : i32
      %dma_start3A_263 = arith.constant 128 : i32
      %dma_start3A_264 = arith.constant 0 : i32
      %dma_start3A_265 = tpu.memref_slice %arg9[%dma_start3A_263, %dma_start3A_264] : memref<256x128xf32, #tpu.memory_space<vmem>> -> memref<128x128xf32, #tpu.memory_space<vmem>>
      %dma_start3A_266 = arith.constant 0 : i32
      %dma_start3A_267 = tpu.memref_slice %arg8[%add3A_262, %dma_start3A_266] : memref<40x128xi32, #tpu.memory_space<vmem>> -> memref<1x128xi32, #tpu.memory_space<vmem>>
      %dma_start3A_268 = tpu.memref_squeeze %dma_start3A_267 : memref<1x128xi32, #tpu.memory_space<vmem>> -> memref<128xi32, #tpu.memory_space<vmem>>
      %dma_start3A_269 = arith.constant 0 : i32
      %dma_start3A_270 = arith.constant 0 : i32
      %dma_start3A_271 = tpu.memref_slice %arg10[%dma_start3A_269, %dma_start3A_270] : memref<10112x128xf32, #tpu.memory_space<vmem_shared>> -> memref<10112x128xf32, #tpu.memory_space<vmem_shared>>
      tpu.enqueue_indirect_dma source(%dma_start3A_265 : memref<128x128xf32, #tpu.memory_space<vmem>>) target(%dma_start3A_271 : memref<10112x128xf32, #tpu.memory_space<vmem_shared>>) offsets(%dma_start3A_268 : memref<128xi32, #tpu.memory_space<vmem>>) semaphore(%arg14 : memref<!tpu.dma_semaphore, #tpu.memory_space<semaphore_mem>>) {add = true}
      %dma_wait3A_272 = arith.constant 0 : i32
      %dma_wait3A_273 = arith.constant 0 : i32
      %dma_wait3A_274 = tpu.memref_slice %arg9[%dma_wait3A_272, %dma_wait3A_273] : memref<256x128xf32, #tpu.memory_space<vmem>> -> memref<128x128xf32, #tpu.memory_space<vmem>>
      %dma_wait3A_275 = arith.constant 0 : i32
      %dma_wait3A_276 = tpu.memref_slice %arg8[%add3A_196, %dma_wait3A_275] : memref<40x128xi32, #tpu.memory_space<vmem>> -> memref<1x128xi32, #tpu.memory_space<vmem>>
      %dma_wait3A_277 = tpu.memref_squeeze %dma_wait3A_276 : memref<1x128xi32, #tpu.memory_space<vmem>> -> memref<128xi32, #tpu.memory_space<vmem>>
      %dma_wait3A_278 = arith.constant 0 : i32
      %dma_wait3A_279 = arith.constant 0 : i32
      %dma_wait3A_280 = tpu.memref_slice %arg10[%dma_wait3A_278, %dma_wait3A_279] : memref<10112x128xf32, #tpu.memory_space<vmem_shared>> -> memref<10112x128xf32, #tpu.memory_space<vmem_shared>>
      tpu.wait_indirect_dma semaphore(%arg13 : memref<!tpu.dma_semaphore, #tpu.memory_space<semaphore_mem>>) src(%dma_wait3A_274 : memref<128x128xf32, #tpu.memory_space<vmem>>) dst(%dma_wait3A_280 : memref<10112x128xf32, #tpu.memory_space<vmem_shared>>)
      %dma_wait3A_281 = arith.constant 128 : i32
      %dma_wait3A_282 = arith.constant 0 : i32
      %dma_wait3A_283 = tpu.memref_slice %arg9[%dma_wait3A_281, %dma_wait3A_282] : memref<256x128xf32, #tpu.memory_space<vmem>> -> memref<128x128xf32, #tpu.memory_space<vmem>>
      %dma_wait3A_284 = arith.constant 0 : i32
      %dma_wait3A_285 = tpu.memref_slice %arg8[%add3A_262, %dma_wait3A_284] : memref<40x128xi32, #tpu.memory_space<vmem>> -> memref<1x128xi32, #tpu.memory_space<vmem>>
      %dma_wait3A_286 = tpu.memref_squeeze %dma_wait3A_285 : memref<1x128xi32, #tpu.memory_space<vmem>> -> memref<128xi32, #tpu.memory_space<vmem>>
      %dma_wait3A_287 = arith.constant 0 : i32
      %dma_wait3A_288 = arith.constant 0 : i32
      %dma_wait3A_289 = tpu.memref_slice %arg10[%dma_wait3A_287, %dma_wait3A_288] : memref<10112x128xf32, #tpu.memory_space<vmem_shared>> -> memref<10112x128xf32, #tpu.memory_space<vmem_shared>>
      tpu.wait_indirect_dma semaphore(%arg14 : memref<!tpu.dma_semaphore, #tpu.memory_space<semaphore_mem>>) src(%dma_wait3A_283 : memref<128x128xf32, #tpu.memory_space<vmem>>) dst(%dma_wait3A_289 : memref<10112x128xf32, #tpu.memory_space<vmem_shared>>)
    }
    %scan3A_23 = arith.constant 10 : i32
    %barrier3A_24 = arith.constant 0 : index
    tpu.barrier barrier_id(%barrier3A_24)
    %lt3A = arith.constant 10 : i32
    %lt3A_25 = arith.cmpi slt, %arg1, %lt3A : i32
    %convert_element_type3A = arith.extui %lt3A_25 : i1 to i32
    %cond3A = arith.constant 0 : i32
    %cond3A_26 = arith.cmpi ne, %convert_element_type3A, %cond3A : i32
    scf.if %cond3A_26 {
      %mul3A_27 = arith.constant 1000 : i32
      %mul3A_28 = arith.muli %arg1, %mul3A_27 : i32
      %mul3A_29 = arith.constant 10000 : i32
      %mul3A_30 = arith.muli %arg0, %mul3A_29 : i32
      %mul3A_31 = arith.constant 1000 : i32
      %mul3A_32 = arith.muli %arg1, %mul3A_31 : i32
      %add3A_33 = arith.addi %mul3A_30, %mul3A_32 : i32
      "tpu.region"() ({
        %run_scoped3A = tpu.sem_alloc : memref<!tpu.dma_semaphore, #tpu.memory_space<semaphore_mem>>
        %dma_start3A = arith.constant 0 : i32
        %dma_start3A_34 = tpu.memref_slice %arg6[%add3A_33, %dma_start3A] : memref<20000x128xf32, #tpu.memory_space<hbm>> -> memref<1000x128xf32, #tpu.memory_space<hbm>>
        %dma_start3A_35 = arith.constant 0 : i32
        %dma_start3A_36 = tpu.memref_slice %arg10[%mul3A_28, %dma_start3A_35] : memref<10112x128xf32, #tpu.memory_space<vmem_shared>> -> memref<1000x128xf32, #tpu.memory_space<vmem_shared>>
        tpu.enqueue_dma source(%dma_start3A_36 : memref<1000x128xf32, #tpu.memory_space<vmem_shared>>) target(%dma_start3A_34 : memref<1000x128xf32, #tpu.memory_space<hbm>>) target_semaphore(%run_scoped3A : memref<!tpu.dma_semaphore, #tpu.memory_space<semaphore_mem>>)
        %dma_wait3A = arith.constant 0 : i32
        %dma_wait3A_37 = tpu.memref_slice %arg6[%add3A_33, %dma_wait3A] : memref<20000x128xf32, #tpu.memory_space<hbm>> -> memref<1000x128xf32, #tpu.memory_space<hbm>>
        %dma_wait3A_38 = arith.constant 0 : i32
        %dma_wait3A_39 = tpu.memref_slice %arg10[%mul3A_28, %dma_wait3A_38] : memref<10112x128xf32, #tpu.memory_space<vmem_shared>> -> memref<1000x128xf32, #tpu.memory_space<vmem_shared>>
        tpu.wait_dma2 semaphore(%run_scoped3A : memref<!tpu.dma_semaphore, #tpu.memory_space<semaphore_mem>>) src(%dma_wait3A_39 : memref<1000x128xf32, #tpu.memory_space<vmem_shared>>) dst(%dma_wait3A_37 : memref<1000x128xf32, #tpu.memory_space<hbm>>)
        tpu.yield
      }) : () -> ()
    } else {
    }
    return
  }
}

module attributes {stable_mosaic.version = 14 : i64} {
  func.func @_matmul_body(%arg0: i32, %arg1: i32, %arg2: memref<1000x256xf32, #tpu.memory_space<vmem>>, %arg3: memref<1x256x128xf32, #tpu.memory_space<vmem>>, %arg4: memref<1000x128xf32, #tpu.memory_space<vmem>>) attributes {dimension_semantics = [#tpu.dimension_semantics<arbitrary>, #tpu.dimension_semantics<arbitrary>], iteration_bounds = array<i64: 10, 2>, scalar_prefetch = 0 : i64, scratch_operands = 0 : i64, tpu.core_type = #tpu.core_type<tc>, window_params = [{transform_indices = @transform_0, window_bounds = array<i64: 1000, 256>}, {transform_indices = @transform_1, window_bounds = array<i64: 1, 256, 128>}, {transform_indices = @transform_2, window_bounds = array<i64: 1000, 128>}]} {
    %get3A = arith.constant 0 : index
    %get3A_0 = arith.constant 0 : index
    %get3A_1 = vector.load %arg2[%get3A, %get3A_0] : memref<1000x256xf32, #tpu.memory_space<vmem>>, vector<1000x256xf32>
    %get3A_2 = arith.constant 0 : index
    %get3A_3 = arith.constant 0 : index
    %get3A_4 = arith.constant 0 : index
    %get3A_5 = vector.load %arg3[%get3A_2, %get3A_3, %get3A_4] : memref<1x256x128xf32, #tpu.memory_space<vmem>>, vector<1x256x128xf32>
    %get3A_6 = vector.shape_cast %get3A_5 : vector<1x256x128xf32> to vector<256x128xf32>
    %dot_general3A = arith.constant dense<0.000000e+00> : vector<1000x128xf32>
    %dot_general3A_7 = tpu.matmul %get3A_1, %get3A_6, %dot_general3A {dimension_numbers = #tpu.dot_dimension_numbers<[1], [0], [0], [1], [0, 0, 1, 1], [], []>, transpose_lhs_hint = false} : vector<1000x256xf32>, vector<256x128xf32>, vector<1000x128xf32> -> vector<1000x128xf32>
    %swap3A = arith.constant 0 : index
    %swap3A_8 = arith.constant 0 : index
    %swap3A_9 = vector.load %arg4[%swap3A, %swap3A_8] : memref<1000x128xf32, #tpu.memory_space<vmem>>, vector<1000x128xf32>
    tpu.vector_store %arg4[%swap3A, %swap3A_8], %dot_general3A_7 {strides = array<i32>} : memref<1000x128xf32, #tpu.memory_space<vmem>>, vector<1000x128xf32>,
    return
  }
  func.func @transform_0(%arg0: i32, %arg1: i32) -> (i32, i32) {
    %c0_i32 = arith.constant 0 : i32
    %c0_i32_0 = arith.constant 0 : i32
    return %arg0, %c0_i32 : i32, i32
  }
  func.func @transform_1(%arg0: i32, %arg1: i32) -> (i32, i32, i32) {
    %c0_i32 = arith.constant 0 : i32
    %c0_i32_0 = arith.constant 0 : i32
    %c0_i32_1 = arith.constant 0 : i32
    return %arg1, %c0_i32, %c0_i32_0 : i32, i32, i32
  }
  func.func @transform_2(%arg0: i32, %arg1: i32) -> (i32, i32) {
    %mul3A = arith.constant 10 : i32
    %mul3A_0 = arith.muli %arg1, %mul3A : i32
    %add3A = arith.addi %mul3A_0, %arg0 : i32
    %c0_i32 = arith.constant 0 : i32
    %c0_i32_1 = arith.constant 0 : i32
    return %add3A, %c0_i32 : i32, i32
  }
}

module attributes {stable_mosaic.version = 14 : i64} {
  func.func @_scale_dinv_body(%arg0: i32, %arg1: i32, %arg2: memref<1000x128xf32, #tpu.memory_space<vmem>>, %arg3: memref<1x1000x128xf32, #tpu.memory_space<vmem>>, %arg4: memref<1x1000x128xf32, #tpu.memory_space<vmem>>, %arg5: memref<1000x128xf32, #tpu.memory_space<vmem>>, %arg6: memref<1000x8xf32, #tpu.memory_space<vmem>>) attributes {dimension_semantics = [#tpu.dimension_semantics<arbitrary>, #tpu.dimension_semantics<arbitrary>], iteration_bounds = array<i64: 10, 2>, scalar_prefetch = 0 : i64, scratch_operands = 0 : i64, tpu.core_type = #tpu.core_type<tc>, window_params = [{transform_indices = @transform_0, window_bounds = array<i64: 1000, 128>}, {transform_indices = @transform_1, window_bounds = array<i64: 1, 1000, 128>}, {transform_indices = @transform_2, window_bounds = array<i64: 1, 1000, 128>}, {transform_indices = @transform_3, window_bounds = array<i64: 1000, 128>}, {transform_indices = @transform_4, window_bounds = array<i64: 1000, 8>}]} {
    %get3A = arith.constant 0 : index
    %get3A_0 = arith.constant 0 : index
    %get3A_1 = arith.constant 0 : index
    %get3A_2 = vector.load %arg3[%get3A, %get3A_0, %get3A_1] : memref<1x1000x128xf32, #tpu.memory_space<vmem>>, vector<1x1000x1xf32>
    %get3A_3 = vector.shape_cast %get3A_2 : vector<1x1000x1xf32> to vector<1000x1xf32>
    %add3A = arith.constant 1.000000e+00 : f32
    %add3A_4 = vector.broadcast %add3A : f32 to vector<1000x1xf32>
    %add3A_5 = arith.addf %add3A_4, %get3A_3 : vector<1000x1xf32>
    %get3A_6 = arith.constant 0 : index
    %get3A_7 = arith.constant 0 : index
    %get3A_8 = arith.constant 0 : index
    %get3A_9 = vector.load %arg4[%get3A_6, %get3A_7, %get3A_8] : memref<1x1000x128xf32, #tpu.memory_space<vmem>>, vector<1x1000x1xf32>
    %get3A_10 = vector.shape_cast %get3A_9 : vector<1x1000x1xf32> to vector<1000x1xf32>
    %add3A_11 = arith.addf %add3A_5, %get3A_10 : vector<1000x1xf32>
    %rsqrt3A = math.rsqrt %add3A_11 : vector<1000x1xf32>
    %get3A_12 = arith.constant 0 : index
    %get3A_13 = arith.constant 0 : index
    %get3A_14 = vector.load %arg2[%get3A_12, %get3A_13] : memref<1000x128xf32, #tpu.memory_space<vmem>>, vector<1000x128xf32>
    %mul3A = vector.broadcast %rsqrt3A : vector<1000x1xf32> to vector<1000x128xf32>
    %mul3A_15 = arith.mulf %get3A_14, %mul3A : vector<1000x128xf32>
    %swap3A = arith.constant 0 : index
    %swap3A_16 = arith.constant 0 : index
    %swap3A_17 = vector.load %arg5[%swap3A, %swap3A_16] : memref<1000x128xf32, #tpu.memory_space<vmem>>, vector<1000x128xf32>
    tpu.vector_store %arg5[%swap3A, %swap3A_16], %mul3A_15 {strides = array<i32>} : memref<1000x128xf32, #tpu.memory_space<vmem>>, vector<1000x128xf32>,
    %broadcast_in_dim3A = vector.shape_cast %rsqrt3A : vector<1000x1xf32> to vector<1000x1xf32>
    %broadcast_in_dim3A_18 = vector.broadcast %broadcast_in_dim3A : vector<1000x1xf32> to vector<1000x8xf32>
    %swap3A_19 = arith.constant 0 : index
    %swap3A_20 = arith.constant 0 : index
    %swap3A_21 = vector.load %arg6[%swap3A_19, %swap3A_20] : memref<1000x8xf32, #tpu.memory_space<vmem>>, vector<1000x8xf32>
    tpu.vector_store %arg6[%swap3A_19, %swap3A_20], %broadcast_in_dim3A_18 {strides = array<i32>} : memref<1000x8xf32, #tpu.memory_space<vmem>>, vector<1000x8xf32>,
    return
  }
  func.func @transform_0(%arg0: i32, %arg1: i32) -> (i32, i32) {
    %mul3A = arith.constant 10 : i32
    %mul3A_0 = arith.muli %arg1, %mul3A : i32
    %add3A = arith.addi %mul3A_0, %arg0 : i32
    %c0_i32 = arith.constant 0 : i32
    %c0_i32_1 = arith.constant 0 : i32
    return %add3A, %c0_i32 : i32, i32
  }
  func.func @transform_1(%arg0: i32, %arg1: i32) -> (i32, i32, i32) {
    %c0_i32 = arith.constant 0 : i32
    %c0_i32_0 = arith.constant 0 : i32
    %c0_i32_1 = arith.constant 0 : i32
    return %c0_i32, %arg0, %c0_i32_0 : i32, i32, i32
  }
  func.func @transform_2(%arg0: i32, %arg1: i32) -> (i32, i32, i32) {
    %c1_i32 = arith.constant 1 : i32
    %c0_i32 = arith.constant 0 : i32
    %c0_i32_0 = arith.constant 0 : i32
    return %c1_i32, %arg0, %c0_i32 : i32, i32, i32
  }
  func.func @transform_3(%arg0: i32, %arg1: i32) -> (i32, i32) {
    %mul3A = arith.constant 10 : i32
    %mul3A_0 = arith.muli %arg1, %mul3A : i32
    %add3A = arith.addi %mul3A_0, %arg0 : i32
    %c0_i32 = arith.constant 0 : i32
    %c0_i32_1 = arith.constant 0 : i32
    return %add3A, %c0_i32 : i32, i32
  }
  func.func @transform_4(%arg0: i32, %arg1: i32) -> (i32, i32) {
    %c0_i32 = arith.constant 0 : i32
    %c0_i32_0 = arith.constant 0 : i32
    return %arg0, %c0_i32 : i32, i32
  }
}

module attributes {stable_mosaic.version = 14 : i64} {
  func.func @_layer2_body(%arg0: i32, %arg1: i32, %arg2: memref<1000x128xf32, #tpu.memory_space<vmem>>, %arg3: memref<1000x128xf32, #tpu.memory_space<vmem>>, %arg4: memref<1000x128xf32, #tpu.memory_space<vmem>>, %arg5: memref<1000x128xf32, #tpu.memory_space<vmem>>, %arg6: memref<1000x8xf32, #tpu.memory_space<vmem>>, %arg7: memref<1x256xf32, #tpu.memory_space<vmem>>, %arg8: memref<1x256x128xf32, #tpu.memory_space<vmem>>, %arg9: memref<1000x128xf32, #tpu.memory_space<vmem>>) attributes {dimension_semantics = [#tpu.dimension_semantics<arbitrary>, #tpu.dimension_semantics<arbitrary>], iteration_bounds = array<i64: 10, 2>, scalar_prefetch = 0 : i64, scratch_operands = 0 : i64, tpu.core_type = #tpu.core_type<tc>, window_params = [{transform_indices = @transform_0, window_bounds = array<i64: 1000, 128>}, {transform_indices = @transform_1, window_bounds = array<i64: 1000, 128>}, {transform_indices = @transform_2, window_bounds = array<i64: 1000, 128>}, {transform_indices = @transform_3, window_bounds = array<i64: 1000, 128>}, {transform_indices = @transform_4, window_bounds = array<i64: 1000, 8>}, {pipeline_mode = #tpu.pipeline_mode<synchronous>, transform_indices = @transform_5, window_bounds = array<i64: 1, 256>}, {transform_indices = @transform_6, window_bounds = array<i64: 1, 256, 128>}, {transform_indices = @transform_7, window_bounds = array<i64: 1000, 128>}]} {
    %get3A = arith.constant 0 : index
    %get3A_0 = arith.constant 0 : index
    %get3A_1 = vector.load %arg2[%get3A, %get3A_0] : memref<1000x128xf32, #tpu.memory_space<vmem>>, vector<1000x128xf32>
    %get3A_2 = arith.constant 0 : index
    %get3A_3 = arith.constant 0 : index
    %get3A_4 = vector.load %arg4[%get3A_2, %get3A_3] : memref<1000x128xf32, #tpu.memory_space<vmem>>, vector<1000x128xf32>
    %add3A = arith.addf %get3A_1, %get3A_4 : vector<1000x128xf32>
    %get3A_5 = arith.constant 0 : index
    %get3A_6 = arith.constant 0 : index
    %get3A_7 = vector.load %arg3[%get3A_5, %get3A_6] : memref<1000x128xf32, #tpu.memory_space<vmem>>, vector<1000x128xf32>
    %get3A_8 = arith.constant 0 : index
    %get3A_9 = arith.constant 0 : index
    %get3A_10 = vector.load %arg5[%get3A_8, %get3A_9] : memref<1000x128xf32, #tpu.memory_space<vmem>>, vector<1000x128xf32>
    %add3A_11 = arith.addf %get3A_7, %get3A_10 : vector<1000x128xf32>
    %concatenate3A = tpu.concatenate %add3A, %add3A_11 in 1 : vector<1000x128xf32>, vector<1000x128xf32> -> vector<1000x256xf32>
    %get3A_12 = arith.constant 0 : index
    %get3A_13 = arith.constant 0 : index
    %get3A_14 = vector.load %arg6[%get3A_12, %get3A_13] : memref<1000x8xf32, #tpu.memory_space<vmem>>, vector<1000x1xf32>
    %mul3A = vector.broadcast %get3A_14 : vector<1000x1xf32> to vector<1000x256xf32>
    %mul3A_15 = arith.mulf %concatenate3A, %mul3A : vector<1000x256xf32>
    %get3A_16 = arith.constant 0 : index
    %get3A_17 = arith.constant 0 : index
    %get3A_18 = vector.load %arg7[%get3A_16, %get3A_17] : memref<1x256xf32, #tpu.memory_space<vmem>>, vector<1x256xf32>
    %add3A_19 = vector.broadcast %get3A_18 : vector<1x256xf32> to vector<1000x256xf32>
    %add3A_20 = arith.addf %mul3A_15, %add3A_19 : vector<1000x256xf32>
    %max3A = arith.constant 0.000000e+00 : f32
    %max3A_21 = vector.broadcast %max3A : f32 to vector<1000x256xf32>
    %max3A_22 = arith.maximumf %add3A_20, %max3A_21 : vector<1000x256xf32>
    %get3A_23 = arith.constant 0 : index
    %get3A_24 = arith.constant 0 : index
    %get3A_25 = arith.constant 0 : index
    %get3A_26 = vector.load %arg8[%get3A_23, %get3A_24, %get3A_25] : memref<1x256x128xf32, #tpu.memory_space<vmem>>, vector<1x256x128xf32>
    %get3A_27 = vector.shape_cast %get3A_26 : vector<1x256x128xf32> to vector<256x128xf32>
    %dot_general3A = arith.constant dense<0.000000e+00> : vector<1000x128xf32>
    %dot_general3A_28 = tpu.matmul %max3A_22, %get3A_27, %dot_general3A {dimension_numbers = #tpu.dot_dimension_numbers<[1], [0], [0], [1], [0, 0, 1, 1], [], []>, transpose_lhs_hint = false} : vector<1000x256xf32>, vector<256x128xf32>, vector<1000x128xf32> -> vector<1000x128xf32>
    %get3A_29 = arith.constant 0 : index
    %get3A_30 = arith.constant 0 : index
    %get3A_31 = vector.load %arg6[%get3A_29, %get3A_30] : memref<1000x8xf32, #tpu.memory_space<vmem>>, vector<1000x1xf32>
    %mul3A_32 = vector.broadcast %get3A_31 : vector<1000x1xf32> to vector<1000x128xf32>
    %mul3A_33 = arith.mulf %dot_general3A_28, %mul3A_32 : vector<1000x128xf32>
    %swap3A = arith.constant 0 : index
    %swap3A_34 = arith.constant 0 : index
    %swap3A_35 = vector.load %arg9[%swap3A, %swap3A_34] : memref<1000x128xf32, #tpu.memory_space<vmem>>, vector<1000x128xf32>
    tpu.vector_store %arg9[%swap3A, %swap3A_34], %mul3A_33 {strides = array<i32>} : memref<1000x128xf32, #tpu.memory_space<vmem>>, vector<1000x128xf32>,
    return
  }
  func.func @transform_0(%arg0: i32, %arg1: i32) -> (i32, i32) {
    %add3A = arith.constant 0 : i32
    %add3A_0 = arith.addi %add3A, %arg0 : i32
    %c0_i32 = arith.constant 0 : i32
    %c0_i32_1 = arith.constant 0 : i32
    return %add3A_0, %c0_i32 : i32, i32
  }
  func.func @transform_1(%arg0: i32, %arg1: i32) -> (i32, i32) {
    %add3A = arith.constant 10 : i32
    %add3A_0 = arith.addi %add3A, %arg0 : i32
    %c0_i32 = arith.constant 0 : i32
    %c0_i32_1 = arith.constant 0 : i32
    return %add3A_0, %c0_i32 : i32, i32
  }
  func.func @transform_2(%arg0: i32, %arg1: i32) -> (i32, i32) {
    %add3A = arith.constant 0 : i32
    %add3A_0 = arith.addi %add3A, %arg0 : i32
    %c0_i32 = arith.constant 0 : i32
    %c0_i32_1 = arith.constant 0 : i32
    return %add3A_0, %c0_i32 : i32, i32
  }
  func.func @transform_3(%arg0: i32, %arg1: i32) -> (i32, i32) {
    %add3A = arith.constant 10 : i32
    %add3A_0 = arith.addi %add3A, %arg0 : i32
    %c0_i32 = arith.constant 0 : i32
    %c0_i32_1 = arith.constant 0 : i32
    return %add3A_0, %c0_i32 : i32, i32
  }
  func.func @transform_4(%arg0: i32, %arg1: i32) -> (i32, i32) {
    %c0_i32 = arith.constant 0 : i32
    %c0_i32_0 = arith.constant 0 : i32
    return %arg0, %c0_i32 : i32, i32
  }
  func.func @transform_5(%arg0: i32, %arg1: i32) -> (i32, i32) {
    %c0_i32 = arith.constant 0 : i32
    %c0_i32_0 = arith.constant 0 : i32
    %c0_i32_1 = arith.constant 0 : i32
    return %c0_i32, %c0_i32_0 : i32, i32
  }
  func.func @transform_6(%arg0: i32, %arg1: i32) -> (i32, i32, i32) {
    %c0_i32 = arith.constant 0 : i32
    %c0_i32_0 = arith.constant 0 : i32
    %c0_i32_1 = arith.constant 0 : i32
    return %arg1, %c0_i32, %c0_i32_0 : i32, i32, i32
  }
  func.func @transform_7(%arg0: i32, %arg1: i32) -> (i32, i32) {
    %mul3A = arith.constant 10 : i32
    %mul3A_0 = arith.muli %arg1, %mul3A : i32
    %add3A = arith.addi %mul3A_0, %arg0 : i32
    %c0_i32 = arith.constant 0 : i32
    %c0_i32_1 = arith.constant 0 : i32
    return %add3A, %c0_i32 : i32, i32
  }
}

module attributes {stable_mosaic.version = 14 : i64} {
  func.func @pool_body(%arg0: i32, %arg1: memref<1000x128xf32, #tpu.memory_space<vmem>>, %arg2: memref<1000x128xf32, #tpu.memory_space<vmem>>, %arg3: memref<1000x128xf32, #tpu.memory_space<vmem>>, %arg4: memref<1000x128xf32, #tpu.memory_space<vmem>>, %arg5: memref<1000x8xf32, #tpu.memory_space<vmem>>, %arg6: memref<1x256xf32, #tpu.memory_space<vmem>>, %arg7: memref<1000x8xf32, #tpu.memory_space<vmem>>, %arg8: memref<8x256xf32, #tpu.memory_space<vmem>>, %arg9: memref<8x256xf32, #tpu.memory_space<vmem>>, %arg10: memref<8x256xf32, #tpu.memory_space<vmem>>) attributes {dimension_semantics = [#tpu.dimension_semantics<arbitrary>], iteration_bounds = array<i64: 10>, scalar_prefetch = 0 : i64, scratch_operands = 2 : i64, tpu.core_type = #tpu.core_type<tc>, window_params = [{transform_indices = @transform_0, window_bounds = array<i64: 1000, 128>}, {transform_indices = @transform_1, window_bounds = array<i64: 1000, 128>}, {transform_indices = @transform_2, window_bounds = array<i64: 1000, 128>}, {transform_indices = @transform_3, window_bounds = array<i64: 1000, 128>}, {transform_indices = @transform_4, window_bounds = array<i64: 1000, 8>}, {pipeline_mode = #tpu.pipeline_mode<synchronous>, transform_indices = @transform_5, window_bounds = array<i64: 1, 256>}, {transform_indices = @transform_6, window_bounds = array<i64: 1000, 8>}, {pipeline_mode = #tpu.pipeline_mode<synchronous>, transform_indices = @transform_7, window_bounds = array<i64: 8, 256>}]} {
    %get3A = arith.constant 0 : index
    %get3A_0 = arith.constant 0 : index
    %get3A_1 = vector.load %arg1[%get3A, %get3A_0] : memref<1000x128xf32, #tpu.memory_space<vmem>>, vector<1000x128xf32>
    %get3A_2 = arith.constant 0 : index
    %get3A_3 = arith.constant 0 : index
    %get3A_4 = vector.load %arg3[%get3A_2, %get3A_3] : memref<1000x128xf32, #tpu.memory_space<vmem>>, vector<1000x128xf32>
    %add3A = arith.addf %get3A_1, %get3A_4 : vector<1000x128xf32>
    %get3A_5 = arith.constant 0 : index
    %get3A_6 = arith.constant 0 : index
    %get3A_7 = vector.load %arg2[%get3A_5, %get3A_6] : memref<1000x128xf32, #tpu.memory_space<vmem>>, vector<1000x128xf32>
    %get3A_8 = arith.constant 0 : index
    %get3A_9 = arith.constant 0 : index
    %get3A_10 = vector.load %arg4[%get3A_8, %get3A_9] : memref<1000x128xf32, #tpu.memory_space<vmem>>, vector<1000x128xf32>
    %add3A_11 = arith.addf %get3A_7, %get3A_10 : vector<1000x128xf32>
    %concatenate3A = tpu.concatenate %add3A, %add3A_11 in 1 : vector<1000x128xf32>, vector<1000x128xf32> -> vector<1000x256xf32>
    %get3A_12 = arith.constant 0 : index
    %get3A_13 = arith.constant 0 : index
    %get3A_14 = vector.load %arg5[%get3A_12, %get3A_13] : memref<1000x8xf32, #tpu.memory_space<vmem>>, vector<1000x1xf32>
    %mul3A = vector.broadcast %get3A_14 : vector<1000x1xf32> to vector<1000x256xf32>
    %mul3A_15 = arith.mulf %concatenate3A, %mul3A : vector<1000x256xf32>
    %get3A_16 = arith.constant 0 : index
    %get3A_17 = arith.constant 0 : index
    %get3A_18 = vector.load %arg6[%get3A_16, %get3A_17] : memref<1x256xf32, #tpu.memory_space<vmem>>, vector<1x256xf32>
    %add3A_19 = vector.broadcast %get3A_18 : vector<1x256xf32> to vector<1000x256xf32>
    %add3A_20 = arith.addf %mul3A_15, %add3A_19 : vector<1000x256xf32>
    %get3A_21 = arith.constant 0 : index
    %get3A_22 = arith.constant 0 : index
    %get3A_23 = vector.load %arg7[%get3A_21, %get3A_22] : memref<1000x8xf32, #tpu.memory_space<vmem>>, vector<1000x8xf32>
    %dot_general3A = arith.constant dense<0.000000e+00> : vector<8x256xf32>
    %dot_general3A_24 = tpu.matmul %get3A_23, %add3A_20, %dot_general3A {dimension_numbers = #tpu.dot_dimension_numbers<[0], [0], [1], [1], [0, 1, 1, 1], [], []>, transpose_lhs_hint = false} : vector<1000x8xf32>, vector<1000x256xf32>, vector<8x256xf32> -> vector<8x256xf32>
    %broadcast_in_dim3A = arith.constant 1.000000e+00 : f32
    %broadcast_in_dim3A_25 = vector.broadcast %broadcast_in_dim3A : f32 to vector<1000x256xf32>
    %dot_general3A_26 = arith.constant dense<0.000000e+00> : vector<8x256xf32>
    %dot_general3A_27 = tpu.matmul %get3A_23, %broadcast_in_dim3A_25, %dot_general3A_26 {dimension_numbers = #tpu.dot_dimension_numbers<[0], [0], [1], [1], [0, 1, 1, 1], [], []>, transpose_lhs_hint = false} : vector<1000x8xf32>, vector<1000x256xf32>, vector<8x256xf32> -> vector<8x256xf32>
    %eq3A = arith.constant 0 : i32
    %eq3A_28 = arith.cmpi eq, %arg0, %eq3A : i32
    %convert_element_type3A = arith.extui %eq3A_28 : i1 to i32
    %cond3A = arith.constant 0 : i32
    %cond3A_29 = arith.cmpi ne, %convert_element_type3A, %cond3A : i32
    scf.if %cond3A_29 {
      %swap3A = arith.constant 0 : index
      %swap3A_39 = arith.constant 0 : index
      %swap3A_40 = vector.load %arg9[%swap3A, %swap3A_39] : memref<8x256xf32, #tpu.memory_space<vmem>>, vector<8x256xf32>
      tpu.vector_store %arg9[%swap3A, %swap3A_39], %dot_general3A_24 {strides = array<i32>} : memref<8x256xf32, #tpu.memory_space<vmem>>, vector<8x256xf32>,
      %swap3A_41 = arith.constant 0 : index
      %swap3A_42 = arith.constant 0 : index
      %swap3A_43 = vector.load %arg10[%swap3A_41, %swap3A_42] : memref<8x256xf32, #tpu.memory_space<vmem>>, vector<8x256xf32>
      tpu.vector_store %arg10[%swap3A_41, %swap3A_42], %dot_general3A_27 {strides = array<i32>} : memref<8x256xf32, #tpu.memory_space<vmem>>, vector<8x256xf32>,
    } else {
    }
    %gt3A = arith.constant 0 : i32
    %gt3A_30 = arith.cmpi sgt, %arg0, %gt3A : i32
    %convert_element_type3A_31 = arith.extui %gt3A_30 : i1 to i32
    %cond3A_32 = arith.constant 0 : i32
    %cond3A_33 = arith.cmpi ne, %convert_element_type3A_31, %cond3A_32 : i32
    scf.if %cond3A_33 {
      %get3A_39 = arith.constant 0 : index
      %get3A_40 = arith.constant 0 : index
      %get3A_41 = vector.load %arg9[%get3A_39, %get3A_40] : memref<8x256xf32, #tpu.memory_space<vmem>>, vector<8x256xf32>
      %add3A_42 = arith.addf %get3A_41, %dot_general3A_24 : vector<8x256xf32>
      %swap3A = arith.constant 0 : index
      %swap3A_43 = arith.constant 0 : index
      %swap3A_44 = vector.load %arg9[%swap3A, %swap3A_43] : memref<8x256xf32, #tpu.memory_space<vmem>>, vector<8x256xf32>
      tpu.vector_store %arg9[%swap3A, %swap3A_43], %add3A_42 {strides = array<i32>} : memref<8x256xf32, #tpu.memory_space<vmem>>, vector<8x256xf32>,
      %get3A_45 = arith.constant 0 : index
      %get3A_46 = arith.constant 0 : index
      %get3A_47 = vector.load %arg10[%get3A_45, %get3A_46] : memref<8x256xf32, #tpu.memory_space<vmem>>, vector<8x256xf32>
      %add3A_48 = arith.addf %get3A_47, %dot_general3A_27 : vector<8x256xf32>
      %swap3A_49 = arith.constant 0 : index
      %swap3A_50 = arith.constant 0 : index
      %swap3A_51 = vector.load %arg10[%swap3A_49, %swap3A_50] : memref<8x256xf32, #tpu.memory_space<vmem>>, vector<8x256xf32>
      tpu.vector_store %arg10[%swap3A_49, %swap3A_50], %add3A_48 {strides = array<i32>} : memref<8x256xf32, #tpu.memory_space<vmem>>, vector<8x256xf32>,
    } else {
    }
    %eq3A_34 = arith.constant 9 : i32
    %eq3A_35 = arith.cmpi eq, %arg0, %eq3A_34 : i32
    %convert_element_type3A_36 = arith.extui %eq3A_35 : i1 to i32
    %cond3A_37 = arith.constant 0 : i32
    %cond3A_38 = arith.cmpi ne, %convert_element_type3A_36, %cond3A_37 : i32
    scf.if %cond3A_38 {
      %get3A_39 = arith.constant 0 : index
      %get3A_40 = arith.constant 0 : index
      %get3A_41 = vector.load %arg9[%get3A_39, %get3A_40] : memref<8x256xf32, #tpu.memory_space<vmem>>, vector<8x256xf32>
      %get3A_42 = arith.constant 0 : index
      %get3A_43 = arith.constant 0 : index
      %get3A_44 = vector.load %arg10[%get3A_42, %get3A_43] : memref<8x256xf32, #tpu.memory_space<vmem>>, vector<8x256xf32>
      %max3A = arith.constant 1.000000e+00 : f32
      %max3A_45 = vector.broadcast %max3A : f32 to vector<8x256xf32>
      %max3A_46 = arith.maximumf %get3A_44, %max3A_45 : vector<8x256xf32>
      %div3A = arith.divf %get3A_41, %max3A_46 : vector<8x256xf32>
      %swap3A = arith.constant 0 : index
      %swap3A_47 = arith.constant 0 : index
      %swap3A_48 = vector.load %arg8[%swap3A, %swap3A_47] : memref<8x256xf32, #tpu.memory_space<vmem>>, vector<8x256xf32>
      tpu.vector_store %arg8[%swap3A, %swap3A_47], %div3A {strides = array<i32>} : memref<8x256xf32, #tpu.memory_space<vmem>>, vector<8x256xf32>,
    } else {
    }
    return
  }
  func.func @transform_0(%arg0: i32) -> (i32, i32) {
    %add3A = arith.constant 0 : i32
    %add3A_0 = arith.addi %add3A, %arg0 : i32
    %c0_i32 = arith.constant 0 : i32
    %c0_i32_1 = arith.constant 0 : i32
    return %add3A_0, %c0_i32 : i32, i32
  }
  func.func @transform_1(%arg0: i32) -> (i32, i32) {
    %add3A = arith.constant 10 : i32
    %add3A_0 = arith.addi %add3A, %arg0 : i32
    %c0_i32 = arith.constant 0 : i32
    %c0_i32_1 = arith.constant 0 : i32
    return %add3A_0, %c0_i32 : i32, i32
  }
  func.func @transform_2(%arg0: i32) -> (i32, i32) {
    %add3A = arith.constant 0 : i32
    %add3A_0 = arith.addi %add3A, %arg0 : i32
    %c0_i32 = arith.constant 0 : i32
    %c0_i32_1 = arith.constant 0 : i32
    return %add3A_0, %c0_i32 : i32, i32
  }
  func.func @transform_3(%arg0: i32) -> (i32, i32) {
    %add3A = arith.constant 10 : i32
    %add3A_0 = arith.addi %add3A, %arg0 : i32
    %c0_i32 = arith.constant 0 : i32
    %c0_i32_1 = arith.constant 0 : i32
    return %add3A_0, %c0_i32 : i32, i32
  }
  func.func @transform_4(%arg0: i32) -> (i32, i32) {
    %c0_i32 = arith.constant 0 : i32
    %c0_i32_0 = arith.constant 0 : i32
    return %arg0, %c0_i32 : i32, i32
  }
  func.func @transform_5(%arg0: i32) -> (i32, i32) {
    %c0_i32 = arith.constant 0 : i32
    %c0_i32_0 = arith.constant 0 : i32
    %c0_i32_1 = arith.constant 0 : i32
    return %c0_i32, %c0_i32_0 : i32, i32
  }
  func.func @transform_6(%arg0: i32) -> (i32, i32) {
    %c0_i32 = arith.constant 0 : i32
    %c0_i32_0 = arith.constant 0 : i32
    return %arg0, %c0_i32 : i32, i32
  }
  func.func @transform_7(%arg0: i32) -> (i32, i32) {
    %c0_i32 = arith.constant 0 : i32
    %c0_i32_0 = arith.constant 0 : i32
    %c0_i32_1 = arith.constant 0 : i32
    return %c0_i32, %c0_i32_0 : i32, i32
  }
}

</mosaic_0001>

<sc_bundles>
// kernel: kernel.12.cloned.1.call-start
scs
__scs_entry_jumppad:
0x0: {  	(pc) =	sbr.rel $0x88, $3  }
0x1: {  	(tag) =	ssettag $0x0;
	lr =	simm.s32 $0x1  }
0x2: {  	[smem:$0x3F9A] =	sst lr;
	_ =	strace $0xD0000000  }
0x3: {  	_ = 	snop  }
0x4: {  	_ = 	snop  }
0x5: {  	_ = 	snop  }
0x6: {  	_ = 	snop  }
0x7: {  	_ = 	snop  }
__scs_overlays_trampoline_lowered:
0x8: {  	[smem:$0x3FA9] =	sst s0  }
0x9: {  	[smem:$0x3FAA] =	sst s1  }
0xa: {  	[smem:$0x3FAB] =	sst s2  }
0xb: {  	[smem:$0x3FAC] =	sst s3  }
0xc: {  	[smem:$0x3FAD] =	sst s4  }
0xd: {  	[smem:$0x3FAE] =	sst s5  }
0xe: {  	[smem:$0x3FAF] =	sst s6  }
0xf: {  	[smem:$0x3FB0] =	sst s7  }
0x10: {  	[smem:$0x3FB1] =	sst s8  }
0x11: {  	[smem:$0x3FB2] =	sst s9;
	s0 =	simm.s32 @!p0 $0x0  }
0x12: {  	s1 =	sld [smem:$0x3F98];
	s0 =	simm.s32 @p0 $0x1  }
0x13: {  	[smem:$0x3FB3] =	sst s0;
	s0 =	simm.s32 @!p1 $0x0  }
0x14: {  	s2 =	sld [smem:$0x3F97];
	s0 =	simm.s32 @p1 $0x1  }
0x15: {  	[smem:$0x3FB4] =	sst s0;
	s0 =	simm.s32 @!p2 $0x0  }
0x16: {  	s3 =	sld [smem:$0x3FDB];
	s0 =	simm.s32 @p2 $0x1  }
0x17: {  	s4 =	simm.s32 $0x1BF5;
	[smem:$0x3FB6] =	sst s0  }
0x18: {  	s0 =	sld [smem:$0x3F99];
	_ =	swait.ge [sflag:s4], $0x0  }
0x19: {  	s7 =	sld [smem:$0x3F9A]  }
0x1a: {  	s8 =	sadd.s32 $0xFFFFE003, lr  }
0x1b: {  	s9 =	sadd.s32 $0xFFFFFEF7, lr;
	s5 =	simm.s32 $0xFFFFFFFF;
	p2 =	slt.u32 s8, $0xFFFFF086  }
0x1c: {  	p1 =	slt.u32 s9, $0xF7A;
	s5 =	simm.s32 @!p2 $0x0  }
0x1d: {  	s5 =	simm.s32 @p1 $0x1;
	p0 =	seq.s32 s7, s2  }
0x1e: {  	s7 =	smul.u32 @!p0 $0xF7A, s2;
	p2 =	seq.s32 @!p0 s5, $0x0  }
0x1f: {  	s9 =	smul.u32 $0xF7A, s1;
	s8 =	simm.s32 @!p0 $0x1BF5;
	p2 =	por !p2, p0  }
0x20: {  	[sflag:s8] =	ssyncset.s32 @!p0 $0xFFFFF086;
	s6 =	sadd.s32 @!p0 s3, s7;
	s7 =	simm.s32 @!p0 $0x108  }
0x21: {  	s3 =	sadd.s32 s3, s9;
	s6 =	sadd.s32 @!p0 $0x88, s6;
	s7 =	simm.s32 @p2 $0x1082  }
0x22: {  	[simem:s7], [sflag:s8] =	dma.local @!p0 [hbm:s6], $0xF7A  }
0x23: {  	s9 =	sor.u32 $0xD0000000, s2;
	s6 =	simm.s32 $0x108;
	_ =	swait.ge @!p0 [sflag:s8], $0x0  }
0x24: {  	s3 =	sadd.s32 $0x88, s3;
	s6 =	simm.s32 @!p1 $0x1082;
	[sflag:s4] =	ssyncset.s32 $0xFFFFF086  }
0x25: {  	[simem:s6], [sflag:s4] =	dma.local [hbm:s3], $0xF7A  }
0x26: {  	[smem:$0x3F9A] =	sst s1;
	(tag) =	ssettag s2;
	_ =	strace s9  }
0x27: {  	s1 =	sld [smem:$0x3FAA]  }
0x28: {  	s2 =	sld [smem:$0x3FAB]  }
0x29: {  	s4 =	sld [smem:$0x3FAD]  }
0x2a: {  	p0 =	seq.s32 s5, $0x0;
	s5 =	sld [smem:$0x3FAE]  }
0x2b: {  	s6 =	sld [smem:$0x3FAF]  }
0x2c: {  	s7 =	sld [smem:$0x3FB0]  }
0x2d: {  	s3 =	simm.s32 $0x108;
	s8 =	sld [smem:$0x3FB1]  }
0x2e: {  	s3 =	simm.s32 @!p0 $0x1082;
	s9 =	sld [smem:$0x3FB2]  }
0x2f: {  	lr =	sadd.s32 s0, s3;
	s0 =	sld [smem:$0x3FA9]  }
0x30: {  	s3 =	sld [smem:$0x3FAC]  }
0x31: {  	[smem:$0x3FB5] =	sst s10  }
0x32: {  	s10 =	sld [smem:$0x3FB3];
	_ =	sdelay $0x3  }
0x33: {  	p0 =	seq.s32 s10, $0x1;
	s10 =	sld [smem:$0x3FB5];
	_ =	sdelay $0x3  }
0x34: {  	[smem:$0x3FB5] =	sst s10  }
0x35: {  	s10 =	sld [smem:$0x3FB4];
	_ =	sdelay $0x3  }
0x36: {  	p1 =	seq.s32 s10, $0x1;
	s10 =	sld [smem:$0x3FB5];
	_ =	sdelay $0x3  }
0x37: {  	[smem:$0x3FB5] =	sst s10  }
0x38: {  	s10 =	sld [smem:$0x3FB6]  }
0x39: {  	_ = 	snop;
	(pc) =	sbr.ind lr, $3  }
0x3a: {  	_ = 	snop  }
0x3b: {  	_ = 	snop  }
0x3c: {  	p2 =	seq.s32 s10, $0x1;
	s10 =	sld [smem:$0x3FB5]  }
0x3d: {  	_ =	shalt  }
0x3e: {  	_ =	shalt  }
0x3f: {  	_ =	shalt  }
0x40: {  	_ =	shalt  }
0x41: {  	_ =	shalt  }
0x42: {  	_ =	shalt  }
0x43: {  	_ =	shalt  }
0x44: {  	_ =	shalt  }
0x45: {  	_ =	shalt  }
0x46: {  	_ =	shalt  }
0x47: {  	_ =	shalt  }
0x48: {  	_ =	shalt  }
0x49: {  	_ =	shalt  }
0x4a: {  	_ =	shalt  }
0x4b: {  	_ =	shalt  }
0x4c: {  	_ =	shalt  }
0x4d: {  	_ =	shalt  }
0x4e: {  	_ =	shalt  }
0x4f: {  	_ =	shalt  }
0x50: {  	_ =	shalt  }
0x51: {  	_ =	shalt  }
0x52: {  	_ =	shalt  }
0x53: {  	_ =	shalt  }
0x54: {  	_ =	shalt  }
0x55: {  	_ =	shalt  }
0x56: {  	_ =	shalt  }
0x57: {  	_ =	shalt  }
0x58: {  	_ =	shalt  }
0x59: {  	_ =	shalt  }
0x5a: {  	_ =	shalt  }
0x5b: {  	_ =	shalt  }
0x5c: {  	_ =	shalt  }
0x5d: {  	_ =	shalt  }
0x5e: {  	_ =	shalt  }
0x5f: {  	_ =	shalt  }
0x60: {  	_ =	shalt  }
0x61: {  	_ =	shalt  }
0x62: {  	_ =	shalt  }
0x63: {  	_ =	shalt  }
0x64: {  	_ =	shalt  }
0x65: {  	_ =	shalt  }
0x66: {  	_ =	shalt  }
0x67: {  	_ =	shalt  }
0x68: {  	_ =	shalt  }
0x69: {  	_ =	shalt  }
0x6a: {  	_ =	shalt  }
0x6b: {  	_ =	shalt  }
0x6c: {  	_ =	shalt  }
0x6d: {  	_ =	shalt  }
0x6e: {  	_ =	shalt  }
0x6f: {  	_ =	shalt  }
0x70: {  	_ =	shalt  }
0x71: {  	_ =	shalt  }
0x72: {  	_ =	shalt  }
0x73: {  	_ =	shalt  }
0x74: {  	_ =	shalt  }
0x75: {  	_ =	shalt  }
0x76: {  	_ =	shalt  }
0x77: {  	_ =	shalt  }
0x78: {  	_ =	shalt  }
0x79: {  	_ =	shalt  }
0x7a: {  	_ =	shalt  }
0x7b: {  	_ =	shalt  }
0x7c: {  	_ =	shalt  }
0x7d: {  	_ =	shalt  }
0x7e: {  	_ =	shalt  }
0x7f: {  	_ =	shalt  }
0x80: {  	_ =	shalt  }
0x81: {  	_ =	shalt  }
0x82: {  	_ =	shalt  }
0x83: {  	_ =	shalt  }
0x84: {  	_ =	shalt  }
0x85: {  	_ =	shalt  }
0x86: {  	_ =	shalt  }
0x87: {  	_ =	shalt  }
.Lfunc_end0:
.L_simem_size_0:
called_computation.1_lowered:
.L_overlay_start_0:
0x88: {  	s2 =	sld [smem:$0x3FD9]  }
0x89: {  	s3 =	sld [smem:$0x3FFE];
	_ =	sdelay $0x1  }
0x8a: {  	s1 =	srdreg.scid  }
0x8b: {  	s0 =	sand.u32 $0x1, s1  }
0x8c: {  	s16 =	sshll.u32 s0, $0xA;
	s2 =	sadd.s32 s3, s2  }
0x8d: {  	s2 =	sadd.s32 s2, s16  }
0x8e: {  	[smem:$0x3FC1] =	sst s2  }
0x8f: {  	_ = 	snop  }
0x90: {  	(tm) =	ssettm $0x1  }
0x91: {  	s17 =	sld [smem:$0x3FFB];
	_ =	sdelay $0x3  }
0x92: {  	_ =	strace s17  }
0x93: {  	s2 =	sld [smem:$0x3FFC];
	_ =	sdelay $0x3  }
0x94: {  	_ =	strace s2  }
0x95: {  	s2 =	sld [smem:$0x3FFD];
	_ =	sdelay $0x3  }
0x96: {  	_ =	strace s2  }
0x97: {  	_ =	strace $0x8FFFFFFF  }
0x98: {  	s18 =	sld [smem:$0x3FDB];
	_ =	sdelay $0x1  }
0x99: {  	s19 =	simm.s32 $_scs_section_size  }
0x9a: {  	s4 =	simm.s32 $_size__tile_overlayer_lowered;
	s5 =	simm.s32 $_tile_overlayer_lowered  }
0x9b: {  	s22 =	simm.s32 $0x1BFF;
	s21 =	sshll.u32 s5, $0x1;
	s2 =	sadd.s32 s19, s18  }
0x9c: {  	s6 =	simm.s32 $0x0;
	s20 =	sshll.u32 s4, $0x1;
	s4 =	sadd.s32 s21, s2  }
0x9d: {  	[timem:s6], [sflag:s22] =	dma.local [hbm:s4], s20  }
0x9e: {  	_ =	swait.ge [sflag:s22], s20  }
0x9f: {  	s3 =	ssub.s32 $0x0, s20;
	[sflag:s22] =	ssyncset.done $0x0  }
0xa0: {  	[sflag:s22] =	ssyncadd.s32 s3;
	_ =	sdelay $0x1  }
0xa1: {  	s23 =	simm.s32 $0x1B8B  }
0xa2: {  	_ =	swait.ge [sflag:s23], $0x1  }
0xa3: {  	[sflag:s23] =	ssyncset.done $0x0  }
0xa4: {  	s25 =	simm.s32 $0x1B8E;
	s24 =	sld [smem:$0x3FFE];
	[sflag:s23] =	ssyncadd.s32 $0xFFFFFFFF  }
0xa5: {  	s26 =	simm.s32 $execute0_lowered;
	[smem:$0x3FD2] =	sst s25  }
0xa6: {  	s4 =	sshll.u32 s26, $0x1;
	_ =	strace $0x80000049;
	[dreg:$0x1] =	wrdreg $0xFFFFFFFF  }
0xa7: {  	s28 =	simm.s32 $_size_execute0_lowered;
	s2 =	sadd.s32 s2, s4;
	[dreg:$0x0] =	wrdreg $0x0  }
0xa8: {  	s4 =	sshll.u32 s28, $0x1;
	[dreg:$0x2] =	wrdreg s2  }
0xa9: {  	[dreg:$0x3] =	wrdreg s4  }
0xaa: {  	[dreg:$0x4] =	wrdreg $0xC0  }
0xab: {  	_ =	task [dreg:s6], $0x5FFFF  }
0xac: {  	[dreg:$0x1] =	wrdreg $0xFFFFFFFF  }
0xad: {  	[dreg:$0x0] =	wrdreg $0x60  }
0xae: {  	[dreg:$0x2] =	wrdreg s24  }
0xaf: {  	[dreg:$0x3] =	wrdreg $0xA8000  }
0xb0: {  	[dreg:$0x4] =	wrdreg $0x9  }
0xb1: {  	_ =	task.clear_ibuf [dreg:s6], $0x5FFFF;
	_ =	strace $0x90000049  }
0xb2: {  	s29 =	simm.s32 $0x9;
	_ =	strace $0x8000004B  }
0xb3: {  	_ =	swait.ge [sflag:s29], $0x1  }
0xb4: {  	[sflag:s29] =	ssyncadd.s32 $0xFFFFFFFF  }
0xb5: {  	_ =	strace $0x9000004B  }
0xb6: {  	_ =	sfence  }
0xb7: {  	s30 =	sld [smem:$0x0];
	_ =	sdelay $0x2  }
0xb8: {  	s31 =	sshll.u32 s1, $0xD;
	s1 =	sshrl.u32 s1, $0x2  }
0xb9: {  	s3 =	sand.u32 $0x4000, s31;
	s1 =	sadd.s32 s1, s30  }
0xba: {  	s0 =	sor.u32 s3, s0;
	s1 =	sshll.u32 s1, $0x11  }
0xbb: {  	s0 =	sor.u32 s1, s0  }
0xbc: {  	s0 =	sadd.s32 $0x8F2B, s0  }
0xbd: {  	[sflag:s0] =	ssyncadd.remote.s32 $0x1  }
0xbe: {  	_ =	sfence.sel $0xFFFF  }
0xbf: {  	[dreg:$0x0] =	wrdreg $0xFFFFFFFF;
	(pc) =	sbr.abs _section_cstart, $3  }
0xc0: {  	[dreg:$0x1] =	wrdreg $0xFFFFFFFF  }
0xc1: {  	_ =	task.clear_ibuf [dreg:s6], $0x2FFFF;
	_ =	strace $0x9FFFFFFF  }
0xc2: {  	(tm) =	ssettm $0x7FFFFFFF  }
0xc3: {  	_ =	shalt  }
tec
execute0_lowered:
.L_overlay_start_1:
0x0: {  	(tag) =	ssettag $0x1  }
0x1: {  	s1 =	rddreg [dreg:$0x0]  }
0x2: {  	s3 =	srdreg.scid;
	s0 =	stileid.u32  }
0x3: {  	s2 =	rddreg [dreg:$0x1];
	s16 =	simm.s32 $0x40;
	s4 =	smul.u32 $0x50, s0  }
0x4: {  	s17 =	simm.s32 $0x2800;
	s18 =	simm.s32 $0x4800;
	s8 =	smul.u32 $0x3E80, s0  }
0x5: {  	s19 =	simm.s32 $0x6800;
	s20 =	simm.s32 $0x8800;
	s24 =	smul.u32 $0x4F000, s0  }
0x6: {  	s21 =	simm.s32 $0x1;
	s22 =	simm.s32 $0x80;
	s11 =	smul.u32 $0x500, s0  }
0x7: {  	s23 =	simm.s32 $0x2;
	s28 =	simm.s32 $0x0;
	s29 =	smul.u32 $0x2800, s0  }
0x8: {  	s6 =	sand.u32 $0x1, s3;
	s3 =	simm.s32 $0x0;
	s14 =	smul.u32 $0x7D000, s0  }
0x9: {  	s10 =	sadd.s32 $0x2400, s1;
	s30 =	sshll.u32 s0, $0x6;
	s5 =	smul.u32 $0x500, s6  }
0xa: {  	[smem:$0x7FF] =	sst s3;
	s7 =	smul.u32 $0x27100, s6;
	s6 =	ssub.s32 $0x2, s6  }
0xb: {  	p0 =	sgt.u32 s0, $0x9;
	_ =	strace $0x8000004A;
	s25 =	sshrl.u32 s6, $0x1  }
0xc: {  	s26 =	sshrl.u32 s24, $0x2;
	s15 =	sshrl.u32 s29, $0x3;
	s31 =	sshrl.u32 s14, $0x2  }
0xd: {  	s14 =	simm.s32 $0x5;
	s24 =	simm.s32 $0x3;
	s5 =	sadd.s32 s4, s5  }
0xe: {  	s4 =	sadd.s32 $0x9C00, s1;
	s7 =	sadd.s32 s8, s7;
	s12 =	ssub.s32 s6, s25  }
0xf: {  	s13 =	sadd.s32 s26, s2;
	s6 =	sor.u32 $0x1C05, s30;
	s8 =	sadd.s32 s10, s11  }
0x10: {  	s10 =	sadd.s32 s10, s15;
	s25 =	sadd.s32 s31, s2;
	s15 =	simm.s32 $0x1400  }
0x11: {  	s26 =	simm.s32 $0x4;
	s5 =	sshll.u32 s5, $0x4;
	s10 =	sadd.s32 $0x280, s10  }
0x12: {  	s12 =	smax.u32 s12, $0x1;
	s13 =	sshrl.u32 s13, $0x3;
	s25 =	sshrl.u32 @!p0 s25, $0x3  }
0x13: {  	s9 =	sadd.s32 s5, s1;
	s5 =	sadd.s32 $0x7400, s1;
	s1 =	sadd.s32 s7, s1  }
0x14: {  	s7 =	sadd.s32 $0xA6800, s9;
	s9 =	sadd.s32 $0xA6A80, s9;
	s11 =	sadd.s32 $0x57E00, s1  }
.LBB2_1:
0x15: {  	[spmem:s13], [sflag:s6] =	dma.local [hbm:s5], $0x2780  }
0x16: {  	_ =	swait.ge [sflag:s14], $0x2780  }
0x17: {  	[sflag:s14] =	ssyncset.done $0x0  }
0x18: {  	[sflag:s14] =	ssyncadd.s32 $0xFFFFD880  }
0x19: {  	[bflag:$0x0] =	sbarrier.arrive $0xFFFF  }
0x1a: {  	[tilespmem:s3], [sflag:$0x5] =	stream.linear.gather [hbm4b:s7+s3], $0x1400, $0x38;
	[tilespmem:$0x1E400] =	vst v63  }
0x1b: {  	_ =	swait.ge [sflag:s14], $0x1400  }
0x1c: {  	[sflag:s14] =	ssyncset.done $0x0  }
0x1d: {  	[sflag:s14] =	ssyncadd.s32 $0xFFFFEC00  }
0x1e: {  	[tilespmem:s15], [sflag:$0x5] =	stream.linear.gather [hbm4b:s8+s3], $0x1400, $0x38;
	[tilespmem:$0x1E400] =	vst v63  }
0x1f: {  	_ =	swait.ge [sflag:s14], $0x1400  }
0x20: {  	[sflag:s14] =	ssyncset.done $0x0  }
0x21: {  	s1 =	simm.s32 $0x0;
	[sflag:s14] =	ssyncadd.s32 $0xFFFFEC00  }
0x22: {  	[tilespmem:s17], [sflag:$0x1] =	stream.indirect.gather [hbm4b:s4+s16], $0x80, s1, s16, $0xb8;
	[tilespmem:$0x1E400] =	vst v63  }
0x23: {  	s31 =	simm.s32 $0x40  }
0x24: {  	[tilespmem:s18], [sflag:$0x1] =	stream.indirect.gather [hbm4b:s4+s16], $0x80, s31, s16, $0xb8;
	[tilespmem:$0x1E400] =	vst v63  }
0x25: {  	s31 =	simm.s32 $0x80  }
0x26: {  	[tilespmem:s19], [sflag:$0x2] =	stream.indirect.gather [hbm4b:s4+s16], $0x80, s31, s16, $0xb8;
	[tilespmem:$0x1E400] =	vst v63  }
0x27: {  	s31 =	simm.s32 $0xC0  }
0x28: {  	[tilespmem:s20], [sflag:$0x2] =	stream.indirect.gather [hbm4b:s4+s16], $0x80, s31, s16, $0xb8;
	[tilespmem:$0x1E400] =	vst v63  }
0x29: {  	_ =	swait.ge [sflag:s21], $0x2000  }
0x2a: {  	[sflag:s21] =	ssyncset.done $0x0  }
0x2b: {  	[sflag:s21] =	ssyncadd.s32 $0xFFFFE000  }
0x2c: {  	_ =	swait.ge [sflag:s21], $0x2000  }
0x2d: {  	[sflag:s21] =	ssyncset.done $0x0  }
0x2e: {  	s31 =	simm.s32 $0x1400;
	[sflag:s21] =	ssyncadd.s32 $0xFFFFE000  }
0x2f: {  	[spmem:s2] =	stream.indirect.scatter.add.f32 [tilespmem:s17], [sflag:$0x3], $0x80, s31, s22, $0xb8;
	[tilespmem:$0x1E400] =	vst v63  }
0x30: {  	_ =	swait.ge [sflag:s23], $0x2000  }
0x31: {  	[sflag:s23] =	ssyncset.done $0x0  }
0x32: {  	[sflag:s23] =	ssyncadd.s32 $0xFFFFE000  }
0x33: {  	_ =	swait.ge [sflag:s23], $0x2000  }
0x34: {  	[sflag:s23] =	ssyncset.done $0x0  }
0x35: {  	s31 =	simm.s32 $0x1480;
	[sflag:s23] =	ssyncadd.s32 $0xFFFFE000  }
0x36: {  	[spmem:s2] =	stream.indirect.scatter.add.f32 [tilespmem:s19], [sflag:$0x4], $0x80, s31, s22, $0xb8;
	[tilespmem:$0x1E400] =	vst v63  }
0x37: {  	_ =	swait.ge [sflag:s24], $0x4000  }
0x38: {  	[sflag:s24] =	ssyncset.done $0x0  }
0x39: {  	s31 =	simm.s32 $0x100;
	[sflag:s24] =	ssyncadd.s32 $0xFFFFC000  }
0x3a: {  	[tilespmem:s17], [sflag:$0x1] =	stream.indirect.gather [hbm4b:s4+s16], $0x80, s31, s16, $0xb8;
	[tilespmem:$0x1E400] =	vst v63  }
0x3b: {  	s31 =	simm.s32 $0x140  }
0x3c: {  	[tilespmem:s18], [sflag:$0x1] =	stream.indirect.gather [hbm4b:s4+s16], $0x80, s31, s16, $0xb8;
	[tilespmem:$0x1E400] =	vst v63  }
0x3d: {  	_ =	swait.ge [sflag:s21], $0x2000  }
0x3e: {  	[sflag:s21] =	ssyncset.done $0x0  }
0x3f: {  	[sflag:s21] =	ssyncadd.s32 $0xFFFFE000  }
0x40: {  	_ =	swait.ge [sflag:s21], $0x2000  }
0x41: {  	[sflag:s21] =	ssyncset.done $0x0  }
0x42: {  	s31 =	simm.s32 $0x1500;
	[sflag:s21] =	ssyncadd.s32 $0xFFFFE000  }
0x43: {  	[spmem:s2] =	stream.indirect.scatter.add.f32 [tilespmem:s17], [sflag:$0x3], $0x80, s31, s22, $0xb8;
	[tilespmem:$0x1E400] =	vst v63  }
0x44: {  	_ =	swait.ge [sflag:s26], $0x4000  }
0x45: {  	[sflag:s26] =	ssyncset.done $0x0  }
0x46: {  	s31 =	simm.s32 $0x180;
	[sflag:s26] =	ssyncadd.s32 $0xFFFFC000  }
0x47: {  	[tilespmem:s19], [sflag:$0x2] =	stream.indirect.gather [hbm4b:s4+s16], $0x80, s31, s16, $0xb8;
	[tilespmem:$0x1E400] =	vst v63  }
0x48: {  	s31 =	simm.s32 $0x1C0  }
0x49: {  	[tilespmem:s20], [sflag:$0x2] =	stream.indirect.gather [hbm4b:s4+s16], $0x80, s31, s16, $0xb8;
	[tilespmem:$0x1E400] =	vst v63  }
0x4a: {  	_ =	swait.ge [sflag:s23], $0x2000  }
0x4b: {  	[sflag:s23] =	ssyncset.done $0x0  }
0x4c: {  	[sflag:s23] =	ssyncadd.s32 $0xFFFFE000  }
0x4d: {  	_ =	swait.ge [sflag:s23], $0x2000  }
0x4e: {  	[sflag:s23] =	ssyncset.done $0x0  }
0x4f: {  	s31 =	simm.s32 $0x1580;
	[sflag:s23] =	ssyncadd.s32 $0xFFFFE000  }
0x50: {  	[spmem:s2] =	stream.indirect.scatter.add.f32 [tilespmem:s19], [sflag:$0x4], $0x80, s31, s22, $0xb8;
	[tilespmem:$0x1E400] =	vst v63  }
0x51: {  	_ =	swait.ge [sflag:s24], $0x4000  }
0x52: {  	[sflag:s24] =	ssyncset.done $0x0  }
0x53: {  	[sflag:s24] =	ssyncadd.s32 $0xFFFFC000  }
0x54: {  	_ =	swait.ge [sflag:s26], $0x4000  }
0x55: {  	s29 =	simm.s32 $0x800;
	s30 =	simm.s32 $0x1000;
	[sflag:s26] =	ssyncset.done $0x0  }
.LBB2_2:
0x56: {  	s31 =	sshra.s32 s29, $0x2  }
0x57: {  	[sflag:s26] =	ssyncadd.s32 $0xFFFFC000;
	s29 =	smov.u32 s30;
	s1 =	sadd.s32 $0x800, s30  }
0x58: {  	[tilespmem:s17], [sflag:$0x1] =	stream.indirect.gather [hbm4b:s4+s16], $0x80, s31, s16, $0xb8;
	[tilespmem:$0x1E400] =	vst v63  }
0x59: {  	p1 =	sne.s32 s30, $0x4800;
	s30 =	sadd.s32 $0x40, s31  }
0x5a: {  	[tilespmem:s18], [sflag:$0x1] =	stream.indirect.gather [hbm4b:s4+s16], $0x80, s30, s16, $0xb8;
	[tilespmem:$0x1E400] =	vst v63  }
0x5b: {  	s30 =	sadd.s32 $0x80, s31  }
0x5c: {  	[tilespmem:s19], [sflag:$0x2] =	stream.indirect.gather [hbm4b:s4+s16], $0x80, s30, s16, $0xb8;
	[tilespmem:$0x1E400] =	vst v63  }
0x5d: {  	s30 =	sadd.s32 $0xC0, s31  }
0x5e: {  	[tilespmem:s20], [sflag:$0x2] =	stream.indirect.gather [hbm4b:s4+s16], $0x80, s30, s16, $0xb8;
	[tilespmem:$0x1E400] =	vst v63  }
0x5f: {  	_ =	swait.ge [sflag:s21], $0x2000  }
0x60: {  	[sflag:s21] =	ssyncset.done $0x0  }
0x61: {  	[sflag:s21] =	ssyncadd.s32 $0xFFFFE000  }
0x62: {  	_ =	swait.ge [sflag:s21], $0x2000  }
0x63: {  	[sflag:s21] =	ssyncset.done $0x0  }
0x64: {  	s30 =	sadd.s32 $0x1400, s31;
	[sflag:s21] =	ssyncadd.s32 $0xFFFFE000  }
0x65: {  	[spmem:s2] =	stream.indirect.scatter.add.f32 [tilespmem:s17], [sflag:$0x3], $0x80, s30, s22, $0xb8;
	[tilespmem:$0x1E400] =	vst v63  }
0x66: {  	_ =	swait.ge [sflag:s23], $0x2000  }
0x67: {  	[sflag:s23] =	ssyncset.done $0x0  }
0x68: {  	[sflag:s23] =	ssyncadd.s32 $0xFFFFE000  }
0x69: {  	_ =	swait.ge [sflag:s23], $0x2000  }
0x6a: {  	[sflag:s23] =	ssyncset.done $0x0  }
0x6b: {  	s30 =	sadd.s32 $0x1480, s31;
	[sflag:s23] =	ssyncadd.s32 $0xFFFFE000  }
0x6c: {  	[spmem:s2] =	stream.indirect.scatter.add.f32 [tilespmem:s19], [sflag:$0x4], $0x80, s30, s22, $0xb8;
	[tilespmem:$0x1E400] =	vst v63  }
0x6d: {  	_ =	swait.ge [sflag:s24], $0x4000  }
0x6e: {  	[sflag:s24] =	ssyncset.done $0x0  }
0x6f: {  	s30 =	sadd.s32 $0x100, s31;
	[sflag:s24] =	ssyncadd.s32 $0xFFFFC000  }
0x70: {  	[tilespmem:s17], [sflag:$0x1] =	stream.indirect.gather [hbm4b:s4+s16], $0x80, s30, s16, $0xb8;
	[tilespmem:$0x1E400] =	vst v63  }
0x71: {  	s30 =	sadd.s32 $0x140, s31  }
0x72: {  	[tilespmem:s18], [sflag:$0x1] =	stream.indirect.gather [hbm4b:s4+s16], $0x80, s30, s16, $0xb8;
	[tilespmem:$0x1E400] =	vst v63  }
0x73: {  	_ =	swait.ge [sflag:s21], $0x2000  }
0x74: {  	[sflag:s21] =	ssyncset.done $0x0  }
0x75: {  	[sflag:s21] =	ssyncadd.s32 $0xFFFFE000  }
0x76: {  	_ =	swait.ge [sflag:s21], $0x2000  }
0x77: {  	[sflag:s21] =	ssyncset.done $0x0  }
0x78: {  	s30 =	sadd.s32 $0x1500, s31;
	[sflag:s21] =	ssyncadd.s32 $0xFFFFE000  }
0x79: {  	[spmem:s2] =	stream.indirect.scatter.add.f32 [tilespmem:s17], [sflag:$0x3], $0x80, s30, s22, $0xb8;
	[tilespmem:$0x1E400] =	vst v63  }
0x7a: {  	_ =	swait.ge [sflag:s26], $0x4000  }
0x7b: {  	[sflag:s26] =	ssyncset.done $0x0  }
0x7c: {  	s30 =	sadd.s32 $0x180, s31;
	[sflag:s26] =	ssyncadd.s32 $0xFFFFC000  }
0x7d: {  	[tilespmem:s19], [sflag:$0x2] =	stream.indirect.gather [hbm4b:s4+s16], $0x80, s30, s16, $0xb8;
	[tilespmem:$0x1E400] =	vst v63  }
0x7e: {  	s30 =	sadd.s32 $0x1C0, s31  }
0x7f: {  	[tilespmem:s20], [sflag:$0x2] =	stream.indirect.gather [hbm4b:s4+s16], $0x80, s30, s16, $0xb8;
	[tilespmem:$0x1E400] =	vst v63  }
0x80: {  	_ =	swait.ge [sflag:s23], $0x2000  }
0x81: {  	[sflag:s23] =	ssyncset.done $0x0  }
0x82: {  	[sflag:s23] =	ssyncadd.s32 $0xFFFFE000  }
0x83: {  	_ =	swait.ge [sflag:s23], $0x2000  }
0x84: {  	[sflag:s23] =	ssyncset.done $0x0  }
0x85: {  	s30 =	sadd.s32 $0x1580, s31;
	[sflag:s23] =	ssyncadd.s32 $0xFFFFE000  }
0x86: {  	[spmem:s2] =	stream.indirect.scatter.add.f32 [tilespmem:s19], [sflag:$0x4], $0x80, s30, s22, $0xb8;
	[tilespmem:$0x1E400] =	vst v63  }
.Ltmp0:
0x87: {  	_ =	swait.ge [sflag:s24], $0x4000;
	(pc) =	sbr.rel @p1 .LBB2_2-.Ltmp0, $4  }
0x88: {  	[sflag:s24] =	ssyncset.done $0x0  }
0x89: {  	[sflag:s24] =	ssyncadd.s32 $0xFFFFC000  }
0x8a: {  	_ =	swait.ge [sflag:s26], $0x4000  }
0x8b: {  	s30 =	smov.u32 s1;
	[sflag:s26] =	ssyncset.done $0x0  }
0x8c: {  	s1 =	sshra.s32 s29, $0x2;
	[sflag:s26] =	ssyncadd.s32 $0xFFFFC000  }
0x8d: {  	[tilespmem:s17], [sflag:$0x1] =	stream.indirect.gather [hbm4b:s4+s16], $0x80, s1, s16, $0xb8;
	[tilespmem:$0x1E400] =	vst v63  }
0x8e: {  	s29 =	sadd.s32 $0x40, s1  }
0x8f: {  	[tilespmem:s18], [sflag:$0x1] =	stream.indirect.gather [hbm4b:s4+s16], $0x80, s29, s16, $0xb8;
	[tilespmem:$0x1E400] =	vst v63  }
0x90: {  	s29 =	sadd.s32 $0x80, s1  }
0x91: {  	[tilespmem:s19], [sflag:$0x2] =	stream.indirect.gather [hbm4b:s4+s16], $0x80, s29, s16, $0xb8;
	[tilespmem:$0x1E400] =	vst v63  }
0x92: {  	s29 =	sadd.s32 $0xC0, s1  }
0x93: {  	[tilespmem:s20], [sflag:$0x2] =	stream.indirect.gather [hbm4b:s4+s16], $0x80, s29, s16, $0xb8;
	[tilespmem:$0x1E400] =	vst v63  }
0x94: {  	_ =	swait.ge [sflag:s21], $0x2000  }
0x95: {  	[sflag:s21] =	ssyncset.done $0x0  }
0x96: {  	[sflag:s21] =	ssyncadd.s32 $0xFFFFE000  }
0x97: {  	_ =	swait.ge [sflag:s21], $0x2000  }
0x98: {  	[sflag:s21] =	ssyncset.done $0x0  }
0x99: {  	s29 =	sadd.s32 $0x1400, s1;
	[sflag:s21] =	ssyncadd.s32 $0xFFFFE000  }
0x9a: {  	[spmem:s2] =	stream.indirect.scatter.add.f32 [tilespmem:s17], [sflag:$0x3], $0x80, s29, s22, $0xb8;
	[tilespmem:$0x1E400] =	vst v63  }
0x9b: {  	_ =	swait.ge [sflag:s23], $0x2000  }
0x9c: {  	[sflag:s23] =	ssyncset.done $0x0  }
0x9d: {  	[sflag:s23] =	ssyncadd.s32 $0xFFFFE000  }
0x9e: {  	_ =	swait.ge [sflag:s23], $0x2000  }
0x9f: {  	[sflag:s23] =	ssyncset.done $0x0  }
0xa0: {  	s29 =	sadd.s32 $0x1480, s1;
	[sflag:s23] =	ssyncadd.s32 $0xFFFFE000  }
0xa1: {  	[spmem:s2] =	stream.indirect.scatter.add.f32 [tilespmem:s19], [sflag:$0x4], $0x80, s29, s22, $0xb8;
	[tilespmem:$0x1E400] =	vst v63  }
0xa2: {  	_ =	swait.ge [sflag:s24], $0x4000  }
0xa3: {  	[sflag:s24] =	ssyncset.done $0x0  }
0xa4: {  	s29 =	sadd.s32 $0x100, s1;
	[sflag:s24] =	ssyncadd.s32 $0xFFFFC000  }
0xa5: {  	[tilespmem:s17], [sflag:$0x1] =	stream.indirect.gather [hbm4b:s4+s16], $0x80, s29, s16, $0xb8;
	[tilespmem:$0x1E400] =	vst v63  }
0xa6: {  	s29 =	sadd.s32 $0x140, s1  }
0xa7: {  	[tilespmem:s18], [sflag:$0x1] =	stream.indirect.gather [hbm4b:s4+s16], $0x80, s29, s16, $0xb8;
	[tilespmem:$0x1E400] =	vst v63  }
0xa8: {  	_ =	swait.ge [sflag:s21], $0x2000  }
0xa9: {  	[sflag:s21] =	ssyncset.done $0x0  }
0xaa: {  	[sflag:s21] =	ssyncadd.s32 $0xFFFFE000  }
0xab: {  	_ =	swait.ge [sflag:s21], $0x2000  }
0xac: {  	[sflag:s21] =	ssyncset.done $0x0  }
0xad: {  	s29 =	sadd.s32 $0x1500, s1;
	[sflag:s21] =	ssyncadd.s32 $0xFFFFE000  }
0xae: {  	[spmem:s2] =	stream.indirect.scatter.add.f32 [tilespmem:s17], [sflag:$0x3], $0x80, s29, s22, $0xb8;
	[tilespmem:$0x1E400] =	vst v63  }
0xaf: {  	_ =	swait.ge [sflag:s26], $0x4000  }
0xb0: {  	[sflag:s26] =	ssyncset.done $0x0  }
0xb1: {  	s29 =	sadd.s32 $0x180, s1;
	[sflag:s26] =	ssyncadd.s32 $0xFFFFC000  }
0xb2: {  	[tilespmem:s19], [sflag:$0x2] =	stream.indirect.gather [hbm4b:s4+s16], $0x80, s29, s16, $0xb8;
	[tilespmem:$0x1E400] =	vst v63  }
0xb3: {  	s29 =	sadd.s32 $0x1C0, s1  }
0xb4: {  	[tilespmem:s20], [sflag:$0x2] =	stream.indirect.gather [hbm4b:s4+s16], $0x80, s29, s16, $0xb8;
	[tilespmem:$0x1E400] =	vst v63  }
0xb5: {  	_ =	swait.ge [sflag:s23], $0x2000  }
0xb6: {  	[sflag:s23] =	ssyncset.done $0x0  }
0xb7: {  	[sflag:s23] =	ssyncadd.s32 $0xFFFFE000  }
0xb8: {  	_ =	swait.ge [sflag:s23], $0x2000  }
0xb9: {  	[sflag:s23] =	ssyncset.done $0x0  }
0xba: {  	s1 =	sadd.s32 $0x1580, s1;
	[sflag:s23] =	ssyncadd.s32 $0xFFFFE000  }
0xbb: {  	[spmem:s2] =	stream.indirect.scatter.add.f32 [tilespmem:s19], [sflag:$0x4], $0x80, s1, s22, $0xb8;
	[tilespmem:$0x1E400] =	vst v63  }
0xbc: {  	_ =	swait.ge [sflag:s24], $0x4000  }
0xbd: {  	[sflag:s24] =	ssyncset.done $0x0  }
0xbe: {  	[sflag:s24] =	ssyncadd.s32 $0xFFFFC000  }
0xbf: {  	_ =	swait.ge [sflag:s26], $0x4000  }
0xc0: {  	[sflag:s26] =	ssyncset.done $0x0  }
0xc1: {  	s31 =	simm.s32 $0x0;
	[sflag:s26] =	ssyncadd.s32 $0xFFFFC000  }
0xc2: {  	[tilespmem:s31], [sflag:$0x5] =	stream.linear.gather [hbm4b:s9+s31], $0x1400, $0x38;
	[tilespmem:$0x1E400] =	vst v63  }
0xc3: {  	_ =	swait.ge [sflag:s14], $0x1400  }
0xc4: {  	[sflag:s14] =	ssyncset.done $0x0  }
0xc5: {  	[sflag:s14] =	ssyncadd.s32 $0xFFFFEC00  }
0xc6: {  	[tilespmem:s15], [sflag:$0x5] =	stream.linear.gather [hbm4b:s10+s31], $0x1400, $0x38;
	[tilespmem:$0x1E400] =	vst v63  }
0xc7: {  	_ =	swait.ge [sflag:s14], $0x1400  }
0xc8: {  	[sflag:s14] =	ssyncset.done $0x0  }
0xc9: {  	s30 =	simm.s32 $0x0;
	[sflag:s14] =	ssyncadd.s32 $0xFFFFEC00  }
0xca: {  	[tilespmem:s17], [sflag:$0x1] =	stream.indirect.gather [hbm4b:s4+s16], $0x80, s30, s16, $0xb8;
	[tilespmem:$0x1E400] =	vst v63  }
0xcb: {  	s31 =	simm.s32 $0x40  }
0xcc: {  	[tilespmem:s18], [sflag:$0x1] =	stream.indirect.gather [hbm4b:s4+s16], $0x80, s31, s16, $0xb8;
	[tilespmem:$0x1E400] =	vst v63  }
0xcd: {  	s30 =	simm.s32 $0x80  }
0xce: {  	[tilespmem:s19], [sflag:$0x2] =	stream.indirect.gather [hbm4b:s4+s16], $0x80, s30, s16, $0xb8;
	[tilespmem:$0x1E400] =	vst v63  }
0xcf: {  	s31 =	simm.s32 $0xC0  }
0xd0: {  	[tilespmem:s20], [sflag:$0x2] =	stream.indirect.gather [hbm4b:s4+s16], $0x80, s31, s16, $0xb8;
	[tilespmem:$0x1E400] =	vst v63  }
0xd1: {  	_ =	swait.ge [sflag:s21], $0x2000  }
0xd2: {  	[sflag:s21] =	ssyncset.done $0x0  }
0xd3: {  	[sflag:s21] =	ssyncadd.s32 $0xFFFFE000  }
0xd4: {  	_ =	swait.ge [sflag:s21], $0x2000  }
0xd5: {  	[sflag:s21] =	ssyncset.done $0x0  }
0xd6: {  	s30 =	simm.s32 $0x1400;
	[sflag:s21] =	ssyncadd.s32 $0xFFFFE000  }
0xd7: {  	[spmem:s2] =	stream.indirect.scatter.add.f32 [tilespmem:s17], [sflag:$0x3], $0x80, s30, s22, $0xb8;
	[tilespmem:$0x1E400] =	vst v63  }
0xd8: {  	_ =	swait.ge [sflag:s23], $0x2000  }
0xd9: {  	[sflag:s23] =	ssyncset.done $0x0  }
0xda: {  	[sflag:s23] =	ssyncadd.s32 $0xFFFFE000  }
0xdb: {  	_ =	swait.ge [sflag:s23], $0x2000  }
0xdc: {  	[sflag:s23] =	ssyncset.done $0x0  }
0xdd: {  	s31 =	simm.s32 $0x1480;
	[sflag:s23] =	ssyncadd.s32 $0xFFFFE000  }
0xde: {  	[spmem:s2] =	stream.indirect.scatter.add.f32 [tilespmem:s19], [sflag:$0x4], $0x80, s31, s22, $0xb8;
	[tilespmem:$0x1E400] =	vst v63  }
0xdf: {  	_ =	swait.ge [sflag:s24], $0x4000  }
0xe0: {  	[sflag:s24] =	ssyncset.done $0x0  }
0xe1: {  	s30 =	simm.s32 $0x100;
	[sflag:s24] =	ssyncadd.s32 $0xFFFFC000  }
0xe2: {  	[tilespmem:s17], [sflag:$0x1] =	stream.indirect.gather [hbm4b:s4+s16], $0x80, s30, s16, $0xb8;
	[tilespmem:$0x1E400] =	vst v63  }
0xe3: {  	s31 =	simm.s32 $0x140  }
0xe4: {  	[tilespmem:s18], [sflag:$0x1] =	stream.indirect.gather [hbm4b:s4+s16], $0x80, s31, s16, $0xb8;
	[tilespmem:$0x1E400] =	vst v63  }
0xe5: {  	_ =	swait.ge [sflag:s21], $0x2000  }
0xe6: {  	[sflag:s21] =	ssyncset.done $0x0  }
0xe7: {  	[sflag:s21] =	ssyncadd.s32 $0xFFFFE000  }
0xe8: {  	_ =	swait.ge [sflag:s21], $0x2000  }
0xe9: {  	[sflag:s21] =	ssyncset.done $0x0  }
0xea: {  	s30 =	simm.s32 $0x1500;
	[sflag:s21] =	ssyncadd.s32 $0xFFFFE000  }
0xeb: {  	[spmem:s2] =	stream.indirect.scatter.add.f32 [tilespmem:s17], [sflag:$0x3], $0x80, s30, s22, $0xb8;
	[tilespmem:$0x1E400] =	vst v63  }
0xec: {  	_ =	swait.ge [sflag:s26], $0x4000  }
0xed: {  	[sflag:s26] =	ssyncset.done $0x0  }
0xee: {  	s31 =	simm.s32 $0x180;
	[sflag:s26] =	ssyncadd.s32 $0xFFFFC000  }
0xef: {  	[tilespmem:s19], [sflag:$0x2] =	stream.indirect.gather [hbm4b:s4+s16], $0x80, s31, s16, $0xb8;
	[tilespmem:$0x1E400] =	vst v63  }
0xf0: {  	s30 =	simm.s32 $0x1C0  }
0xf1: {  	[tilespmem:s20], [sflag:$0x2] =	stream.indirect.gather [hbm4b:s4+s16], $0x80, s30, s16, $0xb8;
	[tilespmem:$0x1E400] =	vst v63  }
0xf2: {  	_ =	swait.ge [sflag:s23], $0x2000  }
0xf3: {  	[sflag:s23] =	ssyncset.done $0x0  }
0xf4: {  	[sflag:s23] =	ssyncadd.s32 $0xFFFFE000  }
0xf5: {  	_ =	swait.ge [sflag:s23], $0x2000  }
0xf6: {  	[sflag:s23] =	ssyncset.done $0x0  }
0xf7: {  	s31 =	simm.s32 $0x1580;
	[sflag:s23] =	ssyncadd.s32 $0xFFFFE000  }
0xf8: {  	[spmem:s2] =	stream.indirect.scatter.add.f32 [tilespmem:s19], [sflag:$0x4], $0x80, s31, s22, $0xb8;
	[tilespmem:$0x1E400] =	vst v63  }
0xf9: {  	_ =	swait.ge [sflag:s24], $0x4000  }
0xfa: {  	[sflag:s24] =	ssyncset.done $0x0  }
0xfb: {  	[sflag:s24] =	ssyncadd.s32 $0xFFFFC000  }
0xfc: {  	_ =	swait.ge [sflag:s26], $0x4000  }
0xfd: {  	s29 =	simm.s32 $0x800;
	s1 =	simm.s32 $0x1000;
	[sflag:s26] =	ssyncset.done $0x0  }
.LBB2_4:
0xfe: {  	s31 =	sshra.s32 s29, $0x2  }
0xff: {  	[sflag:s26] =	ssyncadd.s32 $0xFFFFC000;
	s29 =	smov.u32 s1;
	s30 =	sadd.s32 $0x800, s1  }
0x100: {  	[tilespmem:s17], [sflag:$0x1] =	stream.indirect.gather [hbm4b:s4+s16], $0x80, s31, s16, $0xb8;
	[tilespmem:$0x1E400] =	vst v63  }
0x101: {  	p1 =	sne.s32 s1, $0x4800;
	s1 =	sadd.s32 $0x40, s31  }
0x102: {  	[tilespmem:s18], [sflag:$0x1] =	stream.indirect.gather [hbm4b:s4+s16], $0x80, s1, s16, $0xb8;
	[tilespmem:$0x1E400] =	vst v63  }
0x103: {  	s1 =	sadd.s32 $0x80, s31  }
0x104: {  	[tilespmem:s19], [sflag:$0x2] =	stream.indirect.gather [hbm4b:s4+s16], $0x80, s1, s16, $0xb8;
	[tilespmem:$0x1E400] =	vst v63  }
0x105: {  	s1 =	sadd.s32 $0xC0, s31  }
0x106: {  	[tilespmem:s20], [sflag:$0x2] =	stream.indirect.gather [hbm4b:s4+s16], $0x80, s1, s16, $0xb8;
	[tilespmem:$0x1E400] =	vst v63  }
0x107: {  	_ =	swait.ge [sflag:s21], $0x2000  }
0x108: {  	[sflag:s21] =	ssyncset.done $0x0  }
0x109: {  	[sflag:s21] =	ssyncadd.s32 $0xFFFFE000  }
0x10a: {  	_ =	swait.ge [sflag:s21], $0x2000  }
0x10b: {  	[sflag:s21] =	ssyncset.done $0x0  }
0x10c: {  	s1 =	sadd.s32 $0x1400, s31;
	[sflag:s21] =	ssyncadd.s32 $0xFFFFE000  }
0x10d: {  	[spmem:s2] =	stream.indirect.scatter.add.f32 [tilespmem:s17], [sflag:$0x3], $0x80, s1, s22, $0xb8;
	[tilespmem:$0x1E400] =	vst v63  }
0x10e: {  	_ =	swait.ge [sflag:s23], $0x2000  }
0x10f: {  	[sflag:s23] =	ssyncset.done $0x0  }
0x110: {  	[sflag:s23] =	ssyncadd.s32 $0xFFFFE000  }
0x111: {  	_ =	swait.ge [sflag:s23], $0x2000  }
0x112: {  	[sflag:s23] =	ssyncset.done $0x0  }
0x113: {  	s1 =	sadd.s32 $0x1480, s31;
	[sflag:s23] =	ssyncadd.s32 $0xFFFFE000  }
0x114: {  	[spmem:s2] =	stream.indirect.scatter.add.f32 [tilespmem:s19], [sflag:$0x4], $0x80, s1, s22, $0xb8;
	[tilespmem:$0x1E400] =	vst v63  }
0x115: {  	_ =	swait.ge [sflag:s24], $0x4000  }
0x116: {  	[sflag:s24] =	ssyncset.done $0x0  }
0x117: {  	s1 =	sadd.s32 $0x100, s31;
	[sflag:s24] =	ssyncadd.s32 $0xFFFFC000  }
0x118: {  	[tilespmem:s17], [sflag:$0x1] =	stream.indirect.gather [hbm4b:s4+s16], $0x80, s1, s16, $0xb8;
	[tilespmem:$0x1E400] =	vst v63  }
0x119: {  	s1 =	sadd.s32 $0x140, s31  }
0x11a: {  	[tilespmem:s18], [sflag:$0x1] =	stream.indirect.gather [hbm4b:s4+s16], $0x80, s1, s16, $0xb8;
	[tilespmem:$0x1E400] =	vst v63  }
0x11b: {  	_ =	swait.ge [sflag:s21], $0x2000  }
0x11c: {  	[sflag:s21] =	ssyncset.done $0x0  }
0x11d: {  	[sflag:s21] =	ssyncadd.s32 $0xFFFFE000  }
0x11e: {  	_ =	swait.ge [sflag:s21], $0x2000  }
0x11f: {  	[sflag:s21] =	ssyncset.done $0x0  }
0x120: {  	s1 =	sadd.s32 $0x1500, s31;
	[sflag:s21] =	ssyncadd.s32 $0xFFFFE000  }
0x121: {  	[spmem:s2] =	stream.indirect.scatter.add.f32 [tilespmem:s17], [sflag:$0x3], $0x80, s1, s22, $0xb8;
	[tilespmem:$0x1E400] =	vst v63  }
0x122: {  	_ =	swait.ge [sflag:s26], $0x4000  }
0x123: {  	[sflag:s26] =	ssyncset.done $0x0  }
0x124: {  	s1 =	sadd.s32 $0x180, s31;
	[sflag:s26] =	ssyncadd.s32 $0xFFFFC000  }
0x125: {  	[tilespmem:s19], [sflag:$0x2] =	stream.indirect.gather [hbm4b:s4+s16], $0x80, s1, s16, $0xb8;
	[tilespmem:$0x1E400] =	vst v63  }
0x126: {  	s1 =	sadd.s32 $0x1C0, s31  }
0x127: {  	[tilespmem:s20], [sflag:$0x2] =	stream.indirect.gather [hbm4b:s4+s16], $0x80, s1, s16, $0xb8;
	[tilespmem:$0x1E400] =	vst v63  }
0x128: {  	_ =	swait.ge [sflag:s23], $0x2000  }
0x129: {  	[sflag:s23] =	ssyncset.done $0x0  }
0x12a: {  	[sflag:s23] =	ssyncadd.s32 $0xFFFFE000  }
0x12b: {  	_ =	swait.ge [sflag:s23], $0x2000  }
0x12c: {  	[sflag:s23] =	ssyncset.done $0x0  }
0x12d: {  	s1 =	sadd.s32 $0x1580, s31;
	[sflag:s23] =	ssyncadd.s32 $0xFFFFE000  }
0x12e: {  	[spmem:s2] =	stream.indirect.scatter.add.f32 [tilespmem:s19], [sflag:$0x4], $0x80, s1, s22, $0xb8;
	[tilespmem:$0x1E400] =	vst v63  }
.Ltmp1:
0x12f: {  	_ =	swait.ge [sflag:s24], $0x4000;
	(pc) =	sbr.rel @p1 .LBB2_4-.Ltmp1, $4  }
0x130: {  	[sflag:s24] =	ssyncset.done $0x0  }
0x131: {  	[sflag:s24] =	ssyncadd.s32 $0xFFFFC000  }
0x132: {  	_ =	swait.ge [sflag:s26], $0x4000  }
0x133: {  	s1 =	smov.u32 s30;
	[sflag:s26] =	ssyncset.done $0x0  }
0x134: {  	s1 =	sshra.s32 s29, $0x2;
	[sflag:s26] =	ssyncadd.s32 $0xFFFFC000  }
0x135: {  	[tilespmem:s17], [sflag:$0x1] =	stream.indirect.gather [hbm4b:s4+s16], $0x80, s1, s16, $0xb8;
	[tilespmem:$0x1E400] =	vst v63  }
0x136: {  	s29 =	sadd.s32 $0x40, s1  }
0x137: {  	[tilespmem:s18], [sflag:$0x1] =	stream.indirect.gather [hbm4b:s4+s16], $0x80, s29, s16, $0xb8;
	[tilespmem:$0x1E400] =	vst v63  }
0x138: {  	s31 =	sadd.s32 $0x80, s1  }
0x139: {  	[tilespmem:s19], [sflag:$0x2] =	stream.indirect.gather [hbm4b:s4+s16], $0x80, s31, s16, $0xb8;
	[tilespmem:$0x1E400] =	vst v63  }
0x13a: {  	s30 =	sadd.s32 $0xC0, s1  }
0x13b: {  	[tilespmem:s20], [sflag:$0x2] =	stream.indirect.gather [hbm4b:s4+s16], $0x80, s30, s16, $0xb8;
	[tilespmem:$0x1E400] =	vst v63  }
0x13c: {  	_ =	swait.ge [sflag:s21], $0x2000  }
0x13d: {  	[sflag:s21] =	ssyncset.done $0x0  }
0x13e: {  	[sflag:s21] =	ssyncadd.s32 $0xFFFFE000  }
0x13f: {  	_ =	swait.ge [sflag:s21], $0x2000  }
0x140: {  	[sflag:s21] =	ssyncset.done $0x0  }
0x141: {  	s31 =	sadd.s32 $0x1400, s1;
	[sflag:s21] =	ssyncadd.s32 $0xFFFFE000  }
0x142: {  	[spmem:s2] =	stream.indirect.scatter.add.f32 [tilespmem:s17], [sflag:$0x3], $0x80, s31, s22, $0xb8;
	[tilespmem:$0x1E400] =	vst v63  }
0x143: {  	_ =	swait.ge [sflag:s23], $0x2000  }
0x144: {  	[sflag:s23] =	ssyncset.done $0x0  }
0x145: {  	[sflag:s23] =	ssyncadd.s32 $0xFFFFE000  }
0x146: {  	_ =	swait.ge [sflag:s23], $0x2000  }
0x147: {  	[sflag:s23] =	ssyncset.done $0x0  }
0x148: {  	s30 =	sadd.s32 $0x1480, s1;
	[sflag:s23] =	ssyncadd.s32 $0xFFFFE000  }
0x149: {  	[spmem:s2] =	stream.indirect.scatter.add.f32 [tilespmem:s19], [sflag:$0x4], $0x80, s30, s22, $0xb8;
	[tilespmem:$0x1E400] =	vst v63  }
0x14a: {  	_ =	swait.ge [sflag:s24], $0x4000  }
0x14b: {  	[sflag:s24] =	ssyncset.done $0x0  }
0x14c: {  	s31 =	sadd.s32 $0x100, s1;
	[sflag:s24] =	ssyncadd.s32 $0xFFFFC000  }
0x14d: {  	[tilespmem:s17], [sflag:$0x1] =	stream.indirect.gather [hbm4b:s4+s16], $0x80, s31, s16, $0xb8;
	[tilespmem:$0x1E400] =	vst v63  }
0x14e: {  	s30 =	sadd.s32 $0x140, s1  }
0x14f: {  	[tilespmem:s18], [sflag:$0x1] =	stream.indirect.gather [hbm4b:s4+s16], $0x80, s30, s16, $0xb8;
	[tilespmem:$0x1E400] =	vst v63  }
0x150: {  	_ =	swait.ge [sflag:s21], $0x2000  }
0x151: {  	[sflag:s21] =	ssyncset.done $0x0  }
0x152: {  	[sflag:s21] =	ssyncadd.s32 $0xFFFFE000  }
0x153: {  	_ =	swait.ge [sflag:s21], $0x2000  }
0x154: {  	[sflag:s21] =	ssyncset.done $0x0  }
0x155: {  	s31 =	sadd.s32 $0x1500, s1;
	[sflag:s21] =	ssyncadd.s32 $0xFFFFE000  }
0x156: {  	[spmem:s2] =	stream.indirect.scatter.add.f32 [tilespmem:s17], [sflag:$0x3], $0x80, s31, s22, $0xb8;
	[tilespmem:$0x1E400] =	vst v63  }
0x157: {  	_ =	swait.ge [sflag:s26], $0x4000  }
0x158: {  	[sflag:s26] =	ssyncset.done $0x0  }
0x159: {  	s30 =	sadd.s32 $0x180, s1;
	[sflag:s26] =	ssyncadd.s32 $0xFFFFC000  }
0x15a: {  	[tilespmem:s19], [sflag:$0x2] =	stream.indirect.gather [hbm4b:s4+s16], $0x80, s30, s16, $0xb8;
	[tilespmem:$0x1E400] =	vst v63  }
0x15b: {  	s31 =	sadd.s32 $0x1C0, s1  }
0x15c: {  	[tilespmem:s20], [sflag:$0x2] =	stream.indirect.gather [hbm4b:s4+s16], $0x80, s31, s16, $0xb8;
	[tilespmem:$0x1E400] =	vst v63  }
0x15d: {  	_ =	swait.ge [sflag:s23], $0x2000  }
0x15e: {  	[sflag:s23] =	ssyncset.done $0x0  }
0x15f: {  	[sflag:s23] =	ssyncadd.s32 $0xFFFFE000  }
0x160: {  	_ =	swait.ge [sflag:s23], $0x2000  }
0x161: {  	[sflag:s23] =	ssyncset.done $0x0  }
0x162: {  	s1 =	sadd.s32 $0x1580, s1;
	[sflag:s23] =	ssyncadd.s32 $0xFFFFE000  }
0x163: {  	[spmem:s2] =	stream.indirect.scatter.add.f32 [tilespmem:s19], [sflag:$0x4], $0x80, s1, s22, $0xb8;
	[tilespmem:$0x1E400] =	vst v63  }
0x164: {  	_ =	swait.ge [sflag:s24], $0x4000  }
0x165: {  	[sflag:s24] =	ssyncset.done $0x0  }
0x166: {  	[sflag:s24] =	ssyncadd.s32 $0xFFFFC000  }
0x167: {  	_ =	swait.ge [sflag:s26], $0x4000  }
0x168: {  	s28 =	sadd.s32 $0x1, s28;
	[sflag:s26] =	ssyncset.done $0x0  }
0x169: {  	p1 =	sne.s32 s28, s12;
	[sflag:s26] =	ssyncadd.s32 $0xFFFFC000  }
.Ltmp2:
0x16a: {  	s1 =	simm.s32 @!p0 $0x5;
	[bflag:$0x0] =	sbarrier.arrive $0xFFFF;
	(pc) =	sbr.rel @p1 .LBB2_1-.Ltmp2, $4  }
0x16b: {  	[hbm:s11], [sflag:s6] =	dma.local @!p0 [spmem:s25], $0x3E80  }
0x16c: {  	_ =	swait.ge @!p0 [sflag:s1], $0x3E80  }
0x16d: {  	[sflag:s1] =	ssyncset.done @!p0 $0x0  }
0x16e: {  	[sflag:s1] =	ssyncadd.s32 @!p0 $0xFFFFC180  }
0x16f: {  	_ =	sfence.sel $0x180000  }
0x170: {  	[bflag:$0x0] =	sbarrier.arrive $0xFFFF  }
0x171: {  	_ =	strace $0x9000004A  }
0x172: {  	[bflag:$0x2] =	sbarrier.arrive $0xFFFF  }
0x173: {  	p0 =	sne.s32 s0, $0x0;
	s0 =	rddreg [dreg:$0x2]  }
0x174: {  	s0 =	sadd.s32 @!p0 $0x100000, s0  }
0x175: {  	[sflag:s0] =	ssyncadd.tile.s32 @!p0 $0x1;
	_ =	shalt  }
.Lfunc_end2:
_tile_overlayer_lowered:
.L_overlay_start_2:
0x176: {  	(tag) =	ssettag $0x2  }
0x177: {  	s0 =	rddreg [dreg:$0x0];
	s2 =	stileid.u32  }
0x178: {  	s1 =	rddreg [dreg:$0x1];
	p0 =	sne.s32 s2, $0x0  }
0x179: {  	s3 =	rddreg [dreg:$0x2];
	[bflag:$0x3] =	sbarrier.arrive $0xFFFF;
	s2 =	simm.s32 @!p0 $0x1C05  }
0x17a: {  	[timem:s3], [sflag:s2] =	dma.local @!p0 [hbm:s0], s1  }
0x17b: {  	s0 =	simm.s32 @!p0 $0x5  }
0x17c: {  	_ =	swait.ge @!p0 [sflag:s0], s1  }
0x17d: {  	s1 =	ssub.s32 @!p0 $0x0, s1;
	[sflag:s0] =	ssyncset.done @!p0 $0x0  }
0x17e: {  	[sflag:s0] =	ssyncadd.s32 @!p0 s1  }
0x17f: {  	[bflag:$0x3] =	sbarrier.arrive $0xFFFF  }
0x180: {  	_ =	shalt  }

// kernel: kernel.15.cloned.1.call-start
scs
__scs_entry_jumppad:
0x0: {  	(pc) =	sbr.rel $0x88, $3  }
0x1: {  	(tag) =	ssettag $0x0;
	lr =	simm.s32 $0x1  }
0x2: {  	[smem:$0x3F9A] =	sst lr;
	_ =	strace $0xD0000000  }
0x3: {  	_ = 	snop  }
0x4: {  	_ = 	snop  }
0x5: {  	_ = 	snop  }
0x6: {  	_ = 	snop  }
0x7: {  	_ = 	snop  }
__scs_overlays_trampoline_lowered:
0x8: {  	[smem:$0x3FA9] =	sst s0  }
0x9: {  	[smem:$0x3FAA] =	sst s1  }
0xa: {  	[smem:$0x3FAB] =	sst s2  }
0xb: {  	[smem:$0x3FAC] =	sst s3  }
0xc: {  	[smem:$0x3FAD] =	sst s4  }
0xd: {  	[smem:$0x3FAE] =	sst s5  }
0xe: {  	[smem:$0x3FAF] =	sst s6  }
0xf: {  	[smem:$0x3FB0] =	sst s7  }
0x10: {  	[smem:$0x3FB1] =	sst s8  }
0x11: {  	[smem:$0x3FB2] =	sst s9;
	s0 =	simm.s32 @!p0 $0x0  }
0x12: {  	s1 =	sld [smem:$0x3F98];
	s0 =	simm.s32 @p0 $0x1  }
0x13: {  	[smem:$0x3FB3] =	sst s0;
	s0 =	simm.s32 @!p1 $0x0  }
0x14: {  	s2 =	sld [smem:$0x3F97];
	s0 =	simm.s32 @p1 $0x1  }
0x15: {  	[smem:$0x3FB4] =	sst s0;
	s0 =	simm.s32 @!p2 $0x0  }
0x16: {  	s3 =	sld [smem:$0x3FDB];
	s0 =	simm.s32 @p2 $0x1  }
0x17: {  	s4 =	simm.s32 $0x1BF5;
	[smem:$0x3FB6] =	sst s0  }
0x18: {  	s0 =	sld [smem:$0x3F99];
	_ =	swait.ge [sflag:s4], $0x0  }
0x19: {  	s7 =	sld [smem:$0x3F9A]  }
0x1a: {  	s8 =	sadd.s32 $0xFFFFE003, lr  }
0x1b: {  	s9 =	sadd.s32 $0xFFFFFEF7, lr;
	s5 =	simm.s32 $0xFFFFFFFF;
	p2 =	slt.u32 s8, $0xFFFFF086  }
0x1c: {  	p1 =	slt.u32 s9, $0xF7A;
	s5 =	simm.s32 @!p2 $0x0  }
0x1d: {  	s5 =	simm.s32 @p1 $0x1;
	p0 =	seq.s32 s7, s2  }
0x1e: {  	s7 =	smul.u32 @!p0 $0xF7A, s2;
	p2 =	seq.s32 @!p0 s5, $0x0  }
0x1f: {  	s9 =	smul.u32 $0xF7A, s1;
	s8 =	simm.s32 @!p0 $0x1BF5;
	p2 =	por !p2, p0  }
0x20: {  	[sflag:s8] =	ssyncset.s32 @!p0 $0xFFFFF086;
	s6 =	sadd.s32 @!p0 s3, s7;
	s7 =	simm.s32 @!p0 $0x108  }
0x21: {  	s3 =	sadd.s32 s3, s9;
	s6 =	sadd.s32 @!p0 $0x88, s6;
	s7 =	simm.s32 @p2 $0x1082  }
0x22: {  	[simem:s7], [sflag:s8] =	dma.local @!p0 [hbm:s6], $0xF7A  }
0x23: {  	s9 =	sor.u32 $0xD0000000, s2;
	s6 =	simm.s32 $0x108;
	_ =	swait.ge @!p0 [sflag:s8], $0x0  }
0x24: {  	s3 =	sadd.s32 $0x88, s3;
	s6 =	simm.s32 @!p1 $0x1082;
	[sflag:s4] =	ssyncset.s32 $0xFFFFF086  }
0x25: {  	[simem:s6], [sflag:s4] =	dma.local [hbm:s3], $0xF7A  }
0x26: {  	[smem:$0x3F9A] =	sst s1;
	(tag) =	ssettag s2;
	_ =	strace s9  }
0x27: {  	s1 =	sld [smem:$0x3FAA]  }
0x28: {  	s2 =	sld [smem:$0x3FAB]  }
0x29: {  	s4 =	sld [smem:$0x3FAD]  }
0x2a: {  	p0 =	seq.s32 s5, $0x0;
	s5 =	sld [smem:$0x3FAE]  }
0x2b: {  	s6 =	sld [smem:$0x3FAF]  }
0x2c: {  	s7 =	sld [smem:$0x3FB0]  }
0x2d: {  	s3 =	simm.s32 $0x108;
	s8 =	sld [smem:$0x3FB1]  }
0x2e: {  	s3 =	simm.s32 @!p0 $0x1082;
	s9 =	sld [smem:$0x3FB2]  }
0x2f: {  	lr =	sadd.s32 s0, s3;
	s0 =	sld [smem:$0x3FA9]  }
0x30: {  	s3 =	sld [smem:$0x3FAC]  }
0x31: {  	[smem:$0x3FB5] =	sst s10  }
0x32: {  	s10 =	sld [smem:$0x3FB3];
	_ =	sdelay $0x3  }
0x33: {  	p0 =	seq.s32 s10, $0x1;
	s10 =	sld [smem:$0x3FB5];
	_ =	sdelay $0x3  }
0x34: {  	[smem:$0x3FB5] =	sst s10  }
0x35: {  	s10 =	sld [smem:$0x3FB4];
	_ =	sdelay $0x3  }
0x36: {  	p1 =	seq.s32 s10, $0x1;
	s10 =	sld [smem:$0x3FB5];
	_ =	sdelay $0x3  }
0x37: {  	[smem:$0x3FB5] =	sst s10  }
0x38: {  	s10 =	sld [smem:$0x3FB6]  }
0x39: {  	_ = 	snop;
	(pc) =	sbr.ind lr, $3  }
0x3a: {  	_ = 	snop  }
0x3b: {  	_ = 	snop  }
0x3c: {  	p2 =	seq.s32 s10, $0x1;
	s10 =	sld [smem:$0x3FB5]  }
0x3d: {  	_ =	shalt  }
0x3e: {  	_ =	shalt  }
0x3f: {  	_ =	shalt  }
0x40: {  	_ =	shalt  }
0x41: {  	_ =	shalt  }
0x42: {  	_ =	shalt  }
0x43: {  	_ =	shalt  }
0x44: {  	_ =	shalt  }
0x45: {  	_ =	shalt  }
0x46: {  	_ =	shalt  }
0x47: {  	_ =	shalt  }
0x48: {  	_ =	shalt  }
0x49: {  	_ =	shalt  }
0x4a: {  	_ =	shalt  }
0x4b: {  	_ =	shalt  }
0x4c: {  	_ =	shalt  }
0x4d: {  	_ =	shalt  }
0x4e: {  	_ =	shalt  }
0x4f: {  	_ =	shalt  }
0x50: {  	_ =	shalt  }
0x51: {  	_ =	shalt  }
0x52: {  	_ =	shalt  }
0x53: {  	_ =	shalt  }
0x54: {  	_ =	shalt  }
0x55: {  	_ =	shalt  }
0x56: {  	_ =	shalt  }
0x57: {  	_ =	shalt  }
0x58: {  	_ =	shalt  }
0x59: {  	_ =	shalt  }
0x5a: {  	_ =	shalt  }
0x5b: {  	_ =	shalt  }
0x5c: {  	_ =	shalt  }
0x5d: {  	_ =	shalt  }
0x5e: {  	_ =	shalt  }
0x5f: {  	_ =	shalt  }
0x60: {  	_ =	shalt  }
0x61: {  	_ =	shalt  }
0x62: {  	_ =	shalt  }
0x63: {  	_ =	shalt  }
0x64: {  	_ =	shalt  }
0x65: {  	_ =	shalt  }
0x66: {  	_ =	shalt  }
0x67: {  	_ =	shalt  }
0x68: {  	_ =	shalt  }
0x69: {  	_ =	shalt  }
0x6a: {  	_ =	shalt  }
0x6b: {  	_ =	shalt  }
0x6c: {  	_ =	shalt  }
0x6d: {  	_ =	shalt  }
0x6e: {  	_ =	shalt  }
0x6f: {  	_ =	shalt  }
0x70: {  	_ =	shalt  }
0x71: {  	_ =	shalt  }
0x72: {  	_ =	shalt  }
0x73: {  	_ =	shalt  }
0x74: {  	_ =	shalt  }
0x75: {  	_ =	shalt  }
0x76: {  	_ =	shalt  }
0x77: {  	_ =	shalt  }
0x78: {  	_ =	shalt  }
0x79: {  	_ =	shalt  }
0x7a: {  	_ =	shalt  }
0x7b: {  	_ =	shalt  }
0x7c: {  	_ =	shalt  }
0x7d: {  	_ =	shalt  }
0x7e: {  	_ =	shalt  }
0x7f: {  	_ =	shalt  }
0x80: {  	_ =	shalt  }
0x81: {  	_ =	shalt  }
0x82: {  	_ =	shalt  }
0x83: {  	_ =	shalt  }
0x84: {  	_ =	shalt  }
0x85: {  	_ =	shalt  }
0x86: {  	_ =	shalt  }
0x87: {  	_ =	shalt  }
.Lfunc_end0:
.L_simem_size_0:
called_computation.2_lowered:
.L_overlay_start_0:
0x88: {  	s2 =	sld [smem:$0x3FD9]  }
0x89: {  	s3 =	sld [smem:$0x3FFE];
	_ =	sdelay $0x1  }
0x8a: {  	s1 =	srdreg.scid  }
0x8b: {  	s0 =	sand.u32 $0x1, s1  }
0x8c: {  	s16 =	sshll.u32 s0, $0xA;
	s2 =	sadd.s32 s3, s2  }
0x8d: {  	s2 =	sadd.s32 s2, s16  }
0x8e: {  	[smem:$0x3FC1] =	sst s2  }
0x8f: {  	_ = 	snop  }
0x90: {  	(tm) =	ssettm $0x1  }
0x91: {  	s17 =	sld [smem:$0x3FFB];
	_ =	sdelay $0x3  }
0x92: {  	_ =	strace s17  }
0x93: {  	s2 =	sld [smem:$0x3FFC];
	_ =	sdelay $0x3  }
0x94: {  	_ =	strace s2  }
0x95: {  	s2 =	sld [smem:$0x3FFD];
	_ =	sdelay $0x3  }
0x96: {  	_ =	strace s2  }
0x97: {  	_ =	strace $0x8FFFFFFF  }
0x98: {  	s18 =	sld [smem:$0x3FDB];
	_ =	sdelay $0x1  }
0x99: {  	s19 =	simm.s32 $_scs_section_size  }
0x9a: {  	s4 =	simm.s32 $_size__tile_overlayer_lowered;
	s5 =	simm.s32 $_tile_overlayer_lowered  }
0x9b: {  	s22 =	simm.s32 $0x1BFF;
	s21 =	sshll.u32 s5, $0x1;
	s2 =	sadd.s32 s19, s18  }
0x9c: {  	s6 =	simm.s32 $0x0;
	s20 =	sshll.u32 s4, $0x1;
	s4 =	sadd.s32 s21, s2  }
0x9d: {  	[timem:s6], [sflag:s22] =	dma.local [hbm:s4], s20  }
0x9e: {  	_ =	swait.ge [sflag:s22], s20  }
0x9f: {  	s3 =	ssub.s32 $0x0, s20;
	[sflag:s22] =	ssyncset.done $0x0  }
0xa0: {  	[sflag:s22] =	ssyncadd.s32 s3;
	_ =	sdelay $0x1  }
0xa1: {  	s23 =	simm.s32 $0x1B8B  }
0xa2: {  	_ =	swait.ge [sflag:s23], $0x1  }
0xa3: {  	[sflag:s23] =	ssyncset.done $0x0  }
0xa4: {  	s25 =	simm.s32 $0x1B8E;
	s24 =	sld [smem:$0x3FFE];
	[sflag:s23] =	ssyncadd.s32 $0xFFFFFFFF  }
0xa5: {  	s26 =	simm.s32 $execute0_lowered;
	[smem:$0x3FD2] =	sst s25  }
0xa6: {  	s4 =	sshll.u32 s26, $0x1;
	_ =	strace $0x8000004C;
	[dreg:$0x1] =	wrdreg $0xFFFFFFFF  }
0xa7: {  	s28 =	simm.s32 $_size_execute0_lowered;
	s2 =	sadd.s32 s2, s4;
	[dreg:$0x0] =	wrdreg $0x0  }
0xa8: {  	s4 =	sshll.u32 s28, $0x1;
	[dreg:$0x2] =	wrdreg s2  }
0xa9: {  	[dreg:$0x3] =	wrdreg s4  }
0xaa: {  	[dreg:$0x4] =	wrdreg $0xC0  }
0xab: {  	_ =	task [dreg:s6], $0x5FFFF  }
0xac: {  	[dreg:$0x1] =	wrdreg $0xFFFFFFFF  }
0xad: {  	[dreg:$0x0] =	wrdreg $0x60  }
0xae: {  	[dreg:$0x2] =	wrdreg s24  }
0xaf: {  	[dreg:$0x3] =	wrdreg $0xA8000  }
0xb0: {  	[dreg:$0x4] =	wrdreg $0x9  }
0xb1: {  	_ =	task.clear_ibuf [dreg:s6], $0x5FFFF;
	_ =	strace $0x9000004C  }
0xb2: {  	s29 =	simm.s32 $0x9;
	_ =	strace $0x8000004E  }
0xb3: {  	_ =	swait.ge [sflag:s29], $0x1  }
0xb4: {  	[sflag:s29] =	ssyncadd.s32 $0xFFFFFFFF  }
0xb5: {  	_ =	strace $0x9000004E  }
0xb6: {  	_ =	sfence  }
0xb7: {  	s30 =	sld [smem:$0x0];
	_ =	sdelay $0x2  }
0xb8: {  	s31 =	sshll.u32 s1, $0xD;
	s1 =	sshrl.u32 s1, $0x2  }
0xb9: {  	s3 =	sand.u32 $0x4000, s31;
	s1 =	sadd.s32 s1, s30  }
0xba: {  	s0 =	sor.u32 s3, s0;
	s1 =	sshll.u32 s1, $0x11  }
0xbb: {  	s0 =	sor.u32 s1, s0  }
0xbc: {  	s0 =	sadd.s32 $0x8F2B, s0  }
0xbd: {  	[sflag:s0] =	ssyncadd.remote.s32 $0x1  }
0xbe: {  	_ =	sfence.sel $0xFFFF  }
0xbf: {  	[dreg:$0x0] =	wrdreg $0xFFFFFFFF;
	(pc) =	sbr.abs _section_cstart, $3  }
0xc0: {  	[dreg:$0x1] =	wrdreg $0xFFFFFFFF  }
0xc1: {  	_ =	task.clear_ibuf [dreg:s6], $0x2FFFF;
	_ =	strace $0x9FFFFFFF  }
0xc2: {  	(tm) =	ssettm $0x7FFFFFFF  }
0xc3: {  	_ =	shalt  }
tec
execute0_lowered:
.L_overlay_start_1:
0x0: {  	(tag) =	ssettag $0x1  }
0x1: {  	s1 =	rddreg [dreg:$0x0]  }
0x2: {  	s3 =	srdreg.scid;
	s0 =	stileid.u32  }
0x3: {  	s2 =	rddreg [dreg:$0x1];
	s16 =	simm.s32 $0x40;
	s4 =	smul.u32 $0x50, s0  }
0x4: {  	s17 =	simm.s32 $0x2800;
	s18 =	simm.s32 $0x4800;
	s8 =	smul.u32 $0x3E80, s0  }
0x5: {  	s19 =	simm.s32 $0x6800;
	s20 =	simm.s32 $0x8800;
	s24 =	smul.u32 $0x4F000, s0  }
0x6: {  	s21 =	simm.s32 $0x1;
	s22 =	simm.s32 $0x80;
	s11 =	smul.u32 $0x500, s0  }
0x7: {  	s23 =	simm.s32 $0x2;
	s28 =	simm.s32 $0x0;
	s29 =	smul.u32 $0x2800, s0  }
0x8: {  	s6 =	sand.u32 $0x1, s3;
	s3 =	simm.s32 $0x0;
	s14 =	smul.u32 $0x7D000, s0  }
0x9: {  	s10 =	sadd.s32 $0x2400, s1;
	s30 =	sshll.u32 s0, $0x6;
	s5 =	smul.u32 $0x500, s6  }
0xa: {  	[smem:$0x7FF] =	sst s3;
	s7 =	smul.u32 $0x27100, s6;
	s6 =	ssub.s32 $0x2, s6  }
0xb: {  	p0 =	sgt.u32 s0, $0x9;
	_ =	strace $0x8000004D;
	s25 =	sshrl.u32 s6, $0x1  }
0xc: {  	s26 =	sshrl.u32 s24, $0x2;
	s15 =	sshrl.u32 s29, $0x3;
	s31 =	sshrl.u32 s14, $0x2  }
0xd: {  	s14 =	simm.s32 $0x5;
	s24 =	simm.s32 $0x3;
	s5 =	sadd.s32 s4, s5  }
0xe: {  	s4 =	sadd.s32 $0x9C00, s1;
	s7 =	sadd.s32 s8, s7;
	s12 =	ssub.s32 s6, s25  }
0xf: {  	s13 =	sadd.s32 s26, s2;
	s6 =	sor.u32 $0x1C05, s30;
	s8 =	sadd.s32 s10, s11  }
0x10: {  	s10 =	sadd.s32 s10, s15;
	s25 =	sadd.s32 s31, s2;
	s15 =	simm.s32 $0x1400  }
0x11: {  	s26 =	simm.s32 $0x4;
	s5 =	sshll.u32 s5, $0x4;
	s10 =	sadd.s32 $0x280, s10  }
0x12: {  	s12 =	smax.u32 s12, $0x1;
	s13 =	sshrl.u32 s13, $0x3;
	s25 =	sshrl.u32 @!p0 s25, $0x3  }
0x13: {  	s9 =	sadd.s32 s5, s1;
	s5 =	sadd.s32 $0x7400, s1;
	s1 =	sadd.s32 s7, s1  }
0x14: {  	s7 =	sadd.s32 $0xA6800, s9;
	s9 =	sadd.s32 $0xA6A80, s9;
	s11 =	sadd.s32 $0x57E00, s1  }
.LBB2_1:
0x15: {  	[spmem:s13], [sflag:s6] =	dma.local [hbm:s5], $0x2780  }
0x16: {  	_ =	swait.ge [sflag:s14], $0x2780  }
0x17: {  	[sflag:s14] =	ssyncset.done $0x0  }
0x18: {  	[sflag:s14] =	ssyncadd.s32 $0xFFFFD880  }
0x19: {  	[bflag:$0x0] =	sbarrier.arrive $0xFFFF  }
0x1a: {  	[tilespmem:s3], [sflag:$0x5] =	stream.linear.gather [hbm4b:s7+s3], $0x1400, $0x38;
	[tilespmem:$0x1E400] =	vst v63  }
0x1b: {  	_ =	swait.ge [sflag:s14], $0x1400  }
0x1c: {  	[sflag:s14] =	ssyncset.done $0x0  }
0x1d: {  	[sflag:s14] =	ssyncadd.s32 $0xFFFFEC00  }
0x1e: {  	[tilespmem:s15], [sflag:$0x5] =	stream.linear.gather [hbm4b:s8+s3], $0x1400, $0x38;
	[tilespmem:$0x1E400] =	vst v63  }
0x1f: {  	_ =	swait.ge [sflag:s14], $0x1400  }
0x20: {  	[sflag:s14] =	ssyncset.done $0x0  }
0x21: {  	s1 =	simm.s32 $0x0;
	[sflag:s14] =	ssyncadd.s32 $0xFFFFEC00  }
0x22: {  	[tilespmem:s17], [sflag:$0x1] =	stream.indirect.gather [hbm4b:s4+s16], $0x80, s1, s16, $0xb8;
	[tilespmem:$0x1E400] =	vst v63  }
0x23: {  	s31 =	simm.s32 $0x40  }
0x24: {  	[tilespmem:s18], [sflag:$0x1] =	stream.indirect.gather [hbm4b:s4+s16], $0x80, s31, s16, $0xb8;
	[tilespmem:$0x1E400] =	vst v63  }
0x25: {  	s31 =	simm.s32 $0x80  }
0x26: {  	[tilespmem:s19], [sflag:$0x2] =	stream.indirect.gather [hbm4b:s4+s16], $0x80, s31, s16, $0xb8;
	[tilespmem:$0x1E400] =	vst v63  }
0x27: {  	s31 =	simm.s32 $0xC0  }
0x28: {  	[tilespmem:s20], [sflag:$0x2] =	stream.indirect.gather [hbm4b:s4+s16], $0x80, s31, s16, $0xb8;
	[tilespmem:$0x1E400] =	vst v63  }
0x29: {  	_ =	swait.ge [sflag:s21], $0x2000  }
0x2a: {  	[sflag:s21] =	ssyncset.done $0x0  }
0x2b: {  	[sflag:s21] =	ssyncadd.s32 $0xFFFFE000  }
0x2c: {  	_ =	swait.ge [sflag:s21], $0x2000  }
0x2d: {  	[sflag:s21] =	ssyncset.done $0x0  }
0x2e: {  	s31 =	simm.s32 $0x1400;
	[sflag:s21] =	ssyncadd.s32 $0xFFFFE000  }
0x2f: {  	[spmem:s2] =	stream.indirect.scatter.add.f32 [tilespmem:s17], [sflag:$0x3], $0x80, s31, s22, $0xb8;
	[tilespmem:$0x1E400] =	vst v63  }
0x30: {  	_ =	swait.ge [sflag:s23], $0x2000  }
0x31: {  	[sflag:s23] =	ssyncset.done $0x0  }
0x32: {  	[sflag:s23] =	ssyncadd.s32 $0xFFFFE000  }
0x33: {  	_ =	swait.ge [sflag:s23], $0x2000  }
0x34: {  	[sflag:s23] =	ssyncset.done $0x0  }
0x35: {  	s31 =	simm.s32 $0x1480;
	[sflag:s23] =	ssyncadd.s32 $0xFFFFE000  }
0x36: {  	[spmem:s2] =	stream.indirect.scatter.add.f32 [tilespmem:s19], [sflag:$0x4], $0x80, s31, s22, $0xb8;
	[tilespmem:$0x1E400] =	vst v63  }
0x37: {  	_ =	swait.ge [sflag:s24], $0x4000  }
0x38: {  	[sflag:s24] =	ssyncset.done $0x0  }
0x39: {  	s31 =	simm.s32 $0x100;
	[sflag:s24] =	ssyncadd.s32 $0xFFFFC000  }
0x3a: {  	[tilespmem:s17], [sflag:$0x1] =	stream.indirect.gather [hbm4b:s4+s16], $0x80, s31, s16, $0xb8;
	[tilespmem:$0x1E400] =	vst v63  }
0x3b: {  	s31 =	simm.s32 $0x140  }
0x3c: {  	[tilespmem:s18], [sflag:$0x1] =	stream.indirect.gather [hbm4b:s4+s16], $0x80, s31, s16, $0xb8;
	[tilespmem:$0x1E400] =	vst v63  }
0x3d: {  	_ =	swait.ge [sflag:s21], $0x2000  }
0x3e: {  	[sflag:s21] =	ssyncset.done $0x0  }
0x3f: {  	[sflag:s21] =	ssyncadd.s32 $0xFFFFE000  }
0x40: {  	_ =	swait.ge [sflag:s21], $0x2000  }
0x41: {  	[sflag:s21] =	ssyncset.done $0x0  }
0x42: {  	s31 =	simm.s32 $0x1500;
	[sflag:s21] =	ssyncadd.s32 $0xFFFFE000  }
0x43: {  	[spmem:s2] =	stream.indirect.scatter.add.f32 [tilespmem:s17], [sflag:$0x3], $0x80, s31, s22, $0xb8;
	[tilespmem:$0x1E400] =	vst v63  }
0x44: {  	_ =	swait.ge [sflag:s26], $0x4000  }
0x45: {  	[sflag:s26] =	ssyncset.done $0x0  }
0x46: {  	s31 =	simm.s32 $0x180;
	[sflag:s26] =	ssyncadd.s32 $0xFFFFC000  }
0x47: {  	[tilespmem:s19], [sflag:$0x2] =	stream.indirect.gather [hbm4b:s4+s16], $0x80, s31, s16, $0xb8;
	[tilespmem:$0x1E400] =	vst v63  }
0x48: {  	s31 =	simm.s32 $0x1C0  }
0x49: {  	[tilespmem:s20], [sflag:$0x2] =	stream.indirect.gather [hbm4b:s4+s16], $0x80, s31, s16, $0xb8;
	[tilespmem:$0x1E400] =	vst v63  }
0x4a: {  	_ =	swait.ge [sflag:s23], $0x2000  }
0x4b: {  	[sflag:s23] =	ssyncset.done $0x0  }
0x4c: {  	[sflag:s23] =	ssyncadd.s32 $0xFFFFE000  }
0x4d: {  	_ =	swait.ge [sflag:s23], $0x2000  }
0x4e: {  	[sflag:s23] =	ssyncset.done $0x0  }
0x4f: {  	s31 =	simm.s32 $0x1580;
	[sflag:s23] =	ssyncadd.s32 $0xFFFFE000  }
0x50: {  	[spmem:s2] =	stream.indirect.scatter.add.f32 [tilespmem:s19], [sflag:$0x4], $0x80, s31, s22, $0xb8;
	[tilespmem:$0x1E400] =	vst v63  }
0x51: {  	_ =	swait.ge [sflag:s24], $0x4000  }
0x52: {  	[sflag:s24] =	ssyncset.done $0x0  }
0x53: {  	[sflag:s24] =	ssyncadd.s32 $0xFFFFC000  }
0x54: {  	_ =	swait.ge [sflag:s26], $0x4000  }
0x55: {  	s29 =	simm.s32 $0x800;
	s30 =	simm.s32 $0x1000;
	[sflag:s26] =	ssyncset.done $0x0  }
.LBB2_2:
0x56: {  	s31 =	sshra.s32 s29, $0x2  }
0x57: {  	[sflag:s26] =	ssyncadd.s32 $0xFFFFC000;
	s29 =	smov.u32 s30;
	s1 =	sadd.s32 $0x800, s30  }
0x58: {  	[tilespmem:s17], [sflag:$0x1] =	stream.indirect.gather [hbm4b:s4+s16], $0x80, s31, s16, $0xb8;
	[tilespmem:$0x1E400] =	vst v63  }
0x59: {  	p1 =	sne.s32 s30, $0x4800;
	s30 =	sadd.s32 $0x40, s31  }
0x5a: {  	[tilespmem:s18], [sflag:$0x1] =	stream.indirect.gather [hbm4b:s4+s16], $0x80, s30, s16, $0xb8;
	[tilespmem:$0x1E400] =	vst v63  }
0x5b: {  	s30 =	sadd.s32 $0x80, s31  }
0x5c: {  	[tilespmem:s19], [sflag:$0x2] =	stream.indirect.gather [hbm4b:s4+s16], $0x80, s30, s16, $0xb8;
	[tilespmem:$0x1E400] =	vst v63  }
0x5d: {  	s30 =	sadd.s32 $0xC0, s31  }
0x5e: {  	[tilespmem:s20], [sflag:$0x2] =	stream.indirect.gather [hbm4b:s4+s16], $0x80, s30, s16, $0xb8;
	[tilespmem:$0x1E400] =	vst v63  }
0x5f: {  	_ =	swait.ge [sflag:s21], $0x2000  }
0x60: {  	[sflag:s21] =	ssyncset.done $0x0  }
0x61: {  	[sflag:s21] =	ssyncadd.s32 $0xFFFFE000  }
0x62: {  	_ =	swait.ge [sflag:s21], $0x2000  }
0x63: {  	[sflag:s21] =	ssyncset.done $0x0  }
0x64: {  	s30 =	sadd.s32 $0x1400, s31;
	[sflag:s21] =	ssyncadd.s32 $0xFFFFE000  }
0x65: {  	[spmem:s2] =	stream.indirect.scatter.add.f32 [tilespmem:s17], [sflag:$0x3], $0x80, s30, s22, $0xb8;
	[tilespmem:$0x1E400] =	vst v63  }
0x66: {  	_ =	swait.ge [sflag:s23], $0x2000  }
0x67: {  	[sflag:s23] =	ssyncset.done $0x0  }
0x68: {  	[sflag:s23] =	ssyncadd.s32 $0xFFFFE000  }
0x69: {  	_ =	swait.ge [sflag:s23], $0x2000  }
0x6a: {  	[sflag:s23] =	ssyncset.done $0x0  }
0x6b: {  	s30 =	sadd.s32 $0x1480, s31;
	[sflag:s23] =	ssyncadd.s32 $0xFFFFE000  }
0x6c: {  	[spmem:s2] =	stream.indirect.scatter.add.f32 [tilespmem:s19], [sflag:$0x4], $0x80, s30, s22, $0xb8;
	[tilespmem:$0x1E400] =	vst v63  }
0x6d: {  	_ =	swait.ge [sflag:s24], $0x4000  }
0x6e: {  	[sflag:s24] =	ssyncset.done $0x0  }
0x6f: {  	s30 =	sadd.s32 $0x100, s31;
	[sflag:s24] =	ssyncadd.s32 $0xFFFFC000  }
0x70: {  	[tilespmem:s17], [sflag:$0x1] =	stream.indirect.gather [hbm4b:s4+s16], $0x80, s30, s16, $0xb8;
	[tilespmem:$0x1E400] =	vst v63  }
0x71: {  	s30 =	sadd.s32 $0x140, s31  }
0x72: {  	[tilespmem:s18], [sflag:$0x1] =	stream.indirect.gather [hbm4b:s4+s16], $0x80, s30, s16, $0xb8;
	[tilespmem:$0x1E400] =	vst v63  }
0x73: {  	_ =	swait.ge [sflag:s21], $0x2000  }
0x74: {  	[sflag:s21] =	ssyncset.done $0x0  }
0x75: {  	[sflag:s21] =	ssyncadd.s32 $0xFFFFE000  }
0x76: {  	_ =	swait.ge [sflag:s21], $0x2000  }
0x77: {  	[sflag:s21] =	ssyncset.done $0x0  }
0x78: {  	s30 =	sadd.s32 $0x1500, s31;
	[sflag:s21] =	ssyncadd.s32 $0xFFFFE000  }
0x79: {  	[spmem:s2] =	stream.indirect.scatter.add.f32 [tilespmem:s17], [sflag:$0x3], $0x80, s30, s22, $0xb8;
	[tilespmem:$0x1E400] =	vst v63  }
0x7a: {  	_ =	swait.ge [sflag:s26], $0x4000  }
0x7b: {  	[sflag:s26] =	ssyncset.done $0x0  }
0x7c: {  	s30 =	sadd.s32 $0x180, s31;
	[sflag:s26] =	ssyncadd.s32 $0xFFFFC000  }
0x7d: {  	[tilespmem:s19], [sflag:$0x2] =	stream.indirect.gather [hbm4b:s4+s16], $0x80, s30, s16, $0xb8;
	[tilespmem:$0x1E400] =	vst v63  }
0x7e: {  	s30 =	sadd.s32 $0x1C0, s31  }
0x7f: {  	[tilespmem:s20], [sflag:$0x2] =	stream.indirect.gather [hbm4b:s4+s16], $0x80, s30, s16, $0xb8;
	[tilespmem:$0x1E400] =	vst v63  }
0x80: {  	_ =	swait.ge [sflag:s23], $0x2000  }
0x81: {  	[sflag:s23] =	ssyncset.done $0x0  }
0x82: {  	[sflag:s23] =	ssyncadd.s32 $0xFFFFE000  }
0x83: {  	_ =	swait.ge [sflag:s23], $0x2000  }
0x84: {  	[sflag:s23] =	ssyncset.done $0x0  }
0x85: {  	s30 =	sadd.s32 $0x1580, s31;
	[sflag:s23] =	ssyncadd.s32 $0xFFFFE000  }
0x86: {  	[spmem:s2] =	stream.indirect.scatter.add.f32 [tilespmem:s19], [sflag:$0x4], $0x80, s30, s22, $0xb8;
	[tilespmem:$0x1E400] =	vst v63  }
.Ltmp0:
0x87: {  	_ =	swait.ge [sflag:s24], $0x4000;
	(pc) =	sbr.rel @p1 .LBB2_2-.Ltmp0, $4  }
0x88: {  	[sflag:s24] =	ssyncset.done $0x0  }
0x89: {  	[sflag:s24] =	ssyncadd.s32 $0xFFFFC000  }
0x8a: {  	_ =	swait.ge [sflag:s26], $0x4000  }
0x8b: {  	s30 =	smov.u32 s1;
	[sflag:s26] =	ssyncset.done $0x0  }
0x8c: {  	s1 =	sshra.s32 s29, $0x2;
	[sflag:s26] =	ssyncadd.s32 $0xFFFFC000  }
0x8d: {  	[tilespmem:s17], [sflag:$0x1] =	stream.indirect.gather [hbm4b:s4+s16], $0x80, s1, s16, $0xb8;
	[tilespmem:$0x1E400] =	vst v63  }
0x8e: {  	s29 =	sadd.s32 $0x40, s1  }
0x8f: {  	[tilespmem:s18], [sflag:$0x1] =	stream.indirect.gather [hbm4b:s4+s16], $0x80, s29, s16, $0xb8;
	[tilespmem:$0x1E400] =	vst v63  }
0x90: {  	s29 =	sadd.s32 $0x80, s1  }
0x91: {  	[tilespmem:s19], [sflag:$0x2] =	stream.indirect.gather [hbm4b:s4+s16], $0x80, s29, s16, $0xb8;
	[tilespmem:$0x1E400] =	vst v63  }
0x92: {  	s29 =	sadd.s32 $0xC0, s1  }
0x93: {  	[tilespmem:s20], [sflag:$0x2] =	stream.indirect.gather [hbm4b:s4+s16], $0x80, s29, s16, $0xb8;
	[tilespmem:$0x1E400] =	vst v63  }
0x94: {  	_ =	swait.ge [sflag:s21], $0x2000  }
0x95: {  	[sflag:s21] =	ssyncset.done $0x0  }
0x96: {  	[sflag:s21] =	ssyncadd.s32 $0xFFFFE000  }
0x97: {  	_ =	swait.ge [sflag:s21], $0x2000  }
0x98: {  	[sflag:s21] =	ssyncset.done $0x0  }
0x99: {  	s29 =	sadd.s32 $0x1400, s1;
	[sflag:s21] =	ssyncadd.s32 $0xFFFFE000  }
0x9a: {  	[spmem:s2] =	stream.indirect.scatter.add.f32 [tilespmem:s17], [sflag:$0x3], $0x80, s29, s22, $0xb8;
	[tilespmem:$0x1E400] =	vst v63  }
0x9b: {  	_ =	swait.ge [sflag:s23], $0x2000  }
0x9c: {  	[sflag:s23] =	ssyncset.done $0x0  }
0x9d: {  	[sflag:s23] =	ssyncadd.s32 $0xFFFFE000  }
0x9e: {  	_ =	swait.ge [sflag:s23], $0x2000  }
0x9f: {  	[sflag:s23] =	ssyncset.done $0x0  }
0xa0: {  	s29 =	sadd.s32 $0x1480, s1;
	[sflag:s23] =	ssyncadd.s32 $0xFFFFE000  }
0xa1: {  	[spmem:s2] =	stream.indirect.scatter.add.f32 [tilespmem:s19], [sflag:$0x4], $0x80, s29, s22, $0xb8;
	[tilespmem:$0x1E400] =	vst v63  }
0xa2: {  	_ =	swait.ge [sflag:s24], $0x4000  }
0xa3: {  	[sflag:s24] =	ssyncset.done $0x0  }
0xa4: {  	s29 =	sadd.s32 $0x100, s1;
	[sflag:s24] =	ssyncadd.s32 $0xFFFFC000  }
0xa5: {  	[tilespmem:s17], [sflag:$0x1] =	stream.indirect.gather [hbm4b:s4+s16], $0x80, s29, s16, $0xb8;
	[tilespmem:$0x1E400] =	vst v63  }
0xa6: {  	s29 =	sadd.s32 $0x140, s1  }
0xa7: {  	[tilespmem:s18], [sflag:$0x1] =	stream.indirect.gather [hbm4b:s4+s16], $0x80, s29, s16, $0xb8;
	[tilespmem:$0x1E400] =	vst v63  }
0xa8: {  	_ =	swait.ge [sflag:s21], $0x2000  }
0xa9: {  	[sflag:s21] =	ssyncset.done $0x0  }
0xaa: {  	[sflag:s21] =	ssyncadd.s32 $0xFFFFE000  }
0xab: {  	_ =	swait.ge [sflag:s21], $0x2000  }
0xac: {  	[sflag:s21] =	ssyncset.done $0x0  }
0xad: {  	s29 =	sadd.s32 $0x1500, s1;
	[sflag:s21] =	ssyncadd.s32 $0xFFFFE000  }
0xae: {  	[spmem:s2] =	stream.indirect.scatter.add.f32 [tilespmem:s17], [sflag:$0x3], $0x80, s29, s22, $0xb8;
	[tilespmem:$0x1E400] =	vst v63  }
0xaf: {  	_ =	swait.ge [sflag:s26], $0x4000  }
0xb0: {  	[sflag:s26] =	ssyncset.done $0x0  }
0xb1: {  	s29 =	sadd.s32 $0x180, s1;
	[sflag:s26] =	ssyncadd.s32 $0xFFFFC000  }
0xb2: {  	[tilespmem:s19], [sflag:$0x2] =	stream.indirect.gather [hbm4b:s4+s16], $0x80, s29, s16, $0xb8;
	[tilespmem:$0x1E400] =	vst v63  }
0xb3: {  	s29 =	sadd.s32 $0x1C0, s1  }
0xb4: {  	[tilespmem:s20], [sflag:$0x2] =	stream.indirect.gather [hbm4b:s4+s16], $0x80, s29, s16, $0xb8;
	[tilespmem:$0x1E400] =	vst v63  }
0xb5: {  	_ =	swait.ge [sflag:s23], $0x2000  }
0xb6: {  	[sflag:s23] =	ssyncset.done $0x0  }
0xb7: {  	[sflag:s23] =	ssyncadd.s32 $0xFFFFE000  }
0xb8: {  	_ =	swait.ge [sflag:s23], $0x2000  }
0xb9: {  	[sflag:s23] =	ssyncset.done $0x0  }
0xba: {  	s1 =	sadd.s32 $0x1580, s1;
	[sflag:s23] =	ssyncadd.s32 $0xFFFFE000  }
0xbb: {  	[spmem:s2] =	stream.indirect.scatter.add.f32 [tilespmem:s19], [sflag:$0x4], $0x80, s1, s22, $0xb8;
	[tilespmem:$0x1E400] =	vst v63  }
0xbc: {  	_ =	swait.ge [sflag:s24], $0x4000  }
0xbd: {  	[sflag:s24] =	ssyncset.done $0x0  }
0xbe: {  	[sflag:s24] =	ssyncadd.s32 $0xFFFFC000  }
0xbf: {  	_ =	swait.ge [sflag:s26], $0x4000  }
0xc0: {  	[sflag:s26] =	ssyncset.done $0x0  }
0xc1: {  	s31 =	simm.s32 $0x0;
	[sflag:s26] =	ssyncadd.s32 $0xFFFFC000  }
0xc2: {  	[tilespmem:s31], [sflag:$0x5] =	stream.linear.gather [hbm4b:s9+s31], $0x1400, $0x38;
	[tilespmem:$0x1E400] =	vst v63  }
0xc3: {  	_ =	swait.ge [sflag:s14], $0x1400  }
0xc4: {  	[sflag:s14] =	ssyncset.done $0x0  }
0xc5: {  	[sflag:s14] =	ssyncadd.s32 $0xFFFFEC00  }
0xc6: {  	[tilespmem:s15], [sflag:$0x5] =	stream.linear.gather [hbm4b:s10+s31], $0x1400, $0x38;
	[tilespmem:$0x1E400] =	vst v63  }
0xc7: {  	_ =	swait.ge [sflag:s14], $0x1400  }
0xc8: {  	[sflag:s14] =	ssyncset.done $0x0  }
0xc9: {  	s30 =	simm.s32 $0x0;
	[sflag:s14] =	ssyncadd.s32 $0xFFFFEC00  }
0xca: {  	[tilespmem:s17], [sflag:$0x1] =	stream.indirect.gather [hbm4b:s4+s16], $0x80, s30, s16, $0xb8;
	[tilespmem:$0x1E400] =	vst v63  }
0xcb: {  	s31 =	simm.s32 $0x40  }
0xcc: {  	[tilespmem:s18], [sflag:$0x1] =	stream.indirect.gather [hbm4b:s4+s16], $0x80, s31, s16, $0xb8;
	[tilespmem:$0x1E400] =	vst v63  }
0xcd: {  	s30 =	simm.s32 $0x80  }
0xce: {  	[tilespmem:s19], [sflag:$0x2] =	stream.indirect.gather [hbm4b:s4+s16], $0x80, s30, s16, $0xb8;
	[tilespmem:$0x1E400] =	vst v63  }
0xcf: {  	s31 =	simm.s32 $0xC0  }
0xd0: {  	[tilespmem:s20], [sflag:$0x2] =	stream.indirect.gather [hbm4b:s4+s16], $0x80, s31, s16, $0xb8;
	[tilespmem:$0x1E400] =	vst v63  }
0xd1: {  	_ =	swait.ge [sflag:s21], $0x2000  }
0xd2: {  	[sflag:s21] =	ssyncset.done $0x0  }
0xd3: {  	[sflag:s21] =	ssyncadd.s32 $0xFFFFE000  }
0xd4: {  	_ =	swait.ge [sflag:s21], $0x2000  }
0xd5: {  	[sflag:s21] =	ssyncset.done $0x0  }
0xd6: {  	s30 =	simm.s32 $0x1400;
	[sflag:s21] =	ssyncadd.s32 $0xFFFFE000  }
0xd7: {  	[spmem:s2] =	stream.indirect.scatter.add.f32 [tilespmem:s17], [sflag:$0x3], $0x80, s30, s22, $0xb8;
	[tilespmem:$0x1E400] =	vst v63  }
0xd8: {  	_ =	swait.ge [sflag:s23], $0x2000  }
0xd9: {  	[sflag:s23] =	ssyncset.done $0x0  }
0xda: {  	[sflag:s23] =	ssyncadd.s32 $0xFFFFE000  }
0xdb: {  	_ =	swait.ge [sflag:s23], $0x2000  }
0xdc: {  	[sflag:s23] =	ssyncset.done $0x0  }
0xdd: {  	s31 =	simm.s32 $0x1480;
	[sflag:s23] =	ssyncadd.s32 $0xFFFFE000  }
0xde: {  	[spmem:s2] =	stream.indirect.scatter.add.f32 [tilespmem:s19], [sflag:$0x4], $0x80, s31, s22, $0xb8;
	[tilespmem:$0x1E400] =	vst v63  }
0xdf: {  	_ =	swait.ge [sflag:s24], $0x4000  }
0xe0: {  	[sflag:s24] =	ssyncset.done $0x0  }
0xe1: {  	s30 =	simm.s32 $0x100;
	[sflag:s24] =	ssyncadd.s32 $0xFFFFC000  }
0xe2: {  	[tilespmem:s17], [sflag:$0x1] =	stream.indirect.gather [hbm4b:s4+s16], $0x80, s30, s16, $0xb8;
	[tilespmem:$0x1E400] =	vst v63  }
0xe3: {  	s31 =	simm.s32 $0x140  }
0xe4: {  	[tilespmem:s18], [sflag:$0x1] =	stream.indirect.gather [hbm4b:s4+s16], $0x80, s31, s16, $0xb8;
	[tilespmem:$0x1E400] =	vst v63  }
0xe5: {  	_ =	swait.ge [sflag:s21], $0x2000  }
0xe6: {  	[sflag:s21] =	ssyncset.done $0x0  }
0xe7: {  	[sflag:s21] =	ssyncadd.s32 $0xFFFFE000  }
0xe8: {  	_ =	swait.ge [sflag:s21], $0x2000  }
0xe9: {  	[sflag:s21] =	ssyncset.done $0x0  }
0xea: {  	s30 =	simm.s32 $0x1500;
	[sflag:s21] =	ssyncadd.s32 $0xFFFFE000  }
0xeb: {  	[spmem:s2] =	stream.indirect.scatter.add.f32 [tilespmem:s17], [sflag:$0x3], $0x80, s30, s22, $0xb8;
	[tilespmem:$0x1E400] =	vst v63  }
0xec: {  	_ =	swait.ge [sflag:s26], $0x4000  }
0xed: {  	[sflag:s26] =	ssyncset.done $0x0  }
0xee: {  	s31 =	simm.s32 $0x180;
	[sflag:s26] =	ssyncadd.s32 $0xFFFFC000  }
0xef: {  	[tilespmem:s19], [sflag:$0x2] =	stream.indirect.gather [hbm4b:s4+s16], $0x80, s31, s16, $0xb8;
	[tilespmem:$0x1E400] =	vst v63  }
0xf0: {  	s30 =	simm.s32 $0x1C0  }
0xf1: {  	[tilespmem:s20], [sflag:$0x2] =	stream.indirect.gather [hbm4b:s4+s16], $0x80, s30, s16, $0xb8;
	[tilespmem:$0x1E400] =	vst v63  }
0xf2: {  	_ =	swait.ge [sflag:s23], $0x2000  }
0xf3: {  	[sflag:s23] =	ssyncset.done $0x0  }
0xf4: {  	[sflag:s23] =	ssyncadd.s32 $0xFFFFE000  }
0xf5: {  	_ =	swait.ge [sflag:s23], $0x2000  }
0xf6: {  	[sflag:s23] =	ssyncset.done $0x0  }
0xf7: {  	s31 =	simm.s32 $0x1580;
	[sflag:s23] =	ssyncadd.s32 $0xFFFFE000  }
0xf8: {  	[spmem:s2] =	stream.indirect.scatter.add.f32 [tilespmem:s19], [sflag:$0x4], $0x80, s31, s22, $0xb8;
	[tilespmem:$0x1E400] =	vst v63  }
0xf9: {  	_ =	swait.ge [sflag:s24], $0x4000  }
0xfa: {  	[sflag:s24] =	ssyncset.done $0x0  }
0xfb: {  	[sflag:s24] =	ssyncadd.s32 $0xFFFFC000  }
0xfc: {  	_ =	swait.ge [sflag:s26], $0x4000  }
0xfd: {  	s29 =	simm.s32 $0x800;
	s1 =	simm.s32 $0x1000;
	[sflag:s26] =	ssyncset.done $0x0  }
.LBB2_4:
0xfe: {  	s31 =	sshra.s32 s29, $0x2  }
0xff: {  	[sflag:s26] =	ssyncadd.s32 $0xFFFFC000;
	s29 =	smov.u32 s1;
	s30 =	sadd.s32 $0x800, s1  }
0x100: {  	[tilespmem:s17], [sflag:$0x1] =	stream.indirect.gather [hbm4b:s4+s16], $0x80, s31, s16, $0xb8;
	[tilespmem:$0x1E400] =	vst v63  }
0x101: {  	p1 =	sne.s32 s1, $0x4800;
	s1 =	sadd.s32 $0x40, s31  }
0x102: {  	[tilespmem:s18], [sflag:$0x1] =	stream.indirect.gather [hbm4b:s4+s16], $0x80, s1, s16, $0xb8;
	[tilespmem:$0x1E400] =	vst v63  }
0x103: {  	s1 =	sadd.s32 $0x80, s31  }
0x104: {  	[tilespmem:s19], [sflag:$0x2] =	stream.indirect.gather [hbm4b:s4+s16], $0x80, s1, s16, $0xb8;
	[tilespmem:$0x1E400] =	vst v63  }
0x105: {  	s1 =	sadd.s32 $0xC0, s31  }
0x106: {  	[tilespmem:s20], [sflag:$0x2] =	stream.indirect.gather [hbm4b:s4+s16], $0x80, s1, s16, $0xb8;
	[tilespmem:$0x1E400] =	vst v63  }
0x107: {  	_ =	swait.ge [sflag:s21], $0x2000  }
0x108: {  	[sflag:s21] =	ssyncset.done $0x0  }
0x109: {  	[sflag:s21] =	ssyncadd.s32 $0xFFFFE000  }
0x10a: {  	_ =	swait.ge [sflag:s21], $0x2000  }
0x10b: {  	[sflag:s21] =	ssyncset.done $0x0  }
0x10c: {  	s1 =	sadd.s32 $0x1400, s31;
	[sflag:s21] =	ssyncadd.s32 $0xFFFFE000  }
0x10d: {  	[spmem:s2] =	stream.indirect.scatter.add.f32 [tilespmem:s17], [sflag:$0x3], $0x80, s1, s22, $0xb8;
	[tilespmem:$0x1E400] =	vst v63  }
0x10e: {  	_ =	swait.ge [sflag:s23], $0x2000  }
0x10f: {  	[sflag:s23] =	ssyncset.done $0x0  }
0x110: {  	[sflag:s23] =	ssyncadd.s32 $0xFFFFE000  }
0x111: {  	_ =	swait.ge [sflag:s23], $0x2000  }
0x112: {  	[sflag:s23] =	ssyncset.done $0x0  }
0x113: {  	s1 =	sadd.s32 $0x1480, s31;
	[sflag:s23] =	ssyncadd.s32 $0xFFFFE000  }
0x114: {  	[spmem:s2] =	stream.indirect.scatter.add.f32 [tilespmem:s19], [sflag:$0x4], $0x80, s1, s22, $0xb8;
	[tilespmem:$0x1E400] =	vst v63  }
0x115: {  	_ =	swait.ge [sflag:s24], $0x4000  }
0x116: {  	[sflag:s24] =	ssyncset.done $0x0  }
0x117: {  	s1 =	sadd.s32 $0x100, s31;
	[sflag:s24] =	ssyncadd.s32 $0xFFFFC000  }
0x118: {  	[tilespmem:s17], [sflag:$0x1] =	stream.indirect.gather [hbm4b:s4+s16], $0x80, s1, s16, $0xb8;
	[tilespmem:$0x1E400] =	vst v63  }
0x119: {  	s1 =	sadd.s32 $0x140, s31  }
0x11a: {  	[tilespmem:s18], [sflag:$0x1] =	stream.indirect.gather [hbm4b:s4+s16], $0x80, s1, s16, $0xb8;
	[tilespmem:$0x1E400] =	vst v63  }
0x11b: {  	_ =	swait.ge [sflag:s21], $0x2000  }
0x11c: {  	[sflag:s21] =	ssyncset.done $0x0  }
0x11d: {  	[sflag:s21] =	ssyncadd.s32 $0xFFFFE000  }
0x11e: {  	_ =	swait.ge [sflag:s21], $0x2000  }
0x11f: {  	[sflag:s21] =	ssyncset.done $0x0  }
0x120: {  	s1 =	sadd.s32 $0x1500, s31;
	[sflag:s21] =	ssyncadd.s32 $0xFFFFE000  }
0x121: {  	[spmem:s2] =	stream.indirect.scatter.add.f32 [tilespmem:s17], [sflag:$0x3], $0x80, s1, s22, $0xb8;
	[tilespmem:$0x1E400] =	vst v63  }
0x122: {  	_ =	swait.ge [sflag:s26], $0x4000  }
0x123: {  	[sflag:s26] =	ssyncset.done $0x0  }
0x124: {  	s1 =	sadd.s32 $0x180, s31;
	[sflag:s26] =	ssyncadd.s32 $0xFFFFC000  }
0x125: {  	[tilespmem:s19], [sflag:$0x2] =	stream.indirect.gather [hbm4b:s4+s16], $0x80, s1, s16, $0xb8;
	[tilespmem:$0x1E400] =	vst v63  }
0x126: {  	s1 =	sadd.s32 $0x1C0, s31  }
0x127: {  	[tilespmem:s20], [sflag:$0x2] =	stream.indirect.gather [hbm4b:s4+s16], $0x80, s1, s16, $0xb8;
	[tilespmem:$0x1E400] =	vst v63  }
0x128: {  	_ =	swait.ge [sflag:s23], $0x2000  }
0x129: {  	[sflag:s23] =	ssyncset.done $0x0  }
0x12a: {  	[sflag:s23] =	ssyncadd.s32 $0xFFFFE000  }
0x12b: {  	_ =	swait.ge [sflag:s23], $0x2000  }
0x12c: {  	[sflag:s23] =	ssyncset.done $0x0  }
0x12d: {  	s1 =	sadd.s32 $0x1580, s31;
	[sflag:s23] =	ssyncadd.s32 $0xFFFFE000  }
0x12e: {  	[spmem:s2] =	stream.indirect.scatter.add.f32 [tilespmem:s19], [sflag:$0x4], $0x80, s1, s22, $0xb8;
	[tilespmem:$0x1E400] =	vst v63  }
.Ltmp1:
0x12f: {  	_ =	swait.ge [sflag:s24], $0x4000;
	(pc) =	sbr.rel @p1 .LBB2_4-.Ltmp1, $4  }
0x130: {  	[sflag:s24] =	ssyncset.done $0x0  }
0x131: {  	[sflag:s24] =	ssyncadd.s32 $0xFFFFC000  }
0x132: {  	_ =	swait.ge [sflag:s26], $0x4000  }
0x133: {  	s1 =	smov.u32 s30;
	[sflag:s26] =	ssyncset.done $0x0  }
0x134: {  	s1 =	sshra.s32 s29, $0x2;
	[sflag:s26] =	ssyncadd.s32 $0xFFFFC000  }
0x135: {  	[tilespmem:s17], [sflag:$0x1] =	stream.indirect.gather [hbm4b:s4+s16], $0x80, s1, s16, $0xb8;
	[tilespmem:$0x1E400] =	vst v63  }
0x136: {  	s29 =	sadd.s32 $0x40, s1  }
0x137: {  	[tilespmem:s18], [sflag:$0x1] =	stream.indirect.gather [hbm4b:s4+s16], $0x80, s29, s16, $0xb8;
	[tilespmem:$0x1E400] =	vst v63  }
0x138: {  	s31 =	sadd.s32 $0x80, s1  }
0x139: {  	[tilespmem:s19], [sflag:$0x2] =	stream.indirect.gather [hbm4b:s4+s16], $0x80, s31, s16, $0xb8;
	[tilespmem:$0x1E400] =	vst v63  }
0x13a: {  	s30 =	sadd.s32 $0xC0, s1  }
0x13b: {  	[tilespmem:s20], [sflag:$0x2] =	stream.indirect.gather [hbm4b:s4+s16], $0x80, s30, s16, $0xb8;
	[tilespmem:$0x1E400] =	vst v63  }
0x13c: {  	_ =	swait.ge [sflag:s21], $0x2000  }
0x13d: {  	[sflag:s21] =	ssyncset.done $0x0  }
0x13e: {  	[sflag:s21] =	ssyncadd.s32 $0xFFFFE000  }
0x13f: {  	_ =	swait.ge [sflag:s21], $0x2000  }
0x140: {  	[sflag:s21] =	ssyncset.done $0x0  }
0x141: {  	s31 =	sadd.s32 $0x1400, s1;
	[sflag:s21] =	ssyncadd.s32 $0xFFFFE000  }
0x142: {  	[spmem:s2] =	stream.indirect.scatter.add.f32 [tilespmem:s17], [sflag:$0x3], $0x80, s31, s22, $0xb8;
	[tilespmem:$0x1E400] =	vst v63  }
0x143: {  	_ =	swait.ge [sflag:s23], $0x2000  }
0x144: {  	[sflag:s23] =	ssyncset.done $0x0  }
0x145: {  	[sflag:s23] =	ssyncadd.s32 $0xFFFFE000  }
0x146: {  	_ =	swait.ge [sflag:s23], $0x2000  }
0x147: {  	[sflag:s23] =	ssyncset.done $0x0  }
0x148: {  	s30 =	sadd.s32 $0x1480, s1;
	[sflag:s23] =	ssyncadd.s32 $0xFFFFE000  }
0x149: {  	[spmem:s2] =	stream.indirect.scatter.add.f32 [tilespmem:s19], [sflag:$0x4], $0x80, s30, s22, $0xb8;
	[tilespmem:$0x1E400] =	vst v63  }
0x14a: {  	_ =	swait.ge [sflag:s24], $0x4000  }
0x14b: {  	[sflag:s24] =	ssyncset.done $0x0  }
0x14c: {  	s31 =	sadd.s32 $0x100, s1;
	[sflag:s24] =	ssyncadd.s32 $0xFFFFC000  }
0x14d: {  	[tilespmem:s17], [sflag:$0x1] =	stream.indirect.gather [hbm4b:s4+s16], $0x80, s31, s16, $0xb8;
	[tilespmem:$0x1E400] =	vst v63  }
0x14e: {  	s30 =	sadd.s32 $0x140, s1  }
0x14f: {  	[tilespmem:s18], [sflag:$0x1] =	stream.indirect.gather [hbm4b:s4+s16], $0x80, s30, s16, $0xb8;
	[tilespmem:$0x1E400] =	vst v63  }
0x150: {  	_ =	swait.ge [sflag:s21], $0x2000  }
0x151: {  	[sflag:s21] =	ssyncset.done $0x0  }
0x152: {  	[sflag:s21] =	ssyncadd.s32 $0xFFFFE000  }
0x153: {  	_ =	swait.ge [sflag:s21], $0x2000  }
0x154: {  	[sflag:s21] =	ssyncset.done $0x0  }
0x155: {  	s31 =	sadd.s32 $0x1500, s1;
	[sflag:s21] =	ssyncadd.s32 $0xFFFFE000  }
0x156: {  	[spmem:s2] =	stream.indirect.scatter.add.f32 [tilespmem:s17], [sflag:$0x3], $0x80, s31, s22, $0xb8;
	[tilespmem:$0x1E400] =	vst v63  }
0x157: {  	_ =	swait.ge [sflag:s26], $0x4000  }
0x158: {  	[sflag:s26] =	ssyncset.done $0x0  }
0x159: {  	s30 =	sadd.s32 $0x180, s1;
	[sflag:s26] =	ssyncadd.s32 $0xFFFFC000  }
0x15a: {  	[tilespmem:s19], [sflag:$0x2] =	stream.indirect.gather [hbm4b:s4+s16], $0x80, s30, s16, $0xb8;
	[tilespmem:$0x1E400] =	vst v63  }
0x15b: {  	s31 =	sadd.s32 $0x1C0, s1  }
0x15c: {  	[tilespmem:s20], [sflag:$0x2] =	stream.indirect.gather [hbm4b:s4+s16], $0x80, s31, s16, $0xb8;
	[tilespmem:$0x1E400] =	vst v63  }
0x15d: {  	_ =	swait.ge [sflag:s23], $0x2000  }
0x15e: {  	[sflag:s23] =	ssyncset.done $0x0  }
0x15f: {  	[sflag:s23] =	ssyncadd.s32 $0xFFFFE000  }
0x160: {  	_ =	swait.ge [sflag:s23], $0x2000  }
0x161: {  	[sflag:s23] =	ssyncset.done $0x0  }
0x162: {  	s1 =	sadd.s32 $0x1580, s1;
	[sflag:s23] =	ssyncadd.s32 $0xFFFFE000  }
0x163: {  	[spmem:s2] =	stream.indirect.scatter.add.f32 [tilespmem:s19], [sflag:$0x4], $0x80, s1, s22, $0xb8;
	[tilespmem:$0x1E400] =	vst v63  }
0x164: {  	_ =	swait.ge [sflag:s24], $0x4000  }
0x165: {  	[sflag:s24] =	ssyncset.done $0x0  }
0x166: {  	[sflag:s24] =	ssyncadd.s32 $0xFFFFC000  }
0x167: {  	_ =	swait.ge [sflag:s26], $0x4000  }
0x168: {  	s28 =	sadd.s32 $0x1, s28;
	[sflag:s26] =	ssyncset.done $0x0  }
0x169: {  	p1 =	sne.s32 s28, s12;
	[sflag:s26] =	ssyncadd.s32 $0xFFFFC000  }
.Ltmp2:
0x16a: {  	s1 =	simm.s32 @!p0 $0x5;
	[bflag:$0x0] =	sbarrier.arrive $0xFFFF;
	(pc) =	sbr.rel @p1 .LBB2_1-.Ltmp2, $4  }
0x16b: {  	[hbm:s11], [sflag:s6] =	dma.local @!p0 [spmem:s25], $0x3E80  }
0x16c: {  	_ =	swait.ge @!p0 [sflag:s1], $0x3E80  }
0x16d: {  	[sflag:s1] =	ssyncset.done @!p0 $0x0  }
0x16e: {  	[sflag:s1] =	ssyncadd.s32 @!p0 $0xFFFFC180  }
0x16f: {  	_ =	sfence.sel $0x180000  }
0x170: {  	[bflag:$0x0] =	sbarrier.arrive $0xFFFF  }
0x171: {  	_ =	strace $0x9000004D  }
0x172: {  	[bflag:$0x2] =	sbarrier.arrive $0xFFFF  }
0x173: {  	p0 =	sne.s32 s0, $0x0;
	s0 =	rddreg [dreg:$0x2]  }
0x174: {  	s0 =	sadd.s32 @!p0 $0x100000, s0  }
0x175: {  	[sflag:s0] =	ssyncadd.tile.s32 @!p0 $0x1;
	_ =	shalt  }
.Lfunc_end2:
_tile_overlayer_lowered:
.L_overlay_start_2:
0x176: {  	(tag) =	ssettag $0x2  }
0x177: {  	s0 =	rddreg [dreg:$0x0];
	s2 =	stileid.u32  }
0x178: {  	s1 =	rddreg [dreg:$0x1];
	p0 =	sne.s32 s2, $0x0  }
0x179: {  	s3 =	rddreg [dreg:$0x2];
	[bflag:$0x3] =	sbarrier.arrive $0xFFFF;
	s2 =	simm.s32 @!p0 $0x1C05  }
0x17a: {  	[timem:s3], [sflag:s2] =	dma.local @!p0 [hbm:s0], s1  }
0x17b: {  	s0 =	simm.s32 @!p0 $0x5  }
0x17c: {  	_ =	swait.ge @!p0 [sflag:s0], s1  }
0x17d: {  	s1 =	ssub.s32 @!p0 $0x0, s1;
	[sflag:s0] =	ssyncset.done @!p0 $0x0  }
0x17e: {  	[sflag:s0] =	ssyncadd.s32 @!p0 s1  }
0x17f: {  	[bflag:$0x3] =	sbarrier.arrive $0xFFFF  }
0x180: {  	_ =	shalt  }

// kernel: kernel.9.cloned.1.call-start
scs
__scs_entry_jumppad:
0x0: {  	(pc) =	sbr.rel $0x88, $3  }
0x1: {  	(tag) =	ssettag $0x0;
	lr =	simm.s32 $0x1  }
0x2: {  	[smem:$0x3F9A] =	sst lr;
	_ =	strace $0xD0000000  }
0x3: {  	_ = 	snop  }
0x4: {  	_ = 	snop  }
0x5: {  	_ = 	snop  }
0x6: {  	_ = 	snop  }
0x7: {  	_ = 	snop  }
__scs_overlays_trampoline_lowered:
0x8: {  	[smem:$0x3FA9] =	sst s0  }
0x9: {  	[smem:$0x3FAA] =	sst s1  }
0xa: {  	[smem:$0x3FAB] =	sst s2  }
0xb: {  	[smem:$0x3FAC] =	sst s3  }
0xc: {  	[smem:$0x3FAD] =	sst s4  }
0xd: {  	[smem:$0x3FAE] =	sst s5  }
0xe: {  	[smem:$0x3FAF] =	sst s6  }
0xf: {  	[smem:$0x3FB0] =	sst s7  }
0x10: {  	[smem:$0x3FB1] =	sst s8  }
0x11: {  	[smem:$0x3FB2] =	sst s9;
	s0 =	simm.s32 @!p0 $0x0  }
0x12: {  	s1 =	sld [smem:$0x3F98];
	s0 =	simm.s32 @p0 $0x1  }
0x13: {  	[smem:$0x3FB3] =	sst s0;
	s0 =	simm.s32 @!p1 $0x0  }
0x14: {  	s2 =	sld [smem:$0x3F97];
	s0 =	simm.s32 @p1 $0x1  }
0x15: {  	[smem:$0x3FB4] =	sst s0;
	s0 =	simm.s32 @!p2 $0x0  }
0x16: {  	s3 =	sld [smem:$0x3FDB];
	s0 =	simm.s32 @p2 $0x1  }
0x17: {  	s4 =	simm.s32 $0x1BF5;
	[smem:$0x3FB6] =	sst s0  }
0x18: {  	s0 =	sld [smem:$0x3F99];
	_ =	swait.ge [sflag:s4], $0x0  }
0x19: {  	s7 =	sld [smem:$0x3F9A]  }
0x1a: {  	s8 =	sadd.s32 $0xFFFFE003, lr  }
0x1b: {  	s9 =	sadd.s32 $0xFFFFFEF7, lr;
	s5 =	simm.s32 $0xFFFFFFFF;
	p2 =	slt.u32 s8, $0xFFFFF086  }
0x1c: {  	p1 =	slt.u32 s9, $0xF7A;
	s5 =	simm.s32 @!p2 $0x0  }
0x1d: {  	s5 =	simm.s32 @p1 $0x1;
	p0 =	seq.s32 s7, s2  }
0x1e: {  	s7 =	smul.u32 @!p0 $0xF7A, s2;
	p2 =	seq.s32 @!p0 s5, $0x0  }
0x1f: {  	s9 =	smul.u32 $0xF7A, s1;
	s8 =	simm.s32 @!p0 $0x1BF5;
	p2 =	por !p2, p0  }
0x20: {  	[sflag:s8] =	ssyncset.s32 @!p0 $0xFFFFF086;
	s6 =	sadd.s32 @!p0 s3, s7;
	s7 =	simm.s32 @!p0 $0x108  }
0x21: {  	s3 =	sadd.s32 s3, s9;
	s6 =	sadd.s32 @!p0 $0x88, s6;
	s7 =	simm.s32 @p2 $0x1082  }
0x22: {  	[simem:s7], [sflag:s8] =	dma.local @!p0 [hbm:s6], $0xF7A  }
0x23: {  	s9 =	sor.u32 $0xD0000000, s2;
	s6 =	simm.s32 $0x108;
	_ =	swait.ge @!p0 [sflag:s8], $0x0  }
0x24: {  	s3 =	sadd.s32 $0x88, s3;
	s6 =	simm.s32 @!p1 $0x1082;
	[sflag:s4] =	ssyncset.s32 $0xFFFFF086  }
0x25: {  	[simem:s6], [sflag:s4] =	dma.local [hbm:s3], $0xF7A  }
0x26: {  	[smem:$0x3F9A] =	sst s1;
	(tag) =	ssettag s2;
	_ =	strace s9  }
0x27: {  	s1 =	sld [smem:$0x3FAA]  }
0x28: {  	s2 =	sld [smem:$0x3FAB]  }
0x29: {  	s4 =	sld [smem:$0x3FAD]  }
0x2a: {  	p0 =	seq.s32 s5, $0x0;
	s5 =	sld [smem:$0x3FAE]  }
0x2b: {  	s6 =	sld [smem:$0x3FAF]  }
0x2c: {  	s7 =	sld [smem:$0x3FB0]  }
0x2d: {  	s3 =	simm.s32 $0x108;
	s8 =	sld [smem:$0x3FB1]  }
0x2e: {  	s3 =	simm.s32 @!p0 $0x1082;
	s9 =	sld [smem:$0x3FB2]  }
0x2f: {  	lr =	sadd.s32 s0, s3;
	s0 =	sld [smem:$0x3FA9]  }
0x30: {  	s3 =	sld [smem:$0x3FAC]  }
0x31: {  	[smem:$0x3FB5] =	sst s10  }
0x32: {  	s10 =	sld [smem:$0x3FB3];
	_ =	sdelay $0x3  }
0x33: {  	p0 =	seq.s32 s10, $0x1;
	s10 =	sld [smem:$0x3FB5];
	_ =	sdelay $0x3  }
0x34: {  	[smem:$0x3FB5] =	sst s10  }
0x35: {  	s10 =	sld [smem:$0x3FB4];
	_ =	sdelay $0x3  }
0x36: {  	p1 =	seq.s32 s10, $0x1;
	s10 =	sld [smem:$0x3FB5];
	_ =	sdelay $0x3  }
0x37: {  	[smem:$0x3FB5] =	sst s10  }
0x38: {  	s10 =	sld [smem:$0x3FB6]  }
0x39: {  	_ = 	snop;
	(pc) =	sbr.ind lr, $3  }
0x3a: {  	_ = 	snop  }
0x3b: {  	_ = 	snop  }
0x3c: {  	p2 =	seq.s32 s10, $0x1;
	s10 =	sld [smem:$0x3FB5]  }
0x3d: {  	_ =	shalt  }
0x3e: {  	_ =	shalt  }
0x3f: {  	_ =	shalt  }
0x40: {  	_ =	shalt  }
0x41: {  	_ =	shalt  }
0x42: {  	_ =	shalt  }
0x43: {  	_ =	shalt  }
0x44: {  	_ =	shalt  }
0x45: {  	_ =	shalt  }
0x46: {  	_ =	shalt  }
0x47: {  	_ =	shalt  }
0x48: {  	_ =	shalt  }
0x49: {  	_ =	shalt  }
0x4a: {  	_ =	shalt  }
0x4b: {  	_ =	shalt  }
0x4c: {  	_ =	shalt  }
0x4d: {  	_ =	shalt  }
0x4e: {  	_ =	shalt  }
0x4f: {  	_ =	shalt  }
0x50: {  	_ =	shalt  }
0x51: {  	_ =	shalt  }
0x52: {  	_ =	shalt  }
0x53: {  	_ =	shalt  }
0x54: {  	_ =	shalt  }
0x55: {  	_ =	shalt  }
0x56: {  	_ =	shalt  }
0x57: {  	_ =	shalt  }
0x58: {  	_ =	shalt  }
0x59: {  	_ =	shalt  }
0x5a: {  	_ =	shalt  }
0x5b: {  	_ =	shalt  }
0x5c: {  	_ =	shalt  }
0x5d: {  	_ =	shalt  }
0x5e: {  	_ =	shalt  }
0x5f: {  	_ =	shalt  }
0x60: {  	_ =	shalt  }
0x61: {  	_ =	shalt  }
0x62: {  	_ =	shalt  }
0x63: {  	_ =	shalt  }
0x64: {  	_ =	shalt  }
0x65: {  	_ =	shalt  }
0x66: {  	_ =	shalt  }
0x67: {  	_ =	shalt  }
0x68: {  	_ =	shalt  }
0x69: {  	_ =	shalt  }
0x6a: {  	_ =	shalt  }
0x6b: {  	_ =	shalt  }
0x6c: {  	_ =	shalt  }
0x6d: {  	_ =	shalt  }
0x6e: {  	_ =	shalt  }
0x6f: {  	_ =	shalt  }
0x70: {  	_ =	shalt  }
0x71: {  	_ =	shalt  }
0x72: {  	_ =	shalt  }
0x73: {  	_ =	shalt  }
0x74: {  	_ =	shalt  }
0x75: {  	_ =	shalt  }
0x76: {  	_ =	shalt  }
0x77: {  	_ =	shalt  }
0x78: {  	_ =	shalt  }
0x79: {  	_ =	shalt  }
0x7a: {  	_ =	shalt  }
0x7b: {  	_ =	shalt  }
0x7c: {  	_ =	shalt  }
0x7d: {  	_ =	shalt  }
0x7e: {  	_ =	shalt  }
0x7f: {  	_ =	shalt  }
0x80: {  	_ =	shalt  }
0x81: {  	_ =	shalt  }
0x82: {  	_ =	shalt  }
0x83: {  	_ =	shalt  }
0x84: {  	_ =	shalt  }
0x85: {  	_ =	shalt  }
0x86: {  	_ =	shalt  }
0x87: {  	_ =	shalt  }
.Lfunc_end0:
.L_simem_size_0:
called_computation_lowered:
.L_overlay_start_0:
0x88: {  	s2 =	sld [smem:$0x3FD9]  }
0x89: {  	s3 =	sld [smem:$0x3FFE];
	_ =	sdelay $0x1  }
0x8a: {  	s1 =	srdreg.scid  }
0x8b: {  	s0 =	sand.u32 $0x1, s1  }
0x8c: {  	s16 =	sshll.u32 s0, $0xA;
	s2 =	sadd.s32 s3, s2  }
0x8d: {  	s2 =	sadd.s32 s2, s16  }
0x8e: {  	[smem:$0x3FC1] =	sst s2  }
0x8f: {  	_ = 	snop  }
0x90: {  	(tm) =	ssettm $0x1  }
0x91: {  	s17 =	sld [smem:$0x3FFB];
	_ =	sdelay $0x3  }
0x92: {  	_ =	strace s17  }
0x93: {  	s2 =	sld [smem:$0x3FFC];
	_ =	sdelay $0x3  }
0x94: {  	_ =	strace s2  }
0x95: {  	s2 =	sld [smem:$0x3FFD];
	_ =	sdelay $0x3  }
0x96: {  	_ =	strace s2  }
0x97: {  	_ =	strace $0x8FFFFFFF  }
0x98: {  	s18 =	sld [smem:$0x3FDB];
	_ =	sdelay $0x1  }
0x99: {  	s19 =	simm.s32 $_scs_section_size  }
0x9a: {  	s4 =	simm.s32 $_size__tile_overlayer_lowered;
	s5 =	simm.s32 $_tile_overlayer_lowered  }
0x9b: {  	s22 =	simm.s32 $0x1BFF;
	s21 =	sshll.u32 s5, $0x1;
	s2 =	sadd.s32 s19, s18  }
0x9c: {  	s6 =	simm.s32 $0x0;
	s20 =	sshll.u32 s4, $0x1;
	s4 =	sadd.s32 s21, s2  }
0x9d: {  	[timem:s6], [sflag:s22] =	dma.local [hbm:s4], s20  }
0x9e: {  	_ =	swait.ge [sflag:s22], s20  }
0x9f: {  	s3 =	ssub.s32 $0x0, s20;
	[sflag:s22] =	ssyncset.done $0x0  }
0xa0: {  	[sflag:s22] =	ssyncadd.s32 s3;
	_ =	sdelay $0x1  }
0xa1: {  	s23 =	simm.s32 $0x1B8B  }
0xa2: {  	_ =	swait.ge [sflag:s23], $0x1  }
0xa3: {  	[sflag:s23] =	ssyncset.done $0x0  }
0xa4: {  	s25 =	simm.s32 $0x1B8E;
	s24 =	sld [smem:$0x3FFE];
	[sflag:s23] =	ssyncadd.s32 $0xFFFFFFFF  }
0xa5: {  	s26 =	simm.s32 $execute0_lowered;
	[smem:$0x3FD2] =	sst s25  }
0xa6: {  	s4 =	sshll.u32 s26, $0x1;
	_ =	strace $0x80000046;
	[dreg:$0x1] =	wrdreg $0xFFFFFFFF  }
0xa7: {  	s28 =	simm.s32 $_size_execute0_lowered;
	s2 =	sadd.s32 s2, s4;
	[dreg:$0x0] =	wrdreg $0x0  }
0xa8: {  	s4 =	sshll.u32 s28, $0x1;
	[dreg:$0x2] =	wrdreg s2  }
0xa9: {  	[dreg:$0x3] =	wrdreg s4  }
0xaa: {  	[dreg:$0x4] =	wrdreg $0xC0  }
0xab: {  	_ =	task [dreg:s6], $0x5FFFF  }
0xac: {  	[dreg:$0x1] =	wrdreg $0xFFFFFFFF  }
0xad: {  	[dreg:$0x0] =	wrdreg $0x60  }
0xae: {  	[dreg:$0x2] =	wrdreg s24  }
0xaf: {  	[dreg:$0x3] =	wrdreg $0x44000  }
0xb0: {  	[dreg:$0x4] =	wrdreg $0x9  }
0xb1: {  	_ =	task.clear_ibuf [dreg:s6], $0x5FFFF;
	_ =	strace $0x90000046  }
0xb2: {  	s29 =	simm.s32 $0x9;
	_ =	strace $0x80000048  }
0xb3: {  	_ =	swait.ge [sflag:s29], $0x1  }
0xb4: {  	[sflag:s29] =	ssyncadd.s32 $0xFFFFFFFF  }
0xb5: {  	_ =	strace $0x90000048  }
0xb6: {  	_ =	sfence  }
0xb7: {  	s30 =	sld [smem:$0x0];
	_ =	sdelay $0x2  }
0xb8: {  	s31 =	sshll.u32 s1, $0xD;
	s1 =	sshrl.u32 s1, $0x2  }
0xb9: {  	s3 =	sand.u32 $0x4000, s31;
	s1 =	sadd.s32 s1, s30  }
0xba: {  	s0 =	sor.u32 s3, s0;
	s1 =	sshll.u32 s1, $0x11  }
0xbb: {  	s0 =	sor.u32 s1, s0  }
0xbc: {  	s0 =	sadd.s32 $0x8F2B, s0  }
0xbd: {  	[sflag:s0] =	ssyncadd.remote.s32 $0x1  }
0xbe: {  	_ =	sfence.sel $0xFFFF  }
0xbf: {  	[dreg:$0x0] =	wrdreg $0xFFFFFFFF;
	(pc) =	sbr.abs _section_cstart, $3  }
0xc0: {  	[dreg:$0x1] =	wrdreg $0xFFFFFFFF  }
0xc1: {  	_ =	task.clear_ibuf [dreg:s6], $0x2FFFF;
	_ =	strace $0x9FFFFFFF  }
0xc2: {  	(tm) =	ssettm $0x7FFFFFFF  }
0xc3: {  	_ =	shalt  }
tec
execute0_lowered:
.L_overlay_start_1:
0x0: {  	(tag) =	ssettag $0x1  }
0x1: {  	s6 =	rddreg [dreg:$0x0]  }
0x2: {  	s0 =	srdreg.scid;
	s1 =	rddreg [dreg:$0x1]  }
0x3: {  	s3 =	simm.s32 $0x0;
	s2 =	stileid.u32;
	s14 =	simm.s32 $0x100  }
0x4: {  	s15 =	simm.s32 $0x180;
	s16 =	simm.s32 $0x200;
	s8 =	smul.u32 $0x1F400, s2  }
0x5: {  	s17 =	simm.s32 $0x280;
	s18 =	simm.s32 $0x300;
	s10 =	smul.u32 $0x4F000, s2  }
0x6: {  	s19 =	simm.s32 $0x380;
	s20 =	simm.s32 $0x1;
	s29 =	smul.u32 $0x7D000, s2  }
0x7: {  	s7 =	sand.u32 $0x1, s0;
	s0 =	rddreg [dreg:$0x2];
	s12 =	smul.u32 $0x280, s2  }
0x8: {  	s22 =	simm.s32 $0x0;
	[smem:$0x7FF] =	sst s3;
	s4 =	smul.u32 $0x2800, s7  }
0x9: {  	s31 =	sshll.u32 s2, $0x6;
	s5 =	smul.u32 $0x138800, s7;
	s7 =	ssub.s32 $0x2, s7  }
0xa: {  	p0 =	sgt.u32 s2, $0x9;
	_ =	strace $0x80000047;
	s11 =	sshrl.u32 s7, $0x1  }
0xb: {  	s10 =	sshrl.u32 s10, $0x2;
	s9 =	sadd.s32 s4, s6;
	s4 =	sadd.s32 $0x7400, s6  }
0xc: {  	s8 =	sadd.s32 s8, s5;
	s5 =	sadd.s32 $0x9C00, s6;
	s7 =	ssub.s32 s7, s11  }
0xd: {  	s13 =	sadd.s32 s10, s1;
	s10 =	simm.s32 $0x2;
	s11 =	sor.u32 $0x1C02, s31  }
0xe: {  	s8 =	sshrl.u32 s8, $0x3;
	s30 =	sadd.s32 s12, s9;
	s7 =	smax.u32 s7, $0x1  }
0xf: {  	s9 =	simm.s32 $0x400;
	s6 =	sadd.s32 s8, s6;
	s8 =	sshrl.u32 s29, $0x2  }
0x10: {  	s12 =	sshrl.u32 s13, $0x3;
	s13 =	simm.s32 $0x80;
	s21 =	sadd.s32 s8, s1  }
0x11: {  	s6 =	sadd.s32 $0xA400, s6;
	s8 =	sadd.s32 $0x2400, s30;
	s21 =	sshrl.u32 @!p0 s21, $0x3  }
.LBB2_1:
0x12: {  	[tilespmem:s9], [sflag:$0x2] =	stream.linear.gather [hbm4b:s5+s3], $0x4000, $0x38;
	[tilespmem:$0x18000] =	vst v63  }
0x13: {  	_ =	swait.ge [sflag:s10], $0x4000  }
0x14: {  	[sflag:s10] =	ssyncset.done $0x0  }
0x15: {  	[sflag:s10] =	ssyncadd.s32 $0xFFFFC000  }
0x16: {  	[spmem:s12], [sflag:s11] =	dma.local [hbm:s4], $0x2780  }
0x17: {  	_ =	swait.ge [sflag:s10], $0x2780  }
0x18: {  	[sflag:s10] =	ssyncset.done $0x0  }
0x19: {  	[sflag:s10] =	ssyncadd.s32 $0xFFFFD880  }
0x1a: {  	s23 =	sadd.s32 $0x0, s8;
	[bflag:$0x0] =	sbarrier.arrive $0xFFFF  }
0x1b: {  	[tilespmem:s3], [sflag:$0x2] =	stream.linear.gather [hbm4b:s23+s3], $0x400, $0x38;
	[tilespmem:$0x18000] =	vst v63  }
0x1c: {  	_ =	swait.ge [sflag:s10], $0x400  }
0x1d: {  	[sflag:s10] =	ssyncset.done $0x0  }
0x1e: {  	[sflag:s10] =	ssyncadd.s32 $0xFFFFFC00  }
0x1f: {  	[spmem:s1] =	stream.indirect.scatter.add.f32 [tilespmem:s9], [sflag:$0x1], $0x80, s3, s13, $0xb8;
	[tilespmem:$0x18000] =	vst v63  }
0x20: {  	_ = 	snop  }
0x21: {  	[spmem:s1] =	stream.indirect.scatter.add.f32 [tilespmem:s9], [sflag:$0x1], $0x80, s13, s13, $0xb8;
	[tilespmem:$0x18000] =	vst v63  }
0x22: {  	_ = 	snop  }
0x23: {  	[spmem:s1] =	stream.indirect.scatter.add.f32 [tilespmem:s9], [sflag:$0x1], $0x80, s14, s13, $0xb8;
	[tilespmem:$0x18000] =	vst v63  }
0x24: {  	_ = 	snop  }
0x25: {  	[spmem:s1] =	stream.indirect.scatter.add.f32 [tilespmem:s9], [sflag:$0x1], $0x80, s15, s13, $0xb8;
	[tilespmem:$0x18000] =	vst v63  }
0x26: {  	_ = 	snop  }
0x27: {  	[spmem:s1] =	stream.indirect.scatter.add.f32 [tilespmem:s9], [sflag:$0x1], $0x80, s16, s13, $0xb8;
	[tilespmem:$0x18000] =	vst v63  }
0x28: {  	_ = 	snop  }
0x29: {  	[spmem:s1] =	stream.indirect.scatter.add.f32 [tilespmem:s9], [sflag:$0x1], $0x80, s17, s13, $0xb8;
	[tilespmem:$0x18000] =	vst v63  }
0x2a: {  	_ = 	snop  }
0x2b: {  	[spmem:s1] =	stream.indirect.scatter.add.f32 [tilespmem:s9], [sflag:$0x1], $0x80, s18, s13, $0xb8;
	[tilespmem:$0x18000] =	vst v63  }
0x2c: {  	_ = 	snop  }
0x2d: {  	[spmem:s1] =	stream.indirect.scatter.add.f32 [tilespmem:s9], [sflag:$0x1], $0x80, s19, s13, $0xb8;
	[tilespmem:$0x18000] =	vst v63  }
0x2e: {  	_ =	swait.ge [sflag:s20], $0x4000  }
0x2f: {  	[sflag:s20] =	ssyncset.done $0x0  }
0x30: {  	[sflag:s20] =	ssyncadd.s32 $0xFFFFC000  }
0x31: {  	_ =	swait.ge [sflag:s20], $0x4000  }
0x32: {  	[sflag:s20] =	ssyncset.done $0x0  }
0x33: {  	[sflag:s20] =	ssyncadd.s32 $0xFFFFC000  }
0x34: {  	_ =	swait.ge [sflag:s20], $0x4000  }
0x35: {  	[sflag:s20] =	ssyncset.done $0x0  }
0x36: {  	[sflag:s20] =	ssyncadd.s32 $0xFFFFC000  }
0x37: {  	_ =	swait.ge [sflag:s20], $0x4000  }
0x38: {  	[sflag:s20] =	ssyncset.done $0x0  }
0x39: {  	[sflag:s20] =	ssyncadd.s32 $0xFFFFC000  }
0x3a: {  	_ =	swait.ge [sflag:s20], $0x4000  }
0x3b: {  	[sflag:s20] =	ssyncset.done $0x0  }
0x3c: {  	[sflag:s20] =	ssyncadd.s32 $0xFFFFC000  }
0x3d: {  	_ =	swait.ge [sflag:s20], $0x4000  }
0x3e: {  	[sflag:s20] =	ssyncset.done $0x0  }
0x3f: {  	[sflag:s20] =	ssyncadd.s32 $0xFFFFC000  }
0x40: {  	_ =	swait.ge [sflag:s20], $0x4000  }
0x41: {  	[sflag:s20] =	ssyncset.done $0x0  }
0x42: {  	[sflag:s20] =	ssyncadd.s32 $0xFFFFC000  }
0x43: {  	_ =	swait.ge [sflag:s20], $0x4000  }
0x44: {  	s25 =	simm.s32 $0x100;
	s23 =	simm.s32 $0x80;
	[sflag:s20] =	ssyncset.done $0x0  }
.LBB2_2:
0x45: {  	s26 =	sadd.s32 s23, s8  }
0x46: {  	[sflag:s20] =	ssyncadd.s32 $0xFFFFC000;
	s23 =	smov.u32 s25;
	s24 =	sadd.s32 $0x80, s25  }
0x47: {  	[tilespmem:s3], [sflag:$0x2] =	stream.linear.gather [hbm4b:s26+s3], $0x400, $0x38;
	[tilespmem:$0x18000] =	vst v63  }
0x48: {  	p1 =	sne.s32 s25, $0x200;
	_ =	swait.ge [sflag:s10], $0x400  }
0x49: {  	[sflag:s10] =	ssyncset.done $0x0  }
0x4a: {  	[sflag:s10] =	ssyncadd.s32 $0xFFFFFC00  }
0x4b: {  	[spmem:s1] =	stream.indirect.scatter.add.f32 [tilespmem:s9], [sflag:$0x1], $0x80, s3, s13, $0xb8;
	[tilespmem:$0x18000] =	vst v63  }
0x4c: {  	_ = 	snop  }
0x4d: {  	[spmem:s1] =	stream.indirect.scatter.add.f32 [tilespmem:s9], [sflag:$0x1], $0x80, s13, s13, $0xb8;
	[tilespmem:$0x18000] =	vst v63  }
0x4e: {  	_ = 	snop  }
0x4f: {  	[spmem:s1] =	stream.indirect.scatter.add.f32 [tilespmem:s9], [sflag:$0x1], $0x80, s14, s13, $0xb8;
	[tilespmem:$0x18000] =	vst v63  }
0x50: {  	_ = 	snop  }
0x51: {  	[spmem:s1] =	stream.indirect.scatter.add.f32 [tilespmem:s9], [sflag:$0x1], $0x80, s15, s13, $0xb8;
	[tilespmem:$0x18000] =	vst v63  }
0x52: {  	_ = 	snop  }
0x53: {  	[spmem:s1] =	stream.indirect.scatter.add.f32 [tilespmem:s9], [sflag:$0x1], $0x80, s16, s13, $0xb8;
	[tilespmem:$0x18000] =	vst v63  }
0x54: {  	_ = 	snop  }
0x55: {  	[spmem:s1] =	stream.indirect.scatter.add.f32 [tilespmem:s9], [sflag:$0x1], $0x80, s17, s13, $0xb8;
	[tilespmem:$0x18000] =	vst v63  }
0x56: {  	_ = 	snop  }
0x57: {  	[spmem:s1] =	stream.indirect.scatter.add.f32 [tilespmem:s9], [sflag:$0x1], $0x80, s18, s13, $0xb8;
	[tilespmem:$0x18000] =	vst v63  }
0x58: {  	_ = 	snop  }
0x59: {  	[spmem:s1] =	stream.indirect.scatter.add.f32 [tilespmem:s9], [sflag:$0x1], $0x80, s19, s13, $0xb8;
	[tilespmem:$0x18000] =	vst v63  }
0x5a: {  	_ =	swait.ge [sflag:s20], $0x4000  }
0x5b: {  	[sflag:s20] =	ssyncset.done $0x0  }
0x5c: {  	[sflag:s20] =	ssyncadd.s32 $0xFFFFC000  }
0x5d: {  	_ =	swait.ge [sflag:s20], $0x4000  }
0x5e: {  	[sflag:s20] =	ssyncset.done $0x0  }
0x5f: {  	[sflag:s20] =	ssyncadd.s32 $0xFFFFC000  }
0x60: {  	_ =	swait.ge [sflag:s20], $0x4000  }
0x61: {  	[sflag:s20] =	ssyncset.done $0x0  }
0x62: {  	[sflag:s20] =	ssyncadd.s32 $0xFFFFC000  }
0x63: {  	_ =	swait.ge [sflag:s20], $0x4000  }
0x64: {  	[sflag:s20] =	ssyncset.done $0x0  }
0x65: {  	[sflag:s20] =	ssyncadd.s32 $0xFFFFC000  }
0x66: {  	_ =	swait.ge [sflag:s20], $0x4000  }
0x67: {  	[sflag:s20] =	ssyncset.done $0x0  }
0x68: {  	[sflag:s20] =	ssyncadd.s32 $0xFFFFC000  }
0x69: {  	_ =	swait.ge [sflag:s20], $0x4000  }
0x6a: {  	[sflag:s20] =	ssyncset.done $0x0  }
0x6b: {  	[sflag:s20] =	ssyncadd.s32 $0xFFFFC000  }
.Ltmp0:
0x6c: {  	_ =	swait.ge [sflag:s20], $0x4000;
	(pc) =	sbr.rel @p1 .LBB2_2-.Ltmp0, $4  }
0x6d: {  	[sflag:s20] =	ssyncset.done $0x0  }
0x6e: {  	[sflag:s20] =	ssyncadd.s32 $0xFFFFC000  }
0x6f: {  	_ =	swait.ge [sflag:s20], $0x4000  }
0x70: {  	s25 =	smov.u32 s24;
	[sflag:s20] =	ssyncset.done $0x0  }
0x71: {  	s23 =	sadd.s32 s23, s8;
	[sflag:s20] =	ssyncadd.s32 $0xFFFFC000  }
0x72: {  	[tilespmem:s3], [sflag:$0x2] =	stream.linear.gather [hbm4b:s23+s3], $0x400, $0x38;
	[tilespmem:$0x18000] =	vst v63  }
0x73: {  	_ =	swait.ge [sflag:s10], $0x400  }
0x74: {  	[sflag:s10] =	ssyncset.done $0x0  }
0x75: {  	[sflag:s10] =	ssyncadd.s32 $0xFFFFFC00  }
0x76: {  	[spmem:s1] =	stream.indirect.scatter.add.f32 [tilespmem:s9], [sflag:$0x1], $0x80, s3, s13, $0xb8;
	[tilespmem:$0x18000] =	vst v63  }
0x77: {  	_ = 	snop  }
0x78: {  	[spmem:s1] =	stream.indirect.scatter.add.f32 [tilespmem:s9], [sflag:$0x1], $0x80, s13, s13, $0xb8;
	[tilespmem:$0x18000] =	vst v63  }
0x79: {  	_ = 	snop  }
0x7a: {  	[spmem:s1] =	stream.indirect.scatter.add.f32 [tilespmem:s9], [sflag:$0x1], $0x80, s14, s13, $0xb8;
	[tilespmem:$0x18000] =	vst v63  }
0x7b: {  	_ = 	snop  }
0x7c: {  	[spmem:s1] =	stream.indirect.scatter.add.f32 [tilespmem:s9], [sflag:$0x1], $0x80, s15, s13, $0xb8;
	[tilespmem:$0x18000] =	vst v63  }
0x7d: {  	_ = 	snop  }
0x7e: {  	[spmem:s1] =	stream.indirect.scatter.add.f32 [tilespmem:s9], [sflag:$0x1], $0x80, s16, s13, $0xb8;
	[tilespmem:$0x18000] =	vst v63  }
0x7f: {  	_ = 	snop  }
0x80: {  	[spmem:s1] =	stream.indirect.scatter.add.f32 [tilespmem:s9], [sflag:$0x1], $0x80, s17, s13, $0xb8;
	[tilespmem:$0x18000] =	vst v63  }
0x81: {  	_ = 	snop  }
0x82: {  	[spmem:s1] =	stream.indirect.scatter.add.f32 [tilespmem:s9], [sflag:$0x1], $0x80, s18, s13, $0xb8;
	[tilespmem:$0x18000] =	vst v63  }
0x83: {  	_ = 	snop  }
0x84: {  	[spmem:s1] =	stream.indirect.scatter.add.f32 [tilespmem:s9], [sflag:$0x1], $0x80, s19, s13, $0xb8;
	[tilespmem:$0x18000] =	vst v63  }
0x85: {  	_ =	swait.ge [sflag:s20], $0x4000  }
0x86: {  	[sflag:s20] =	ssyncset.done $0x0  }
0x87: {  	[sflag:s20] =	ssyncadd.s32 $0xFFFFC000  }
0x88: {  	_ =	swait.ge [sflag:s20], $0x4000  }
0x89: {  	[sflag:s20] =	ssyncset.done $0x0  }
0x8a: {  	[sflag:s20] =	ssyncadd.s32 $0xFFFFC000  }
0x8b: {  	_ =	swait.ge [sflag:s20], $0x4000  }
0x8c: {  	[sflag:s20] =	ssyncset.done $0x0  }
0x8d: {  	[sflag:s20] =	ssyncadd.s32 $0xFFFFC000  }
0x8e: {  	_ =	swait.ge [sflag:s20], $0x4000  }
0x8f: {  	[sflag:s20] =	ssyncset.done $0x0  }
0x90: {  	[sflag:s20] =	ssyncadd.s32 $0xFFFFC000  }
0x91: {  	_ =	swait.ge [sflag:s20], $0x4000  }
0x92: {  	[sflag:s20] =	ssyncset.done $0x0  }
0x93: {  	[sflag:s20] =	ssyncadd.s32 $0xFFFFC000  }
0x94: {  	_ =	swait.ge [sflag:s20], $0x4000  }
0x95: {  	[sflag:s20] =	ssyncset.done $0x0  }
0x96: {  	[sflag:s20] =	ssyncadd.s32 $0xFFFFC000  }
0x97: {  	_ =	swait.ge [sflag:s20], $0x4000  }
0x98: {  	[sflag:s20] =	ssyncset.done $0x0  }
0x99: {  	[sflag:s20] =	ssyncadd.s32 $0xFFFFC000  }
0x9a: {  	_ =	swait.ge [sflag:s20], $0x4000  }
0x9b: {  	s22 =	sadd.s32 $0x1, s22;
	[sflag:s20] =	ssyncset.done $0x0  }
0x9c: {  	p1 =	sne.s32 s22, s7;
	[sflag:s20] =	ssyncadd.s32 $0xFFFFC000  }
.Ltmp1:
0x9d: {  	s23 =	simm.s32 @!p0 $0x2;
	[bflag:$0x0] =	sbarrier.arrive $0xFFFF;
	(pc) =	sbr.rel @p1 .LBB2_1-.Ltmp1, $4  }
0x9e: {  	[hbm:s6], [sflag:s11] =	dma.local @!p0 [spmem:s21], $0x3E80  }
0x9f: {  	_ =	swait.ge @!p0 [sflag:s23], $0x3E80  }
0xa0: {  	[sflag:s23] =	ssyncset.done @!p0 $0x0  }
0xa1: {  	[sflag:s23] =	ssyncadd.s32 @!p0 $0xFFFFC180  }
0xa2: {  	_ =	sfence.sel $0x180000  }
0xa3: {  	[bflag:$0x0] =	sbarrier.arrive $0xFFFF  }
0xa4: {  	p0 =	sne.s32 s2, $0x0;
	_ =	strace $0x90000047  }
0xa5: {  	s0 =	sadd.s32 @!p0 $0x100000, s0;
	[bflag:$0x2] =	sbarrier.arrive $0xFFFF  }
0xa6: {  	[sflag:s0] =	ssyncadd.tile.s32 @!p0 $0x1;
	_ =	shalt  }
.Lfunc_end2:
_tile_overlayer_lowered:
.L_overlay_start_2:
0xa7: {  	(tag) =	ssettag $0x2  }
0xa8: {  	s0 =	rddreg [dreg:$0x0];
	s2 =	stileid.u32  }
0xa9: {  	s1 =	rddreg [dreg:$0x1];
	p0 =	sne.s32 s2, $0x0  }
0xaa: {  	s3 =	rddreg [dreg:$0x2];
	[bflag:$0x3] =	sbarrier.arrive $0xFFFF;
	s2 =	simm.s32 @!p0 $0x1C02  }
0xab: {  	[timem:s3], [sflag:s2] =	dma.local @!p0 [hbm:s0], s1  }
0xac: {  	s0 =	simm.s32 @!p0 $0x2  }
0xad: {  	_ =	swait.ge @!p0 [sflag:s0], s1  }
0xae: {  	s1 =	ssub.s32 @!p0 $0x0, s1;
	[sflag:s0] =	ssyncset.done @!p0 $0x0  }
0xaf: {  	[sflag:s0] =	ssyncadd.s32 @!p0 s1  }
0xb0: {  	[bflag:$0x3] =	sbarrier.arrive $0xFFFF  }
0xb1: {  	_ =	shalt  }

</sc_bundles>
